<compile_context>
chip_gen: v7x
topology: tpu7x:2x2x1
jax: 0.10.2.dev20260603
libtpu: 0.0.44.dev20260713+nightly
codegen_flags: <defaults>
</compile_context>

<pallas_src>
import jax
import jax.numpy as jnp
from jax import lax
from jax.experimental import pallas as pl
from jax.experimental.pallas import tpu as pltpu
from jax.experimental.pallas import tpu_sc as plsc

N = 10000
E = 320000
F = 128
H = 128
B = 10
L = 200

NC, NS = 2, 16
NW = NC * NS
EPW = E // NW
CH = 125
NCHUNK = EPW // CH
NPAD = 10240
RPT = NPAD // NS

_MESH = plsc.VectorSubcoreMesh(
    core_axis_name="c", subcore_axis_name="s", num_cores=NC, num_subcores=NS)



def _deg_body(src_hbm, dst_hbm, out_hbm, dego_sh, degi_sh, src_v, dst_v,
              ones_v, zb_v, sema, semb):
    c = lax.axis_index("c")
    s = lax.axis_index("s")
    wid = c * NS + s

    pltpu.sync_copy(src_hbm.at[wid], src_v)
    pltpu.sync_copy(dst_hbm.at[wid], dst_v)

    def fill(i, carry):
        zb_v[pl.ds(i * 16, 16)] = jnp.zeros((16,), jnp.float32)
        return carry

    lax.fori_loop(0, RPT // 16, fill, 0)
    for j in range(128 // 16):
        ones_v[pl.ds(j * 16, 16)] = jnp.ones((16,), jnp.float32)

    pltpu.sync_copy(zb_v, dego_sh.at[pl.ds(s * RPT, RPT)])
    pltpu.sync_copy(zb_v, degi_sh.at[pl.ds(s * RPT, RPT)])
    plsc.subcore_barrier()

    ones = ones_v.at[pl.ds(0, CH)]

    def step(i, carry):
        pltpu.async_copy(ones, dego_sh.at[src_v.at[i]], sema, add=True)
        pltpu.async_copy(ones, degi_sh.at[dst_v.at[i]], semb, add=True)

        @pl.when(i > 0)
        def _():
            pltpu.make_async_copy(ones, dego_sh.at[src_v.at[i]],
                                  sema).wait()
            pltpu.make_async_copy(ones, degi_sh.at[dst_v.at[i]],
                                  semb).wait()

        return carry

    lax.fori_loop(0, NCHUNK, step, 0)
    pltpu.make_async_copy(ones, dego_sh.at[src_v.at[0]], sema).wait()
    pltpu.make_async_copy(ones, degi_sh.at[dst_v.at[0]], semb).wait()
    plsc.subcore_barrier()
    pltpu.sync_copy(dego_sh.at[pl.ds(s * RPT, RPT)],
                    out_hbm.at[c, 0, pl.ds(s * RPT, RPT)])
    pltpu.sync_copy(degi_sh.at[pl.ds(s * RPT, RPT)],
                    out_hbm.at[c, 1, pl.ds(s * RPT, RPT)])


_sc_deg = pl.kernel(
    _deg_body,
    out_type=jax.ShapeDtypeStruct((NC, 2, NPAD), jnp.float32),
    mesh=_MESH,
    scratch_types=[
        pltpu.VMEM_SHARED((NPAD,), jnp.float32),
        pltpu.VMEM_SHARED((NPAD,), jnp.float32),
        pltpu.VMEM((NCHUNK, CH), jnp.int32),
        pltpu.VMEM((NCHUNK, CH), jnp.int32),
        pltpu.VMEM((128,), jnp.float32),
        pltpu.VMEM((RPT,), jnp.float32),
        pltpu.SemaphoreType.DMA,
        pltpu.SemaphoreType.DMA,
    ],
)


def _agg_body(hs_hbm, src_hbm, dst_hbm, out_hbm, agg_sh, srca, dsta, srcb,
              dstb, rows_a, rows_b, isema, isemb, dsema, dsemb, gsema,
              gsemb, ssema, ssemb, osem):
    c = lax.axis_index("c")
    s = lax.axis_index("s")
    wid = c * NS + s

    def fillrow(i, carry):
        for j in range(H // 16):
            rows_a[i, pl.ds(j * 16, 16)] = jnp.zeros((16,), jnp.float32)
        return carry

    lax.fori_loop(0, CH, fillrow, 0)
    nfull = RPT // CH
    rem = RPT - nfull * CH
    for j in range(nfull):
        pltpu.async_copy(rows_a, agg_sh.at[pl.ds(s * RPT + j * CH, CH)],
                         osem)
    pltpu.async_copy(rows_a.at[pl.ds(0, rem)],
                     agg_sh.at[pl.ds(s * RPT + nfull * CH, rem)], osem)
    for j in range(nfull):
        pltpu.make_async_copy(
            rows_a, agg_sh.at[pl.ds(s * RPT + j * CH, CH)], osem).wait()
    pltpu.make_async_copy(
        rows_a.at[pl.ds(0, rem)],
        agg_sh.at[pl.ds(s * RPT + nfull * CH, rem)], osem).wait()
    plsc.subcore_barrier()

    def aload(arr, i, buf, sem):
        pltpu.async_copy(arr.at[wid, i], buf, sem)

    def await_(buf, sem):
        pltpu.make_async_copy(src_hbm.at[wid, 0], buf, sem).wait()

    def gstart(sv, buf, sem):
        pltpu.async_copy(hs_hbm.at[sv], buf, sem)

    def gwait(buf, sem):
        pltpu.make_async_copy(hs_hbm.at[srca], buf, sem).wait()

    aload(src_hbm, 0, srca, isema)
    aload(dst_hbm, 0, dsta, dsema)
    aload(src_hbm, 1, srcb, isemb)
    aload(dst_hbm, 1, dstb, dsemb)
    await_(srca, isema)
    gstart(srca, rows_a, gsema)
    await_(srcb, isemb)
    gstart(srcb, rows_b, gsemb)

    def scstart(buf, dv, ssem):
        pltpu.async_copy(buf, agg_sh.at[dv], ssem, add=True)

    def scwait(buf, dv, ssem):
        pltpu.make_async_copy(buf, agg_sh.at[dv], ssem).wait()

    def step(i2, carry):
        c0 = 2 * i2
        gwait(rows_a, gsema)

        @pl.when(c0 + 2 < NCHUNK)
        def _():
            aload(src_hbm, c0 + 2, srca, isema)

        await_(dsta, dsema)
        pltpu.sync_copy(rows_a, agg_sh.at[dsta], add=True)

        @pl.when(c0 + 2 < NCHUNK)
        def _():
            aload(dst_hbm, c0 + 2, dsta, dsema)
            await_(srca, isema)
            gstart(srca, rows_a, gsema)

        gwait(rows_b, gsemb)

        @pl.when(c0 + 3 < NCHUNK)
        def _():
            aload(src_hbm, c0 + 3, srcb, isemb)

        await_(dstb, dsemb)
        pltpu.sync_copy(rows_b, agg_sh.at[dstb], add=True)

        @pl.when(c0 + 3 < NCHUNK)
        def _():
            aload(dst_hbm, c0 + 3, dstb, dsemb)
            await_(srcb, isemb)
            gstart(srcb, rows_b, gsemb)

        return carry

    lax.fori_loop(0, NCHUNK // 2, step, 0)
    plsc.subcore_barrier()
    for j in range(RPT // 128):
        r0 = s * RPT + j * 128
        pltpu.async_copy(agg_sh.at[pl.ds(r0, 128)],
                         out_hbm.at[c, pl.ds(r0, 128)], osem)
    for j in range(RPT // 128):
        r0 = s * RPT + j * 128
        pltpu.make_async_copy(agg_sh.at[pl.ds(r0, 128)],
                              out_hbm.at[c, pl.ds(r0, 128)], osem).wait()


_sc_agg = pl.kernel(
    _agg_body,
    out_type=jax.ShapeDtypeStruct((NC, NPAD, H), jnp.float32),
    mesh=_MESH,
    scratch_types=[
        pltpu.VMEM_SHARED((NPAD, H), jnp.float32),
        pltpu.VMEM((CH,), jnp.int32),
        pltpu.VMEM((CH,), jnp.int32),
        pltpu.VMEM((CH,), jnp.int32),
        pltpu.VMEM((CH,), jnp.int32),
        pltpu.VMEM((CH, H), jnp.float32),
        pltpu.VMEM((CH, H), jnp.float32),
        pltpu.SemaphoreType.DMA,
        pltpu.SemaphoreType.DMA,
        pltpu.SemaphoreType.DMA,
        pltpu.SemaphoreType.DMA,
        pltpu.SemaphoreType.DMA,
        pltpu.SemaphoreType.DMA,
        pltpu.SemaphoreType.DMA,
        pltpu.SemaphoreType.DMA,
        pltpu.SemaphoreType.DMA,
    ],
)



BLK = 2000
_NEG = -3.0e38


def _prep_body(x_ref, w_ref, deg_ref, gid_ref, hs_ref, ns_ref, nd_ref,
               cnt_ref):
    d = deg_ref[...]
    ns = lax.rsqrt(jnp.maximum(d[0, 0] + d[1, 0], 1.0))
    nd = lax.rsqrt(jnp.maximum(d[0, 1] + d[1, 1], 1.0))
    ns_ref[...] = ns
    nd_ref[...] = nd
    h = jnp.dot(x_ref[...], w_ref[...], preferred_element_type=jnp.float32)
    hs_ref[...] = h * ns
    mask = (gid_ref[...] == lax.broadcasted_iota(jnp.int32, (1, 16), 1))
    maskf = mask.astype(jnp.float32)
    cpart = lax.dot_general(maskf, jnp.ones((BLK, 1), jnp.float32),
                            (((0,), (0,)), ((), ())))

    @pl.when(pl.program_id(0) == 0)
    def _():
        cnt_ref[...] = jnp.zeros_like(cnt_ref)

    cnt_ref[...] += cpart


_tc_prep = pl.pallas_call(
    _prep_body,
    grid=(N // BLK,),
    in_specs=[
        pl.BlockSpec((BLK, F), lambda i: (i, 0)),
        pl.BlockSpec((F, H), lambda i: (0, 0)),
        pl.BlockSpec((2, 2, BLK, 1), lambda i: (0, 0, i, 0)),
        pl.BlockSpec((BLK, 1), lambda i: (i, 0)),
    ],
    out_specs=[
        pl.BlockSpec((BLK, H), lambda i: (i, 0)),
        pl.BlockSpec((BLK, 1), lambda i: (i, 0)),
        pl.BlockSpec((BLK, 1), lambda i: (i, 0)),
        pl.BlockSpec((16, 1), lambda i: (0, 0)),
    ],
    out_shape=[
        jax.ShapeDtypeStruct((N, H), jnp.float32),
        jax.ShapeDtypeStruct((N, 1), jnp.float32),
        jax.ShapeDtypeStruct((N, 1), jnp.float32),
        jax.ShapeDtypeStruct((16, 1), jnp.float32),
    ],
)


def _lupool(agg_ref, nd_ref, b_ref, p_ref):
    a = agg_ref[0] + agg_ref[1]
    g = jnp.maximum(a * nd_ref[...] + b_ref[...], 0.0)
    p = p_ref[...]
    scale = 1.0 / (jnp.sqrt(jnp.sum(p * p)) + 1e-8)
    score = lax.dot_general(g, p, (((1,), (1,)), ((), ())))
    return g * jnp.tanh(score * scale)


def _readout(xl, gid, av_ref, mx_ref):
    mask = (gid == lax.broadcasted_iota(jnp.int32, (1, 16), 1))
    maskf = mask.astype(jnp.float32)
    avp = lax.dot_general(maskf, xl, (((0,), (0,)), ((), ())))

    @pl.when(pl.program_id(0) == 0)
    def _():
        av_ref[...] = jnp.zeros_like(av_ref)
        mx_ref[...] = jnp.full_like(mx_ref, _NEG)

    av_ref[...] += avp
    g_lo = gid[0, 0]
    g_hi = gid[BLK - 1, 0]
    for b in range(B):
        @pl.when(jnp.logical_and(g_lo <= b, b <= g_hi))
        def _(b=b):
            red = jnp.max(jnp.where(mask[:, b:b + 1], xl, _NEG), axis=0,
                          keepdims=True)
            mx_ref[b:b + 1, :] = jnp.maximum(mx_ref[b:b + 1, :], red)


def _post_body(agg_ref, nd_ref, b_ref, p_ref, w_ref, ns_ref, gid_ref,
               hs_ref, av_ref, mx_ref):
    xl = _lupool(agg_ref, nd_ref, b_ref, p_ref)
    hs_ref[...] = jnp.dot(xl, w_ref[...],
                          preferred_element_type=jnp.float32) * ns_ref[...]
    _readout(xl, gid_ref[...], av_ref, mx_ref)


_tc_post = pl.pallas_call(
    _post_body,
    grid=(N // BLK,),
    in_specs=[
        pl.BlockSpec((NC, BLK, H), lambda i: (0, i, 0)),
        pl.BlockSpec((BLK, 1), lambda i: (i, 0)),
        pl.BlockSpec((1, H), lambda i: (0, 0)),
        pl.BlockSpec((1, H), lambda i: (0, 0)),
        pl.BlockSpec((H, H), lambda i: (0, 0)),
        pl.BlockSpec((BLK, 1), lambda i: (i, 0)),
        pl.BlockSpec((BLK, 1), lambda i: (i, 0)),
    ],
    out_specs=[
        pl.BlockSpec((BLK, H), lambda i: (i, 0)),
        pl.BlockSpec((16, H), lambda i: (0, 0)),
        pl.BlockSpec((16, H), lambda i: (0, 0)),
    ],
    out_shape=[
        jax.ShapeDtypeStruct((N, H), jnp.float32),
        jax.ShapeDtypeStruct((16, H), jnp.float32),
        jax.ShapeDtypeStruct((16, H), jnp.float32),
    ],
)


def _post3_body(agg_ref, nd_ref, b_ref, p_ref, gid_ref, av_ref, mx_ref):
    xl = _lupool(agg_ref, nd_ref, b_ref, p_ref)
    _readout(xl, gid_ref[...], av_ref, mx_ref)


_tc_post3 = pl.pallas_call(
    _post3_body,
    grid=(N // BLK,),
    in_specs=[
        pl.BlockSpec((NC, BLK, H), lambda i: (0, i, 0)),
        pl.BlockSpec((BLK, 1), lambda i: (i, 0)),
        pl.BlockSpec((1, H), lambda i: (0, 0)),
        pl.BlockSpec((1, H), lambda i: (0, 0)),
        pl.BlockSpec((BLK, 1), lambda i: (i, 0)),
    ],
    out_specs=[
        pl.BlockSpec((16, H), lambda i: (0, 0)),
        pl.BlockSpec((16, H), lambda i: (0, 0)),
    ],
    out_shape=[
        jax.ShapeDtypeStruct((16, H), jnp.float32),
        jax.ShapeDtypeStruct((16, H), jnp.float32),
    ],
)


def _final_body(av1, av2, av3, mx1, mx2, mx3, cnt, xm1, x0, xp1, wc, cb,
                wtf, btf, wcat, bcat, wfc1, bfc1, wfc2, bfc2, wout, bout,
                w1, out_ref):
    counts = cnt[...]
    have = counts > 0.0
    c = jnp.maximum(counts, 1.0)
    av = (av1[...] + av2[...] + av3[...]) / c
    mx = (jnp.where(have, mx1[...], 0.0) + jnp.where(have, mx2[...], 0.0)
          + jnp.where(have, mx3[...], 0.0))
    rsum = jnp.concatenate([av, mx], axis=1)
    gnn = jnp.maximum(
        jnp.dot(rsum, wcat[...], preferred_element_type=jnp.float32)
        + bcat[...], 0.0)[0:B]

    conv = (jnp.dot(xm1[...], wc[0], preferred_element_type=jnp.float32)
            + jnp.dot(x0[...], wc[1], preferred_element_type=jnp.float32)
            + jnp.dot(xp1[...], wc[2], preferred_element_type=jnp.float32)
            + cb[...])
    conv = jnp.maximum(conv, 0.0)
    seq = jnp.max(conv.reshape(B, L, 128), axis=1)
    seq1 = jnp.maximum(
        jnp.dot(seq, wtf[...], preferred_element_type=jnp.float32)
        + btf[...], 0.0)

    s = jax.nn.sigmoid(w1[0, 0])
    gc1 = (1.0 - s) * gnn + s * seq1
    gc = jnp.maximum(
        jnp.dot(gc1, wfc1[...], preferred_element_type=jnp.float32)
        + bfc1[...], 0.0)
    gc = jnp.maximum(
        jnp.dot(gc, wfc2[...], preferred_element_type=jnp.float32)
        + bfc2[...], 0.0)
    o = jnp.maximum(
        jnp.dot(gc, wout[...], preferred_element_type=jnp.float32)
        + bout[...], 0.0)
    m = jnp.max(o, axis=1, keepdims=True)
    e = jnp.exp(o - m)
    out_ref[...] = e / jnp.sum(e, axis=1, keepdims=True)


_tc_final = pl.pallas_call(
    _final_body,
    out_shape=jax.ShapeDtypeStruct((B, 2), jnp.float32),
)



def kernel(x, edge_index, graph_ids, pad_dmap, Wg1, bg1, p1, Wg2, bg2, p2,
           Wg3, bg3, p3, conv_w, conv_b, Wtf, btf, Wcat, bcat, Wfc1, bfc1,
           Wfc2, bfc2, Wout, bout, w1):
    src = edge_index[0].reshape(NW, NCHUNK, CH)
    dst = edge_index[1].reshape(NW, NCHUNK, CH)
    gid2 = graph_ids.reshape(N, 1)

    deg = _sc_deg(src, dst).reshape(NC, 2, NPAD, 1)
    hs1, ns, nd, counts = _tc_prep(x, Wg1, deg, gid2)
    a1 = _sc_agg(hs1, src, dst)
    hs2, av1, mx1 = _tc_post(a1, nd, bg1.reshape(1, H), p1.reshape(1, H),
                             Wg2, ns, gid2)
    a2 = _sc_agg(hs2, src, dst)
    hs3, av2, mx2 = _tc_post(a2, nd, bg2.reshape(1, H), p2.reshape(1, H),
                             Wg3, ns, gid2)
    a3 = _sc_agg(hs3, src, dst)
    av3, mx3 = _tc_post3(a3, nd, bg3.reshape(1, H), p3.reshape(1, H), gid2)

    xt = jnp.transpose(pad_dmap, (0, 2, 1))
    xm1 = jnp.pad(xt, ((0, 0), (1, 0), (0, 0)))[:, :L].reshape(B * L, F)
    x0 = xt.reshape(B * L, F)
    xp1 = jnp.pad(xt, ((0, 0), (0, 1), (0, 0)))[:, 1:].reshape(B * L, F)
    wc = jnp.stack([conv_w[:, :, k].T for k in range(3)])

    return _tc_final(av1, av2, av3, mx1, mx2, mx3, counts, xm1, x0, xp1,
                     wc, conv_b.reshape(1, -1), Wtf, btf.reshape(1, -1),
                     Wcat, bcat.reshape(1, -1), Wfc1, bfc1.reshape(1, -1),
                     Wfc2, bfc2.reshape(1, -1), Wout, bout.reshape(1, -1),
                     w1.reshape(1, 1))

# --- scband reference (transcript-rebuilt; emitter-appended) ---
"""Pipeline reference for scband-lu-gtp-14413910246019 (READ-ONLY COPY).

The authoritative reference and input builder live on the scoring server;
editing this copy changes nothing except your own understanding.
"""

import jax, jax.numpy as jnp
import numpy as np

N = 10000
E = 320000
F = 128
H = 128
B = 10
L = 200

def setup_inputs(seed: int = 0):
    key = jax.random.key(seed)
    ks = jax.random.split(key, 24)
    inp = {}
    inp['x'] = jax.random.normal(ks[0], (N, F), dtype=jnp.float32)
    inp['edge_index'] = jax.random.randint(ks[1], (2, E), 0, N)
    inp['graph_ids'] = jnp.sort(jax.random.randint(ks[2], (N,), 0, B))
    inp['pad_dmap'] = jax.random.normal(ks[3], (B, F, L), dtype=jnp.float32)
    inp['Wg1'] = jax.random.normal(ks[4], (F, H), dtype=jnp.float32) / np.sqrt(F)
    inp['bg1'] = jnp.zeros((H,), dtype=jnp.float32)
    inp['p1'] = jax.random.normal(ks[5], (H,), dtype=jnp.float32) * 0.05
    inp['Wg2'] = jax.random.normal(ks[6], (H, H), dtype=jnp.float32) / np.sqrt(H)
    inp['bg2'] = jnp.zeros((H,), dtype=jnp.float32)
    inp['p2'] = jax.random.normal(ks[7], (H,), dtype=jnp.float32) * 0.05
    inp['Wg3'] = jax.random.normal(ks[8], (H, H), dtype=jnp.float32) / np.sqrt(H)
    inp['bg3'] = jnp.zeros((H,), dtype=jnp.float32)
    inp['p3'] = jax.random.normal(ks[9], (H,), dtype=jnp.float32) * 0.05
    inp['conv_w'] = jax.random.normal(ks[10], (128, F, 3), dtype=jnp.float32) / np.sqrt(F * 3)
    inp['conv_b'] = jnp.zeros((128,), dtype=jnp.float32)
    inp['Wtf'] = jax.random.normal(ks[11], (128, H), dtype=jnp.float32) / np.sqrt(128)
    inp['btf'] = jnp.zeros((H,), dtype=jnp.float32)
    inp['Wcat'] = jax.random.normal(ks[12], (2 * H, H), dtype=jnp.float32) / np.sqrt(2 * H)
    inp['bcat'] = jnp.zeros((H,), dtype=jnp.float32)
    inp['Wfc1'] = jax.random.normal(ks[13], (H, 512), dtype=jnp.float32) / np.sqrt(H)
    inp['bfc1'] = jnp.zeros((512,), dtype=jnp.float32)
    inp['Wfc2'] = jax.random.normal(ks[14], (512, 256), dtype=jnp.float32) / np.sqrt(512)
    inp['bfc2'] = jnp.zeros((256,), dtype=jnp.float32)
    inp['Wout'] = jax.random.normal(ks[15], (256, 2), dtype=jnp.float32) / np.sqrt(256)
    inp['bout'] = jnp.zeros((2,), dtype=jnp.float32)
    inp['w1'] = jnp.array([0.5], dtype=jnp.float32)
    return inp

def reference(x, edge_index, graph_ids, pad_dmap, Wg1, bg1, p1, Wg2, bg2, p2, Wg3, bg3, p3, conv_w, conv_b, Wtf, btf, Wcat, bcat, Wfc1, bfc1, Wfc2, bfc2, Wout, bout, w1):
    src = edge_index[0]
    dst = edge_index[1]
    ones_e = jnp.ones((E,), dtype=jnp.float32)
    deg_out = jax.ops.segment_sum(ones_e, src, num_segments=N)
    deg_in = jax.ops.segment_sum(ones_e, dst, num_segments=N)
    ns = 1.0 / jnp.sqrt(jnp.clip(deg_out, 1.0))
    nd = 1.0 / jnp.sqrt(jnp.clip(deg_in, 1.0))
    counts = jax.ops.segment_sum(jnp.ones((N,), dtype=jnp.float32), graph_ids, num_segments=B)
    cnt = jnp.clip(counts, 1.0)

    def gconv(h, W, b):
        h = h @ W
        m = h[src] * ns[src][:, None]
        agg = jax.ops.segment_sum(m, dst, num_segments=N)
        return agg * nd[:, None] + b

    def lupool(h, p):
        score = h @ p / (jnp.linalg.norm(p) + 1e-8)
        return h * jnp.tanh(score)[:, None]

    def readout(h):
        av = jax.ops.segment_sum(h, graph_ids, num_segments=B) / cnt[:, None]
        mx = jax.ops.segment_max(h, graph_ids, num_segments=B)
        mx = jnp.where(counts[:, None] > 0, mx, 0.0)
        return jnp.concatenate([av, mx], axis=1)

    g1 = jax.nn.relu(gconv(x, Wg1, bg1))
    x1 = lupool(g1, p1)
    r1 = readout(x1)
    g2 = jax.nn.relu(gconv(x1, Wg2, bg2))
    x2 = lupool(g2, p2)
    r2 = readout(x2)
    g3 = jax.nn.relu(gconv(x2, Wg3, bg3))
    x3 = lupool(g3, p3)
    r3 = readout(x3)
    readout_sum = r1 + r2 + r3
    gnn = jax.nn.relu(readout_sum @ Wcat + bcat)
    conv = jax.lax.conv_general_dilated(pad_dmap, conv_w, (1,), 'SAME', dimension_numbers=('NCH', 'OIH', 'NCH'))
    conv = jax.nn.relu(conv + conv_b[None, :, None])
    seq = jnp.max(conv, axis=2)
    seq1 = jax.nn.relu(seq @ Wtf + btf)
    w1s = jax.nn.sigmoid(w1)[0]
    gc1 = (1.0 - w1s) * gnn + w1s * seq1
    gc = jax.nn.relu(gc1 @ Wfc1 + bfc1)
    gc = jax.nn.relu(gc @ Wfc2 + bfc2)
    out = jax.nn.relu(gc @ Wout + bout)
    return jax.nn.softmax(out, axis=1)

if __name__ == "__main__":
    import jax
    _d = setup_inputs()
    print(jax.jit(kernel)(*tuple(_d.values())))

</pallas_src>

<mosaic_0001>
#map = affine_map<(d0, d1) -> (0, 0, 0)>
module attributes {stable_mosaic.version = 14 : i64} {
  func.func @_deg_body(%arg0: i32, %arg1: i32, %arg2: memref<32x80x125xi32, #tpu.memory_space<hbm>>, %arg3: memref<32x80x125xi32, #tpu.memory_space<hbm>>, %arg4: memref<2x2x10240xf32, #tpu.memory_space<hbm>>, %arg5: memref<10240xf32, #tpu.memory_space<vmem_shared>>, %arg6: memref<10240xf32, #tpu.memory_space<vmem_shared>>, %arg7: memref<80x125xi32, #tpu.memory_space<vmem>>, %arg8: memref<80x125xi32, #tpu.memory_space<vmem>>, %arg9: memref<128xf32, #tpu.memory_space<vmem>>, %arg10: memref<640xf32, #tpu.memory_space<vmem>>, %arg11: memref<!tpu.dma_semaphore, #tpu.memory_space<semaphore_mem>>, %arg12: memref<!tpu.dma_semaphore, #tpu.memory_space<semaphore_mem>>) attributes {dimension_semantics = [#tpu.dimension_semantics<core_parallel>, #tpu.dimension_semantics<subcore_parallel>], iteration_bounds = array<i64: 2, 16>, scalar_prefetch = 0 : i64, scratch_operands = 8 : i64, tpu.core_type = #tpu.core_type<sc_vector_subcore>, window_params = [{transform_indices = #map}, {transform_indices = #map}, {transform_indices = #map}]} {
    %mul3A = arith.constant 16 : i32
    %mul3A_0 = arith.muli %arg0, %mul3A : i32
    %add3A = arith.addi %mul3A_0, %arg1 : i32
    "tpu.region"() ({
      %run_scoped3A_87 = tpu.sem_alloc : memref<!tpu.dma_semaphore, #tpu.memory_space<semaphore_mem>>
      %dma_start3A = arith.constant 0 : i32
      %dma_start3A_88 = arith.constant 0 : i32
      %dma_start3A_89 = tpu.memref_slice %arg2[%add3A, %dma_start3A, %dma_start3A_88] : memref<32x80x125xi32, #tpu.memory_space<hbm>> -> memref<1x80x125xi32, #tpu.memory_space<hbm>>
      %dma_start3A_90 = tpu.memref_squeeze %dma_start3A_89 : memref<1x80x125xi32, #tpu.memory_space<hbm>> -> memref<80x125xi32, #tpu.memory_space<hbm>>
      %dma_start3A_91 = arith.constant 0 : i32
      %dma_start3A_92 = arith.constant 0 : i32
      %dma_start3A_93 = tpu.memref_slice %arg2[%add3A, %dma_start3A_91, %dma_start3A_92] : memref<32x80x125xi32, #tpu.memory_space<hbm>> -> memref<1x80x125xi32, #tpu.memory_space<hbm>>
      %dma_start3A_94 = tpu.memref_squeeze %dma_start3A_93 : memref<1x80x125xi32, #tpu.memory_space<hbm>> -> memref<80x125xi32, #tpu.memory_space<hbm>>
      tpu.enqueue_dma source(%dma_start3A_94 : memref<80x125xi32, #tpu.memory_space<hbm>>) target(%arg7 : memref<80x125xi32, #tpu.memory_space<vmem>>) target_semaphore(%run_scoped3A_87 : memref<!tpu.dma_semaphore, #tpu.memory_space<semaphore_mem>>)
      %dma_wait3A_95 = arith.constant 0 : i32
      %dma_wait3A_96 = arith.constant 0 : i32
      %dma_wait3A_97 = tpu.memref_slice %arg2[%add3A, %dma_wait3A_95, %dma_wait3A_96] : memref<32x80x125xi32, #tpu.memory_space<hbm>> -> memref<1x80x125xi32, #tpu.memory_space<hbm>>
      %dma_wait3A_98 = tpu.memref_squeeze %dma_wait3A_97 : memref<1x80x125xi32, #tpu.memory_space<hbm>> -> memref<80x125xi32, #tpu.memory_space<hbm>>
      %dma_wait3A_99 = arith.constant 0 : i32
      %dma_wait3A_100 = arith.constant 0 : i32
      %dma_wait3A_101 = tpu.memref_slice %arg2[%add3A, %dma_wait3A_99, %dma_wait3A_100] : memref<32x80x125xi32, #tpu.memory_space<hbm>> -> memref<1x80x125xi32, #tpu.memory_space<hbm>>
      %dma_wait3A_102 = tpu.memref_squeeze %dma_wait3A_101 : memref<1x80x125xi32, #tpu.memory_space<hbm>> -> memref<80x125xi32, #tpu.memory_space<hbm>>
      tpu.wait_dma2 semaphore(%run_scoped3A_87 : memref<!tpu.dma_semaphore, #tpu.memory_space<semaphore_mem>>) src(%dma_wait3A_102 : memref<80x125xi32, #tpu.memory_space<hbm>>) dst(%arg7 : memref<80x125xi32, #tpu.memory_space<vmem>>)
      tpu.yield
    }) : () -> ()
    "tpu.region"() ({
      %run_scoped3A_87 = tpu.sem_alloc : memref<!tpu.dma_semaphore, #tpu.memory_space<semaphore_mem>>
      %dma_start3A = arith.constant 0 : i32
      %dma_start3A_88 = arith.constant 0 : i32
      %dma_start3A_89 = tpu.memref_slice %arg3[%add3A, %dma_start3A, %dma_start3A_88] : memref<32x80x125xi32, #tpu.memory_space<hbm>> -> memref<1x80x125xi32, #tpu.memory_space<hbm>>
      %dma_start3A_90 = tpu.memref_squeeze %dma_start3A_89 : memref<1x80x125xi32, #tpu.memory_space<hbm>> -> memref<80x125xi32, #tpu.memory_space<hbm>>
      %dma_start3A_91 = arith.constant 0 : i32
      %dma_start3A_92 = arith.constant 0 : i32
      %dma_start3A_93 = tpu.memref_slice %arg3[%add3A, %dma_start3A_91, %dma_start3A_92] : memref<32x80x125xi32, #tpu.memory_space<hbm>> -> memref<1x80x125xi32, #tpu.memory_space<hbm>>
      %dma_start3A_94 = tpu.memref_squeeze %dma_start3A_93 : memref<1x80x125xi32, #tpu.memory_space<hbm>> -> memref<80x125xi32, #tpu.memory_space<hbm>>
      tpu.enqueue_dma source(%dma_start3A_94 : memref<80x125xi32, #tpu.memory_space<hbm>>) target(%arg8 : memref<80x125xi32, #tpu.memory_space<vmem>>) target_semaphore(%run_scoped3A_87 : memref<!tpu.dma_semaphore, #tpu.memory_space<semaphore_mem>>)
      %dma_wait3A_95 = arith.constant 0 : i32
      %dma_wait3A_96 = arith.constant 0 : i32
      %dma_wait3A_97 = tpu.memref_slice %arg3[%add3A, %dma_wait3A_95, %dma_wait3A_96] : memref<32x80x125xi32, #tpu.memory_space<hbm>> -> memref<1x80x125xi32, #tpu.memory_space<hbm>>
      %dma_wait3A_98 = tpu.memref_squeeze %dma_wait3A_97 : memref<1x80x125xi32, #tpu.memory_space<hbm>> -> memref<80x125xi32, #tpu.memory_space<hbm>>
      %dma_wait3A_99 = arith.constant 0 : i32
      %dma_wait3A_100 = arith.constant 0 : i32
      %dma_wait3A_101 = tpu.memref_slice %arg3[%add3A, %dma_wait3A_99, %dma_wait3A_100] : memref<32x80x125xi32, #tpu.memory_space<hbm>> -> memref<1x80x125xi32, #tpu.memory_space<hbm>>
      %dma_wait3A_102 = tpu.memref_squeeze %dma_wait3A_101 : memref<1x80x125xi32, #tpu.memory_space<hbm>> -> memref<80x125xi32, #tpu.memory_space<hbm>>
      tpu.wait_dma2 semaphore(%run_scoped3A_87 : memref<!tpu.dma_semaphore, #tpu.memory_space<semaphore_mem>>) src(%dma_wait3A_102 : memref<80x125xi32, #tpu.memory_space<hbm>>) dst(%arg8 : memref<80x125xi32, #tpu.memory_space<vmem>>)
      tpu.yield
    }) : () -> ()
    %scan3A = arith.constant 0 : i32
    %scan3A_1 = arith.constant 0 : i32
    %scan3A_2 = arith.constant 40 : i32
    %scan3A_3 = arith.addi %scan3A_1, %scan3A_2 : i32
    %scan3A_4 = arith.constant 1 : i32
    scf.for %scan3A_87 = %scan3A_1 to %scan3A_3 step %scan3A_4  : i32 {
      %broadcast_in_dim3A_88 = arith.constant 0.000000e+00 : f32
      %broadcast_in_dim3A_89 = vector.broadcast %broadcast_in_dim3A_88 : f32 to vector<16xf32>
      %mul3A_90 = arith.constant 16 : i32
      %mul3A_91 = arith.muli %scan3A_87, %mul3A_90 : i32
      %swap3A_92 = arith.index_cast %mul3A_91 : i32 to index
      %swap3A_93 = tpu.vector_load %arg10[%swap3A_92] {strides = array<i32>} : memref<640xf32, #tpu.memory_space<vmem>>, vector<16xf32>,
      %swap3A_94 = vector.shape_cast %swap3A_93 : vector<16xf32> to vector<16xf32>
      %swap3A_95 = vector.shape_cast %broadcast_in_dim3A_89 : vector<16xf32> to vector<16xf32>
      tpu.vector_store %arg10[%swap3A_92], %swap3A_95 {strides = array<i32>} : memref<640xf32, #tpu.memory_space<vmem>>, vector<16xf32>,
    }
    %scan3A_5 = arith.constant 40 : i32
    %broadcast_in_dim3A = arith.constant 1.000000e+00 : f32
    %broadcast_in_dim3A_6 = vector.broadcast %broadcast_in_dim3A : f32 to vector<16xf32>
    %swap3A = arith.constant 0 : index
    %swap3A_7 = tpu.vector_load %arg9[%swap3A] {strides = array<i32>} : memref<128xf32, #tpu.memory_space<vmem>>, vector<16xf32>,
    %swap3A_8 = vector.shape_cast %swap3A_7 : vector<16xf32> to vector<16xf32>
    %swap3A_9 = vector.shape_cast %broadcast_in_dim3A_6 : vector<16xf32> to vector<16xf32>
    tpu.vector_store %arg9[%swap3A], %swap3A_9 {strides = array<i32>} : memref<128xf32, #tpu.memory_space<vmem>>, vector<16xf32>,
    %broadcast_in_dim3A_10 = arith.constant 1.000000e+00 : f32
    %broadcast_in_dim3A_11 = vector.broadcast %broadcast_in_dim3A_10 : f32 to vector<16xf32>
    %swap3A_12 = arith.constant 16 : index
    %swap3A_13 = tpu.vector_load %arg9[%swap3A_12] {strides = array<i32>} : memref<128xf32, #tpu.memory_space<vmem>>, vector<16xf32>,
    %swap3A_14 = vector.shape_cast %swap3A_13 : vector<16xf32> to vector<16xf32>
    %swap3A_15 = vector.shape_cast %broadcast_in_dim3A_11 : vector<16xf32> to vector<16xf32>
    tpu.vector_store %arg9[%swap3A_12], %swap3A_15 {strides = array<i32>} : memref<128xf32, #tpu.memory_space<vmem>>, vector<16xf32>,
    %broadcast_in_dim3A_16 = arith.constant 1.000000e+00 : f32
    %broadcast_in_dim3A_17 = vector.broadcast %broadcast_in_dim3A_16 : f32 to vector<16xf32>
    %swap3A_18 = arith.constant 32 : index
    %swap3A_19 = tpu.vector_load %arg9[%swap3A_18] {strides = array<i32>} : memref<128xf32, #tpu.memory_space<vmem>>, vector<16xf32>,
    %swap3A_20 = vector.shape_cast %swap3A_19 : vector<16xf32> to vector<16xf32>
    %swap3A_21 = vector.shape_cast %broadcast_in_dim3A_17 : vector<16xf32> to vector<16xf32>
    tpu.vector_store %arg9[%swap3A_18], %swap3A_21 {strides = array<i32>} : memref<128xf32, #tpu.memory_space<vmem>>, vector<16xf32>,
    %broadcast_in_dim3A_22 = arith.constant 1.000000e+00 : f32
    %broadcast_in_dim3A_23 = vector.broadcast %broadcast_in_dim3A_22 : f32 to vector<16xf32>
    %swap3A_24 = arith.constant 48 : index
    %swap3A_25 = tpu.vector_load %arg9[%swap3A_24] {strides = array<i32>} : memref<128xf32, #tpu.memory_space<vmem>>, vector<16xf32>,
    %swap3A_26 = vector.shape_cast %swap3A_25 : vector<16xf32> to vector<16xf32>
    %swap3A_27 = vector.shape_cast %broadcast_in_dim3A_23 : vector<16xf32> to vector<16xf32>
    tpu.vector_store %arg9[%swap3A_24], %swap3A_27 {strides = array<i32>} : memref<128xf32, #tpu.memory_space<vmem>>, vector<16xf32>,
    %broadcast_in_dim3A_28 = arith.constant 1.000000e+00 : f32
    %broadcast_in_dim3A_29 = vector.broadcast %broadcast_in_dim3A_28 : f32 to vector<16xf32>
    %swap3A_30 = arith.constant 64 : index
    %swap3A_31 = tpu.vector_load %arg9[%swap3A_30] {strides = array<i32>} : memref<128xf32, #tpu.memory_space<vmem>>, vector<16xf32>,
    %swap3A_32 = vector.shape_cast %swap3A_31 : vector<16xf32> to vector<16xf32>
    %swap3A_33 = vector.shape_cast %broadcast_in_dim3A_29 : vector<16xf32> to vector<16xf32>
    tpu.vector_store %arg9[%swap3A_30], %swap3A_33 {strides = array<i32>} : memref<128xf32, #tpu.memory_space<vmem>>, vector<16xf32>,
    %broadcast_in_dim3A_34 = arith.constant 1.000000e+00 : f32
    %broadcast_in_dim3A_35 = vector.broadcast %broadcast_in_dim3A_34 : f32 to vector<16xf32>
    %swap3A_36 = arith.constant 80 : index
    %swap3A_37 = tpu.vector_load %arg9[%swap3A_36] {strides = array<i32>} : memref<128xf32, #tpu.memory_space<vmem>>, vector<16xf32>,
    %swap3A_38 = vector.shape_cast %swap3A_37 : vector<16xf32> to vector<16xf32>
    %swap3A_39 = vector.shape_cast %broadcast_in_dim3A_35 : vector<16xf32> to vector<16xf32>
    tpu.vector_store %arg9[%swap3A_36], %swap3A_39 {strides = array<i32>} : memref<128xf32, #tpu.memory_space<vmem>>, vector<16xf32>,
    %broadcast_in_dim3A_40 = arith.constant 1.000000e+00 : f32
    %broadcast_in_dim3A_41 = vector.broadcast %broadcast_in_dim3A_40 : f32 to vector<16xf32>
    %swap3A_42 = arith.constant 96 : index
    %swap3A_43 = tpu.vector_load %arg9[%swap3A_42] {strides = array<i32>} : memref<128xf32, #tpu.memory_space<vmem>>, vector<16xf32>,
    %swap3A_44 = vector.shape_cast %swap3A_43 : vector<16xf32> to vector<16xf32>
    %swap3A_45 = vector.shape_cast %broadcast_in_dim3A_41 : vector<16xf32> to vector<16xf32>
    tpu.vector_store %arg9[%swap3A_42], %swap3A_45 {strides = array<i32>} : memref<128xf32, #tpu.memory_space<vmem>>, vector<16xf32>,
    %broadcast_in_dim3A_46 = arith.constant 1.000000e+00 : f32
    %broadcast_in_dim3A_47 = vector.broadcast %broadcast_in_dim3A_46 : f32 to vector<16xf32>
    %swap3A_48 = arith.constant 112 : index
    %swap3A_49 = tpu.vector_load %arg9[%swap3A_48] {strides = array<i32>} : memref<128xf32, #tpu.memory_space<vmem>>, vector<16xf32>,
    %swap3A_50 = vector.shape_cast %swap3A_49 : vector<16xf32> to vector<16xf32>
    %swap3A_51 = vector.shape_cast %broadcast_in_dim3A_47 : vector<16xf32> to vector<16xf32>
    tpu.vector_store %arg9[%swap3A_48], %swap3A_51 {strides = array<i32>} : memref<128xf32, #tpu.memory_space<vmem>>, vector<16xf32>,
    %mul3A_52 = arith.constant 640 : i32
    %mul3A_53 = arith.muli %arg1, %mul3A_52 : i32
    "tpu.region"() ({
      %run_scoped3A_87 = tpu.sem_alloc : memref<!tpu.dma_semaphore, #tpu.memory_space<semaphore_mem>>
      %dma_start3A = tpu.memref_slice %arg5[%mul3A_53] : memref<10240xf32, #tpu.memory_space<vmem_shared>> -> memref<640xf32, #tpu.memory_space<vmem_shared>>
      %dma_start3A_88 = tpu.memref_slice %arg5[%mul3A_53] : memref<10240xf32, #tpu.memory_space<vmem_shared>> -> memref<640xf32, #tpu.memory_space<vmem_shared>>
      tpu.enqueue_dma source(%arg10 : memref<640xf32, #tpu.memory_space<vmem>>) target(%dma_start3A_88 : memref<640xf32, #tpu.memory_space<vmem_shared>>) target_semaphore(%run_scoped3A_87 : memref<!tpu.dma_semaphore, #tpu.memory_space<semaphore_mem>>)
      %dma_wait3A_89 = tpu.memref_slice %arg5[%mul3A_53] : memref<10240xf32, #tpu.memory_space<vmem_shared>> -> memref<640xf32, #tpu.memory_space<vmem_shared>>
      %dma_wait3A_90 = tpu.memref_slice %arg5[%mul3A_53] : memref<10240xf32, #tpu.memory_space<vmem_shared>> -> memref<640xf32, #tpu.memory_space<vmem_shared>>
      tpu.wait_dma2 semaphore(%run_scoped3A_87 : memref<!tpu.dma_semaphore, #tpu.memory_space<semaphore_mem>>) src(%arg10 : memref<640xf32, #tpu.memory_space<vmem>>) dst(%dma_wait3A_90 : memref<640xf32, #tpu.memory_space<vmem_shared>>)
      tpu.yield
    }) : () -> ()
    %mul3A_54 = arith.constant 640 : i32
    %mul3A_55 = arith.muli %arg1, %mul3A_54 : i32
    "tpu.region"() ({
      %run_scoped3A_87 = tpu.sem_alloc : memref<!tpu.dma_semaphore, #tpu.memory_space<semaphore_mem>>
      %dma_start3A = tpu.memref_slice %arg6[%mul3A_55] : memref<10240xf32, #tpu.memory_space<vmem_shared>> -> memref<640xf32, #tpu.memory_space<vmem_shared>>
      %dma_start3A_88 = tpu.memref_slice %arg6[%mul3A_55] : memref<10240xf32, #tpu.memory_space<vmem_shared>> -> memref<640xf32, #tpu.memory_space<vmem_shared>>
      tpu.enqueue_dma source(%arg10 : memref<640xf32, #tpu.memory_space<vmem>>) target(%dma_start3A_88 : memref<640xf32, #tpu.memory_space<vmem_shared>>) target_semaphore(%run_scoped3A_87 : memref<!tpu.dma_semaphore, #tpu.memory_space<semaphore_mem>>)
      %dma_wait3A_89 = tpu.memref_slice %arg6[%mul3A_55] : memref<10240xf32, #tpu.memory_space<vmem_shared>> -> memref<640xf32, #tpu.memory_space<vmem_shared>>
      %dma_wait3A_90 = tpu.memref_slice %arg6[%mul3A_55] : memref<10240xf32, #tpu.memory_space<vmem_shared>> -> memref<640xf32, #tpu.memory_space<vmem_shared>>
      tpu.wait_dma2 semaphore(%run_scoped3A_87 : memref<!tpu.dma_semaphore, #tpu.memory_space<semaphore_mem>>) src(%arg10 : memref<640xf32, #tpu.memory_space<vmem>>) dst(%dma_wait3A_90 : memref<640xf32, #tpu.memory_space<vmem_shared>>)
      tpu.yield
    }) : () -> ()
    %barrier3A = arith.constant 0 : index
    tpu.barrier barrier_id(%barrier3A)
    %scan3A_56 = arith.constant 0 : i32
    %scan3A_57 = arith.constant 0 : i32
    %scan3A_58 = arith.constant 80 : i32
    %scan3A_59 = arith.addi %scan3A_57, %scan3A_58 : i32
    %scan3A_60 = arith.constant 1 : i32
    scf.for %scan3A_87 = %scan3A_57 to %scan3A_59 step %scan3A_60  : i32 {
      %dma_start3A = arith.constant 0 : i32
      %dma_start3A_88 = tpu.memref_slice %arg9[%dma_start3A] : memref<128xf32, #tpu.memory_space<vmem>> -> memref<125xf32, #tpu.memory_space<vmem>>
      %dma_start3A_89 = arith.constant 0 : i32
      %dma_start3A_90 = tpu.memref_slice %arg7[%scan3A_87, %dma_start3A_89] : memref<80x125xi32, #tpu.memory_space<vmem>> -> memref<1x125xi32, #tpu.memory_space<vmem>>
      %dma_start3A_91 = tpu.memref_squeeze %dma_start3A_90 : memref<1x125xi32, #tpu.memory_space<vmem>> -> memref<125xi32, #tpu.memory_space<vmem>>
      %dma_start3A_92 = arith.constant 0 : i32
      %dma_start3A_93 = tpu.memref_slice %arg5[%dma_start3A_92] : memref<10240xf32, #tpu.memory_space<vmem_shared>> -> memref<10240xf32, #tpu.memory_space<vmem_shared>>
      tpu.enqueue_indirect_dma source(%dma_start3A_88 : memref<125xf32, #tpu.memory_space<vmem>>) target(%dma_start3A_93 : memref<10240xf32, #tpu.memory_space<vmem_shared>>) offsets(%dma_start3A_91 : memref<125xi32, #tpu.memory_space<vmem>>) semaphore(%arg11 : memref<!tpu.dma_semaphore, #tpu.memory_space<semaphore_mem>>) {add = true}
      %dma_start3A_94 = arith.constant 0 : i32
      %dma_start3A_95 = tpu.memref_slice %arg9[%dma_start3A_94] : memref<128xf32, #tpu.memory_space<vmem>> -> memref<125xf32, #tpu.memory_space<vmem>>
      %dma_start3A_96 = arith.constant 0 : i32
      %dma_start3A_97 = tpu.memref_slice %arg8[%scan3A_87, %dma_start3A_96] : memref<80x125xi32, #tpu.memory_space<vmem>> -> memref<1x125xi32, #tpu.memory_space<vmem>>
      %dma_start3A_98 = tpu.memref_squeeze %dma_start3A_97 : memref<1x125xi32, #tpu.memory_space<vmem>> -> memref<125xi32, #tpu.memory_space<vmem>>
      %dma_start3A_99 = arith.constant 0 : i32
      %dma_start3A_100 = tpu.memref_slice %arg6[%dma_start3A_99] : memref<10240xf32, #tpu.memory_space<vmem_shared>> -> memref<10240xf32, #tpu.memory_space<vmem_shared>>
      tpu.enqueue_indirect_dma source(%dma_start3A_95 : memref<125xf32, #tpu.memory_space<vmem>>) target(%dma_start3A_100 : memref<10240xf32, #tpu.memory_space<vmem_shared>>) offsets(%dma_start3A_98 : memref<125xi32, #tpu.memory_space<vmem>>) semaphore(%arg12 : memref<!tpu.dma_semaphore, #tpu.memory_space<semaphore_mem>>) {add = true}
      %gt3A = arith.constant 0 : i32
      %gt3A_101 = arith.cmpi sgt, %scan3A_87, %gt3A : i32
      %convert_element_type3A = arith.extui %gt3A_101 : i1 to i32
      %cond3A = arith.constant 0 : i32
      %cond3A_102 = arith.cmpi ne, %convert_element_type3A, %cond3A : i32
      scf.if %cond3A_102 {
        %dma_wait3A_103 = arith.constant 0 : i32
        %dma_wait3A_104 = tpu.memref_slice %arg9[%dma_wait3A_103] : memref<128xf32, #tpu.memory_space<vmem>> -> memref<125xf32, #tpu.memory_space<vmem>>
        %dma_wait3A_105 = arith.constant 0 : i32
        %dma_wait3A_106 = tpu.memref_slice %arg7[%scan3A_87, %dma_wait3A_105] : memref<80x125xi32, #tpu.memory_space<vmem>> -> memref<1x125xi32, #tpu.memory_space<vmem>>
        %dma_wait3A_107 = tpu.memref_squeeze %dma_wait3A_106 : memref<1x125xi32, #tpu.memory_space<vmem>> -> memref<125xi32, #tpu.memory_space<vmem>>
        %dma_wait3A_108 = arith.constant 0 : i32
        %dma_wait3A_109 = tpu.memref_slice %arg5[%dma_wait3A_108] : memref<10240xf32, #tpu.memory_space<vmem_shared>> -> memref<10240xf32, #tpu.memory_space<vmem_shared>>
        tpu.wait_indirect_dma semaphore(%arg11 : memref<!tpu.dma_semaphore, #tpu.memory_space<semaphore_mem>>) src(%dma_wait3A_104 : memref<125xf32, #tpu.memory_space<vmem>>) dst(%dma_wait3A_109 : memref<10240xf32, #tpu.memory_space<vmem_shared>>)
        %dma_wait3A_110 = arith.constant 0 : i32
        %dma_wait3A_111 = tpu.memref_slice %arg9[%dma_wait3A_110] : memref<128xf32, #tpu.memory_space<vmem>> -> memref<125xf32, #tpu.memory_space<vmem>>
        %dma_wait3A_112 = arith.constant 0 : i32
        %dma_wait3A_113 = tpu.memref_slice %arg8[%scan3A_87, %dma_wait3A_112] : memref<80x125xi32, #tpu.memory_space<vmem>> -> memref<1x125xi32, #tpu.memory_space<vmem>>
        %dma_wait3A_114 = tpu.memref_squeeze %dma_wait3A_113 : memref<1x125xi32, #tpu.memory_space<vmem>> -> memref<125xi32, #tpu.memory_space<vmem>>
        %dma_wait3A_115 = arith.constant 0 : i32
        %dma_wait3A_116 = tpu.memref_slice %arg6[%dma_wait3A_115] : memref<10240xf32, #tpu.memory_space<vmem_shared>> -> memref<10240xf32, #tpu.memory_space<vmem_shared>>
        tpu.wait_indirect_dma semaphore(%arg12 : memref<!tpu.dma_semaphore, #tpu.memory_space<semaphore_mem>>) src(%dma_wait3A_111 : memref<125xf32, #tpu.memory_space<vmem>>) dst(%dma_wait3A_116 : memref<10240xf32, #tpu.memory_space<vmem_shared>>)
      } else {
      }
    }
    %scan3A_61 = arith.constant 80 : i32
    %dma_wait3A = arith.constant 0 : i32
    %dma_wait3A_62 = arith.constant 0 : i32
    %dma_wait3A_63 = tpu.memref_slice %arg9[%dma_wait3A_62] : memref<128xf32, #tpu.memory_space<vmem>> -> memref<125xf32, #tpu.memory_space<vmem>>
    %dma_wait3A_64 = arith.constant 0 : i32
    %dma_wait3A_65 = tpu.memref_slice %arg7[%dma_wait3A, %dma_wait3A_64] : memref<80x125xi32, #tpu.memory_space<vmem>> -> memref<1x125xi32, #tpu.memory_space<vmem>>
    %dma_wait3A_66 = tpu.memref_squeeze %dma_wait3A_65 : memref<1x125xi32, #tpu.memory_space<vmem>> -> memref<125xi32, #tpu.memory_space<vmem>>
    %dma_wait3A_67 = arith.constant 0 : i32
    %dma_wait3A_68 = tpu.memref_slice %arg5[%dma_wait3A_67] : memref<10240xf32, #tpu.memory_space<vmem_shared>> -> memref<10240xf32, #tpu.memory_space<vmem_shared>>
    tpu.wait_indirect_dma semaphore(%arg11 : memref<!tpu.dma_semaphore, #tpu.memory_space<semaphore_mem>>) src(%dma_wait3A_63 : memref<125xf32, #tpu.memory_space<vmem>>) dst(%dma_wait3A_68 : memref<10240xf32, #tpu.memory_space<vmem_shared>>)
    %dma_wait3A_69 = arith.constant 0 : i32
    %dma_wait3A_70 = arith.constant 0 : i32
    %dma_wait3A_71 = tpu.memref_slice %arg9[%dma_wait3A_70] : memref<128xf32, #tpu.memory_space<vmem>> -> memref<125xf32, #tpu.memory_space<vmem>>
    %dma_wait3A_72 = arith.constant 0 : i32
    %dma_wait3A_73 = tpu.memref_slice %arg8[%dma_wait3A_69, %dma_wait3A_72] : memref<80x125xi32, #tpu.memory_space<vmem>> -> memref<1x125xi32, #tpu.memory_space<vmem>>
    %dma_wait3A_74 = tpu.memref_squeeze %dma_wait3A_73 : memref<1x125xi32, #tpu.memory_space<vmem>> -> memref<125xi32, #tpu.memory_space<vmem>>
    %dma_wait3A_75 = arith.constant 0 : i32
    %dma_wait3A_76 = tpu.memref_slice %arg6[%dma_wait3A_75] : memref<10240xf32, #tpu.memory_space<vmem_shared>> -> memref<10240xf32, #tpu.memory_space<vmem_shared>>
    tpu.wait_indirect_dma semaphore(%arg12 : memref<!tpu.dma_semaphore, #tpu.memory_space<semaphore_mem>>) src(%dma_wait3A_71 : memref<125xf32, #tpu.memory_space<vmem>>) dst(%dma_wait3A_76 : memref<10240xf32, #tpu.memory_space<vmem_shared>>)
    %barrier3A_77 = arith.constant 0 : index
    tpu.barrier barrier_id(%barrier3A_77)
    %mul3A_78 = arith.constant 640 : i32
    %mul3A_79 = arith.muli %arg1, %mul3A_78 : i32
    %mul3A_80 = arith.constant 640 : i32
    %mul3A_81 = arith.muli %arg1, %mul3A_80 : i32
    %run_scoped3A = arith.constant 0 : i32
    "tpu.region"() ({
      %run_scoped3A_87 = tpu.sem_alloc : memref<!tpu.dma_semaphore, #tpu.memory_space<semaphore_mem>>
      %dma_start3A = tpu.memref_slice %arg4[%arg0, %run_scoped3A, %mul3A_81] : memref<2x2x10240xf32, #tpu.memory_space<hbm>> -> memref<1x1x640xf32, #tpu.memory_space<hbm>>
      %dma_start3A_88 = tpu.memref_squeeze %dma_start3A : memref<1x1x640xf32, #tpu.memory_space<hbm>> -> memref<640xf32, #tpu.memory_space<hbm>>
      %dma_start3A_89 = tpu.memref_slice %arg5[%mul3A_79] : memref<10240xf32, #tpu.memory_space<vmem_shared>> -> memref<640xf32, #tpu.memory_space<vmem_shared>>
      tpu.enqueue_dma source(%dma_start3A_89 : memref<640xf32, #tpu.memory_space<vmem_shared>>) target(%dma_start3A_88 : memref<640xf32, #tpu.memory_space<hbm>>) target_semaphore(%run_scoped3A_87 : memref<!tpu.dma_semaphore, #tpu.memory_space<semaphore_mem>>)
      %dma_wait3A_90 = tpu.memref_slice %arg4[%arg0, %run_scoped3A, %mul3A_81] : memref<2x2x10240xf32, #tpu.memory_space<hbm>> -> memref<1x1x640xf32, #tpu.memory_space<hbm>>
      %dma_wait3A_91 = tpu.memref_squeeze %dma_wait3A_90 : memref<1x1x640xf32, #tpu.memory_space<hbm>> -> memref<640xf32, #tpu.memory_space<hbm>>
      %dma_wait3A_92 = tpu.memref_slice %arg5[%mul3A_79] : memref<10240xf32, #tpu.memory_space<vmem_shared>> -> memref<640xf32, #tpu.memory_space<vmem_shared>>
      tpu.wait_dma2 semaphore(%run_scoped3A_87 : memref<!tpu.dma_semaphore, #tpu.memory_space<semaphore_mem>>) src(%dma_wait3A_92 : memref<640xf32, #tpu.memory_space<vmem_shared>>) dst(%dma_wait3A_91 : memref<640xf32, #tpu.memory_space<hbm>>)
      tpu.yield
    }) : () -> ()
    %mul3A_82 = arith.constant 640 : i32
    %mul3A_83 = arith.muli %arg1, %mul3A_82 : i32
    %mul3A_84 = arith.constant 640 : i32
    %mul3A_85 = arith.muli %arg1, %mul3A_84 : i32
    %run_scoped3A_86 = arith.constant 1 : i32
    "tpu.region"() ({
      %run_scoped3A_87 = tpu.sem_alloc : memref<!tpu.dma_semaphore, #tpu.memory_space<semaphore_mem>>
      %dma_start3A = tpu.memref_slice %arg4[%arg0, %run_scoped3A_86, %mul3A_85] : memref<2x2x10240xf32, #tpu.memory_space<hbm>> -> memref<1x1x640xf32, #tpu.memory_space<hbm>>
      %dma_start3A_88 = tpu.memref_squeeze %dma_start3A : memref<1x1x640xf32, #tpu.memory_space<hbm>> -> memref<640xf32, #tpu.memory_space<hbm>>
      %dma_start3A_89 = tpu.memref_slice %arg6[%mul3A_83] : memref<10240xf32, #tpu.memory_space<vmem_shared>> -> memref<640xf32, #tpu.memory_space<vmem_shared>>
      tpu.enqueue_dma source(%dma_start3A_89 : memref<640xf32, #tpu.memory_space<vmem_shared>>) target(%dma_start3A_88 : memref<640xf32, #tpu.memory_space<hbm>>) target_semaphore(%run_scoped3A_87 : memref<!tpu.dma_semaphore, #tpu.memory_space<semaphore_mem>>)
      %dma_wait3A_90 = tpu.memref_slice %arg4[%arg0, %run_scoped3A_86, %mul3A_85] : memref<2x2x10240xf32, #tpu.memory_space<hbm>> -> memref<1x1x640xf32, #tpu.memory_space<hbm>>
      %dma_wait3A_91 = tpu.memref_squeeze %dma_wait3A_90 : memref<1x1x640xf32, #tpu.memory_space<hbm>> -> memref<640xf32, #tpu.memory_space<hbm>>
      %dma_wait3A_92 = tpu.memref_slice %arg6[%mul3A_83] : memref<10240xf32, #tpu.memory_space<vmem_shared>> -> memref<640xf32, #tpu.memory_space<vmem_shared>>
      tpu.wait_dma2 semaphore(%run_scoped3A_87 : memref<!tpu.dma_semaphore, #tpu.memory_space<semaphore_mem>>) src(%dma_wait3A_92 : memref<640xf32, #tpu.memory_space<vmem_shared>>) dst(%dma_wait3A_91 : memref<640xf32, #tpu.memory_space<hbm>>)
      tpu.yield
    }) : () -> ()
    return
  }
}

#map = affine_map<(d0, d1) -> (0, 0)>
#map1 = affine_map<(d0, d1) -> (0, 0, 0)>
module attributes {stable_mosaic.version = 14 : i64} {
  func.func @_agg_body(%arg0: i32, %arg1: i32, %arg2: memref<10000x128xf32, #tpu.memory_space<hbm>>, %arg3: memref<32x80x125xi32, #tpu.memory_space<hbm>>, %arg4: memref<32x80x125xi32, #tpu.memory_space<hbm>>, %arg5: memref<2x10240x128xf32, #tpu.memory_space<hbm>>, %arg6: memref<10240x128xf32, #tpu.memory_space<vmem_shared>>, %arg7: memref<125xi32, #tpu.memory_space<vmem>>, %arg8: memref<125xi32, #tpu.memory_space<vmem>>, %arg9: memref<125xi32, #tpu.memory_space<vmem>>, %arg10: memref<125xi32, #tpu.memory_space<vmem>>, %arg11: memref<125x128xf32, #tpu.memory_space<vmem>>, %arg12: memref<125x128xf32, #tpu.memory_space<vmem>>, %arg13: memref<!tpu.dma_semaphore, #tpu.memory_space<semaphore_mem>>, %arg14: memref<!tpu.dma_semaphore, #tpu.memory_space<semaphore_mem>>, %arg15: memref<!tpu.dma_semaphore, #tpu.memory_space<semaphore_mem>>, %arg16: memref<!tpu.dma_semaphore, #tpu.memory_space<semaphore_mem>>, %arg17: memref<!tpu.dma_semaphore, #tpu.memory_space<semaphore_mem>>, %arg18: memref<!tpu.dma_semaphore, #tpu.memory_space<semaphore_mem>>, %arg19: memref<!tpu.dma_semaphore, #tpu.memory_space<semaphore_mem>>, %arg20: memref<!tpu.dma_semaphore, #tpu.memory_space<semaphore_mem>>, %arg21: memref<!tpu.dma_semaphore, #tpu.memory_space<semaphore_mem>>) attributes {dimension_semantics = [#tpu.dimension_semantics<core_parallel>, #tpu.dimension_semantics<subcore_parallel>], iteration_bounds = array<i64: 2, 16>, scalar_prefetch = 0 : i64, scratch_operands = 16 : i64, tpu.core_type = #tpu.core_type<sc_vector_subcore>, window_params = [{transform_indices = #map}, {transform_indices = #map1}, {transform_indices = #map1}, {transform_indices = #map1}]} {
    %mul3A = arith.constant 16 : i32
    %mul3A_0 = arith.muli %arg0, %mul3A : i32
    %add3A = arith.addi %mul3A_0, %arg1 : i32
    %scan3A = arith.constant 0 : i32
    %scan3A_1 = arith.constant 0 : i32
    %scan3A_2 = arith.constant 125 : i32
    %scan3A_3 = arith.addi %scan3A_1, %scan3A_2 : i32
    %scan3A_4 = arith.constant 1 : i32
    scf.for %scan3A_257 = %scan3A_1 to %scan3A_3 step %scan3A_4  : i32 {
      %broadcast_in_dim3A = arith.constant 0.000000e+00 : f32
      %broadcast_in_dim3A_258 = vector.broadcast %broadcast_in_dim3A : f32 to vector<16xf32>
      %swap3A = arith.index_cast %scan3A_257 : i32 to index
      %swap3A_259 = arith.constant 0 : index
      %swap3A_260 = tpu.vector_load %arg11[%swap3A, %swap3A_259] {strides = array<i32>} : memref<125x128xf32, #tpu.memory_space<vmem>>, vector<1x16xf32>,
      %swap3A_261 = vector.shape_cast %swap3A_260 : vector<1x16xf32> to vector<16xf32>
      %swap3A_262 = vector.shape_cast %broadcast_in_dim3A_258 : vector<16xf32> to vector<1x16xf32>
      tpu.vector_store %arg11[%swap3A, %swap3A_259], %swap3A_262 {strides = array<i32>} : memref<125x128xf32, #tpu.memory_space<vmem>>, vector<1x16xf32>,
      %broadcast_in_dim3A_263 = arith.constant 0.000000e+00 : f32
      %broadcast_in_dim3A_264 = vector.broadcast %broadcast_in_dim3A_263 : f32 to vector<16xf32>
      %swap3A_265 = arith.index_cast %scan3A_257 : i32 to index
      %swap3A_266 = arith.constant 16 : index
      %swap3A_267 = tpu.vector_load %arg11[%swap3A_265, %swap3A_266] {strides = array<i32>} : memref<125x128xf32, #tpu.memory_space<vmem>>, vector<1x16xf32>,
      %swap3A_268 = vector.shape_cast %swap3A_267 : vector<1x16xf32> to vector<16xf32>
      %swap3A_269 = vector.shape_cast %broadcast_in_dim3A_264 : vector<16xf32> to vector<1x16xf32>
      tpu.vector_store %arg11[%swap3A_265, %swap3A_266], %swap3A_269 {strides = array<i32>} : memref<125x128xf32, #tpu.memory_space<vmem>>, vector<1x16xf32>,
      %broadcast_in_dim3A_270 = arith.constant 0.000000e+00 : f32
      %broadcast_in_dim3A_271 = vector.broadcast %broadcast_in_dim3A_270 : f32 to vector<16xf32>
      %swap3A_272 = arith.index_cast %scan3A_257 : i32 to index
      %swap3A_273 = arith.constant 32 : index
      %swap3A_274 = tpu.vector_load %arg11[%swap3A_272, %swap3A_273] {strides = array<i32>} : memref<125x128xf32, #tpu.memory_space<vmem>>, vector<1x16xf32>,
      %swap3A_275 = vector.shape_cast %swap3A_274 : vector<1x16xf32> to vector<16xf32>
      %swap3A_276 = vector.shape_cast %broadcast_in_dim3A_271 : vector<16xf32> to vector<1x16xf32>
      tpu.vector_store %arg11[%swap3A_272, %swap3A_273], %swap3A_276 {strides = array<i32>} : memref<125x128xf32, #tpu.memory_space<vmem>>, vector<1x16xf32>,
      %broadcast_in_dim3A_277 = arith.constant 0.000000e+00 : f32
      %broadcast_in_dim3A_278 = vector.broadcast %broadcast_in_dim3A_277 : f32 to vector<16xf32>
      %swap3A_279 = arith.index_cast %scan3A_257 : i32 to index
      %swap3A_280 = arith.constant 48 : index
      %swap3A_281 = tpu.vector_load %arg11[%swap3A_279, %swap3A_280] {strides = array<i32>} : memref<125x128xf32, #tpu.memory_space<vmem>>, vector<1x16xf32>,
      %swap3A_282 = vector.shape_cast %swap3A_281 : vector<1x16xf32> to vector<16xf32>
      %swap3A_283 = vector.shape_cast %broadcast_in_dim3A_278 : vector<16xf32> to vector<1x16xf32>
      tpu.vector_store %arg11[%swap3A_279, %swap3A_280], %swap3A_283 {strides = array<i32>} : memref<125x128xf32, #tpu.memory_space<vmem>>, vector<1x16xf32>,
      %broadcast_in_dim3A_284 = arith.constant 0.000000e+00 : f32
      %broadcast_in_dim3A_285 = vector.broadcast %broadcast_in_dim3A_284 : f32 to vector<16xf32>
      %swap3A_286 = arith.index_cast %scan3A_257 : i32 to index
      %swap3A_287 = arith.constant 64 : index
      %swap3A_288 = tpu.vector_load %arg11[%swap3A_286, %swap3A_287] {strides = array<i32>} : memref<125x128xf32, #tpu.memory_space<vmem>>, vector<1x16xf32>,
      %swap3A_289 = vector.shape_cast %swap3A_288 : vector<1x16xf32> to vector<16xf32>
      %swap3A_290 = vector.shape_cast %broadcast_in_dim3A_285 : vector<16xf32> to vector<1x16xf32>
      tpu.vector_store %arg11[%swap3A_286, %swap3A_287], %swap3A_290 {strides = array<i32>} : memref<125x128xf32, #tpu.memory_space<vmem>>, vector<1x16xf32>,
      %broadcast_in_dim3A_291 = arith.constant 0.000000e+00 : f32
      %broadcast_in_dim3A_292 = vector.broadcast %broadcast_in_dim3A_291 : f32 to vector<16xf32>
      %swap3A_293 = arith.index_cast %scan3A_257 : i32 to index
      %swap3A_294 = arith.constant 80 : index
      %swap3A_295 = tpu.vector_load %arg11[%swap3A_293, %swap3A_294] {strides = array<i32>} : memref<125x128xf32, #tpu.memory_space<vmem>>, vector<1x16xf32>,
      %swap3A_296 = vector.shape_cast %swap3A_295 : vector<1x16xf32> to vector<16xf32>
      %swap3A_297 = vector.shape_cast %broadcast_in_dim3A_292 : vector<16xf32> to vector<1x16xf32>
      tpu.vector_store %arg11[%swap3A_293, %swap3A_294], %swap3A_297 {strides = array<i32>} : memref<125x128xf32, #tpu.memory_space<vmem>>, vector<1x16xf32>,
      %broadcast_in_dim3A_298 = arith.constant 0.000000e+00 : f32
      %broadcast_in_dim3A_299 = vector.broadcast %broadcast_in_dim3A_298 : f32 to vector<16xf32>
      %swap3A_300 = arith.index_cast %scan3A_257 : i32 to index
      %swap3A_301 = arith.constant 96 : index
      %swap3A_302 = tpu.vector_load %arg11[%swap3A_300, %swap3A_301] {strides = array<i32>} : memref<125x128xf32, #tpu.memory_space<vmem>>, vector<1x16xf32>,
      %swap3A_303 = vector.shape_cast %swap3A_302 : vector<1x16xf32> to vector<16xf32>
      %swap3A_304 = vector.shape_cast %broadcast_in_dim3A_299 : vector<16xf32> to vector<1x16xf32>
      tpu.vector_store %arg11[%swap3A_300, %swap3A_301], %swap3A_304 {strides = array<i32>} : memref<125x128xf32, #tpu.memory_space<vmem>>, vector<1x16xf32>,
      %broadcast_in_dim3A_305 = arith.constant 0.000000e+00 : f32
      %broadcast_in_dim3A_306 = vector.broadcast %broadcast_in_dim3A_305 : f32 to vector<16xf32>
      %swap3A_307 = arith.index_cast %scan3A_257 : i32 to index
      %swap3A_308 = arith.constant 112 : index
      %swap3A_309 = tpu.vector_load %arg11[%swap3A_307, %swap3A_308] {strides = array<i32>} : memref<125x128xf32, #tpu.memory_space<vmem>>, vector<1x16xf32>,
      %swap3A_310 = vector.shape_cast %swap3A_309 : vector<1x16xf32> to vector<16xf32>
      %swap3A_311 = vector.shape_cast %broadcast_in_dim3A_306 : vector<16xf32> to vector<1x16xf32>
      tpu.vector_store %arg11[%swap3A_307, %swap3A_308], %swap3A_311 {strides = array<i32>} : memref<125x128xf32, #tpu.memory_space<vmem>>, vector<1x16xf32>,
    }
    %scan3A_5 = arith.constant 125 : i32
    %mul3A_6 = arith.constant 640 : i32
    %mul3A_7 = arith.muli %arg1, %mul3A_6 : i32
    %add3A_8 = arith.constant 0 : i32
    %add3A_9 = arith.addi %mul3A_7, %add3A_8 : i32
    %dma_start3A = arith.constant 0 : i32
    %dma_start3A_10 = tpu.memref_slice %arg6[%add3A_9, %dma_start3A] : memref<10240x128xf32, #tpu.memory_space<vmem_shared>> -> memref<125x128xf32, #tpu.memory_space<vmem_shared>>
    %dma_start3A_11 = arith.constant 0 : i32
    %dma_start3A_12 = tpu.memref_slice %arg6[%add3A_9, %dma_start3A_11] : memref<10240x128xf32, #tpu.memory_space<vmem_shared>> -> memref<125x128xf32, #tpu.memory_space<vmem_shared>>
    tpu.enqueue_dma source(%arg11 : memref<125x128xf32, #tpu.memory_space<vmem>>) target(%dma_start3A_12 : memref<125x128xf32, #tpu.memory_space<vmem_shared>>) target_semaphore(%arg21 : memref<!tpu.dma_semaphore, #tpu.memory_space<semaphore_mem>>)
    %mul3A_13 = arith.constant 640 : i32
    %mul3A_14 = arith.muli %arg1, %mul3A_13 : i32
    %add3A_15 = arith.constant 125 : i32
    %add3A_16 = arith.addi %mul3A_14, %add3A_15 : i32
    %dma_start3A_17 = arith.constant 0 : i32
    %dma_start3A_18 = tpu.memref_slice %arg6[%add3A_16, %dma_start3A_17] : memref<10240x128xf32, #tpu.memory_space<vmem_shared>> -> memref<125x128xf32, #tpu.memory_space<vmem_shared>>
    %dma_start3A_19 = arith.constant 0 : i32
    %dma_start3A_20 = tpu.memref_slice %arg6[%add3A_16, %dma_start3A_19] : memref<10240x128xf32, #tpu.memory_space<vmem_shared>> -> memref<125x128xf32, #tpu.memory_space<vmem_shared>>
    tpu.enqueue_dma source(%arg11 : memref<125x128xf32, #tpu.memory_space<vmem>>) target(%dma_start3A_20 : memref<125x128xf32, #tpu.memory_space<vmem_shared>>) target_semaphore(%arg21 : memref<!tpu.dma_semaphore, #tpu.memory_space<semaphore_mem>>)
    %mul3A_21 = arith.constant 640 : i32
    %mul3A_22 = arith.muli %arg1, %mul3A_21 : i32
    %add3A_23 = arith.constant 250 : i32
    %add3A_24 = arith.addi %mul3A_22, %add3A_23 : i32
    %dma_start3A_25 = arith.constant 0 : i32
    %dma_start3A_26 = tpu.memref_slice %arg6[%add3A_24, %dma_start3A_25] : memref<10240x128xf32, #tpu.memory_space<vmem_shared>> -> memref<125x128xf32, #tpu.memory_space<vmem_shared>>
    %dma_start3A_27 = arith.constant 0 : i32
    %dma_start3A_28 = tpu.memref_slice %arg6[%add3A_24, %dma_start3A_27] : memref<10240x128xf32, #tpu.memory_space<vmem_shared>> -> memref<125x128xf32, #tpu.memory_space<vmem_shared>>
    tpu.enqueue_dma source(%arg11 : memref<125x128xf32, #tpu.memory_space<vmem>>) target(%dma_start3A_28 : memref<125x128xf32, #tpu.memory_space<vmem_shared>>) target_semaphore(%arg21 : memref<!tpu.dma_semaphore, #tpu.memory_space<semaphore_mem>>)
    %mul3A_29 = arith.constant 640 : i32
    %mul3A_30 = arith.muli %arg1, %mul3A_29 : i32
    %add3A_31 = arith.constant 375 : i32
    %add3A_32 = arith.addi %mul3A_30, %add3A_31 : i32
    %dma_start3A_33 = arith.constant 0 : i32
    %dma_start3A_34 = tpu.memref_slice %arg6[%add3A_32, %dma_start3A_33] : memref<10240x128xf32, #tpu.memory_space<vmem_shared>> -> memref<125x128xf32, #tpu.memory_space<vmem_shared>>
    %dma_start3A_35 = arith.constant 0 : i32
    %dma_start3A_36 = tpu.memref_slice %arg6[%add3A_32, %dma_start3A_35] : memref<10240x128xf32, #tpu.memory_space<vmem_shared>> -> memref<125x128xf32, #tpu.memory_space<vmem_shared>>
    tpu.enqueue_dma source(%arg11 : memref<125x128xf32, #tpu.memory_space<vmem>>) target(%dma_start3A_36 : memref<125x128xf32, #tpu.memory_space<vmem_shared>>) target_semaphore(%arg21 : memref<!tpu.dma_semaphore, #tpu.memory_space<semaphore_mem>>)
    %mul3A_37 = arith.constant 640 : i32
    %mul3A_38 = arith.muli %arg1, %mul3A_37 : i32
    %add3A_39 = arith.constant 500 : i32
    %add3A_40 = arith.addi %mul3A_38, %add3A_39 : i32
    %dma_start3A_41 = arith.constant 0 : i32
    %dma_start3A_42 = tpu.memref_slice %arg6[%add3A_40, %dma_start3A_41] : memref<10240x128xf32, #tpu.memory_space<vmem_shared>> -> memref<125x128xf32, #tpu.memory_space<vmem_shared>>
    %dma_start3A_43 = arith.constant 0 : i32
    %dma_start3A_44 = tpu.memref_slice %arg6[%add3A_40, %dma_start3A_43] : memref<10240x128xf32, #tpu.memory_space<vmem_shared>> -> memref<125x128xf32, #tpu.memory_space<vmem_shared>>
    tpu.enqueue_dma source(%arg11 : memref<125x128xf32, #tpu.memory_space<vmem>>) target(%dma_start3A_44 : memref<125x128xf32, #tpu.memory_space<vmem_shared>>) target_semaphore(%arg21 : memref<!tpu.dma_semaphore, #tpu.memory_space<semaphore_mem>>)
    %mul3A_45 = arith.constant 640 : i32
    %mul3A_46 = arith.muli %arg1, %mul3A_45 : i32
    %add3A_47 = arith.constant 625 : i32
    %add3A_48 = arith.addi %mul3A_46, %add3A_47 : i32
    %dma_start3A_49 = arith.constant 0 : i32
    %dma_start3A_50 = arith.constant 0 : i32
    %dma_start3A_51 = tpu.memref_slice %arg11[%dma_start3A_49, %dma_start3A_50] : memref<125x128xf32, #tpu.memory_space<vmem>> -> memref<15x128xf32, #tpu.memory_space<vmem>>
    %dma_start3A_52 = arith.constant 0 : i32
    %dma_start3A_53 = tpu.memref_slice %arg6[%add3A_48, %dma_start3A_52] : memref<10240x128xf32, #tpu.memory_space<vmem_shared>> -> memref<15x128xf32, #tpu.memory_space<vmem_shared>>
    %dma_start3A_54 = arith.constant 0 : i32
    %dma_start3A_55 = tpu.memref_slice %arg6[%add3A_48, %dma_start3A_54] : memref<10240x128xf32, #tpu.memory_space<vmem_shared>> -> memref<15x128xf32, #tpu.memory_space<vmem_shared>>
    %dma_start3A_56 = arith.constant 0 : i32
    %dma_start3A_57 = arith.constant 0 : i32
    %dma_start3A_58 = tpu.memref_slice %arg11[%dma_start3A_56, %dma_start3A_57] : memref<125x128xf32, #tpu.memory_space<vmem>> -> memref<15x128xf32, #tpu.memory_space<vmem>>
    tpu.enqueue_dma source(%dma_start3A_58 : memref<15x128xf32, #tpu.memory_space<vmem>>) target(%dma_start3A_55 : memref<15x128xf32, #tpu.memory_space<vmem_shared>>) target_semaphore(%arg21 : memref<!tpu.dma_semaphore, #tpu.memory_space<semaphore_mem>>)
    %mul3A_59 = arith.constant 640 : i32
    %mul3A_60 = arith.muli %arg1, %mul3A_59 : i32
    %add3A_61 = arith.constant 0 : i32
    %add3A_62 = arith.addi %mul3A_60, %add3A_61 : i32
    %dma_wait3A = arith.constant 0 : i32
    %dma_wait3A_63 = tpu.memref_slice %arg6[%add3A_62, %dma_wait3A] : memref<10240x128xf32, #tpu.memory_space<vmem_shared>> -> memref<125x128xf32, #tpu.memory_space<vmem_shared>>
    %dma_wait3A_64 = arith.constant 0 : i32
    %dma_wait3A_65 = tpu.memref_slice %arg6[%add3A_62, %dma_wait3A_64] : memref<10240x128xf32, #tpu.memory_space<vmem_shared>> -> memref<125x128xf32, #tpu.memory_space<vmem_shared>>
    tpu.wait_dma2 semaphore(%arg21 : memref<!tpu.dma_semaphore, #tpu.memory_space<semaphore_mem>>) src(%arg11 : memref<125x128xf32, #tpu.memory_space<vmem>>) dst(%dma_wait3A_65 : memref<125x128xf32, #tpu.memory_space<vmem_shared>>)
    %mul3A_66 = arith.constant 640 : i32
    %mul3A_67 = arith.muli %arg1, %mul3A_66 : i32
    %add3A_68 = arith.constant 125 : i32
    %add3A_69 = arith.addi %mul3A_67, %add3A_68 : i32
    %dma_wait3A_70 = arith.constant 0 : i32
    %dma_wait3A_71 = tpu.memref_slice %arg6[%add3A_69, %dma_wait3A_70] : memref<10240x128xf32, #tpu.memory_space<vmem_shared>> -> memref<125x128xf32, #tpu.memory_space<vmem_shared>>
    %dma_wait3A_72 = arith.constant 0 : i32
    %dma_wait3A_73 = tpu.memref_slice %arg6[%add3A_69, %dma_wait3A_72] : memref<10240x128xf32, #tpu.memory_space<vmem_shared>> -> memref<125x128xf32, #tpu.memory_space<vmem_shared>>
    tpu.wait_dma2 semaphore(%arg21 : memref<!tpu.dma_semaphore, #tpu.memory_space<semaphore_mem>>) src(%arg11 : memref<125x128xf32, #tpu.memory_space<vmem>>) dst(%dma_wait3A_73 : memref<125x128xf32, #tpu.memory_space<vmem_shared>>)
    %mul3A_74 = arith.constant 640 : i32
    %mul3A_75 = arith.muli %arg1, %mul3A_74 : i32
    %add3A_76 = arith.constant 250 : i32
    %add3A_77 = arith.addi %mul3A_75, %add3A_76 : i32
    %dma_wait3A_78 = arith.constant 0 : i32
    %dma_wait3A_79 = tpu.memref_slice %arg6[%add3A_77, %dma_wait3A_78] : memref<10240x128xf32, #tpu.memory_space<vmem_shared>> -> memref<125x128xf32, #tpu.memory_space<vmem_shared>>
    %dma_wait3A_80 = arith.constant 0 : i32
    %dma_wait3A_81 = tpu.memref_slice %arg6[%add3A_77, %dma_wait3A_80] : memref<10240x128xf32, #tpu.memory_space<vmem_shared>> -> memref<125x128xf32, #tpu.memory_space<vmem_shared>>
    tpu.wait_dma2 semaphore(%arg21 : memref<!tpu.dma_semaphore, #tpu.memory_space<semaphore_mem>>) src(%arg11 : memref<125x128xf32, #tpu.memory_space<vmem>>) dst(%dma_wait3A_81 : memref<125x128xf32, #tpu.memory_space<vmem_shared>>)
    %mul3A_82 = arith.constant 640 : i32
    %mul3A_83 = arith.muli %arg1, %mul3A_82 : i32
    %add3A_84 = arith.constant 375 : i32
    %add3A_85 = arith.addi %mul3A_83, %add3A_84 : i32
    %dma_wait3A_86 = arith.constant 0 : i32
    %dma_wait3A_87 = tpu.memref_slice %arg6[%add3A_85, %dma_wait3A_86] : memref<10240x128xf32, #tpu.memory_space<vmem_shared>> -> memref<125x128xf32, #tpu.memory_space<vmem_shared>>
    %dma_wait3A_88 = arith.constant 0 : i32
    %dma_wait3A_89 = tpu.memref_slice %arg6[%add3A_85, %dma_wait3A_88] : memref<10240x128xf32, #tpu.memory_space<vmem_shared>> -> memref<125x128xf32, #tpu.memory_space<vmem_shared>>
    tpu.wait_dma2 semaphore(%arg21 : memref<!tpu.dma_semaphore, #tpu.memory_space<semaphore_mem>>) src(%arg11 : memref<125x128xf32, #tpu.memory_space<vmem>>) dst(%dma_wait3A_89 : memref<125x128xf32, #tpu.memory_space<vmem_shared>>)
    %mul3A_90 = arith.constant 640 : i32
    %mul3A_91 = arith.muli %arg1, %mul3A_90 : i32
    %add3A_92 = arith.constant 500 : i32
    %add3A_93 = arith.addi %mul3A_91, %add3A_92 : i32
    %dma_wait3A_94 = arith.constant 0 : i32
    %dma_wait3A_95 = tpu.memref_slice %arg6[%add3A_93, %dma_wait3A_94] : memref<10240x128xf32, #tpu.memory_space<vmem_shared>> -> memref<125x128xf32, #tpu.memory_space<vmem_shared>>
    %dma_wait3A_96 = arith.constant 0 : i32
    %dma_wait3A_97 = tpu.memref_slice %arg6[%add3A_93, %dma_wait3A_96] : memref<10240x128xf32, #tpu.memory_space<vmem_shared>> -> memref<125x128xf32, #tpu.memory_space<vmem_shared>>
    tpu.wait_dma2 semaphore(%arg21 : memref<!tpu.dma_semaphore, #tpu.memory_space<semaphore_mem>>) src(%arg11 : memref<125x128xf32, #tpu.memory_space<vmem>>) dst(%dma_wait3A_97 : memref<125x128xf32, #tpu.memory_space<vmem_shared>>)
    %mul3A_98 = arith.constant 640 : i32
    %mul3A_99 = arith.muli %arg1, %mul3A_98 : i32
    %add3A_100 = arith.constant 625 : i32
    %add3A_101 = arith.addi %mul3A_99, %add3A_100 : i32
    %dma_wait3A_102 = arith.constant 0 : i32
    %dma_wait3A_103 = arith.constant 0 : i32
    %dma_wait3A_104 = tpu.memref_slice %arg11[%dma_wait3A_102, %dma_wait3A_103] : memref<125x128xf32, #tpu.memory_space<vmem>> -> memref<15x128xf32, #tpu.memory_space<vmem>>
    %dma_wait3A_105 = arith.constant 0 : i32
    %dma_wait3A_106 = tpu.memref_slice %arg6[%add3A_101, %dma_wait3A_105] : memref<10240x128xf32, #tpu.memory_space<vmem_shared>> -> memref<15x128xf32, #tpu.memory_space<vmem_shared>>
    %dma_wait3A_107 = arith.constant 0 : i32
    %dma_wait3A_108 = tpu.memref_slice %arg6[%add3A_101, %dma_wait3A_107] : memref<10240x128xf32, #tpu.memory_space<vmem_shared>> -> memref<15x128xf32, #tpu.memory_space<vmem_shared>>
    %dma_wait3A_109 = arith.constant 0 : i32
    %dma_wait3A_110 = arith.constant 0 : i32
    %dma_wait3A_111 = tpu.memref_slice %arg11[%dma_wait3A_109, %dma_wait3A_110] : memref<125x128xf32, #tpu.memory_space<vmem>> -> memref<15x128xf32, #tpu.memory_space<vmem>>
    tpu.wait_dma2 semaphore(%arg21 : memref<!tpu.dma_semaphore, #tpu.memory_space<semaphore_mem>>) src(%dma_wait3A_111 : memref<15x128xf32, #tpu.memory_space<vmem>>) dst(%dma_wait3A_108 : memref<15x128xf32, #tpu.memory_space<vmem_shared>>)
    %barrier3A = arith.constant 0 : index
    tpu.barrier barrier_id(%barrier3A)
    %dma_start3A_112 = arith.constant 0 : i32
    %dma_start3A_113 = arith.constant 0 : i32
    %dma_start3A_114 = tpu.memref_slice %arg3[%add3A, %dma_start3A_112, %dma_start3A_113] : memref<32x80x125xi32, #tpu.memory_space<hbm>> -> memref<1x1x125xi32, #tpu.memory_space<hbm>>
    %dma_start3A_115 = tpu.memref_squeeze %dma_start3A_114 : memref<1x1x125xi32, #tpu.memory_space<hbm>> -> memref<125xi32, #tpu.memory_space<hbm>>
    %dma_start3A_116 = arith.constant 0 : i32
    %dma_start3A_117 = tpu.memref_slice %arg3[%add3A, %dma_start3A_112, %dma_start3A_116] : memref<32x80x125xi32, #tpu.memory_space<hbm>> -> memref<1x1x125xi32, #tpu.memory_space<hbm>>
    %dma_start3A_118 = tpu.memref_squeeze %dma_start3A_117 : memref<1x1x125xi32, #tpu.memory_space<hbm>> -> memref<125xi32, #tpu.memory_space<hbm>>
    tpu.enqueue_dma source(%dma_start3A_118 : memref<125xi32, #tpu.memory_space<hbm>>) target(%arg7 : memref<125xi32, #tpu.memory_space<vmem>>) target_semaphore(%arg13 : memref<!tpu.dma_semaphore, #tpu.memory_space<semaphore_mem>>)
    %dma_start3A_119 = arith.constant 0 : i32
    %dma_start3A_120 = arith.constant 0 : i32
    %dma_start3A_121 = tpu.memref_slice %arg4[%add3A, %dma_start3A_119, %dma_start3A_120] : memref<32x80x125xi32, #tpu.memory_space<hbm>> -> memref<1x1x125xi32, #tpu.memory_space<hbm>>
    %dma_start3A_122 = tpu.memref_squeeze %dma_start3A_121 : memref<1x1x125xi32, #tpu.memory_space<hbm>> -> memref<125xi32, #tpu.memory_space<hbm>>
    %dma_start3A_123 = arith.constant 0 : i32
    %dma_start3A_124 = tpu.memref_slice %arg4[%add3A, %dma_start3A_119, %dma_start3A_123] : memref<32x80x125xi32, #tpu.memory_space<hbm>> -> memref<1x1x125xi32, #tpu.memory_space<hbm>>
    %dma_start3A_125 = tpu.memref_squeeze %dma_start3A_124 : memref<1x1x125xi32, #tpu.memory_space<hbm>> -> memref<125xi32, #tpu.memory_space<hbm>>
    tpu.enqueue_dma source(%dma_start3A_125 : memref<125xi32, #tpu.memory_space<hbm>>) target(%arg8 : memref<125xi32, #tpu.memory_space<vmem>>) target_semaphore(%arg15 : memref<!tpu.dma_semaphore, #tpu.memory_space<semaphore_mem>>)
    %dma_start3A_126 = arith.constant 1 : i32
    %dma_start3A_127 = arith.constant 0 : i32
    %dma_start3A_128 = tpu.memref_slice %arg3[%add3A, %dma_start3A_126, %dma_start3A_127] : memref<32x80x125xi32, #tpu.memory_space<hbm>> -> memref<1x1x125xi32, #tpu.memory_space<hbm>>
    %dma_start3A_129 = tpu.memref_squeeze %dma_start3A_128 : memref<1x1x125xi32, #tpu.memory_space<hbm>> -> memref<125xi32, #tpu.memory_space<hbm>>
    %dma_start3A_130 = arith.constant 0 : i32
    %dma_start3A_131 = tpu.memref_slice %arg3[%add3A, %dma_start3A_126, %dma_start3A_130] : memref<32x80x125xi32, #tpu.memory_space<hbm>> -> memref<1x1x125xi32, #tpu.memory_space<hbm>>
    %dma_start3A_132 = tpu.memref_squeeze %dma_start3A_131 : memref<1x1x125xi32, #tpu.memory_space<hbm>> -> memref<125xi32, #tpu.memory_space<hbm>>
    tpu.enqueue_dma source(%dma_start3A_132 : memref<125xi32, #tpu.memory_space<hbm>>) target(%arg9 : memref<125xi32, #tpu.memory_space<vmem>>) target_semaphore(%arg14 : memref<!tpu.dma_semaphore, #tpu.memory_space<semaphore_mem>>)
    %dma_start3A_133 = arith.constant 1 : i32
    %dma_start3A_134 = arith.constant 0 : i32
    %dma_start3A_135 = tpu.memref_slice %arg4[%add3A, %dma_start3A_133, %dma_start3A_134] : memref<32x80x125xi32, #tpu.memory_space<hbm>> -> memref<1x1x125xi32, #tpu.memory_space<hbm>>
    %dma_start3A_136 = tpu.memref_squeeze %dma_start3A_135 : memref<1x1x125xi32, #tpu.memory_space<hbm>> -> memref<125xi32, #tpu.memory_space<hbm>>
    %dma_start3A_137 = arith.constant 0 : i32
    %dma_start3A_138 = tpu.memref_slice %arg4[%add3A, %dma_start3A_133, %dma_start3A_137] : memref<32x80x125xi32, #tpu.memory_space<hbm>> -> memref<1x1x125xi32, #tpu.memory_space<hbm>>
    %dma_start3A_139 = tpu.memref_squeeze %dma_start3A_138 : memref<1x1x125xi32, #tpu.memory_space<hbm>> -> memref<125xi32, #tpu.memory_space<hbm>>
    tpu.enqueue_dma source(%dma_start3A_139 : memref<125xi32, #tpu.memory_space<hbm>>) target(%arg10 : memref<125xi32, #tpu.memory_space<vmem>>) target_semaphore(%arg16 : memref<!tpu.dma_semaphore, #tpu.memory_space<semaphore_mem>>)
    %dma_wait3A_140 = arith.constant 0 : i32
    %dma_wait3A_141 = arith.constant 0 : i32
    %dma_wait3A_142 = tpu.memref_slice %arg3[%add3A, %dma_wait3A_140, %dma_wait3A_141] : memref<32x80x125xi32, #tpu.memory_space<hbm>> -> memref<1x1x125xi32, #tpu.memory_space<hbm>>
    %dma_wait3A_143 = tpu.memref_squeeze %dma_wait3A_142 : memref<1x1x125xi32, #tpu.memory_space<hbm>> -> memref<125xi32, #tpu.memory_space<hbm>>
    %dma_wait3A_144 = arith.constant 0 : i32
    %dma_wait3A_145 = tpu.memref_slice %arg3[%add3A, %dma_wait3A_140, %dma_wait3A_144] : memref<32x80x125xi32, #tpu.memory_space<hbm>> -> memref<1x1x125xi32, #tpu.memory_space<hbm>>
    %dma_wait3A_146 = tpu.memref_squeeze %dma_wait3A_145 : memref<1x1x125xi32, #tpu.memory_space<hbm>> -> memref<125xi32, #tpu.memory_space<hbm>>
    tpu.wait_dma2 semaphore(%arg13 : memref<!tpu.dma_semaphore, #tpu.memory_space<semaphore_mem>>) src(%dma_wait3A_146 : memref<125xi32, #tpu.memory_space<hbm>>) dst(%arg7 : memref<125xi32, #tpu.memory_space<vmem>>)
    %dma_start3A_147 = arith.constant 0 : i32
    %dma_start3A_148 = arith.constant 0 : i32
    %dma_start3A_149 = tpu.memref_slice %arg2[%dma_start3A_147, %dma_start3A_148] : memref<10000x128xf32, #tpu.memory_space<hbm>> -> memref<10000x128xf32, #tpu.memory_space<hbm>>
    tpu.enqueue_indirect_dma source(%dma_start3A_149 : memref<10000x128xf32, #tpu.memory_space<hbm>>) target(%arg11 : memref<125x128xf32, #tpu.memory_space<vmem>>) offsets(%arg7 : memref<125xi32, #tpu.memory_space<vmem>>) semaphore(%arg17 : memref<!tpu.dma_semaphore, #tpu.memory_space<semaphore_mem>>)
    %dma_wait3A_150 = arith.constant 0 : i32
    %dma_wait3A_151 = arith.constant 0 : i32
    %dma_wait3A_152 = tpu.memref_slice %arg3[%add3A, %dma_wait3A_150, %dma_wait3A_151] : memref<32x80x125xi32, #tpu.memory_space<hbm>> -> memref<1x1x125xi32, #tpu.memory_space<hbm>>
    %dma_wait3A_153 = tpu.memref_squeeze %dma_wait3A_152 : memref<1x1x125xi32, #tpu.memory_space<hbm>> -> memref<125xi32, #tpu.memory_space<hbm>>
    %dma_wait3A_154 = arith.constant 0 : i32
    %dma_wait3A_155 = tpu.memref_slice %arg3[%add3A, %dma_wait3A_150, %dma_wait3A_154] : memref<32x80x125xi32, #tpu.memory_space<hbm>> -> memref<1x1x125xi32, #tpu.memory_space<hbm>>
    %dma_wait3A_156 = tpu.memref_squeeze %dma_wait3A_155 : memref<1x1x125xi32, #tpu.memory_space<hbm>> -> memref<125xi32, #tpu.memory_space<hbm>>
    tpu.wait_dma2 semaphore(%arg14 : memref<!tpu.dma_semaphore, #tpu.memory_space<semaphore_mem>>) src(%dma_wait3A_156 : memref<125xi32, #tpu.memory_space<hbm>>) dst(%arg9 : memref<125xi32, #tpu.memory_space<vmem>>)
    %dma_start3A_157 = arith.constant 0 : i32
    %dma_start3A_158 = arith.constant 0 : i32
    %dma_start3A_159 = tpu.memref_slice %arg2[%dma_start3A_157, %dma_start3A_158] : memref<10000x128xf32, #tpu.memory_space<hbm>> -> memref<10000x128xf32, #tpu.memory_space<hbm>>
    tpu.enqueue_indirect_dma source(%dma_start3A_159 : memref<10000x128xf32, #tpu.memory_space<hbm>>) target(%arg12 : memref<125x128xf32, #tpu.memory_space<vmem>>) offsets(%arg9 : memref<125xi32, #tpu.memory_space<vmem>>) semaphore(%arg18 : memref<!tpu.dma_semaphore, #tpu.memory_space<semaphore_mem>>)
    %scan3A_160 = arith.constant 0 : i32
    %scan3A_161 = arith.constant 0 : i32
    %scan3A_162 = arith.constant 40 : i32
    %scan3A_163 = arith.addi %scan3A_161, %scan3A_162 : i32
    %scan3A_164 = arith.constant 1 : i32
    scf.for %scan3A_257 = %scan3A_161 to %scan3A_163 step %scan3A_164  : i32 {
      %mul3A_258 = arith.constant 2 : i32
      %mul3A_259 = arith.muli %mul3A_258, %scan3A_257 : i32
      %dma_wait3A_260 = arith.constant 0 : i32
      %dma_wait3A_261 = arith.constant 0 : i32
      %dma_wait3A_262 = tpu.memref_slice %arg2[%dma_wait3A_260, %dma_wait3A_261] : memref<10000x128xf32, #tpu.memory_space<hbm>> -> memref<10000x128xf32, #tpu.memory_space<hbm>>
      tpu.wait_indirect_dma semaphore(%arg17 : memref<!tpu.dma_semaphore, #tpu.memory_space<semaphore_mem>>) src(%dma_wait3A_262 : memref<10000x128xf32, #tpu.memory_space<hbm>>) dst(%arg11 : memref<125x128xf32, #tpu.memory_space<vmem>>)
      %add3A_263 = arith.constant 2 : i32
      %add3A_264 = arith.addi %mul3A_259, %add3A_263 : i32
      %lt3A = arith.constant 80 : i32
      %lt3A_265 = arith.cmpi slt, %add3A_264, %lt3A : i32
      %convert_element_type3A = arith.extui %lt3A_265 : i1 to i32
      %cond3A = arith.constant 0 : i32
      %cond3A_266 = arith.cmpi ne, %convert_element_type3A, %cond3A : i32
      scf.if %cond3A_266 {
        %add3A_305 = arith.constant 2 : i32
        %add3A_306 = arith.addi %mul3A_259, %add3A_305 : i32
        %dma_start3A_307 = arith.constant 0 : i32
        %dma_start3A_308 = tpu.memref_slice %arg3[%add3A, %add3A_306, %dma_start3A_307] : memref<32x80x125xi32, #tpu.memory_space<hbm>> -> memref<1x1x125xi32, #tpu.memory_space<hbm>>
        %dma_start3A_309 = tpu.memref_squeeze %dma_start3A_308 : memref<1x1x125xi32, #tpu.memory_space<hbm>> -> memref<125xi32, #tpu.memory_space<hbm>>
        %dma_start3A_310 = arith.constant 0 : i32
        %dma_start3A_311 = tpu.memref_slice %arg3[%add3A, %add3A_306, %dma_start3A_310] : memref<32x80x125xi32, #tpu.memory_space<hbm>> -> memref<1x1x125xi32, #tpu.memory_space<hbm>>
        %dma_start3A_312 = tpu.memref_squeeze %dma_start3A_311 : memref<1x1x125xi32, #tpu.memory_space<hbm>> -> memref<125xi32, #tpu.memory_space<hbm>>
        tpu.enqueue_dma source(%dma_start3A_312 : memref<125xi32, #tpu.memory_space<hbm>>) target(%arg7 : memref<125xi32, #tpu.memory_space<vmem>>) target_semaphore(%arg13 : memref<!tpu.dma_semaphore, #tpu.memory_space<semaphore_mem>>)
      } else {
      }
      %dma_wait3A_267 = arith.constant 0 : i32
      %dma_wait3A_268 = arith.constant 0 : i32
      %dma_wait3A_269 = tpu.memref_slice %arg3[%add3A, %dma_wait3A_267, %dma_wait3A_268] : memref<32x80x125xi32, #tpu.memory_space<hbm>> -> memref<1x1x125xi32, #tpu.memory_space<hbm>>
      %dma_wait3A_270 = tpu.memref_squeeze %dma_wait3A_269 : memref<1x1x125xi32, #tpu.memory_space<hbm>> -> memref<125xi32, #tpu.memory_space<hbm>>
      %dma_wait3A_271 = arith.constant 0 : i32
      %dma_wait3A_272 = tpu.memref_slice %arg3[%add3A, %dma_wait3A_267, %dma_wait3A_271] : memref<32x80x125xi32, #tpu.memory_space<hbm>> -> memref<1x1x125xi32, #tpu.memory_space<hbm>>
      %dma_wait3A_273 = tpu.memref_squeeze %dma_wait3A_272 : memref<1x1x125xi32, #tpu.memory_space<hbm>> -> memref<125xi32, #tpu.memory_space<hbm>>
      tpu.wait_dma2 semaphore(%arg15 : memref<!tpu.dma_semaphore, #tpu.memory_space<semaphore_mem>>) src(%dma_wait3A_273 : memref<125xi32, #tpu.memory_space<hbm>>) dst(%arg8 : memref<125xi32, #tpu.memory_space<vmem>>)
      "tpu.region"() ({
        %run_scoped3A = tpu.sem_alloc : memref<!tpu.dma_semaphore, #tpu.memory_space<semaphore_mem>>
        %dma_start3A_305 = arith.constant 0 : i32
        %dma_start3A_306 = arith.constant 0 : i32
        %dma_start3A_307 = tpu.memref_slice %arg6[%dma_start3A_305, %dma_start3A_306] : memref<10240x128xf32, #tpu.memory_space<vmem_shared>> -> memref<10240x128xf32, #tpu.memory_space<vmem_shared>>
        tpu.enqueue_indirect_dma source(%arg11 : memref<125x128xf32, #tpu.memory_space<vmem>>) target(%dma_start3A_307 : memref<10240x128xf32, #tpu.memory_space<vmem_shared>>) offsets(%arg8 : memref<125xi32, #tpu.memory_space<vmem>>) semaphore(%run_scoped3A : memref<!tpu.dma_semaphore, #tpu.memory_space<semaphore_mem>>) {add = true}
        %dma_wait3A_308 = arith.constant 0 : i32
        %dma_wait3A_309 = arith.constant 0 : i32
        %dma_wait3A_310 = tpu.memref_slice %arg6[%dma_wait3A_308, %dma_wait3A_309] : memref<10240x128xf32, #tpu.memory_space<vmem_shared>> -> memref<10240x128xf32, #tpu.memory_space<vmem_shared>>
        tpu.wait_indirect_dma semaphore(%run_scoped3A : memref<!tpu.dma_semaphore, #tpu.memory_space<semaphore_mem>>) src(%arg11 : memref<125x128xf32, #tpu.memory_space<vmem>>) dst(%dma_wait3A_310 : memref<10240x128xf32, #tpu.memory_space<vmem_shared>>)
        tpu.yield
      }) : () -> ()
      %add3A_274 = arith.constant 2 : i32
      %add3A_275 = arith.addi %mul3A_259, %add3A_274 : i32
      %lt3A_276 = arith.constant 80 : i32
      %lt3A_277 = arith.cmpi slt, %add3A_275, %lt3A_276 : i32
      %convert_element_type3A_278 = arith.extui %lt3A_277 : i1 to i32
      %cond3A_279 = arith.constant 0 : i32
      %cond3A_280 = arith.cmpi ne, %convert_element_type3A_278, %cond3A_279 : i32
      scf.if %cond3A_280 {
        %add3A_305 = arith.constant 2 : i32
        %add3A_306 = arith.addi %mul3A_259, %add3A_305 : i32
        %dma_start3A_307 = arith.constant 0 : i32
        %dma_start3A_308 = tpu.memref_slice %arg4[%add3A, %add3A_306, %dma_start3A_307] : memref<32x80x125xi32, #tpu.memory_space<hbm>> -> memref<1x1x125xi32, #tpu.memory_space<hbm>>
        %dma_start3A_309 = tpu.memref_squeeze %dma_start3A_308 : memref<1x1x125xi32, #tpu.memory_space<hbm>> -> memref<125xi32, #tpu.memory_space<hbm>>
        %dma_start3A_310 = arith.constant 0 : i32
        %dma_start3A_311 = tpu.memref_slice %arg4[%add3A, %add3A_306, %dma_start3A_310] : memref<32x80x125xi32, #tpu.memory_space<hbm>> -> memref<1x1x125xi32, #tpu.memory_space<hbm>>
        %dma_start3A_312 = tpu.memref_squeeze %dma_start3A_311 : memref<1x1x125xi32, #tpu.memory_space<hbm>> -> memref<125xi32, #tpu.memory_space<hbm>>
        tpu.enqueue_dma source(%dma_start3A_312 : memref<125xi32, #tpu.memory_space<hbm>>) target(%arg8 : memref<125xi32, #tpu.memory_space<vmem>>) target_semaphore(%arg15 : memref<!tpu.dma_semaphore, #tpu.memory_space<semaphore_mem>>)
        %dma_wait3A_313 = arith.constant 0 : i32
        %dma_wait3A_314 = arith.constant 0 : i32
        %dma_wait3A_315 = tpu.memref_slice %arg3[%add3A, %dma_wait3A_313, %dma_wait3A_314] : memref<32x80x125xi32, #tpu.memory_space<hbm>> -> memref<1x1x125xi32, #tpu.memory_space<hbm>>
        %dma_wait3A_316 = tpu.memref_squeeze %dma_wait3A_315 : memref<1x1x125xi32, #tpu.memory_space<hbm>> -> memref<125xi32, #tpu.memory_space<hbm>>
        %dma_wait3A_317 = arith.constant 0 : i32
        %dma_wait3A_318 = tpu.memref_slice %arg3[%add3A, %dma_wait3A_313, %dma_wait3A_317] : memref<32x80x125xi32, #tpu.memory_space<hbm>> -> memref<1x1x125xi32, #tpu.memory_space<hbm>>
        %dma_wait3A_319 = tpu.memref_squeeze %dma_wait3A_318 : memref<1x1x125xi32, #tpu.memory_space<hbm>> -> memref<125xi32, #tpu.memory_space<hbm>>
        tpu.wait_dma2 semaphore(%arg13 : memref<!tpu.dma_semaphore, #tpu.memory_space<semaphore_mem>>) src(%dma_wait3A_319 : memref<125xi32, #tpu.memory_space<hbm>>) dst(%arg7 : memref<125xi32, #tpu.memory_space<vmem>>)
        %dma_start3A_320 = arith.constant 0 : i32
        %dma_start3A_321 = arith.constant 0 : i32
        %dma_start3A_322 = tpu.memref_slice %arg2[%dma_start3A_320, %dma_start3A_321] : memref<10000x128xf32, #tpu.memory_space<hbm>> -> memref<10000x128xf32, #tpu.memory_space<hbm>>
        tpu.enqueue_indirect_dma source(%dma_start3A_322 : memref<10000x128xf32, #tpu.memory_space<hbm>>) target(%arg11 : memref<125x128xf32, #tpu.memory_space<vmem>>) offsets(%arg7 : memref<125xi32, #tpu.memory_space<vmem>>) semaphore(%arg17 : memref<!tpu.dma_semaphore, #tpu.memory_space<semaphore_mem>>)
      } else {
      }
      %dma_wait3A_281 = arith.constant 0 : i32
      %dma_wait3A_282 = arith.constant 0 : i32
      %dma_wait3A_283 = tpu.memref_slice %arg2[%dma_wait3A_281, %dma_wait3A_282] : memref<10000x128xf32, #tpu.memory_space<hbm>> -> memref<10000x128xf32, #tpu.memory_space<hbm>>
      tpu.wait_indirect_dma semaphore(%arg18 : memref<!tpu.dma_semaphore, #tpu.memory_space<semaphore_mem>>) src(%dma_wait3A_283 : memref<10000x128xf32, #tpu.memory_space<hbm>>) dst(%arg12 : memref<125x128xf32, #tpu.memory_space<vmem>>)
      %add3A_284 = arith.constant 3 : i32
      %add3A_285 = arith.addi %mul3A_259, %add3A_284 : i32
      %lt3A_286 = arith.constant 80 : i32
      %lt3A_287 = arith.cmpi slt, %add3A_285, %lt3A_286 : i32
      %convert_element_type3A_288 = arith.extui %lt3A_287 : i1 to i32
      %cond3A_289 = arith.constant 0 : i32
      %cond3A_290 = arith.cmpi ne, %convert_element_type3A_288, %cond3A_289 : i32
      scf.if %cond3A_290 {
        %add3A_305 = arith.constant 3 : i32
        %add3A_306 = arith.addi %mul3A_259, %add3A_305 : i32
        %dma_start3A_307 = arith.constant 0 : i32
        %dma_start3A_308 = tpu.memref_slice %arg3[%add3A, %add3A_306, %dma_start3A_307] : memref<32x80x125xi32, #tpu.memory_space<hbm>> -> memref<1x1x125xi32, #tpu.memory_space<hbm>>
        %dma_start3A_309 = tpu.memref_squeeze %dma_start3A_308 : memref<1x1x125xi32, #tpu.memory_space<hbm>> -> memref<125xi32, #tpu.memory_space<hbm>>
        %dma_start3A_310 = arith.constant 0 : i32
        %dma_start3A_311 = tpu.memref_slice %arg3[%add3A, %add3A_306, %dma_start3A_310] : memref<32x80x125xi32, #tpu.memory_space<hbm>> -> memref<1x1x125xi32, #tpu.memory_space<hbm>>
        %dma_start3A_312 = tpu.memref_squeeze %dma_start3A_311 : memref<1x1x125xi32, #tpu.memory_space<hbm>> -> memref<125xi32, #tpu.memory_space<hbm>>
        tpu.enqueue_dma source(%dma_start3A_312 : memref<125xi32, #tpu.memory_space<hbm>>) target(%arg9 : memref<125xi32, #tpu.memory_space<vmem>>) target_semaphore(%arg14 : memref<!tpu.dma_semaphore, #tpu.memory_space<semaphore_mem>>)
      } else {
      }
      %dma_wait3A_291 = arith.constant 0 : i32
      %dma_wait3A_292 = arith.constant 0 : i32
      %dma_wait3A_293 = tpu.memref_slice %arg3[%add3A, %dma_wait3A_291, %dma_wait3A_292] : memref<32x80x125xi32, #tpu.memory_space<hbm>> -> memref<1x1x125xi32, #tpu.memory_space<hbm>>
      %dma_wait3A_294 = tpu.memref_squeeze %dma_wait3A_293 : memref<1x1x125xi32, #tpu.memory_space<hbm>> -> memref<125xi32, #tpu.memory_space<hbm>>
      %dma_wait3A_295 = arith.constant 0 : i32
      %dma_wait3A_296 = tpu.memref_slice %arg3[%add3A, %dma_wait3A_291, %dma_wait3A_295] : memref<32x80x125xi32, #tpu.memory_space<hbm>> -> memref<1x1x125xi32, #tpu.memory_space<hbm>>
      %dma_wait3A_297 = tpu.memref_squeeze %dma_wait3A_296 : memref<1x1x125xi32, #tpu.memory_space<hbm>> -> memref<125xi32, #tpu.memory_space<hbm>>
      tpu.wait_dma2 semaphore(%arg16 : memref<!tpu.dma_semaphore, #tpu.memory_space<semaphore_mem>>) src(%dma_wait3A_297 : memref<125xi32, #tpu.memory_space<hbm>>) dst(%arg10 : memref<125xi32, #tpu.memory_space<vmem>>)
      "tpu.region"() ({
        %run_scoped3A = tpu.sem_alloc : memref<!tpu.dma_semaphore, #tpu.memory_space<semaphore_mem>>
        %dma_start3A_305 = arith.constant 0 : i32
        %dma_start3A_306 = arith.constant 0 : i32
        %dma_start3A_307 = tpu.memref_slice %arg6[%dma_start3A_305, %dma_start3A_306] : memref<10240x128xf32, #tpu.memory_space<vmem_shared>> -> memref<10240x128xf32, #tpu.memory_space<vmem_shared>>
        tpu.enqueue_indirect_dma source(%arg12 : memref<125x128xf32, #tpu.memory_space<vmem>>) target(%dma_start3A_307 : memref<10240x128xf32, #tpu.memory_space<vmem_shared>>) offsets(%arg10 : memref<125xi32, #tpu.memory_space<vmem>>) semaphore(%run_scoped3A : memref<!tpu.dma_semaphore, #tpu.memory_space<semaphore_mem>>) {add = true}
        %dma_wait3A_308 = arith.constant 0 : i32
        %dma_wait3A_309 = arith.constant 0 : i32
        %dma_wait3A_310 = tpu.memref_slice %arg6[%dma_wait3A_308, %dma_wait3A_309] : memref<10240x128xf32, #tpu.memory_space<vmem_shared>> -> memref<10240x128xf32, #tpu.memory_space<vmem_shared>>
        tpu.wait_indirect_dma semaphore(%run_scoped3A : memref<!tpu.dma_semaphore, #tpu.memory_space<semaphore_mem>>) src(%arg12 : memref<125x128xf32, #tpu.memory_space<vmem>>) dst(%dma_wait3A_310 : memref<10240x128xf32, #tpu.memory_space<vmem_shared>>)
        tpu.yield
      }) : () -> ()
      %add3A_298 = arith.constant 3 : i32
      %add3A_299 = arith.addi %mul3A_259, %add3A_298 : i32
      %lt3A_300 = arith.constant 80 : i32
      %lt3A_301 = arith.cmpi slt, %add3A_299, %lt3A_300 : i32
      %convert_element_type3A_302 = arith.extui %lt3A_301 : i1 to i32
      %cond3A_303 = arith.constant 0 : i32
      %cond3A_304 = arith.cmpi ne, %convert_element_type3A_302, %cond3A_303 : i32
      scf.if %cond3A_304 {
        %add3A_305 = arith.constant 3 : i32
        %add3A_306 = arith.addi %mul3A_259, %add3A_305 : i32
        %dma_start3A_307 = arith.constant 0 : i32
        %dma_start3A_308 = tpu.memref_slice %arg4[%add3A, %add3A_306, %dma_start3A_307] : memref<32x80x125xi32, #tpu.memory_space<hbm>> -> memref<1x1x125xi32, #tpu.memory_space<hbm>>
        %dma_start3A_309 = tpu.memref_squeeze %dma_start3A_308 : memref<1x1x125xi32, #tpu.memory_space<hbm>> -> memref<125xi32, #tpu.memory_space<hbm>>
        %dma_start3A_310 = arith.constant 0 : i32
        %dma_start3A_311 = tpu.memref_slice %arg4[%add3A, %add3A_306, %dma_start3A_310] : memref<32x80x125xi32, #tpu.memory_space<hbm>> -> memref<1x1x125xi32, #tpu.memory_space<hbm>>
        %dma_start3A_312 = tpu.memref_squeeze %dma_start3A_311 : memref<1x1x125xi32, #tpu.memory_space<hbm>> -> memref<125xi32, #tpu.memory_space<hbm>>
        tpu.enqueue_dma source(%dma_start3A_312 : memref<125xi32, #tpu.memory_space<hbm>>) target(%arg10 : memref<125xi32, #tpu.memory_space<vmem>>) target_semaphore(%arg16 : memref<!tpu.dma_semaphore, #tpu.memory_space<semaphore_mem>>)
        %dma_wait3A_313 = arith.constant 0 : i32
        %dma_wait3A_314 = arith.constant 0 : i32
        %dma_wait3A_315 = tpu.memref_slice %arg3[%add3A, %dma_wait3A_313, %dma_wait3A_314] : memref<32x80x125xi32, #tpu.memory_space<hbm>> -> memref<1x1x125xi32, #tpu.memory_space<hbm>>
        %dma_wait3A_316 = tpu.memref_squeeze %dma_wait3A_315 : memref<1x1x125xi32, #tpu.memory_space<hbm>> -> memref<125xi32, #tpu.memory_space<hbm>>
        %dma_wait3A_317 = arith.constant 0 : i32
        %dma_wait3A_318 = tpu.memref_slice %arg3[%add3A, %dma_wait3A_313, %dma_wait3A_317] : memref<32x80x125xi32, #tpu.memory_space<hbm>> -> memref<1x1x125xi32, #tpu.memory_space<hbm>>
        %dma_wait3A_319 = tpu.memref_squeeze %dma_wait3A_318 : memref<1x1x125xi32, #tpu.memory_space<hbm>> -> memref<125xi32, #tpu.memory_space<hbm>>
        tpu.wait_dma2 semaphore(%arg14 : memref<!tpu.dma_semaphore, #tpu.memory_space<semaphore_mem>>) src(%dma_wait3A_319 : memref<125xi32, #tpu.memory_space<hbm>>) dst(%arg9 : memref<125xi32, #tpu.memory_space<vmem>>)
        %dma_start3A_320 = arith.constant 0 : i32
        %dma_start3A_321 = arith.constant 0 : i32
        %dma_start3A_322 = tpu.memref_slice %arg2[%dma_start3A_320, %dma_start3A_321] : memref<10000x128xf32, #tpu.memory_space<hbm>> -> memref<10000x128xf32, #tpu.memory_space<hbm>>
        tpu.enqueue_indirect_dma source(%dma_start3A_322 : memref<10000x128xf32, #tpu.memory_space<hbm>>) target(%arg12 : memref<125x128xf32, #tpu.memory_space<vmem>>) offsets(%arg9 : memref<125xi32, #tpu.memory_space<vmem>>) semaphore(%arg18 : memref<!tpu.dma_semaphore, #tpu.memory_space<semaphore_mem>>)
      } else {
      }
    }
    %scan3A_165 = arith.constant 40 : i32
    %barrier3A_166 = arith.constant 0 : index
    tpu.barrier barrier_id(%barrier3A_166)
    %mul3A_167 = arith.constant 640 : i32
    %mul3A_168 = arith.muli %arg1, %mul3A_167 : i32
    %add3A_169 = arith.constant 0 : i32
    %add3A_170 = arith.addi %mul3A_168, %add3A_169 : i32
    %dma_start3A_171 = arith.constant 0 : i32
    %dma_start3A_172 = tpu.memref_slice %arg5[%arg0, %add3A_170, %dma_start3A_171] : memref<2x10240x128xf32, #tpu.memory_space<hbm>> -> memref<1x128x128xf32, #tpu.memory_space<hbm>>
    %dma_start3A_173 = tpu.memref_squeeze %dma_start3A_172 : memref<1x128x128xf32, #tpu.memory_space<hbm>> -> memref<128x128xf32, #tpu.memory_space<hbm>>
    %dma_start3A_174 = arith.constant 0 : i32
    %dma_start3A_175 = tpu.memref_slice %arg6[%add3A_170, %dma_start3A_174] : memref<10240x128xf32, #tpu.memory_space<vmem_shared>> -> memref<128x128xf32, #tpu.memory_space<vmem_shared>>
    tpu.enqueue_dma source(%dma_start3A_175 : memref<128x128xf32, #tpu.memory_space<vmem_shared>>) target(%dma_start3A_173 : memref<128x128xf32, #tpu.memory_space<hbm>>) target_semaphore(%arg21 : memref<!tpu.dma_semaphore, #tpu.memory_space<semaphore_mem>>)
    %mul3A_176 = arith.constant 640 : i32
    %mul3A_177 = arith.muli %arg1, %mul3A_176 : i32
    %add3A_178 = arith.constant 128 : i32
    %add3A_179 = arith.addi %mul3A_177, %add3A_178 : i32
    %dma_start3A_180 = arith.constant 0 : i32
    %dma_start3A_181 = tpu.memref_slice %arg5[%arg0, %add3A_179, %dma_start3A_180] : memref<2x10240x128xf32, #tpu.memory_space<hbm>> -> memref<1x128x128xf32, #tpu.memory_space<hbm>>
    %dma_start3A_182 = tpu.memref_squeeze %dma_start3A_181 : memref<1x128x128xf32, #tpu.memory_space<hbm>> -> memref<128x128xf32, #tpu.memory_space<hbm>>
    %dma_start3A_183 = arith.constant 0 : i32
    %dma_start3A_184 = tpu.memref_slice %arg6[%add3A_179, %dma_start3A_183] : memref<10240x128xf32, #tpu.memory_space<vmem_shared>> -> memref<128x128xf32, #tpu.memory_space<vmem_shared>>
    tpu.enqueue_dma source(%dma_start3A_184 : memref<128x128xf32, #tpu.memory_space<vmem_shared>>) target(%dma_start3A_182 : memref<128x128xf32, #tpu.memory_space<hbm>>) target_semaphore(%arg21 : memref<!tpu.dma_semaphore, #tpu.memory_space<semaphore_mem>>)
    %mul3A_185 = arith.constant 640 : i32
    %mul3A_186 = arith.muli %arg1, %mul3A_185 : i32
    %add3A_187 = arith.constant 256 : i32
    %add3A_188 = arith.addi %mul3A_186, %add3A_187 : i32
    %dma_start3A_189 = arith.constant 0 : i32
    %dma_start3A_190 = tpu.memref_slice %arg5[%arg0, %add3A_188, %dma_start3A_189] : memref<2x10240x128xf32, #tpu.memory_space<hbm>> -> memref<1x128x128xf32, #tpu.memory_space<hbm>>
    %dma_start3A_191 = tpu.memref_squeeze %dma_start3A_190 : memref<1x128x128xf32, #tpu.memory_space<hbm>> -> memref<128x128xf32, #tpu.memory_space<hbm>>
    %dma_start3A_192 = arith.constant 0 : i32
    %dma_start3A_193 = tpu.memref_slice %arg6[%add3A_188, %dma_start3A_192] : memref<10240x128xf32, #tpu.memory_space<vmem_shared>> -> memref<128x128xf32, #tpu.memory_space<vmem_shared>>
    tpu.enqueue_dma source(%dma_start3A_193 : memref<128x128xf32, #tpu.memory_space<vmem_shared>>) target(%dma_start3A_191 : memref<128x128xf32, #tpu.memory_space<hbm>>) target_semaphore(%arg21 : memref<!tpu.dma_semaphore, #tpu.memory_space<semaphore_mem>>)
    %mul3A_194 = arith.constant 640 : i32
    %mul3A_195 = arith.muli %arg1, %mul3A_194 : i32
    %add3A_196 = arith.constant 384 : i32
    %add3A_197 = arith.addi %mul3A_195, %add3A_196 : i32
    %dma_start3A_198 = arith.constant 0 : i32
    %dma_start3A_199 = tpu.memref_slice %arg5[%arg0, %add3A_197, %dma_start3A_198] : memref<2x10240x128xf32, #tpu.memory_space<hbm>> -> memref<1x128x128xf32, #tpu.memory_space<hbm>>
    %dma_start3A_200 = tpu.memref_squeeze %dma_start3A_199 : memref<1x128x128xf32, #tpu.memory_space<hbm>> -> memref<128x128xf32, #tpu.memory_space<hbm>>
    %dma_start3A_201 = arith.constant 0 : i32
    %dma_start3A_202 = tpu.memref_slice %arg6[%add3A_197, %dma_start3A_201] : memref<10240x128xf32, #tpu.memory_space<vmem_shared>> -> memref<128x128xf32, #tpu.memory_space<vmem_shared>>
    tpu.enqueue_dma source(%dma_start3A_202 : memref<128x128xf32, #tpu.memory_space<vmem_shared>>) target(%dma_start3A_200 : memref<128x128xf32, #tpu.memory_space<hbm>>) target_semaphore(%arg21 : memref<!tpu.dma_semaphore, #tpu.memory_space<semaphore_mem>>)
    %mul3A_203 = arith.constant 640 : i32
    %mul3A_204 = arith.muli %arg1, %mul3A_203 : i32
    %add3A_205 = arith.constant 512 : i32
    %add3A_206 = arith.addi %mul3A_204, %add3A_205 : i32
    %dma_start3A_207 = arith.constant 0 : i32
    %dma_start3A_208 = tpu.memref_slice %arg5[%arg0, %add3A_206, %dma_start3A_207] : memref<2x10240x128xf32, #tpu.memory_space<hbm>> -> memref<1x128x128xf32, #tpu.memory_space<hbm>>
    %dma_start3A_209 = tpu.memref_squeeze %dma_start3A_208 : memref<1x128x128xf32, #tpu.memory_space<hbm>> -> memref<128x128xf32, #tpu.memory_space<hbm>>
    %dma_start3A_210 = arith.constant 0 : i32
    %dma_start3A_211 = tpu.memref_slice %arg6[%add3A_206, %dma_start3A_210] : memref<10240x128xf32, #tpu.memory_space<vmem_shared>> -> memref<128x128xf32, #tpu.memory_space<vmem_shared>>
    tpu.enqueue_dma source(%dma_start3A_211 : memref<128x128xf32, #tpu.memory_space<vmem_shared>>) target(%dma_start3A_209 : memref<128x128xf32, #tpu.memory_space<hbm>>) target_semaphore(%arg21 : memref<!tpu.dma_semaphore, #tpu.memory_space<semaphore_mem>>)
    %mul3A_212 = arith.constant 640 : i32
    %mul3A_213 = arith.muli %arg1, %mul3A_212 : i32
    %add3A_214 = arith.constant 0 : i32
    %add3A_215 = arith.addi %mul3A_213, %add3A_214 : i32
    %dma_wait3A_216 = arith.constant 0 : i32
    %dma_wait3A_217 = tpu.memref_slice %arg5[%arg0, %add3A_215, %dma_wait3A_216] : memref<2x10240x128xf32, #tpu.memory_space<hbm>> -> memref<1x128x128xf32, #tpu.memory_space<hbm>>
    %dma_wait3A_218 = tpu.memref_squeeze %dma_wait3A_217 : memref<1x128x128xf32, #tpu.memory_space<hbm>> -> memref<128x128xf32, #tpu.memory_space<hbm>>
    %dma_wait3A_219 = arith.constant 0 : i32
    %dma_wait3A_220 = tpu.memref_slice %arg6[%add3A_215, %dma_wait3A_219] : memref<10240x128xf32, #tpu.memory_space<vmem_shared>> -> memref<128x128xf32, #tpu.memory_space<vmem_shared>>
    tpu.wait_dma2 semaphore(%arg21 : memref<!tpu.dma_semaphore, #tpu.memory_space<semaphore_mem>>) src(%dma_wait3A_220 : memref<128x128xf32, #tpu.memory_space<vmem_shared>>) dst(%dma_wait3A_218 : memref<128x128xf32, #tpu.memory_space<hbm>>)
    %mul3A_221 = arith.constant 640 : i32
    %mul3A_222 = arith.muli %arg1, %mul3A_221 : i32
    %add3A_223 = arith.constant 128 : i32
    %add3A_224 = arith.addi %mul3A_222, %add3A_223 : i32
    %dma_wait3A_225 = arith.constant 0 : i32
    %dma_wait3A_226 = tpu.memref_slice %arg5[%arg0, %add3A_224, %dma_wait3A_225] : memref<2x10240x128xf32, #tpu.memory_space<hbm>> -> memref<1x128x128xf32, #tpu.memory_space<hbm>>
    %dma_wait3A_227 = tpu.memref_squeeze %dma_wait3A_226 : memref<1x128x128xf32, #tpu.memory_space<hbm>> -> memref<128x128xf32, #tpu.memory_space<hbm>>
    %dma_wait3A_228 = arith.constant 0 : i32
    %dma_wait3A_229 = tpu.memref_slice %arg6[%add3A_224, %dma_wait3A_228] : memref<10240x128xf32, #tpu.memory_space<vmem_shared>> -> memref<128x128xf32, #tpu.memory_space<vmem_shared>>
    tpu.wait_dma2 semaphore(%arg21 : memref<!tpu.dma_semaphore, #tpu.memory_space<semaphore_mem>>) src(%dma_wait3A_229 : memref<128x128xf32, #tpu.memory_space<vmem_shared>>) dst(%dma_wait3A_227 : memref<128x128xf32, #tpu.memory_space<hbm>>)
    %mul3A_230 = arith.constant 640 : i32
    %mul3A_231 = arith.muli %arg1, %mul3A_230 : i32
    %add3A_232 = arith.constant 256 : i32
    %add3A_233 = arith.addi %mul3A_231, %add3A_232 : i32
    %dma_wait3A_234 = arith.constant 0 : i32
    %dma_wait3A_235 = tpu.memref_slice %arg5[%arg0, %add3A_233, %dma_wait3A_234] : memref<2x10240x128xf32, #tpu.memory_space<hbm>> -> memref<1x128x128xf32, #tpu.memory_space<hbm>>
    %dma_wait3A_236 = tpu.memref_squeeze %dma_wait3A_235 : memref<1x128x128xf32, #tpu.memory_space<hbm>> -> memref<128x128xf32, #tpu.memory_space<hbm>>
    %dma_wait3A_237 = arith.constant 0 : i32
    %dma_wait3A_238 = tpu.memref_slice %arg6[%add3A_233, %dma_wait3A_237] : memref<10240x128xf32, #tpu.memory_space<vmem_shared>> -> memref<128x128xf32, #tpu.memory_space<vmem_shared>>
    tpu.wait_dma2 semaphore(%arg21 : memref<!tpu.dma_semaphore, #tpu.memory_space<semaphore_mem>>) src(%dma_wait3A_238 : memref<128x128xf32, #tpu.memory_space<vmem_shared>>) dst(%dma_wait3A_236 : memref<128x128xf32, #tpu.memory_space<hbm>>)
    %mul3A_239 = arith.constant 640 : i32
    %mul3A_240 = arith.muli %arg1, %mul3A_239 : i32
    %add3A_241 = arith.constant 384 : i32
    %add3A_242 = arith.addi %mul3A_240, %add3A_241 : i32
    %dma_wait3A_243 = arith.constant 0 : i32
    %dma_wait3A_244 = tpu.memref_slice %arg5[%arg0, %add3A_242, %dma_wait3A_243] : memref<2x10240x128xf32, #tpu.memory_space<hbm>> -> memref<1x128x128xf32, #tpu.memory_space<hbm>>
    %dma_wait3A_245 = tpu.memref_squeeze %dma_wait3A_244 : memref<1x128x128xf32, #tpu.memory_space<hbm>> -> memref<128x128xf32, #tpu.memory_space<hbm>>
    %dma_wait3A_246 = arith.constant 0 : i32
    %dma_wait3A_247 = tpu.memref_slice %arg6[%add3A_242, %dma_wait3A_246] : memref<10240x128xf32, #tpu.memory_space<vmem_shared>> -> memref<128x128xf32, #tpu.memory_space<vmem_shared>>
    tpu.wait_dma2 semaphore(%arg21 : memref<!tpu.dma_semaphore, #tpu.memory_space<semaphore_mem>>) src(%dma_wait3A_247 : memref<128x128xf32, #tpu.memory_space<vmem_shared>>) dst(%dma_wait3A_245 : memref<128x128xf32, #tpu.memory_space<hbm>>)
    %mul3A_248 = arith.constant 640 : i32
    %mul3A_249 = arith.muli %arg1, %mul3A_248 : i32
    %add3A_250 = arith.constant 512 : i32
    %add3A_251 = arith.addi %mul3A_249, %add3A_250 : i32
    %dma_wait3A_252 = arith.constant 0 : i32
    %dma_wait3A_253 = tpu.memref_slice %arg5[%arg0, %add3A_251, %dma_wait3A_252] : memref<2x10240x128xf32, #tpu.memory_space<hbm>> -> memref<1x128x128xf32, #tpu.memory_space<hbm>>
    %dma_wait3A_254 = tpu.memref_squeeze %dma_wait3A_253 : memref<1x128x128xf32, #tpu.memory_space<hbm>> -> memref<128x128xf32, #tpu.memory_space<hbm>>
    %dma_wait3A_255 = arith.constant 0 : i32
    %dma_wait3A_256 = tpu.memref_slice %arg6[%add3A_251, %dma_wait3A_255] : memref<10240x128xf32, #tpu.memory_space<vmem_shared>> -> memref<128x128xf32, #tpu.memory_space<vmem_shared>>
    tpu.wait_dma2 semaphore(%arg21 : memref<!tpu.dma_semaphore, #tpu.memory_space<semaphore_mem>>) src(%dma_wait3A_256 : memref<128x128xf32, #tpu.memory_space<vmem_shared>>) dst(%dma_wait3A_254 : memref<128x128xf32, #tpu.memory_space<hbm>>)
    return
  }
}

#map = affine_map<(d0, d1) -> (0, 0)>
#map1 = affine_map<(d0, d1) -> (0, 0, 0)>
module attributes {stable_mosaic.version = 14 : i64} {
  func.func @_agg_body(%arg0: i32, %arg1: i32, %arg2: memref<10000x128xf32, #tpu.memory_space<hbm>>, %arg3: memref<32x80x125xi32, #tpu.memory_space<hbm>>, %arg4: memref<32x80x125xi32, #tpu.memory_space<hbm>>, %arg5: memref<2x10240x128xf32, #tpu.memory_space<hbm>>, %arg6: memref<10240x128xf32, #tpu.memory_space<vmem_shared>>, %arg7: memref<125xi32, #tpu.memory_space<vmem>>, %arg8: memref<125xi32, #tpu.memory_space<vmem>>, %arg9: memref<125xi32, #tpu.memory_space<vmem>>, %arg10: memref<125xi32, #tpu.memory_space<vmem>>, %arg11: memref<125x128xf32, #tpu.memory_space<vmem>>, %arg12: memref<125x128xf32, #tpu.memory_space<vmem>>, %arg13: memref<!tpu.dma_semaphore, #tpu.memory_space<semaphore_mem>>, %arg14: memref<!tpu.dma_semaphore, #tpu.memory_space<semaphore_mem>>, %arg15: memref<!tpu.dma_semaphore, #tpu.memory_space<semaphore_mem>>, %arg16: memref<!tpu.dma_semaphore, #tpu.memory_space<semaphore_mem>>, %arg17: memref<!tpu.dma_semaphore, #tpu.memory_space<semaphore_mem>>, %arg18: memref<!tpu.dma_semaphore, #tpu.memory_space<semaphore_mem>>, %arg19: memref<!tpu.dma_semaphore, #tpu.memory_space<semaphore_mem>>, %arg20: memref<!tpu.dma_semaphore, #tpu.memory_space<semaphore_mem>>, %arg21: memref<!tpu.dma_semaphore, #tpu.memory_space<semaphore_mem>>) attributes {dimension_semantics = [#tpu.dimension_semantics<core_parallel>, #tpu.dimension_semantics<subcore_parallel>], iteration_bounds = array<i64: 2, 16>, scalar_prefetch = 0 : i64, scratch_operands = 16 : i64, tpu.core_type = #tpu.core_type<sc_vector_subcore>, window_params = [{transform_indices = #map}, {transform_indices = #map1}, {transform_indices = #map1}, {transform_indices = #map1}]} {
    %mul3A = arith.constant 16 : i32
    %mul3A_0 = arith.muli %arg0, %mul3A : i32
    %add3A = arith.addi %mul3A_0, %arg1 : i32
    %scan3A = arith.constant 0 : i32
    %scan3A_1 = arith.constant 0 : i32
    %scan3A_2 = arith.constant 125 : i32
    %scan3A_3 = arith.addi %scan3A_1, %scan3A_2 : i32
    %scan3A_4 = arith.constant 1 : i32
    scf.for %scan3A_257 = %scan3A_1 to %scan3A_3 step %scan3A_4  : i32 {
      %broadcast_in_dim3A = arith.constant 0.000000e+00 : f32
      %broadcast_in_dim3A_258 = vector.broadcast %broadcast_in_dim3A : f32 to vector<16xf32>
      %swap3A = arith.index_cast %scan3A_257 : i32 to index
      %swap3A_259 = arith.constant 0 : index
      %swap3A_260 = tpu.vector_load %arg11[%swap3A, %swap3A_259] {strides = array<i32>} : memref<125x128xf32, #tpu.memory_space<vmem>>, vector<1x16xf32>,
      %swap3A_261 = vector.shape_cast %swap3A_260 : vector<1x16xf32> to vector<16xf32>
      %swap3A_262 = vector.shape_cast %broadcast_in_dim3A_258 : vector<16xf32> to vector<1x16xf32>
      tpu.vector_store %arg11[%swap3A, %swap3A_259], %swap3A_262 {strides = array<i32>} : memref<125x128xf32, #tpu.memory_space<vmem>>, vector<1x16xf32>,
      %broadcast_in_dim3A_263 = arith.constant 0.000000e+00 : f32
      %broadcast_in_dim3A_264 = vector.broadcast %broadcast_in_dim3A_263 : f32 to vector<16xf32>
      %swap3A_265 = arith.index_cast %scan3A_257 : i32 to index
      %swap3A_266 = arith.constant 16 : index
      %swap3A_267 = tpu.vector_load %arg11[%swap3A_265, %swap3A_266] {strides = array<i32>} : memref<125x128xf32, #tpu.memory_space<vmem>>, vector<1x16xf32>,
      %swap3A_268 = vector.shape_cast %swap3A_267 : vector<1x16xf32> to vector<16xf32>
      %swap3A_269 = vector.shape_cast %broadcast_in_dim3A_264 : vector<16xf32> to vector<1x16xf32>
      tpu.vector_store %arg11[%swap3A_265, %swap3A_266], %swap3A_269 {strides = array<i32>} : memref<125x128xf32, #tpu.memory_space<vmem>>, vector<1x16xf32>,
      %broadcast_in_dim3A_270 = arith.constant 0.000000e+00 : f32
      %broadcast_in_dim3A_271 = vector.broadcast %broadcast_in_dim3A_270 : f32 to vector<16xf32>
      %swap3A_272 = arith.index_cast %scan3A_257 : i32 to index
      %swap3A_273 = arith.constant 32 : index
      %swap3A_274 = tpu.vector_load %arg11[%swap3A_272, %swap3A_273] {strides = array<i32>} : memref<125x128xf32, #tpu.memory_space<vmem>>, vector<1x16xf32>,
      %swap3A_275 = vector.shape_cast %swap3A_274 : vector<1x16xf32> to vector<16xf32>
      %swap3A_276 = vector.shape_cast %broadcast_in_dim3A_271 : vector<16xf32> to vector<1x16xf32>
      tpu.vector_store %arg11[%swap3A_272, %swap3A_273], %swap3A_276 {strides = array<i32>} : memref<125x128xf32, #tpu.memory_space<vmem>>, vector<1x16xf32>,
      %broadcast_in_dim3A_277 = arith.constant 0.000000e+00 : f32
      %broadcast_in_dim3A_278 = vector.broadcast %broadcast_in_dim3A_277 : f32 to vector<16xf32>
      %swap3A_279 = arith.index_cast %scan3A_257 : i32 to index
      %swap3A_280 = arith.constant 48 : index
      %swap3A_281 = tpu.vector_load %arg11[%swap3A_279, %swap3A_280] {strides = array<i32>} : memref<125x128xf32, #tpu.memory_space<vmem>>, vector<1x16xf32>,
      %swap3A_282 = vector.shape_cast %swap3A_281 : vector<1x16xf32> to vector<16xf32>
      %swap3A_283 = vector.shape_cast %broadcast_in_dim3A_278 : vector<16xf32> to vector<1x16xf32>
      tpu.vector_store %arg11[%swap3A_279, %swap3A_280], %swap3A_283 {strides = array<i32>} : memref<125x128xf32, #tpu.memory_space<vmem>>, vector<1x16xf32>,
      %broadcast_in_dim3A_284 = arith.constant 0.000000e+00 : f32
      %broadcast_in_dim3A_285 = vector.broadcast %broadcast_in_dim3A_284 : f32 to vector<16xf32>
      %swap3A_286 = arith.index_cast %scan3A_257 : i32 to index
      %swap3A_287 = arith.constant 64 : index
      %swap3A_288 = tpu.vector_load %arg11[%swap3A_286, %swap3A_287] {strides = array<i32>} : memref<125x128xf32, #tpu.memory_space<vmem>>, vector<1x16xf32>,
      %swap3A_289 = vector.shape_cast %swap3A_288 : vector<1x16xf32> to vector<16xf32>
      %swap3A_290 = vector.shape_cast %broadcast_in_dim3A_285 : vector<16xf32> to vector<1x16xf32>
      tpu.vector_store %arg11[%swap3A_286, %swap3A_287], %swap3A_290 {strides = array<i32>} : memref<125x128xf32, #tpu.memory_space<vmem>>, vector<1x16xf32>,
      %broadcast_in_dim3A_291 = arith.constant 0.000000e+00 : f32
      %broadcast_in_dim3A_292 = vector.broadcast %broadcast_in_dim3A_291 : f32 to vector<16xf32>
      %swap3A_293 = arith.index_cast %scan3A_257 : i32 to index
      %swap3A_294 = arith.constant 80 : index
      %swap3A_295 = tpu.vector_load %arg11[%swap3A_293, %swap3A_294] {strides = array<i32>} : memref<125x128xf32, #tpu.memory_space<vmem>>, vector<1x16xf32>,
      %swap3A_296 = vector.shape_cast %swap3A_295 : vector<1x16xf32> to vector<16xf32>
      %swap3A_297 = vector.shape_cast %broadcast_in_dim3A_292 : vector<16xf32> to vector<1x16xf32>
      tpu.vector_store %arg11[%swap3A_293, %swap3A_294], %swap3A_297 {strides = array<i32>} : memref<125x128xf32, #tpu.memory_space<vmem>>, vector<1x16xf32>,
      %broadcast_in_dim3A_298 = arith.constant 0.000000e+00 : f32
      %broadcast_in_dim3A_299 = vector.broadcast %broadcast_in_dim3A_298 : f32 to vector<16xf32>
      %swap3A_300 = arith.index_cast %scan3A_257 : i32 to index
      %swap3A_301 = arith.constant 96 : index
      %swap3A_302 = tpu.vector_load %arg11[%swap3A_300, %swap3A_301] {strides = array<i32>} : memref<125x128xf32, #tpu.memory_space<vmem>>, vector<1x16xf32>,
      %swap3A_303 = vector.shape_cast %swap3A_302 : vector<1x16xf32> to vector<16xf32>
      %swap3A_304 = vector.shape_cast %broadcast_in_dim3A_299 : vector<16xf32> to vector<1x16xf32>
      tpu.vector_store %arg11[%swap3A_300, %swap3A_301], %swap3A_304 {strides = array<i32>} : memref<125x128xf32, #tpu.memory_space<vmem>>, vector<1x16xf32>,
      %broadcast_in_dim3A_305 = arith.constant 0.000000e+00 : f32
      %broadcast_in_dim3A_306 = vector.broadcast %broadcast_in_dim3A_305 : f32 to vector<16xf32>
      %swap3A_307 = arith.index_cast %scan3A_257 : i32 to index
      %swap3A_308 = arith.constant 112 : index
      %swap3A_309 = tpu.vector_load %arg11[%swap3A_307, %swap3A_308] {strides = array<i32>} : memref<125x128xf32, #tpu.memory_space<vmem>>, vector<1x16xf32>,
      %swap3A_310 = vector.shape_cast %swap3A_309 : vector<1x16xf32> to vector<16xf32>
      %swap3A_311 = vector.shape_cast %broadcast_in_dim3A_306 : vector<16xf32> to vector<1x16xf32>
      tpu.vector_store %arg11[%swap3A_307, %swap3A_308], %swap3A_311 {strides = array<i32>} : memref<125x128xf32, #tpu.memory_space<vmem>>, vector<1x16xf32>,
    }
    %scan3A_5 = arith.constant 125 : i32
    %mul3A_6 = arith.constant 640 : i32
    %mul3A_7 = arith.muli %arg1, %mul3A_6 : i32
    %add3A_8 = arith.constant 0 : i32
    %add3A_9 = arith.addi %mul3A_7, %add3A_8 : i32
    %dma_start3A = arith.constant 0 : i32
    %dma_start3A_10 = tpu.memref_slice %arg6[%add3A_9, %dma_start3A] : memref<10240x128xf32, #tpu.memory_space<vmem_shared>> -> memref<125x128xf32, #tpu.memory_space<vmem_shared>>
    %dma_start3A_11 = arith.constant 0 : i32
    %dma_start3A_12 = tpu.memref_slice %arg6[%add3A_9, %dma_start3A_11] : memref<10240x128xf32, #tpu.memory_space<vmem_shared>> -> memref<125x128xf32, #tpu.memory_space<vmem_shared>>
    tpu.enqueue_dma source(%arg11 : memref<125x128xf32, #tpu.memory_space<vmem>>) target(%dma_start3A_12 : memref<125x128xf32, #tpu.memory_space<vmem_shared>>) target_semaphore(%arg21 : memref<!tpu.dma_semaphore, #tpu.memory_space<semaphore_mem>>)
    %mul3A_13 = arith.constant 640 : i32
    %mul3A_14 = arith.muli %arg1, %mul3A_13 : i32
    %add3A_15 = arith.constant 125 : i32
    %add3A_16 = arith.addi %mul3A_14, %add3A_15 : i32
    %dma_start3A_17 = arith.constant 0 : i32
    %dma_start3A_18 = tpu.memref_slice %arg6[%add3A_16, %dma_start3A_17] : memref<10240x128xf32, #tpu.memory_space<vmem_shared>> -> memref<125x128xf32, #tpu.memory_space<vmem_shared>>
    %dma_start3A_19 = arith.constant 0 : i32
    %dma_start3A_20 = tpu.memref_slice %arg6[%add3A_16, %dma_start3A_19] : memref<10240x128xf32, #tpu.memory_space<vmem_shared>> -> memref<125x128xf32, #tpu.memory_space<vmem_shared>>
    tpu.enqueue_dma source(%arg11 : memref<125x128xf32, #tpu.memory_space<vmem>>) target(%dma_start3A_20 : memref<125x128xf32, #tpu.memory_space<vmem_shared>>) target_semaphore(%arg21 : memref<!tpu.dma_semaphore, #tpu.memory_space<semaphore_mem>>)
    %mul3A_21 = arith.constant 640 : i32
    %mul3A_22 = arith.muli %arg1, %mul3A_21 : i32
    %add3A_23 = arith.constant 250 : i32
    %add3A_24 = arith.addi %mul3A_22, %add3A_23 : i32
    %dma_start3A_25 = arith.constant 0 : i32
    %dma_start3A_26 = tpu.memref_slice %arg6[%add3A_24, %dma_start3A_25] : memref<10240x128xf32, #tpu.memory_space<vmem_shared>> -> memref<125x128xf32, #tpu.memory_space<vmem_shared>>
    %dma_start3A_27 = arith.constant 0 : i32
    %dma_start3A_28 = tpu.memref_slice %arg6[%add3A_24, %dma_start3A_27] : memref<10240x128xf32, #tpu.memory_space<vmem_shared>> -> memref<125x128xf32, #tpu.memory_space<vmem_shared>>
    tpu.enqueue_dma source(%arg11 : memref<125x128xf32, #tpu.memory_space<vmem>>) target(%dma_start3A_28 : memref<125x128xf32, #tpu.memory_space<vmem_shared>>) target_semaphore(%arg21 : memref<!tpu.dma_semaphore, #tpu.memory_space<semaphore_mem>>)
    %mul3A_29 = arith.constant 640 : i32
    %mul3A_30 = arith.muli %arg1, %mul3A_29 : i32
    %add3A_31 = arith.constant 375 : i32
    %add3A_32 = arith.addi %mul3A_30, %add3A_31 : i32
    %dma_start3A_33 = arith.constant 0 : i32
    %dma_start3A_34 = tpu.memref_slice %arg6[%add3A_32, %dma_start3A_33] : memref<10240x128xf32, #tpu.memory_space<vmem_shared>> -> memref<125x128xf32, #tpu.memory_space<vmem_shared>>
    %dma_start3A_35 = arith.constant 0 : i32
    %dma_start3A_36 = tpu.memref_slice %arg6[%add3A_32, %dma_start3A_35] : memref<10240x128xf32, #tpu.memory_space<vmem_shared>> -> memref<125x128xf32, #tpu.memory_space<vmem_shared>>
    tpu.enqueue_dma source(%arg11 : memref<125x128xf32, #tpu.memory_space<vmem>>) target(%dma_start3A_36 : memref<125x128xf32, #tpu.memory_space<vmem_shared>>) target_semaphore(%arg21 : memref<!tpu.dma_semaphore, #tpu.memory_space<semaphore_mem>>)
    %mul3A_37 = arith.constant 640 : i32
    %mul3A_38 = arith.muli %arg1, %mul3A_37 : i32
    %add3A_39 = arith.constant 500 : i32
    %add3A_40 = arith.addi %mul3A_38, %add3A_39 : i32
    %dma_start3A_41 = arith.constant 0 : i32
    %dma_start3A_42 = tpu.memref_slice %arg6[%add3A_40, %dma_start3A_41] : memref<10240x128xf32, #tpu.memory_space<vmem_shared>> -> memref<125x128xf32, #tpu.memory_space<vmem_shared>>
    %dma_start3A_43 = arith.constant 0 : i32
    %dma_start3A_44 = tpu.memref_slice %arg6[%add3A_40, %dma_start3A_43] : memref<10240x128xf32, #tpu.memory_space<vmem_shared>> -> memref<125x128xf32, #tpu.memory_space<vmem_shared>>
    tpu.enqueue_dma source(%arg11 : memref<125x128xf32, #tpu.memory_space<vmem>>) target(%dma_start3A_44 : memref<125x128xf32, #tpu.memory_space<vmem_shared>>) target_semaphore(%arg21 : memref<!tpu.dma_semaphore, #tpu.memory_space<semaphore_mem>>)
    %mul3A_45 = arith.constant 640 : i32
    %mul3A_46 = arith.muli %arg1, %mul3A_45 : i32
    %add3A_47 = arith.constant 625 : i32
    %add3A_48 = arith.addi %mul3A_46, %add3A_47 : i32
    %dma_start3A_49 = arith.constant 0 : i32
    %dma_start3A_50 = arith.constant 0 : i32
    %dma_start3A_51 = tpu.memref_slice %arg11[%dma_start3A_49, %dma_start3A_50] : memref<125x128xf32, #tpu.memory_space<vmem>> -> memref<15x128xf32, #tpu.memory_space<vmem>>
    %dma_start3A_52 = arith.constant 0 : i32
    %dma_start3A_53 = tpu.memref_slice %arg6[%add3A_48, %dma_start3A_52] : memref<10240x128xf32, #tpu.memory_space<vmem_shared>> -> memref<15x128xf32, #tpu.memory_space<vmem_shared>>
    %dma_start3A_54 = arith.constant 0 : i32
    %dma_start3A_55 = tpu.memref_slice %arg6[%add3A_48, %dma_start3A_54] : memref<10240x128xf32, #tpu.memory_space<vmem_shared>> -> memref<15x128xf32, #tpu.memory_space<vmem_shared>>
    %dma_start3A_56 = arith.constant 0 : i32
    %dma_start3A_57 = arith.constant 0 : i32
    %dma_start3A_58 = tpu.memref_slice %arg11[%dma_start3A_56, %dma_start3A_57] : memref<125x128xf32, #tpu.memory_space<vmem>> -> memref<15x128xf32, #tpu.memory_space<vmem>>
    tpu.enqueue_dma source(%dma_start3A_58 : memref<15x128xf32, #tpu.memory_space<vmem>>) target(%dma_start3A_55 : memref<15x128xf32, #tpu.memory_space<vmem_shared>>) target_semaphore(%arg21 : memref<!tpu.dma_semaphore, #tpu.memory_space<semaphore_mem>>)
    %mul3A_59 = arith.constant 640 : i32
    %mul3A_60 = arith.muli %arg1, %mul3A_59 : i32
    %add3A_61 = arith.constant 0 : i32
    %add3A_62 = arith.addi %mul3A_60, %add3A_61 : i32
    %dma_wait3A = arith.constant 0 : i32
    %dma_wait3A_63 = tpu.memref_slice %arg6[%add3A_62, %dma_wait3A] : memref<10240x128xf32, #tpu.memory_space<vmem_shared>> -> memref<125x128xf32, #tpu.memory_space<vmem_shared>>
    %dma_wait3A_64 = arith.constant 0 : i32
    %dma_wait3A_65 = tpu.memref_slice %arg6[%add3A_62, %dma_wait3A_64] : memref<10240x128xf32, #tpu.memory_space<vmem_shared>> -> memref<125x128xf32, #tpu.memory_space<vmem_shared>>
    tpu.wait_dma2 semaphore(%arg21 : memref<!tpu.dma_semaphore, #tpu.memory_space<semaphore_mem>>) src(%arg11 : memref<125x128xf32, #tpu.memory_space<vmem>>) dst(%dma_wait3A_65 : memref<125x128xf32, #tpu.memory_space<vmem_shared>>)
    %mul3A_66 = arith.constant 640 : i32
    %mul3A_67 = arith.muli %arg1, %mul3A_66 : i32
    %add3A_68 = arith.constant 125 : i32
    %add3A_69 = arith.addi %mul3A_67, %add3A_68 : i32
    %dma_wait3A_70 = arith.constant 0 : i32
    %dma_wait3A_71 = tpu.memref_slice %arg6[%add3A_69, %dma_wait3A_70] : memref<10240x128xf32, #tpu.memory_space<vmem_shared>> -> memref<125x128xf32, #tpu.memory_space<vmem_shared>>
    %dma_wait3A_72 = arith.constant 0 : i32
    %dma_wait3A_73 = tpu.memref_slice %arg6[%add3A_69, %dma_wait3A_72] : memref<10240x128xf32, #tpu.memory_space<vmem_shared>> -> memref<125x128xf32, #tpu.memory_space<vmem_shared>>
    tpu.wait_dma2 semaphore(%arg21 : memref<!tpu.dma_semaphore, #tpu.memory_space<semaphore_mem>>) src(%arg11 : memref<125x128xf32, #tpu.memory_space<vmem>>) dst(%dma_wait3A_73 : memref<125x128xf32, #tpu.memory_space<vmem_shared>>)
    %mul3A_74 = arith.constant 640 : i32
    %mul3A_75 = arith.muli %arg1, %mul3A_74 : i32
    %add3A_76 = arith.constant 250 : i32
    %add3A_77 = arith.addi %mul3A_75, %add3A_76 : i32
    %dma_wait3A_78 = arith.constant 0 : i32
    %dma_wait3A_79 = tpu.memref_slice %arg6[%add3A_77, %dma_wait3A_78] : memref<10240x128xf32, #tpu.memory_space<vmem_shared>> -> memref<125x128xf32, #tpu.memory_space<vmem_shared>>
    %dma_wait3A_80 = arith.constant 0 : i32
    %dma_wait3A_81 = tpu.memref_slice %arg6[%add3A_77, %dma_wait3A_80] : memref<10240x128xf32, #tpu.memory_space<vmem_shared>> -> memref<125x128xf32, #tpu.memory_space<vmem_shared>>
    tpu.wait_dma2 semaphore(%arg21 : memref<!tpu.dma_semaphore, #tpu.memory_space<semaphore_mem>>) src(%arg11 : memref<125x128xf32, #tpu.memory_space<vmem>>) dst(%dma_wait3A_81 : memref<125x128xf32, #tpu.memory_space<vmem_shared>>)
    %mul3A_82 = arith.constant 640 : i32
    %mul3A_83 = arith.muli %arg1, %mul3A_82 : i32
    %add3A_84 = arith.constant 375 : i32
    %add3A_85 = arith.addi %mul3A_83, %add3A_84 : i32
    %dma_wait3A_86 = arith.constant 0 : i32
    %dma_wait3A_87 = tpu.memref_slice %arg6[%add3A_85, %dma_wait3A_86] : memref<10240x128xf32, #tpu.memory_space<vmem_shared>> -> memref<125x128xf32, #tpu.memory_space<vmem_shared>>
    %dma_wait3A_88 = arith.constant 0 : i32
    %dma_wait3A_89 = tpu.memref_slice %arg6[%add3A_85, %dma_wait3A_88] : memref<10240x128xf32, #tpu.memory_space<vmem_shared>> -> memref<125x128xf32, #tpu.memory_space<vmem_shared>>
    tpu.wait_dma2 semaphore(%arg21 : memref<!tpu.dma_semaphore, #tpu.memory_space<semaphore_mem>>) src(%arg11 : memref<125x128xf32, #tpu.memory_space<vmem>>) dst(%dma_wait3A_89 : memref<125x128xf32, #tpu.memory_space<vmem_shared>>)
    %mul3A_90 = arith.constant 640 : i32
    %mul3A_91 = arith.muli %arg1, %mul3A_90 : i32
    %add3A_92 = arith.constant 500 : i32
    %add3A_93 = arith.addi %mul3A_91, %add3A_92 : i32
    %dma_wait3A_94 = arith.constant 0 : i32
    %dma_wait3A_95 = tpu.memref_slice %arg6[%add3A_93, %dma_wait3A_94] : memref<10240x128xf32, #tpu.memory_space<vmem_shared>> -> memref<125x128xf32, #tpu.memory_space<vmem_shared>>
    %dma_wait3A_96 = arith.constant 0 : i32
    %dma_wait3A_97 = tpu.memref_slice %arg6[%add3A_93, %dma_wait3A_96] : memref<10240x128xf32, #tpu.memory_space<vmem_shared>> -> memref<125x128xf32, #tpu.memory_space<vmem_shared>>
    tpu.wait_dma2 semaphore(%arg21 : memref<!tpu.dma_semaphore, #tpu.memory_space<semaphore_mem>>) src(%arg11 : memref<125x128xf32, #tpu.memory_space<vmem>>) dst(%dma_wait3A_97 : memref<125x128xf32, #tpu.memory_space<vmem_shared>>)
    %mul3A_98 = arith.constant 640 : i32
    %mul3A_99 = arith.muli %arg1, %mul3A_98 : i32
    %add3A_100 = arith.constant 625 : i32
    %add3A_101 = arith.addi %mul3A_99, %add3A_100 : i32
    %dma_wait3A_102 = arith.constant 0 : i32
    %dma_wait3A_103 = arith.constant 0 : i32
    %dma_wait3A_104 = tpu.memref_slice %arg11[%dma_wait3A_102, %dma_wait3A_103] : memref<125x128xf32, #tpu.memory_space<vmem>> -> memref<15x128xf32, #tpu.memory_space<vmem>>
    %dma_wait3A_105 = arith.constant 0 : i32
    %dma_wait3A_106 = tpu.memref_slice %arg6[%add3A_101, %dma_wait3A_105] : memref<10240x128xf32, #tpu.memory_space<vmem_shared>> -> memref<15x128xf32, #tpu.memory_space<vmem_shared>>
    %dma_wait3A_107 = arith.constant 0 : i32
    %dma_wait3A_108 = tpu.memref_slice %arg6[%add3A_101, %dma_wait3A_107] : memref<10240x128xf32, #tpu.memory_space<vmem_shared>> -> memref<15x128xf32, #tpu.memory_space<vmem_shared>>
    %dma_wait3A_109 = arith.constant 0 : i32
    %dma_wait3A_110 = arith.constant 0 : i32
    %dma_wait3A_111 = tpu.memref_slice %arg11[%dma_wait3A_109, %dma_wait3A_110] : memref<125x128xf32, #tpu.memory_space<vmem>> -> memref<15x128xf32, #tpu.memory_space<vmem>>
    tpu.wait_dma2 semaphore(%arg21 : memref<!tpu.dma_semaphore, #tpu.memory_space<semaphore_mem>>) src(%dma_wait3A_111 : memref<15x128xf32, #tpu.memory_space<vmem>>) dst(%dma_wait3A_108 : memref<15x128xf32, #tpu.memory_space<vmem_shared>>)
    %barrier3A = arith.constant 0 : index
    tpu.barrier barrier_id(%barrier3A)
    %dma_start3A_112 = arith.constant 0 : i32
    %dma_start3A_113 = arith.constant 0 : i32
    %dma_start3A_114 = tpu.memref_slice %arg3[%add3A, %dma_start3A_112, %dma_start3A_113] : memref<32x80x125xi32, #tpu.memory_space<hbm>> -> memref<1x1x125xi32, #tpu.memory_space<hbm>>
    %dma_start3A_115 = tpu.memref_squeeze %dma_start3A_114 : memref<1x1x125xi32, #tpu.memory_space<hbm>> -> memref<125xi32, #tpu.memory_space<hbm>>
    %dma_start3A_116 = arith.constant 0 : i32
    %dma_start3A_117 = tpu.memref_slice %arg3[%add3A, %dma_start3A_112, %dma_start3A_116] : memref<32x80x125xi32, #tpu.memory_space<hbm>> -> memref<1x1x125xi32, #tpu.memory_space<hbm>>
    %dma_start3A_118 = tpu.memref_squeeze %dma_start3A_117 : memref<1x1x125xi32, #tpu.memory_space<hbm>> -> memref<125xi32, #tpu.memory_space<hbm>>
    tpu.enqueue_dma source(%dma_start3A_118 : memref<125xi32, #tpu.memory_space<hbm>>) target(%arg7 : memref<125xi32, #tpu.memory_space<vmem>>) target_semaphore(%arg13 : memref<!tpu.dma_semaphore, #tpu.memory_space<semaphore_mem>>)
    %dma_start3A_119 = arith.constant 0 : i32
    %dma_start3A_120 = arith.constant 0 : i32
    %dma_start3A_121 = tpu.memref_slice %arg4[%add3A, %dma_start3A_119, %dma_start3A_120] : memref<32x80x125xi32, #tpu.memory_space<hbm>> -> memref<1x1x125xi32, #tpu.memory_space<hbm>>
    %dma_start3A_122 = tpu.memref_squeeze %dma_start3A_121 : memref<1x1x125xi32, #tpu.memory_space<hbm>> -> memref<125xi32, #tpu.memory_space<hbm>>
    %dma_start3A_123 = arith.constant 0 : i32
    %dma_start3A_124 = tpu.memref_slice %arg4[%add3A, %dma_start3A_119, %dma_start3A_123] : memref<32x80x125xi32, #tpu.memory_space<hbm>> -> memref<1x1x125xi32, #tpu.memory_space<hbm>>
    %dma_start3A_125 = tpu.memref_squeeze %dma_start3A_124 : memref<1x1x125xi32, #tpu.memory_space<hbm>> -> memref<125xi32, #tpu.memory_space<hbm>>
    tpu.enqueue_dma source(%dma_start3A_125 : memref<125xi32, #tpu.memory_space<hbm>>) target(%arg8 : memref<125xi32, #tpu.memory_space<vmem>>) target_semaphore(%arg15 : memref<!tpu.dma_semaphore, #tpu.memory_space<semaphore_mem>>)
    %dma_start3A_126 = arith.constant 1 : i32
    %dma_start3A_127 = arith.constant 0 : i32
    %dma_start3A_128 = tpu.memref_slice %arg3[%add3A, %dma_start3A_126, %dma_start3A_127] : memref<32x80x125xi32, #tpu.memory_space<hbm>> -> memref<1x1x125xi32, #tpu.memory_space<hbm>>
    %dma_start3A_129 = tpu.memref_squeeze %dma_start3A_128 : memref<1x1x125xi32, #tpu.memory_space<hbm>> -> memref<125xi32, #tpu.memory_space<hbm>>
    %dma_start3A_130 = arith.constant 0 : i32
    %dma_start3A_131 = tpu.memref_slice %arg3[%add3A, %dma_start3A_126, %dma_start3A_130] : memref<32x80x125xi32, #tpu.memory_space<hbm>> -> memref<1x1x125xi32, #tpu.memory_space<hbm>>
    %dma_start3A_132 = tpu.memref_squeeze %dma_start3A_131 : memref<1x1x125xi32, #tpu.memory_space<hbm>> -> memref<125xi32, #tpu.memory_space<hbm>>
    tpu.enqueue_dma source(%dma_start3A_132 : memref<125xi32, #tpu.memory_space<hbm>>) target(%arg9 : memref<125xi32, #tpu.memory_space<vmem>>) target_semaphore(%arg14 : memref<!tpu.dma_semaphore, #tpu.memory_space<semaphore_mem>>)
    %dma_start3A_133 = arith.constant 1 : i32
    %dma_start3A_134 = arith.constant 0 : i32
    %dma_start3A_135 = tpu.memref_slice %arg4[%add3A, %dma_start3A_133, %dma_start3A_134] : memref<32x80x125xi32, #tpu.memory_space<hbm>> -> memref<1x1x125xi32, #tpu.memory_space<hbm>>
    %dma_start3A_136 = tpu.memref_squeeze %dma_start3A_135 : memref<1x1x125xi32, #tpu.memory_space<hbm>> -> memref<125xi32, #tpu.memory_space<hbm>>
    %dma_start3A_137 = arith.constant 0 : i32
    %dma_start3A_138 = tpu.memref_slice %arg4[%add3A, %dma_start3A_133, %dma_start3A_137] : memref<32x80x125xi32, #tpu.memory_space<hbm>> -> memref<1x1x125xi32, #tpu.memory_space<hbm>>
    %dma_start3A_139 = tpu.memref_squeeze %dma_start3A_138 : memref<1x1x125xi32, #tpu.memory_space<hbm>> -> memref<125xi32, #tpu.memory_space<hbm>>
    tpu.enqueue_dma source(%dma_start3A_139 : memref<125xi32, #tpu.memory_space<hbm>>) target(%arg10 : memref<125xi32, #tpu.memory_space<vmem>>) target_semaphore(%arg16 : memref<!tpu.dma_semaphore, #tpu.memory_space<semaphore_mem>>)
    %dma_wait3A_140 = arith.constant 0 : i32
    %dma_wait3A_141 = arith.constant 0 : i32
    %dma_wait3A_142 = tpu.memref_slice %arg3[%add3A, %dma_wait3A_140, %dma_wait3A_141] : memref<32x80x125xi32, #tpu.memory_space<hbm>> -> memref<1x1x125xi32, #tpu.memory_space<hbm>>
    %dma_wait3A_143 = tpu.memref_squeeze %dma_wait3A_142 : memref<1x1x125xi32, #tpu.memory_space<hbm>> -> memref<125xi32, #tpu.memory_space<hbm>>
    %dma_wait3A_144 = arith.constant 0 : i32
    %dma_wait3A_145 = tpu.memref_slice %arg3[%add3A, %dma_wait3A_140, %dma_wait3A_144] : memref<32x80x125xi32, #tpu.memory_space<hbm>> -> memref<1x1x125xi32, #tpu.memory_space<hbm>>
    %dma_wait3A_146 = tpu.memref_squeeze %dma_wait3A_145 : memref<1x1x125xi32, #tpu.memory_space<hbm>> -> memref<125xi32, #tpu.memory_space<hbm>>
    tpu.wait_dma2 semaphore(%arg13 : memref<!tpu.dma_semaphore, #tpu.memory_space<semaphore_mem>>) src(%dma_wait3A_146 : memref<125xi32, #tpu.memory_space<hbm>>) dst(%arg7 : memref<125xi32, #tpu.memory_space<vmem>>)
    %dma_start3A_147 = arith.constant 0 : i32
    %dma_start3A_148 = arith.constant 0 : i32
    %dma_start3A_149 = tpu.memref_slice %arg2[%dma_start3A_147, %dma_start3A_148] : memref<10000x128xf32, #tpu.memory_space<hbm>> -> memref<10000x128xf32, #tpu.memory_space<hbm>>
    tpu.enqueue_indirect_dma source(%dma_start3A_149 : memref<10000x128xf32, #tpu.memory_space<hbm>>) target(%arg11 : memref<125x128xf32, #tpu.memory_space<vmem>>) offsets(%arg7 : memref<125xi32, #tpu.memory_space<vmem>>) semaphore(%arg17 : memref<!tpu.dma_semaphore, #tpu.memory_space<semaphore_mem>>)
    %dma_wait3A_150 = arith.constant 0 : i32
    %dma_wait3A_151 = arith.constant 0 : i32
    %dma_wait3A_152 = tpu.memref_slice %arg3[%add3A, %dma_wait3A_150, %dma_wait3A_151] : memref<32x80x125xi32, #tpu.memory_space<hbm>> -> memref<1x1x125xi32, #tpu.memory_space<hbm>>
    %dma_wait3A_153 = tpu.memref_squeeze %dma_wait3A_152 : memref<1x1x125xi32, #tpu.memory_space<hbm>> -> memref<125xi32, #tpu.memory_space<hbm>>
    %dma_wait3A_154 = arith.constant 0 : i32
    %dma_wait3A_155 = tpu.memref_slice %arg3[%add3A, %dma_wait3A_150, %dma_wait3A_154] : memref<32x80x125xi32, #tpu.memory_space<hbm>> -> memref<1x1x125xi32, #tpu.memory_space<hbm>>
    %dma_wait3A_156 = tpu.memref_squeeze %dma_wait3A_155 : memref<1x1x125xi32, #tpu.memory_space<hbm>> -> memref<125xi32, #tpu.memory_space<hbm>>
    tpu.wait_dma2 semaphore(%arg14 : memref<!tpu.dma_semaphore, #tpu.memory_space<semaphore_mem>>) src(%dma_wait3A_156 : memref<125xi32, #tpu.memory_space<hbm>>) dst(%arg9 : memref<125xi32, #tpu.memory_space<vmem>>)
    %dma_start3A_157 = arith.constant 0 : i32
    %dma_start3A_158 = arith.constant 0 : i32
    %dma_start3A_159 = tpu.memref_slice %arg2[%dma_start3A_157, %dma_start3A_158] : memref<10000x128xf32, #tpu.memory_space<hbm>> -> memref<10000x128xf32, #tpu.memory_space<hbm>>
    tpu.enqueue_indirect_dma source(%dma_start3A_159 : memref<10000x128xf32, #tpu.memory_space<hbm>>) target(%arg12 : memref<125x128xf32, #tpu.memory_space<vmem>>) offsets(%arg9 : memref<125xi32, #tpu.memory_space<vmem>>) semaphore(%arg18 : memref<!tpu.dma_semaphore, #tpu.memory_space<semaphore_mem>>)
    %scan3A_160 = arith.constant 0 : i32
    %scan3A_161 = arith.constant 0 : i32
    %scan3A_162 = arith.constant 40 : i32
    %scan3A_163 = arith.addi %scan3A_161, %scan3A_162 : i32
    %scan3A_164 = arith.constant 1 : i32
    scf.for %scan3A_257 = %scan3A_161 to %scan3A_163 step %scan3A_164  : i32 {
      %mul3A_258 = arith.constant 2 : i32
      %mul3A_259 = arith.muli %mul3A_258, %scan3A_257 : i32
      %dma_wait3A_260 = arith.constant 0 : i32
      %dma_wait3A_261 = arith.constant 0 : i32
      %dma_wait3A_262 = tpu.memref_slice %arg2[%dma_wait3A_260, %dma_wait3A_261] : memref<10000x128xf32, #tpu.memory_space<hbm>> -> memref<10000x128xf32, #tpu.memory_space<hbm>>
      tpu.wait_indirect_dma semaphore(%arg17 : memref<!tpu.dma_semaphore, #tpu.memory_space<semaphore_mem>>) src(%dma_wait3A_262 : memref<10000x128xf32, #tpu.memory_space<hbm>>) dst(%arg11 : memref<125x128xf32, #tpu.memory_space<vmem>>)
      %add3A_263 = arith.constant 2 : i32
      %add3A_264 = arith.addi %mul3A_259, %add3A_263 : i32
      %lt3A = arith.constant 80 : i32
      %lt3A_265 = arith.cmpi slt, %add3A_264, %lt3A : i32
      %convert_element_type3A = arith.extui %lt3A_265 : i1 to i32
      %cond3A = arith.constant 0 : i32
      %cond3A_266 = arith.cmpi ne, %convert_element_type3A, %cond3A : i32
      scf.if %cond3A_266 {
        %add3A_305 = arith.constant 2 : i32
        %add3A_306 = arith.addi %mul3A_259, %add3A_305 : i32
        %dma_start3A_307 = arith.constant 0 : i32
        %dma_start3A_308 = tpu.memref_slice %arg3[%add3A, %add3A_306, %dma_start3A_307] : memref<32x80x125xi32, #tpu.memory_space<hbm>> -> memref<1x1x125xi32, #tpu.memory_space<hbm>>
        %dma_start3A_309 = tpu.memref_squeeze %dma_start3A_308 : memref<1x1x125xi32, #tpu.memory_space<hbm>> -> memref<125xi32, #tpu.memory_space<hbm>>
        %dma_start3A_310 = arith.constant 0 : i32
        %dma_start3A_311 = tpu.memref_slice %arg3[%add3A, %add3A_306, %dma_start3A_310] : memref<32x80x125xi32, #tpu.memory_space<hbm>> -> memref<1x1x125xi32, #tpu.memory_space<hbm>>
        %dma_start3A_312 = tpu.memref_squeeze %dma_start3A_311 : memref<1x1x125xi32, #tpu.memory_space<hbm>> -> memref<125xi32, #tpu.memory_space<hbm>>
        tpu.enqueue_dma source(%dma_start3A_312 : memref<125xi32, #tpu.memory_space<hbm>>) target(%arg7 : memref<125xi32, #tpu.memory_space<vmem>>) target_semaphore(%arg13 : memref<!tpu.dma_semaphore, #tpu.memory_space<semaphore_mem>>)
      } else {
      }
      %dma_wait3A_267 = arith.constant 0 : i32
      %dma_wait3A_268 = arith.constant 0 : i32
      %dma_wait3A_269 = tpu.memref_slice %arg3[%add3A, %dma_wait3A_267, %dma_wait3A_268] : memref<32x80x125xi32, #tpu.memory_space<hbm>> -> memref<1x1x125xi32, #tpu.memory_space<hbm>>
      %dma_wait3A_270 = tpu.memref_squeeze %dma_wait3A_269 : memref<1x1x125xi32, #tpu.memory_space<hbm>> -> memref<125xi32, #tpu.memory_space<hbm>>
      %dma_wait3A_271 = arith.constant 0 : i32
      %dma_wait3A_272 = tpu.memref_slice %arg3[%add3A, %dma_wait3A_267, %dma_wait3A_271] : memref<32x80x125xi32, #tpu.memory_space<hbm>> -> memref<1x1x125xi32, #tpu.memory_space<hbm>>
      %dma_wait3A_273 = tpu.memref_squeeze %dma_wait3A_272 : memref<1x1x125xi32, #tpu.memory_space<hbm>> -> memref<125xi32, #tpu.memory_space<hbm>>
      tpu.wait_dma2 semaphore(%arg15 : memref<!tpu.dma_semaphore, #tpu.memory_space<semaphore_mem>>) src(%dma_wait3A_273 : memref<125xi32, #tpu.memory_space<hbm>>) dst(%arg8 : memref<125xi32, #tpu.memory_space<vmem>>)
      "tpu.region"() ({
        %run_scoped3A = tpu.sem_alloc : memref<!tpu.dma_semaphore, #tpu.memory_space<semaphore_mem>>
        %dma_start3A_305 = arith.constant 0 : i32
        %dma_start3A_306 = arith.constant 0 : i32
        %dma_start3A_307 = tpu.memref_slice %arg6[%dma_start3A_305, %dma_start3A_306] : memref<10240x128xf32, #tpu.memory_space<vmem_shared>> -> memref<10240x128xf32, #tpu.memory_space<vmem_shared>>
        tpu.enqueue_indirect_dma source(%arg11 : memref<125x128xf32, #tpu.memory_space<vmem>>) target(%dma_start3A_307 : memref<10240x128xf32, #tpu.memory_space<vmem_shared>>) offsets(%arg8 : memref<125xi32, #tpu.memory_space<vmem>>) semaphore(%run_scoped3A : memref<!tpu.dma_semaphore, #tpu.memory_space<semaphore_mem>>) {add = true}
        %dma_wait3A_308 = arith.constant 0 : i32
        %dma_wait3A_309 = arith.constant 0 : i32
        %dma_wait3A_310 = tpu.memref_slice %arg6[%dma_wait3A_308, %dma_wait3A_309] : memref<10240x128xf32, #tpu.memory_space<vmem_shared>> -> memref<10240x128xf32, #tpu.memory_space<vmem_shared>>
        tpu.wait_indirect_dma semaphore(%run_scoped3A : memref<!tpu.dma_semaphore, #tpu.memory_space<semaphore_mem>>) src(%arg11 : memref<125x128xf32, #tpu.memory_space<vmem>>) dst(%dma_wait3A_310 : memref<10240x128xf32, #tpu.memory_space<vmem_shared>>)
        tpu.yield
      }) : () -> ()
      %add3A_274 = arith.constant 2 : i32
      %add3A_275 = arith.addi %mul3A_259, %add3A_274 : i32
      %lt3A_276 = arith.constant 80 : i32
      %lt3A_277 = arith.cmpi slt, %add3A_275, %lt3A_276 : i32
      %convert_element_type3A_278 = arith.extui %lt3A_277 : i1 to i32
      %cond3A_279 = arith.constant 0 : i32
      %cond3A_280 = arith.cmpi ne, %convert_element_type3A_278, %cond3A_279 : i32
      scf.if %cond3A_280 {
        %add3A_305 = arith.constant 2 : i32
        %add3A_306 = arith.addi %mul3A_259, %add3A_305 : i32
        %dma_start3A_307 = arith.constant 0 : i32
        %dma_start3A_308 = tpu.memref_slice %arg4[%add3A, %add3A_306, %dma_start3A_307] : memref<32x80x125xi32, #tpu.memory_space<hbm>> -> memref<1x1x125xi32, #tpu.memory_space<hbm>>
        %dma_start3A_309 = tpu.memref_squeeze %dma_start3A_308 : memref<1x1x125xi32, #tpu.memory_space<hbm>> -> memref<125xi32, #tpu.memory_space<hbm>>
        %dma_start3A_310 = arith.constant 0 : i32
        %dma_start3A_311 = tpu.memref_slice %arg4[%add3A, %add3A_306, %dma_start3A_310] : memref<32x80x125xi32, #tpu.memory_space<hbm>> -> memref<1x1x125xi32, #tpu.memory_space<hbm>>
        %dma_start3A_312 = tpu.memref_squeeze %dma_start3A_311 : memref<1x1x125xi32, #tpu.memory_space<hbm>> -> memref<125xi32, #tpu.memory_space<hbm>>
        tpu.enqueue_dma source(%dma_start3A_312 : memref<125xi32, #tpu.memory_space<hbm>>) target(%arg8 : memref<125xi32, #tpu.memory_space<vmem>>) target_semaphore(%arg15 : memref<!tpu.dma_semaphore, #tpu.memory_space<semaphore_mem>>)
        %dma_wait3A_313 = arith.constant 0 : i32
        %dma_wait3A_314 = arith.constant 0 : i32
        %dma_wait3A_315 = tpu.memref_slice %arg3[%add3A, %dma_wait3A_313, %dma_wait3A_314] : memref<32x80x125xi32, #tpu.memory_space<hbm>> -> memref<1x1x125xi32, #tpu.memory_space<hbm>>
        %dma_wait3A_316 = tpu.memref_squeeze %dma_wait3A_315 : memref<1x1x125xi32, #tpu.memory_space<hbm>> -> memref<125xi32, #tpu.memory_space<hbm>>
        %dma_wait3A_317 = arith.constant 0 : i32
        %dma_wait3A_318 = tpu.memref_slice %arg3[%add3A, %dma_wait3A_313, %dma_wait3A_317] : memref<32x80x125xi32, #tpu.memory_space<hbm>> -> memref<1x1x125xi32, #tpu.memory_space<hbm>>
        %dma_wait3A_319 = tpu.memref_squeeze %dma_wait3A_318 : memref<1x1x125xi32, #tpu.memory_space<hbm>> -> memref<125xi32, #tpu.memory_space<hbm>>
        tpu.wait_dma2 semaphore(%arg13 : memref<!tpu.dma_semaphore, #tpu.memory_space<semaphore_mem>>) src(%dma_wait3A_319 : memref<125xi32, #tpu.memory_space<hbm>>) dst(%arg7 : memref<125xi32, #tpu.memory_space<vmem>>)
        %dma_start3A_320 = arith.constant 0 : i32
        %dma_start3A_321 = arith.constant 0 : i32
        %dma_start3A_322 = tpu.memref_slice %arg2[%dma_start3A_320, %dma_start3A_321] : memref<10000x128xf32, #tpu.memory_space<hbm>> -> memref<10000x128xf32, #tpu.memory_space<hbm>>
        tpu.enqueue_indirect_dma source(%dma_start3A_322 : memref<10000x128xf32, #tpu.memory_space<hbm>>) target(%arg11 : memref<125x128xf32, #tpu.memory_space<vmem>>) offsets(%arg7 : memref<125xi32, #tpu.memory_space<vmem>>) semaphore(%arg17 : memref<!tpu.dma_semaphore, #tpu.memory_space<semaphore_mem>>)
      } else {
      }
      %dma_wait3A_281 = arith.constant 0 : i32
      %dma_wait3A_282 = arith.constant 0 : i32
      %dma_wait3A_283 = tpu.memref_slice %arg2[%dma_wait3A_281, %dma_wait3A_282] : memref<10000x128xf32, #tpu.memory_space<hbm>> -> memref<10000x128xf32, #tpu.memory_space<hbm>>
      tpu.wait_indirect_dma semaphore(%arg18 : memref<!tpu.dma_semaphore, #tpu.memory_space<semaphore_mem>>) src(%dma_wait3A_283 : memref<10000x128xf32, #tpu.memory_space<hbm>>) dst(%arg12 : memref<125x128xf32, #tpu.memory_space<vmem>>)
      %add3A_284 = arith.constant 3 : i32
      %add3A_285 = arith.addi %mul3A_259, %add3A_284 : i32
      %lt3A_286 = arith.constant 80 : i32
      %lt3A_287 = arith.cmpi slt, %add3A_285, %lt3A_286 : i32
      %convert_element_type3A_288 = arith.extui %lt3A_287 : i1 to i32
      %cond3A_289 = arith.constant 0 : i32
      %cond3A_290 = arith.cmpi ne, %convert_element_type3A_288, %cond3A_289 : i32
      scf.if %cond3A_290 {
        %add3A_305 = arith.constant 3 : i32
        %add3A_306 = arith.addi %mul3A_259, %add3A_305 : i32
        %dma_start3A_307 = arith.constant 0 : i32
        %dma_start3A_308 = tpu.memref_slice %arg3[%add3A, %add3A_306, %dma_start3A_307] : memref<32x80x125xi32, #tpu.memory_space<hbm>> -> memref<1x1x125xi32, #tpu.memory_space<hbm>>
        %dma_start3A_309 = tpu.memref_squeeze %dma_start3A_308 : memref<1x1x125xi32, #tpu.memory_space<hbm>> -> memref<125xi32, #tpu.memory_space<hbm>>
        %dma_start3A_310 = arith.constant 0 : i32
        %dma_start3A_311 = tpu.memref_slice %arg3[%add3A, %add3A_306, %dma_start3A_310] : memref<32x80x125xi32, #tpu.memory_space<hbm>> -> memref<1x1x125xi32, #tpu.memory_space<hbm>>
        %dma_start3A_312 = tpu.memref_squeeze %dma_start3A_311 : memref<1x1x125xi32, #tpu.memory_space<hbm>> -> memref<125xi32, #tpu.memory_space<hbm>>
        tpu.enqueue_dma source(%dma_start3A_312 : memref<125xi32, #tpu.memory_space<hbm>>) target(%arg9 : memref<125xi32, #tpu.memory_space<vmem>>) target_semaphore(%arg14 : memref<!tpu.dma_semaphore, #tpu.memory_space<semaphore_mem>>)
      } else {
      }
      %dma_wait3A_291 = arith.constant 0 : i32
      %dma_wait3A_292 = arith.constant 0 : i32
      %dma_wait3A_293 = tpu.memref_slice %arg3[%add3A, %dma_wait3A_291, %dma_wait3A_292] : memref<32x80x125xi32, #tpu.memory_space<hbm>> -> memref<1x1x125xi32, #tpu.memory_space<hbm>>
      %dma_wait3A_294 = tpu.memref_squeeze %dma_wait3A_293 : memref<1x1x125xi32, #tpu.memory_space<hbm>> -> memref<125xi32, #tpu.memory_space<hbm>>
      %dma_wait3A_295 = arith.constant 0 : i32
      %dma_wait3A_296 = tpu.memref_slice %arg3[%add3A, %dma_wait3A_291, %dma_wait3A_295] : memref<32x80x125xi32, #tpu.memory_space<hbm>> -> memref<1x1x125xi32, #tpu.memory_space<hbm>>
      %dma_wait3A_297 = tpu.memref_squeeze %dma_wait3A_296 : memref<1x1x125xi32, #tpu.memory_space<hbm>> -> memref<125xi32, #tpu.memory_space<hbm>>
      tpu.wait_dma2 semaphore(%arg16 : memref<!tpu.dma_semaphore, #tpu.memory_space<semaphore_mem>>) src(%dma_wait3A_297 : memref<125xi32, #tpu.memory_space<hbm>>) dst(%arg10 : memref<125xi32, #tpu.memory_space<vmem>>)
      "tpu.region"() ({
        %run_scoped3A = tpu.sem_alloc : memref<!tpu.dma_semaphore, #tpu.memory_space<semaphore_mem>>
        %dma_start3A_305 = arith.constant 0 : i32
        %dma_start3A_306 = arith.constant 0 : i32
        %dma_start3A_307 = tpu.memref_slice %arg6[%dma_start3A_305, %dma_start3A_306] : memref<10240x128xf32, #tpu.memory_space<vmem_shared>> -> memref<10240x128xf32, #tpu.memory_space<vmem_shared>>
        tpu.enqueue_indirect_dma source(%arg12 : memref<125x128xf32, #tpu.memory_space<vmem>>) target(%dma_start3A_307 : memref<10240x128xf32, #tpu.memory_space<vmem_shared>>) offsets(%arg10 : memref<125xi32, #tpu.memory_space<vmem>>) semaphore(%run_scoped3A : memref<!tpu.dma_semaphore, #tpu.memory_space<semaphore_mem>>) {add = true}
        %dma_wait3A_308 = arith.constant 0 : i32
        %dma_wait3A_309 = arith.constant 0 : i32
        %dma_wait3A_310 = tpu.memref_slice %arg6[%dma_wait3A_308, %dma_wait3A_309] : memref<10240x128xf32, #tpu.memory_space<vmem_shared>> -> memref<10240x128xf32, #tpu.memory_space<vmem_shared>>
        tpu.wait_indirect_dma semaphore(%run_scoped3A : memref<!tpu.dma_semaphore, #tpu.memory_space<semaphore_mem>>) src(%arg12 : memref<125x128xf32, #tpu.memory_space<vmem>>) dst(%dma_wait3A_310 : memref<10240x128xf32, #tpu.memory_space<vmem_shared>>)
        tpu.yield
      }) : () -> ()
      %add3A_298 = arith.constant 3 : i32
      %add3A_299 = arith.addi %mul3A_259, %add3A_298 : i32
      %lt3A_300 = arith.constant 80 : i32
      %lt3A_301 = arith.cmpi slt, %add3A_299, %lt3A_300 : i32
      %convert_element_type3A_302 = arith.extui %lt3A_301 : i1 to i32
      %cond3A_303 = arith.constant 0 : i32
      %cond3A_304 = arith.cmpi ne, %convert_element_type3A_302, %cond3A_303 : i32
      scf.if %cond3A_304 {
        %add3A_305 = arith.constant 3 : i32
        %add3A_306 = arith.addi %mul3A_259, %add3A_305 : i32
        %dma_start3A_307 = arith.constant 0 : i32
        %dma_start3A_308 = tpu.memref_slice %arg4[%add3A, %add3A_306, %dma_start3A_307] : memref<32x80x125xi32, #tpu.memory_space<hbm>> -> memref<1x1x125xi32, #tpu.memory_space<hbm>>
        %dma_start3A_309 = tpu.memref_squeeze %dma_start3A_308 : memref<1x1x125xi32, #tpu.memory_space<hbm>> -> memref<125xi32, #tpu.memory_space<hbm>>
        %dma_start3A_310 = arith.constant 0 : i32
        %dma_start3A_311 = tpu.memref_slice %arg4[%add3A, %add3A_306, %dma_start3A_310] : memref<32x80x125xi32, #tpu.memory_space<hbm>> -> memref<1x1x125xi32, #tpu.memory_space<hbm>>
        %dma_start3A_312 = tpu.memref_squeeze %dma_start3A_311 : memref<1x1x125xi32, #tpu.memory_space<hbm>> -> memref<125xi32, #tpu.memory_space<hbm>>
        tpu.enqueue_dma source(%dma_start3A_312 : memref<125xi32, #tpu.memory_space<hbm>>) target(%arg10 : memref<125xi32, #tpu.memory_space<vmem>>) target_semaphore(%arg16 : memref<!tpu.dma_semaphore, #tpu.memory_space<semaphore_mem>>)
        %dma_wait3A_313 = arith.constant 0 : i32
        %dma_wait3A_314 = arith.constant 0 : i32
        %dma_wait3A_315 = tpu.memref_slice %arg3[%add3A, %dma_wait3A_313, %dma_wait3A_314] : memref<32x80x125xi32, #tpu.memory_space<hbm>> -> memref<1x1x125xi32, #tpu.memory_space<hbm>>
        %dma_wait3A_316 = tpu.memref_squeeze %dma_wait3A_315 : memref<1x1x125xi32, #tpu.memory_space<hbm>> -> memref<125xi32, #tpu.memory_space<hbm>>
        %dma_wait3A_317 = arith.constant 0 : i32
        %dma_wait3A_318 = tpu.memref_slice %arg3[%add3A, %dma_wait3A_313, %dma_wait3A_317] : memref<32x80x125xi32, #tpu.memory_space<hbm>> -> memref<1x1x125xi32, #tpu.memory_space<hbm>>
        %dma_wait3A_319 = tpu.memref_squeeze %dma_wait3A_318 : memref<1x1x125xi32, #tpu.memory_space<hbm>> -> memref<125xi32, #tpu.memory_space<hbm>>
        tpu.wait_dma2 semaphore(%arg14 : memref<!tpu.dma_semaphore, #tpu.memory_space<semaphore_mem>>) src(%dma_wait3A_319 : memref<125xi32, #tpu.memory_space<hbm>>) dst(%arg9 : memref<125xi32, #tpu.memory_space<vmem>>)
        %dma_start3A_320 = arith.constant 0 : i32
        %dma_start3A_321 = arith.constant 0 : i32
        %dma_start3A_322 = tpu.memref_slice %arg2[%dma_start3A_320, %dma_start3A_321] : memref<10000x128xf32, #tpu.memory_space<hbm>> -> memref<10000x128xf32, #tpu.memory_space<hbm>>
        tpu.enqueue_indirect_dma source(%dma_start3A_322 : memref<10000x128xf32, #tpu.memory_space<hbm>>) target(%arg12 : memref<125x128xf32, #tpu.memory_space<vmem>>) offsets(%arg9 : memref<125xi32, #tpu.memory_space<vmem>>) semaphore(%arg18 : memref<!tpu.dma_semaphore, #tpu.memory_space<semaphore_mem>>)
      } else {
      }
    }
    %scan3A_165 = arith.constant 40 : i32
    %barrier3A_166 = arith.constant 0 : index
    tpu.barrier barrier_id(%barrier3A_166)
    %mul3A_167 = arith.constant 640 : i32
    %mul3A_168 = arith.muli %arg1, %mul3A_167 : i32
    %add3A_169 = arith.constant 0 : i32
    %add3A_170 = arith.addi %mul3A_168, %add3A_169 : i32
    %dma_start3A_171 = arith.constant 0 : i32
    %dma_start3A_172 = tpu.memref_slice %arg5[%arg0, %add3A_170, %dma_start3A_171] : memref<2x10240x128xf32, #tpu.memory_space<hbm>> -> memref<1x128x128xf32, #tpu.memory_space<hbm>>
    %dma_start3A_173 = tpu.memref_squeeze %dma_start3A_172 : memref<1x128x128xf32, #tpu.memory_space<hbm>> -> memref<128x128xf32, #tpu.memory_space<hbm>>
    %dma_start3A_174 = arith.constant 0 : i32
    %dma_start3A_175 = tpu.memref_slice %arg6[%add3A_170, %dma_start3A_174] : memref<10240x128xf32, #tpu.memory_space<vmem_shared>> -> memref<128x128xf32, #tpu.memory_space<vmem_shared>>
    tpu.enqueue_dma source(%dma_start3A_175 : memref<128x128xf32, #tpu.memory_space<vmem_shared>>) target(%dma_start3A_173 : memref<128x128xf32, #tpu.memory_space<hbm>>) target_semaphore(%arg21 : memref<!tpu.dma_semaphore, #tpu.memory_space<semaphore_mem>>)
    %mul3A_176 = arith.constant 640 : i32
    %mul3A_177 = arith.muli %arg1, %mul3A_176 : i32
    %add3A_178 = arith.constant 128 : i32
    %add3A_179 = arith.addi %mul3A_177, %add3A_178 : i32
    %dma_start3A_180 = arith.constant 0 : i32
    %dma_start3A_181 = tpu.memref_slice %arg5[%arg0, %add3A_179, %dma_start3A_180] : memref<2x10240x128xf32, #tpu.memory_space<hbm>> -> memref<1x128x128xf32, #tpu.memory_space<hbm>>
    %dma_start3A_182 = tpu.memref_squeeze %dma_start3A_181 : memref<1x128x128xf32, #tpu.memory_space<hbm>> -> memref<128x128xf32, #tpu.memory_space<hbm>>
    %dma_start3A_183 = arith.constant 0 : i32
    %dma_start3A_184 = tpu.memref_slice %arg6[%add3A_179, %dma_start3A_183] : memref<10240x128xf32, #tpu.memory_space<vmem_shared>> -> memref<128x128xf32, #tpu.memory_space<vmem_shared>>
    tpu.enqueue_dma source(%dma_start3A_184 : memref<128x128xf32, #tpu.memory_space<vmem_shared>>) target(%dma_start3A_182 : memref<128x128xf32, #tpu.memory_space<hbm>>) target_semaphore(%arg21 : memref<!tpu.dma_semaphore, #tpu.memory_space<semaphore_mem>>)
    %mul3A_185 = arith.constant 640 : i32
    %mul3A_186 = arith.muli %arg1, %mul3A_185 : i32
    %add3A_187 = arith.constant 256 : i32
    %add3A_188 = arith.addi %mul3A_186, %add3A_187 : i32
    %dma_start3A_189 = arith.constant 0 : i32
    %dma_start3A_190 = tpu.memref_slice %arg5[%arg0, %add3A_188, %dma_start3A_189] : memref<2x10240x128xf32, #tpu.memory_space<hbm>> -> memref<1x128x128xf32, #tpu.memory_space<hbm>>
    %dma_start3A_191 = tpu.memref_squeeze %dma_start3A_190 : memref<1x128x128xf32, #tpu.memory_space<hbm>> -> memref<128x128xf32, #tpu.memory_space<hbm>>
    %dma_start3A_192 = arith.constant 0 : i32
    %dma_start3A_193 = tpu.memref_slice %arg6[%add3A_188, %dma_start3A_192] : memref<10240x128xf32, #tpu.memory_space<vmem_shared>> -> memref<128x128xf32, #tpu.memory_space<vmem_shared>>
    tpu.enqueue_dma source(%dma_start3A_193 : memref<128x128xf32, #tpu.memory_space<vmem_shared>>) target(%dma_start3A_191 : memref<128x128xf32, #tpu.memory_space<hbm>>) target_semaphore(%arg21 : memref<!tpu.dma_semaphore, #tpu.memory_space<semaphore_mem>>)
    %mul3A_194 = arith.constant 640 : i32
    %mul3A_195 = arith.muli %arg1, %mul3A_194 : i32
    %add3A_196 = arith.constant 384 : i32
    %add3A_197 = arith.addi %mul3A_195, %add3A_196 : i32
    %dma_start3A_198 = arith.constant 0 : i32
    %dma_start3A_199 = tpu.memref_slice %arg5[%arg0, %add3A_197, %dma_start3A_198] : memref<2x10240x128xf32, #tpu.memory_space<hbm>> -> memref<1x128x128xf32, #tpu.memory_space<hbm>>
    %dma_start3A_200 = tpu.memref_squeeze %dma_start3A_199 : memref<1x128x128xf32, #tpu.memory_space<hbm>> -> memref<128x128xf32, #tpu.memory_space<hbm>>
    %dma_start3A_201 = arith.constant 0 : i32
    %dma_start3A_202 = tpu.memref_slice %arg6[%add3A_197, %dma_start3A_201] : memref<10240x128xf32, #tpu.memory_space<vmem_shared>> -> memref<128x128xf32, #tpu.memory_space<vmem_shared>>
    tpu.enqueue_dma source(%dma_start3A_202 : memref<128x128xf32, #tpu.memory_space<vmem_shared>>) target(%dma_start3A_200 : memref<128x128xf32, #tpu.memory_space<hbm>>) target_semaphore(%arg21 : memref<!tpu.dma_semaphore, #tpu.memory_space<semaphore_mem>>)
    %mul3A_203 = arith.constant 640 : i32
    %mul3A_204 = arith.muli %arg1, %mul3A_203 : i32
    %add3A_205 = arith.constant 512 : i32
    %add3A_206 = arith.addi %mul3A_204, %add3A_205 : i32
    %dma_start3A_207 = arith.constant 0 : i32
    %dma_start3A_208 = tpu.memref_slice %arg5[%arg0, %add3A_206, %dma_start3A_207] : memref<2x10240x128xf32, #tpu.memory_space<hbm>> -> memref<1x128x128xf32, #tpu.memory_space<hbm>>
    %dma_start3A_209 = tpu.memref_squeeze %dma_start3A_208 : memref<1x128x128xf32, #tpu.memory_space<hbm>> -> memref<128x128xf32, #tpu.memory_space<hbm>>
    %dma_start3A_210 = arith.constant 0 : i32
    %dma_start3A_211 = tpu.memref_slice %arg6[%add3A_206, %dma_start3A_210] : memref<10240x128xf32, #tpu.memory_space<vmem_shared>> -> memref<128x128xf32, #tpu.memory_space<vmem_shared>>
    tpu.enqueue_dma source(%dma_start3A_211 : memref<128x128xf32, #tpu.memory_space<vmem_shared>>) target(%dma_start3A_209 : memref<128x128xf32, #tpu.memory_space<hbm>>) target_semaphore(%arg21 : memref<!tpu.dma_semaphore, #tpu.memory_space<semaphore_mem>>)
    %mul3A_212 = arith.constant 640 : i32
    %mul3A_213 = arith.muli %arg1, %mul3A_212 : i32
    %add3A_214 = arith.constant 0 : i32
    %add3A_215 = arith.addi %mul3A_213, %add3A_214 : i32
    %dma_wait3A_216 = arith.constant 0 : i32
    %dma_wait3A_217 = tpu.memref_slice %arg5[%arg0, %add3A_215, %dma_wait3A_216] : memref<2x10240x128xf32, #tpu.memory_space<hbm>> -> memref<1x128x128xf32, #tpu.memory_space<hbm>>
    %dma_wait3A_218 = tpu.memref_squeeze %dma_wait3A_217 : memref<1x128x128xf32, #tpu.memory_space<hbm>> -> memref<128x128xf32, #tpu.memory_space<hbm>>
    %dma_wait3A_219 = arith.constant 0 : i32
    %dma_wait3A_220 = tpu.memref_slice %arg6[%add3A_215, %dma_wait3A_219] : memref<10240x128xf32, #tpu.memory_space<vmem_shared>> -> memref<128x128xf32, #tpu.memory_space<vmem_shared>>
    tpu.wait_dma2 semaphore(%arg21 : memref<!tpu.dma_semaphore, #tpu.memory_space<semaphore_mem>>) src(%dma_wait3A_220 : memref<128x128xf32, #tpu.memory_space<vmem_shared>>) dst(%dma_wait3A_218 : memref<128x128xf32, #tpu.memory_space<hbm>>)
    %mul3A_221 = arith.constant 640 : i32
    %mul3A_222 = arith.muli %arg1, %mul3A_221 : i32
    %add3A_223 = arith.constant 128 : i32
    %add3A_224 = arith.addi %mul3A_222, %add3A_223 : i32
    %dma_wait3A_225 = arith.constant 0 : i32
    %dma_wait3A_226 = tpu.memref_slice %arg5[%arg0, %add3A_224, %dma_wait3A_225] : memref<2x10240x128xf32, #tpu.memory_space<hbm>> -> memref<1x128x128xf32, #tpu.memory_space<hbm>>
    %dma_wait3A_227 = tpu.memref_squeeze %dma_wait3A_226 : memref<1x128x128xf32, #tpu.memory_space<hbm>> -> memref<128x128xf32, #tpu.memory_space<hbm>>
    %dma_wait3A_228 = arith.constant 0 : i32
    %dma_wait3A_229 = tpu.memref_slice %arg6[%add3A_224, %dma_wait3A_228] : memref<10240x128xf32, #tpu.memory_space<vmem_shared>> -> memref<128x128xf32, #tpu.memory_space<vmem_shared>>
    tpu.wait_dma2 semaphore(%arg21 : memref<!tpu.dma_semaphore, #tpu.memory_space<semaphore_mem>>) src(%dma_wait3A_229 : memref<128x128xf32, #tpu.memory_space<vmem_shared>>) dst(%dma_wait3A_227 : memref<128x128xf32, #tpu.memory_space<hbm>>)
    %mul3A_230 = arith.constant 640 : i32
    %mul3A_231 = arith.muli %arg1, %mul3A_230 : i32
    %add3A_232 = arith.constant 256 : i32
    %add3A_233 = arith.addi %mul3A_231, %add3A_232 : i32
    %dma_wait3A_234 = arith.constant 0 : i32
    %dma_wait3A_235 = tpu.memref_slice %arg5[%arg0, %add3A_233, %dma_wait3A_234] : memref<2x10240x128xf32, #tpu.memory_space<hbm>> -> memref<1x128x128xf32, #tpu.memory_space<hbm>>
    %dma_wait3A_236 = tpu.memref_squeeze %dma_wait3A_235 : memref<1x128x128xf32, #tpu.memory_space<hbm>> -> memref<128x128xf32, #tpu.memory_space<hbm>>
    %dma_wait3A_237 = arith.constant 0 : i32
    %dma_wait3A_238 = tpu.memref_slice %arg6[%add3A_233, %dma_wait3A_237] : memref<10240x128xf32, #tpu.memory_space<vmem_shared>> -> memref<128x128xf32, #tpu.memory_space<vmem_shared>>
    tpu.wait_dma2 semaphore(%arg21 : memref<!tpu.dma_semaphore, #tpu.memory_space<semaphore_mem>>) src(%dma_wait3A_238 : memref<128x128xf32, #tpu.memory_space<vmem_shared>>) dst(%dma_wait3A_236 : memref<128x128xf32, #tpu.memory_space<hbm>>)
    %mul3A_239 = arith.constant 640 : i32
    %mul3A_240 = arith.muli %arg1, %mul3A_239 : i32
    %add3A_241 = arith.constant 384 : i32
    %add3A_242 = arith.addi %mul3A_240, %add3A_241 : i32
    %dma_wait3A_243 = arith.constant 0 : i32
    %dma_wait3A_244 = tpu.memref_slice %arg5[%arg0, %add3A_242, %dma_wait3A_243] : memref<2x10240x128xf32, #tpu.memory_space<hbm>> -> memref<1x128x128xf32, #tpu.memory_space<hbm>>
    %dma_wait3A_245 = tpu.memref_squeeze %dma_wait3A_244 : memref<1x128x128xf32, #tpu.memory_space<hbm>> -> memref<128x128xf32, #tpu.memory_space<hbm>>
    %dma_wait3A_246 = arith.constant 0 : i32
    %dma_wait3A_247 = tpu.memref_slice %arg6[%add3A_242, %dma_wait3A_246] : memref<10240x128xf32, #tpu.memory_space<vmem_shared>> -> memref<128x128xf32, #tpu.memory_space<vmem_shared>>
    tpu.wait_dma2 semaphore(%arg21 : memref<!tpu.dma_semaphore, #tpu.memory_space<semaphore_mem>>) src(%dma_wait3A_247 : memref<128x128xf32, #tpu.memory_space<vmem_shared>>) dst(%dma_wait3A_245 : memref<128x128xf32, #tpu.memory_space<hbm>>)
    %mul3A_248 = arith.constant 640 : i32
    %mul3A_249 = arith.muli %arg1, %mul3A_248 : i32
    %add3A_250 = arith.constant 512 : i32
    %add3A_251 = arith.addi %mul3A_249, %add3A_250 : i32
    %dma_wait3A_252 = arith.constant 0 : i32
    %dma_wait3A_253 = tpu.memref_slice %arg5[%arg0, %add3A_251, %dma_wait3A_252] : memref<2x10240x128xf32, #tpu.memory_space<hbm>> -> memref<1x128x128xf32, #tpu.memory_space<hbm>>
    %dma_wait3A_254 = tpu.memref_squeeze %dma_wait3A_253 : memref<1x128x128xf32, #tpu.memory_space<hbm>> -> memref<128x128xf32, #tpu.memory_space<hbm>>
    %dma_wait3A_255 = arith.constant 0 : i32
    %dma_wait3A_256 = tpu.memref_slice %arg6[%add3A_251, %dma_wait3A_255] : memref<10240x128xf32, #tpu.memory_space<vmem_shared>> -> memref<128x128xf32, #tpu.memory_space<vmem_shared>>
    tpu.wait_dma2 semaphore(%arg21 : memref<!tpu.dma_semaphore, #tpu.memory_space<semaphore_mem>>) src(%dma_wait3A_256 : memref<128x128xf32, #tpu.memory_space<vmem_shared>>) dst(%dma_wait3A_254 : memref<128x128xf32, #tpu.memory_space<hbm>>)
    return
  }
}

#map = affine_map<(d0, d1) -> (0, 0)>
#map1 = affine_map<(d0, d1) -> (0, 0, 0)>
module attributes {stable_mosaic.version = 14 : i64} {
  func.func @_agg_body(%arg0: i32, %arg1: i32, %arg2: memref<10000x128xf32, #tpu.memory_space<hbm>>, %arg3: memref<32x80x125xi32, #tpu.memory_space<hbm>>, %arg4: memref<32x80x125xi32, #tpu.memory_space<hbm>>, %arg5: memref<2x10240x128xf32, #tpu.memory_space<hbm>>, %arg6: memref<10240x128xf32, #tpu.memory_space<vmem_shared>>, %arg7: memref<125xi32, #tpu.memory_space<vmem>>, %arg8: memref<125xi32, #tpu.memory_space<vmem>>, %arg9: memref<125xi32, #tpu.memory_space<vmem>>, %arg10: memref<125xi32, #tpu.memory_space<vmem>>, %arg11: memref<125x128xf32, #tpu.memory_space<vmem>>, %arg12: memref<125x128xf32, #tpu.memory_space<vmem>>, %arg13: memref<!tpu.dma_semaphore, #tpu.memory_space<semaphore_mem>>, %arg14: memref<!tpu.dma_semaphore, #tpu.memory_space<semaphore_mem>>, %arg15: memref<!tpu.dma_semaphore, #tpu.memory_space<semaphore_mem>>, %arg16: memref<!tpu.dma_semaphore, #tpu.memory_space<semaphore_mem>>, %arg17: memref<!tpu.dma_semaphore, #tpu.memory_space<semaphore_mem>>, %arg18: memref<!tpu.dma_semaphore, #tpu.memory_space<semaphore_mem>>, %arg19: memref<!tpu.dma_semaphore, #tpu.memory_space<semaphore_mem>>, %arg20: memref<!tpu.dma_semaphore, #tpu.memory_space<semaphore_mem>>, %arg21: memref<!tpu.dma_semaphore, #tpu.memory_space<semaphore_mem>>) attributes {dimension_semantics = [#tpu.dimension_semantics<core_parallel>, #tpu.dimension_semantics<subcore_parallel>], iteration_bounds = array<i64: 2, 16>, scalar_prefetch = 0 : i64, scratch_operands = 16 : i64, tpu.core_type = #tpu.core_type<sc_vector_subcore>, window_params = [{transform_indices = #map}, {transform_indices = #map1}, {transform_indices = #map1}, {transform_indices = #map1}]} {
    %mul3A = arith.constant 16 : i32
    %mul3A_0 = arith.muli %arg0, %mul3A : i32
    %add3A = arith.addi %mul3A_0, %arg1 : i32
    %scan3A = arith.constant 0 : i32
    %scan3A_1 = arith.constant 0 : i32
    %scan3A_2 = arith.constant 125 : i32
    %scan3A_3 = arith.addi %scan3A_1, %scan3A_2 : i32
    %scan3A_4 = arith.constant 1 : i32
    scf.for %scan3A_257 = %scan3A_1 to %scan3A_3 step %scan3A_4  : i32 {
      %broadcast_in_dim3A = arith.constant 0.000000e+00 : f32
      %broadcast_in_dim3A_258 = vector.broadcast %broadcast_in_dim3A : f32 to vector<16xf32>
      %swap3A = arith.index_cast %scan3A_257 : i32 to index
      %swap3A_259 = arith.constant 0 : index
      %swap3A_260 = tpu.vector_load %arg11[%swap3A, %swap3A_259] {strides = array<i32>} : memref<125x128xf32, #tpu.memory_space<vmem>>, vector<1x16xf32>,
      %swap3A_261 = vector.shape_cast %swap3A_260 : vector<1x16xf32> to vector<16xf32>
      %swap3A_262 = vector.shape_cast %broadcast_in_dim3A_258 : vector<16xf32> to vector<1x16xf32>
      tpu.vector_store %arg11[%swap3A, %swap3A_259], %swap3A_262 {strides = array<i32>} : memref<125x128xf32, #tpu.memory_space<vmem>>, vector<1x16xf32>,
      %broadcast_in_dim3A_263 = arith.constant 0.000000e+00 : f32
      %broadcast_in_dim3A_264 = vector.broadcast %broadcast_in_dim3A_263 : f32 to vector<16xf32>
      %swap3A_265 = arith.index_cast %scan3A_257 : i32 to index
      %swap3A_266 = arith.constant 16 : index
      %swap3A_267 = tpu.vector_load %arg11[%swap3A_265, %swap3A_266] {strides = array<i32>} : memref<125x128xf32, #tpu.memory_space<vmem>>, vector<1x16xf32>,
      %swap3A_268 = vector.shape_cast %swap3A_267 : vector<1x16xf32> to vector<16xf32>
      %swap3A_269 = vector.shape_cast %broadcast_in_dim3A_264 : vector<16xf32> to vector<1x16xf32>
      tpu.vector_store %arg11[%swap3A_265, %swap3A_266], %swap3A_269 {strides = array<i32>} : memref<125x128xf32, #tpu.memory_space<vmem>>, vector<1x16xf32>,
      %broadcast_in_dim3A_270 = arith.constant 0.000000e+00 : f32
      %broadcast_in_dim3A_271 = vector.broadcast %broadcast_in_dim3A_270 : f32 to vector<16xf32>
      %swap3A_272 = arith.index_cast %scan3A_257 : i32 to index
      %swap3A_273 = arith.constant 32 : index
      %swap3A_274 = tpu.vector_load %arg11[%swap3A_272, %swap3A_273] {strides = array<i32>} : memref<125x128xf32, #tpu.memory_space<vmem>>, vector<1x16xf32>,
      %swap3A_275 = vector.shape_cast %swap3A_274 : vector<1x16xf32> to vector<16xf32>
      %swap3A_276 = vector.shape_cast %broadcast_in_dim3A_271 : vector<16xf32> to vector<1x16xf32>
      tpu.vector_store %arg11[%swap3A_272, %swap3A_273], %swap3A_276 {strides = array<i32>} : memref<125x128xf32, #tpu.memory_space<vmem>>, vector<1x16xf32>,
      %broadcast_in_dim3A_277 = arith.constant 0.000000e+00 : f32
      %broadcast_in_dim3A_278 = vector.broadcast %broadcast_in_dim3A_277 : f32 to vector<16xf32>
      %swap3A_279 = arith.index_cast %scan3A_257 : i32 to index
      %swap3A_280 = arith.constant 48 : index
      %swap3A_281 = tpu.vector_load %arg11[%swap3A_279, %swap3A_280] {strides = array<i32>} : memref<125x128xf32, #tpu.memory_space<vmem>>, vector<1x16xf32>,
      %swap3A_282 = vector.shape_cast %swap3A_281 : vector<1x16xf32> to vector<16xf32>
      %swap3A_283 = vector.shape_cast %broadcast_in_dim3A_278 : vector<16xf32> to vector<1x16xf32>
      tpu.vector_store %arg11[%swap3A_279, %swap3A_280], %swap3A_283 {strides = array<i32>} : memref<125x128xf32, #tpu.memory_space<vmem>>, vector<1x16xf32>,
      %broadcast_in_dim3A_284 = arith.constant 0.000000e+00 : f32
      %broadcast_in_dim3A_285 = vector.broadcast %broadcast_in_dim3A_284 : f32 to vector<16xf32>
      %swap3A_286 = arith.index_cast %scan3A_257 : i32 to index
      %swap3A_287 = arith.constant 64 : index
      %swap3A_288 = tpu.vector_load %arg11[%swap3A_286, %swap3A_287] {strides = array<i32>} : memref<125x128xf32, #tpu.memory_space<vmem>>, vector<1x16xf32>,
      %swap3A_289 = vector.shape_cast %swap3A_288 : vector<1x16xf32> to vector<16xf32>
      %swap3A_290 = vector.shape_cast %broadcast_in_dim3A_285 : vector<16xf32> to vector<1x16xf32>
      tpu.vector_store %arg11[%swap3A_286, %swap3A_287], %swap3A_290 {strides = array<i32>} : memref<125x128xf32, #tpu.memory_space<vmem>>, vector<1x16xf32>,
      %broadcast_in_dim3A_291 = arith.constant 0.000000e+00 : f32
      %broadcast_in_dim3A_292 = vector.broadcast %broadcast_in_dim3A_291 : f32 to vector<16xf32>
      %swap3A_293 = arith.index_cast %scan3A_257 : i32 to index
      %swap3A_294 = arith.constant 80 : index
      %swap3A_295 = tpu.vector_load %arg11[%swap3A_293, %swap3A_294] {strides = array<i32>} : memref<125x128xf32, #tpu.memory_space<vmem>>, vector<1x16xf32>,
      %swap3A_296 = vector.shape_cast %swap3A_295 : vector<1x16xf32> to vector<16xf32>
      %swap3A_297 = vector.shape_cast %broadcast_in_dim3A_292 : vector<16xf32> to vector<1x16xf32>
      tpu.vector_store %arg11[%swap3A_293, %swap3A_294], %swap3A_297 {strides = array<i32>} : memref<125x128xf32, #tpu.memory_space<vmem>>, vector<1x16xf32>,
      %broadcast_in_dim3A_298 = arith.constant 0.000000e+00 : f32
      %broadcast_in_dim3A_299 = vector.broadcast %broadcast_in_dim3A_298 : f32 to vector<16xf32>
      %swap3A_300 = arith.index_cast %scan3A_257 : i32 to index
      %swap3A_301 = arith.constant 96 : index
      %swap3A_302 = tpu.vector_load %arg11[%swap3A_300, %swap3A_301] {strides = array<i32>} : memref<125x128xf32, #tpu.memory_space<vmem>>, vector<1x16xf32>,
      %swap3A_303 = vector.shape_cast %swap3A_302 : vector<1x16xf32> to vector<16xf32>
      %swap3A_304 = vector.shape_cast %broadcast_in_dim3A_299 : vector<16xf32> to vector<1x16xf32>
      tpu.vector_store %arg11[%swap3A_300, %swap3A_301], %swap3A_304 {strides = array<i32>} : memref<125x128xf32, #tpu.memory_space<vmem>>, vector<1x16xf32>,
      %broadcast_in_dim3A_305 = arith.constant 0.000000e+00 : f32
      %broadcast_in_dim3A_306 = vector.broadcast %broadcast_in_dim3A_305 : f32 to vector<16xf32>
      %swap3A_307 = arith.index_cast %scan3A_257 : i32 to index
      %swap3A_308 = arith.constant 112 : index
      %swap3A_309 = tpu.vector_load %arg11[%swap3A_307, %swap3A_308] {strides = array<i32>} : memref<125x128xf32, #tpu.memory_space<vmem>>, vector<1x16xf32>,
      %swap3A_310 = vector.shape_cast %swap3A_309 : vector<1x16xf32> to vector<16xf32>
      %swap3A_311 = vector.shape_cast %broadcast_in_dim3A_306 : vector<16xf32> to vector<1x16xf32>
      tpu.vector_store %arg11[%swap3A_307, %swap3A_308], %swap3A_311 {strides = array<i32>} : memref<125x128xf32, #tpu.memory_space<vmem>>, vector<1x16xf32>,
    }
    %scan3A_5 = arith.constant 125 : i32
    %mul3A_6 = arith.constant 640 : i32
    %mul3A_7 = arith.muli %arg1, %mul3A_6 : i32
    %add3A_8 = arith.constant 0 : i32
    %add3A_9 = arith.addi %mul3A_7, %add3A_8 : i32
    %dma_start3A = arith.constant 0 : i32
    %dma_start3A_10 = tpu.memref_slice %arg6[%add3A_9, %dma_start3A] : memref<10240x128xf32, #tpu.memory_space<vmem_shared>> -> memref<125x128xf32, #tpu.memory_space<vmem_shared>>
    %dma_start3A_11 = arith.constant 0 : i32
    %dma_start3A_12 = tpu.memref_slice %arg6[%add3A_9, %dma_start3A_11] : memref<10240x128xf32, #tpu.memory_space<vmem_shared>> -> memref<125x128xf32, #tpu.memory_space<vmem_shared>>
    tpu.enqueue_dma source(%arg11 : memref<125x128xf32, #tpu.memory_space<vmem>>) target(%dma_start3A_12 : memref<125x128xf32, #tpu.memory_space<vmem_shared>>) target_semaphore(%arg21 : memref<!tpu.dma_semaphore, #tpu.memory_space<semaphore_mem>>)
    %mul3A_13 = arith.constant 640 : i32
    %mul3A_14 = arith.muli %arg1, %mul3A_13 : i32
    %add3A_15 = arith.constant 125 : i32
    %add3A_16 = arith.addi %mul3A_14, %add3A_15 : i32
    %dma_start3A_17 = arith.constant 0 : i32
    %dma_start3A_18 = tpu.memref_slice %arg6[%add3A_16, %dma_start3A_17] : memref<10240x128xf32, #tpu.memory_space<vmem_shared>> -> memref<125x128xf32, #tpu.memory_space<vmem_shared>>
    %dma_start3A_19 = arith.constant 0 : i32
    %dma_start3A_20 = tpu.memref_slice %arg6[%add3A_16, %dma_start3A_19] : memref<10240x128xf32, #tpu.memory_space<vmem_shared>> -> memref<125x128xf32, #tpu.memory_space<vmem_shared>>
    tpu.enqueue_dma source(%arg11 : memref<125x128xf32, #tpu.memory_space<vmem>>) target(%dma_start3A_20 : memref<125x128xf32, #tpu.memory_space<vmem_shared>>) target_semaphore(%arg21 : memref<!tpu.dma_semaphore, #tpu.memory_space<semaphore_mem>>)
    %mul3A_21 = arith.constant 640 : i32
    %mul3A_22 = arith.muli %arg1, %mul3A_21 : i32
    %add3A_23 = arith.constant 250 : i32
    %add3A_24 = arith.addi %mul3A_22, %add3A_23 : i32
    %dma_start3A_25 = arith.constant 0 : i32
    %dma_start3A_26 = tpu.memref_slice %arg6[%add3A_24, %dma_start3A_25] : memref<10240x128xf32, #tpu.memory_space<vmem_shared>> -> memref<125x128xf32, #tpu.memory_space<vmem_shared>>
    %dma_start3A_27 = arith.constant 0 : i32
    %dma_start3A_28 = tpu.memref_slice %arg6[%add3A_24, %dma_start3A_27] : memref<10240x128xf32, #tpu.memory_space<vmem_shared>> -> memref<125x128xf32, #tpu.memory_space<vmem_shared>>
    tpu.enqueue_dma source(%arg11 : memref<125x128xf32, #tpu.memory_space<vmem>>) target(%dma_start3A_28 : memref<125x128xf32, #tpu.memory_space<vmem_shared>>) target_semaphore(%arg21 : memref<!tpu.dma_semaphore, #tpu.memory_space<semaphore_mem>>)
    %mul3A_29 = arith.constant 640 : i32
    %mul3A_30 = arith.muli %arg1, %mul3A_29 : i32
    %add3A_31 = arith.constant 375 : i32
    %add3A_32 = arith.addi %mul3A_30, %add3A_31 : i32
    %dma_start3A_33 = arith.constant 0 : i32
    %dma_start3A_34 = tpu.memref_slice %arg6[%add3A_32, %dma_start3A_33] : memref<10240x128xf32, #tpu.memory_space<vmem_shared>> -> memref<125x128xf32, #tpu.memory_space<vmem_shared>>
    %dma_start3A_35 = arith.constant 0 : i32
    %dma_start3A_36 = tpu.memref_slice %arg6[%add3A_32, %dma_start3A_35] : memref<10240x128xf32, #tpu.memory_space<vmem_shared>> -> memref<125x128xf32, #tpu.memory_space<vmem_shared>>
    tpu.enqueue_dma source(%arg11 : memref<125x128xf32, #tpu.memory_space<vmem>>) target(%dma_start3A_36 : memref<125x128xf32, #tpu.memory_space<vmem_shared>>) target_semaphore(%arg21 : memref<!tpu.dma_semaphore, #tpu.memory_space<semaphore_mem>>)
    %mul3A_37 = arith.constant 640 : i32
    %mul3A_38 = arith.muli %arg1, %mul3A_37 : i32
    %add3A_39 = arith.constant 500 : i32
    %add3A_40 = arith.addi %mul3A_38, %add3A_39 : i32
    %dma_start3A_41 = arith.constant 0 : i32
    %dma_start3A_42 = tpu.memref_slice %arg6[%add3A_40, %dma_start3A_41] : memref<10240x128xf32, #tpu.memory_space<vmem_shared>> -> memref<125x128xf32, #tpu.memory_space<vmem_shared>>
    %dma_start3A_43 = arith.constant 0 : i32
    %dma_start3A_44 = tpu.memref_slice %arg6[%add3A_40, %dma_start3A_43] : memref<10240x128xf32, #tpu.memory_space<vmem_shared>> -> memref<125x128xf32, #tpu.memory_space<vmem_shared>>
    tpu.enqueue_dma source(%arg11 : memref<125x128xf32, #tpu.memory_space<vmem>>) target(%dma_start3A_44 : memref<125x128xf32, #tpu.memory_space<vmem_shared>>) target_semaphore(%arg21 : memref<!tpu.dma_semaphore, #tpu.memory_space<semaphore_mem>>)
    %mul3A_45 = arith.constant 640 : i32
    %mul3A_46 = arith.muli %arg1, %mul3A_45 : i32
    %add3A_47 = arith.constant 625 : i32
    %add3A_48 = arith.addi %mul3A_46, %add3A_47 : i32
    %dma_start3A_49 = arith.constant 0 : i32
    %dma_start3A_50 = arith.constant 0 : i32
    %dma_start3A_51 = tpu.memref_slice %arg11[%dma_start3A_49, %dma_start3A_50] : memref<125x128xf32, #tpu.memory_space<vmem>> -> memref<15x128xf32, #tpu.memory_space<vmem>>
    %dma_start3A_52 = arith.constant 0 : i32
    %dma_start3A_53 = tpu.memref_slice %arg6[%add3A_48, %dma_start3A_52] : memref<10240x128xf32, #tpu.memory_space<vmem_shared>> -> memref<15x128xf32, #tpu.memory_space<vmem_shared>>
    %dma_start3A_54 = arith.constant 0 : i32
    %dma_start3A_55 = tpu.memref_slice %arg6[%add3A_48, %dma_start3A_54] : memref<10240x128xf32, #tpu.memory_space<vmem_shared>> -> memref<15x128xf32, #tpu.memory_space<vmem_shared>>
    %dma_start3A_56 = arith.constant 0 : i32
    %dma_start3A_57 = arith.constant 0 : i32
    %dma_start3A_58 = tpu.memref_slice %arg11[%dma_start3A_56, %dma_start3A_57] : memref<125x128xf32, #tpu.memory_space<vmem>> -> memref<15x128xf32, #tpu.memory_space<vmem>>
    tpu.enqueue_dma source(%dma_start3A_58 : memref<15x128xf32, #tpu.memory_space<vmem>>) target(%dma_start3A_55 : memref<15x128xf32, #tpu.memory_space<vmem_shared>>) target_semaphore(%arg21 : memref<!tpu.dma_semaphore, #tpu.memory_space<semaphore_mem>>)
    %mul3A_59 = arith.constant 640 : i32
    %mul3A_60 = arith.muli %arg1, %mul3A_59 : i32
    %add3A_61 = arith.constant 0 : i32
    %add3A_62 = arith.addi %mul3A_60, %add3A_61 : i32
    %dma_wait3A = arith.constant 0 : i32
    %dma_wait3A_63 = tpu.memref_slice %arg6[%add3A_62, %dma_wait3A] : memref<10240x128xf32, #tpu.memory_space<vmem_shared>> -> memref<125x128xf32, #tpu.memory_space<vmem_shared>>
    %dma_wait3A_64 = arith.constant 0 : i32
    %dma_wait3A_65 = tpu.memref_slice %arg6[%add3A_62, %dma_wait3A_64] : memref<10240x128xf32, #tpu.memory_space<vmem_shared>> -> memref<125x128xf32, #tpu.memory_space<vmem_shared>>
    tpu.wait_dma2 semaphore(%arg21 : memref<!tpu.dma_semaphore, #tpu.memory_space<semaphore_mem>>) src(%arg11 : memref<125x128xf32, #tpu.memory_space<vmem>>) dst(%dma_wait3A_65 : memref<125x128xf32, #tpu.memory_space<vmem_shared>>)
    %mul3A_66 = arith.constant 640 : i32
    %mul3A_67 = arith.muli %arg1, %mul3A_66 : i32
    %add3A_68 = arith.constant 125 : i32
    %add3A_69 = arith.addi %mul3A_67, %add3A_68 : i32
    %dma_wait3A_70 = arith.constant 0 : i32
    %dma_wait3A_71 = tpu.memref_slice %arg6[%add3A_69, %dma_wait3A_70] : memref<10240x128xf32, #tpu.memory_space<vmem_shared>> -> memref<125x128xf32, #tpu.memory_space<vmem_shared>>
    %dma_wait3A_72 = arith.constant 0 : i32
    %dma_wait3A_73 = tpu.memref_slice %arg6[%add3A_69, %dma_wait3A_72] : memref<10240x128xf32, #tpu.memory_space<vmem_shared>> -> memref<125x128xf32, #tpu.memory_space<vmem_shared>>
    tpu.wait_dma2 semaphore(%arg21 : memref<!tpu.dma_semaphore, #tpu.memory_space<semaphore_mem>>) src(%arg11 : memref<125x128xf32, #tpu.memory_space<vmem>>) dst(%dma_wait3A_73 : memref<125x128xf32, #tpu.memory_space<vmem_shared>>)
    %mul3A_74 = arith.constant 640 : i32
    %mul3A_75 = arith.muli %arg1, %mul3A_74 : i32
    %add3A_76 = arith.constant 250 : i32
    %add3A_77 = arith.addi %mul3A_75, %add3A_76 : i32
    %dma_wait3A_78 = arith.constant 0 : i32
    %dma_wait3A_79 = tpu.memref_slice %arg6[%add3A_77, %dma_wait3A_78] : memref<10240x128xf32, #tpu.memory_space<vmem_shared>> -> memref<125x128xf32, #tpu.memory_space<vmem_shared>>
    %dma_wait3A_80 = arith.constant 0 : i32
    %dma_wait3A_81 = tpu.memref_slice %arg6[%add3A_77, %dma_wait3A_80] : memref<10240x128xf32, #tpu.memory_space<vmem_shared>> -> memref<125x128xf32, #tpu.memory_space<vmem_shared>>
    tpu.wait_dma2 semaphore(%arg21 : memref<!tpu.dma_semaphore, #tpu.memory_space<semaphore_mem>>) src(%arg11 : memref<125x128xf32, #tpu.memory_space<vmem>>) dst(%dma_wait3A_81 : memref<125x128xf32, #tpu.memory_space<vmem_shared>>)
    %mul3A_82 = arith.constant 640 : i32
    %mul3A_83 = arith.muli %arg1, %mul3A_82 : i32
    %add3A_84 = arith.constant 375 : i32
    %add3A_85 = arith.addi %mul3A_83, %add3A_84 : i32
    %dma_wait3A_86 = arith.constant 0 : i32
    %dma_wait3A_87 = tpu.memref_slice %arg6[%add3A_85, %dma_wait3A_86] : memref<10240x128xf32, #tpu.memory_space<vmem_shared>> -> memref<125x128xf32, #tpu.memory_space<vmem_shared>>
    %dma_wait3A_88 = arith.constant 0 : i32
    %dma_wait3A_89 = tpu.memref_slice %arg6[%add3A_85, %dma_wait3A_88] : memref<10240x128xf32, #tpu.memory_space<vmem_shared>> -> memref<125x128xf32, #tpu.memory_space<vmem_shared>>
    tpu.wait_dma2 semaphore(%arg21 : memref<!tpu.dma_semaphore, #tpu.memory_space<semaphore_mem>>) src(%arg11 : memref<125x128xf32, #tpu.memory_space<vmem>>) dst(%dma_wait3A_89 : memref<125x128xf32, #tpu.memory_space<vmem_shared>>)
    %mul3A_90 = arith.constant 640 : i32
    %mul3A_91 = arith.muli %arg1, %mul3A_90 : i32
    %add3A_92 = arith.constant 500 : i32
    %add3A_93 = arith.addi %mul3A_91, %add3A_92 : i32
    %dma_wait3A_94 = arith.constant 0 : i32
    %dma_wait3A_95 = tpu.memref_slice %arg6[%add3A_93, %dma_wait3A_94] : memref<10240x128xf32, #tpu.memory_space<vmem_shared>> -> memref<125x128xf32, #tpu.memory_space<vmem_shared>>
    %dma_wait3A_96 = arith.constant 0 : i32
    %dma_wait3A_97 = tpu.memref_slice %arg6[%add3A_93, %dma_wait3A_96] : memref<10240x128xf32, #tpu.memory_space<vmem_shared>> -> memref<125x128xf32, #tpu.memory_space<vmem_shared>>
    tpu.wait_dma2 semaphore(%arg21 : memref<!tpu.dma_semaphore, #tpu.memory_space<semaphore_mem>>) src(%arg11 : memref<125x128xf32, #tpu.memory_space<vmem>>) dst(%dma_wait3A_97 : memref<125x128xf32, #tpu.memory_space<vmem_shared>>)
    %mul3A_98 = arith.constant 640 : i32
    %mul3A_99 = arith.muli %arg1, %mul3A_98 : i32
    %add3A_100 = arith.constant 625 : i32
    %add3A_101 = arith.addi %mul3A_99, %add3A_100 : i32
    %dma_wait3A_102 = arith.constant 0 : i32
    %dma_wait3A_103 = arith.constant 0 : i32
    %dma_wait3A_104 = tpu.memref_slice %arg11[%dma_wait3A_102, %dma_wait3A_103] : memref<125x128xf32, #tpu.memory_space<vmem>> -> memref<15x128xf32, #tpu.memory_space<vmem>>
    %dma_wait3A_105 = arith.constant 0 : i32
    %dma_wait3A_106 = tpu.memref_slice %arg6[%add3A_101, %dma_wait3A_105] : memref<10240x128xf32, #tpu.memory_space<vmem_shared>> -> memref<15x128xf32, #tpu.memory_space<vmem_shared>>
    %dma_wait3A_107 = arith.constant 0 : i32
    %dma_wait3A_108 = tpu.memref_slice %arg6[%add3A_101, %dma_wait3A_107] : memref<10240x128xf32, #tpu.memory_space<vmem_shared>> -> memref<15x128xf32, #tpu.memory_space<vmem_shared>>
    %dma_wait3A_109 = arith.constant 0 : i32
    %dma_wait3A_110 = arith.constant 0 : i32
    %dma_wait3A_111 = tpu.memref_slice %arg11[%dma_wait3A_109, %dma_wait3A_110] : memref<125x128xf32, #tpu.memory_space<vmem>> -> memref<15x128xf32, #tpu.memory_space<vmem>>
    tpu.wait_dma2 semaphore(%arg21 : memref<!tpu.dma_semaphore, #tpu.memory_space<semaphore_mem>>) src(%dma_wait3A_111 : memref<15x128xf32, #tpu.memory_space<vmem>>) dst(%dma_wait3A_108 : memref<15x128xf32, #tpu.memory_space<vmem_shared>>)
    %barrier3A = arith.constant 0 : index
    tpu.barrier barrier_id(%barrier3A)
    %dma_start3A_112 = arith.constant 0 : i32
    %dma_start3A_113 = arith.constant 0 : i32
    %dma_start3A_114 = tpu.memref_slice %arg3[%add3A, %dma_start3A_112, %dma_start3A_113] : memref<32x80x125xi32, #tpu.memory_space<hbm>> -> memref<1x1x125xi32, #tpu.memory_space<hbm>>
    %dma_start3A_115 = tpu.memref_squeeze %dma_start3A_114 : memref<1x1x125xi32, #tpu.memory_space<hbm>> -> memref<125xi32, #tpu.memory_space<hbm>>
    %dma_start3A_116 = arith.constant 0 : i32
    %dma_start3A_117 = tpu.memref_slice %arg3[%add3A, %dma_start3A_112, %dma_start3A_116] : memref<32x80x125xi32, #tpu.memory_space<hbm>> -> memref<1x1x125xi32, #tpu.memory_space<hbm>>
    %dma_start3A_118 = tpu.memref_squeeze %dma_start3A_117 : memref<1x1x125xi32, #tpu.memory_space<hbm>> -> memref<125xi32, #tpu.memory_space<hbm>>
    tpu.enqueue_dma source(%dma_start3A_118 : memref<125xi32, #tpu.memory_space<hbm>>) target(%arg7 : memref<125xi32, #tpu.memory_space<vmem>>) target_semaphore(%arg13 : memref<!tpu.dma_semaphore, #tpu.memory_space<semaphore_mem>>)
    %dma_start3A_119 = arith.constant 0 : i32
    %dma_start3A_120 = arith.constant 0 : i32
    %dma_start3A_121 = tpu.memref_slice %arg4[%add3A, %dma_start3A_119, %dma_start3A_120] : memref<32x80x125xi32, #tpu.memory_space<hbm>> -> memref<1x1x125xi32, #tpu.memory_space<hbm>>
    %dma_start3A_122 = tpu.memref_squeeze %dma_start3A_121 : memref<1x1x125xi32, #tpu.memory_space<hbm>> -> memref<125xi32, #tpu.memory_space<hbm>>
    %dma_start3A_123 = arith.constant 0 : i32
    %dma_start3A_124 = tpu.memref_slice %arg4[%add3A, %dma_start3A_119, %dma_start3A_123] : memref<32x80x125xi32, #tpu.memory_space<hbm>> -> memref<1x1x125xi32, #tpu.memory_space<hbm>>
    %dma_start3A_125 = tpu.memref_squeeze %dma_start3A_124 : memref<1x1x125xi32, #tpu.memory_space<hbm>> -> memref<125xi32, #tpu.memory_space<hbm>>
    tpu.enqueue_dma source(%dma_start3A_125 : memref<125xi32, #tpu.memory_space<hbm>>) target(%arg8 : memref<125xi32, #tpu.memory_space<vmem>>) target_semaphore(%arg15 : memref<!tpu.dma_semaphore, #tpu.memory_space<semaphore_mem>>)
    %dma_start3A_126 = arith.constant 1 : i32
    %dma_start3A_127 = arith.constant 0 : i32
    %dma_start3A_128 = tpu.memref_slice %arg3[%add3A, %dma_start3A_126, %dma_start3A_127] : memref<32x80x125xi32, #tpu.memory_space<hbm>> -> memref<1x1x125xi32, #tpu.memory_space<hbm>>
    %dma_start3A_129 = tpu.memref_squeeze %dma_start3A_128 : memref<1x1x125xi32, #tpu.memory_space<hbm>> -> memref<125xi32, #tpu.memory_space<hbm>>
    %dma_start3A_130 = arith.constant 0 : i32
    %dma_start3A_131 = tpu.memref_slice %arg3[%add3A, %dma_start3A_126, %dma_start3A_130] : memref<32x80x125xi32, #tpu.memory_space<hbm>> -> memref<1x1x125xi32, #tpu.memory_space<hbm>>
    %dma_start3A_132 = tpu.memref_squeeze %dma_start3A_131 : memref<1x1x125xi32, #tpu.memory_space<hbm>> -> memref<125xi32, #tpu.memory_space<hbm>>
    tpu.enqueue_dma source(%dma_start3A_132 : memref<125xi32, #tpu.memory_space<hbm>>) target(%arg9 : memref<125xi32, #tpu.memory_space<vmem>>) target_semaphore(%arg14 : memref<!tpu.dma_semaphore, #tpu.memory_space<semaphore_mem>>)
    %dma_start3A_133 = arith.constant 1 : i32
    %dma_start3A_134 = arith.constant 0 : i32
    %dma_start3A_135 = tpu.memref_slice %arg4[%add3A, %dma_start3A_133, %dma_start3A_134] : memref<32x80x125xi32, #tpu.memory_space<hbm>> -> memref<1x1x125xi32, #tpu.memory_space<hbm>>
    %dma_start3A_136 = tpu.memref_squeeze %dma_start3A_135 : memref<1x1x125xi32, #tpu.memory_space<hbm>> -> memref<125xi32, #tpu.memory_space<hbm>>
    %dma_start3A_137 = arith.constant 0 : i32
    %dma_start3A_138 = tpu.memref_slice %arg4[%add3A, %dma_start3A_133, %dma_start3A_137] : memref<32x80x125xi32, #tpu.memory_space<hbm>> -> memref<1x1x125xi32, #tpu.memory_space<hbm>>
    %dma_start3A_139 = tpu.memref_squeeze %dma_start3A_138 : memref<1x1x125xi32, #tpu.memory_space<hbm>> -> memref<125xi32, #tpu.memory_space<hbm>>
    tpu.enqueue_dma source(%dma_start3A_139 : memref<125xi32, #tpu.memory_space<hbm>>) target(%arg10 : memref<125xi32, #tpu.memory_space<vmem>>) target_semaphore(%arg16 : memref<!tpu.dma_semaphore, #tpu.memory_space<semaphore_mem>>)
    %dma_wait3A_140 = arith.constant 0 : i32
    %dma_wait3A_141 = arith.constant 0 : i32
    %dma_wait3A_142 = tpu.memref_slice %arg3[%add3A, %dma_wait3A_140, %dma_wait3A_141] : memref<32x80x125xi32, #tpu.memory_space<hbm>> -> memref<1x1x125xi32, #tpu.memory_space<hbm>>
    %dma_wait3A_143 = tpu.memref_squeeze %dma_wait3A_142 : memref<1x1x125xi32, #tpu.memory_space<hbm>> -> memref<125xi32, #tpu.memory_space<hbm>>
    %dma_wait3A_144 = arith.constant 0 : i32
    %dma_wait3A_145 = tpu.memref_slice %arg3[%add3A, %dma_wait3A_140, %dma_wait3A_144] : memref<32x80x125xi32, #tpu.memory_space<hbm>> -> memref<1x1x125xi32, #tpu.memory_space<hbm>>
    %dma_wait3A_146 = tpu.memref_squeeze %dma_wait3A_145 : memref<1x1x125xi32, #tpu.memory_space<hbm>> -> memref<125xi32, #tpu.memory_space<hbm>>
    tpu.wait_dma2 semaphore(%arg13 : memref<!tpu.dma_semaphore, #tpu.memory_space<semaphore_mem>>) src(%dma_wait3A_146 : memref<125xi32, #tpu.memory_space<hbm>>) dst(%arg7 : memref<125xi32, #tpu.memory_space<vmem>>)
    %dma_start3A_147 = arith.constant 0 : i32
    %dma_start3A_148 = arith.constant 0 : i32
    %dma_start3A_149 = tpu.memref_slice %arg2[%dma_start3A_147, %dma_start3A_148] : memref<10000x128xf32, #tpu.memory_space<hbm>> -> memref<10000x128xf32, #tpu.memory_space<hbm>>
    tpu.enqueue_indirect_dma source(%dma_start3A_149 : memref<10000x128xf32, #tpu.memory_space<hbm>>) target(%arg11 : memref<125x128xf32, #tpu.memory_space<vmem>>) offsets(%arg7 : memref<125xi32, #tpu.memory_space<vmem>>) semaphore(%arg17 : memref<!tpu.dma_semaphore, #tpu.memory_space<semaphore_mem>>)
    %dma_wait3A_150 = arith.constant 0 : i32
    %dma_wait3A_151 = arith.constant 0 : i32
    %dma_wait3A_152 = tpu.memref_slice %arg3[%add3A, %dma_wait3A_150, %dma_wait3A_151] : memref<32x80x125xi32, #tpu.memory_space<hbm>> -> memref<1x1x125xi32, #tpu.memory_space<hbm>>
    %dma_wait3A_153 = tpu.memref_squeeze %dma_wait3A_152 : memref<1x1x125xi32, #tpu.memory_space<hbm>> -> memref<125xi32, #tpu.memory_space<hbm>>
    %dma_wait3A_154 = arith.constant 0 : i32
    %dma_wait3A_155 = tpu.memref_slice %arg3[%add3A, %dma_wait3A_150, %dma_wait3A_154] : memref<32x80x125xi32, #tpu.memory_space<hbm>> -> memref<1x1x125xi32, #tpu.memory_space<hbm>>
    %dma_wait3A_156 = tpu.memref_squeeze %dma_wait3A_155 : memref<1x1x125xi32, #tpu.memory_space<hbm>> -> memref<125xi32, #tpu.memory_space<hbm>>
    tpu.wait_dma2 semaphore(%arg14 : memref<!tpu.dma_semaphore, #tpu.memory_space<semaphore_mem>>) src(%dma_wait3A_156 : memref<125xi32, #tpu.memory_space<hbm>>) dst(%arg9 : memref<125xi32, #tpu.memory_space<vmem>>)
    %dma_start3A_157 = arith.constant 0 : i32
    %dma_start3A_158 = arith.constant 0 : i32
    %dma_start3A_159 = tpu.memref_slice %arg2[%dma_start3A_157, %dma_start3A_158] : memref<10000x128xf32, #tpu.memory_space<hbm>> -> memref<10000x128xf32, #tpu.memory_space<hbm>>
    tpu.enqueue_indirect_dma source(%dma_start3A_159 : memref<10000x128xf32, #tpu.memory_space<hbm>>) target(%arg12 : memref<125x128xf32, #tpu.memory_space<vmem>>) offsets(%arg9 : memref<125xi32, #tpu.memory_space<vmem>>) semaphore(%arg18 : memref<!tpu.dma_semaphore, #tpu.memory_space<semaphore_mem>>)
    %scan3A_160 = arith.constant 0 : i32
    %scan3A_161 = arith.constant 0 : i32
    %scan3A_162 = arith.constant 40 : i32
    %scan3A_163 = arith.addi %scan3A_161, %scan3A_162 : i32
    %scan3A_164 = arith.constant 1 : i32
    scf.for %scan3A_257 = %scan3A_161 to %scan3A_163 step %scan3A_164  : i32 {
      %mul3A_258 = arith.constant 2 : i32
      %mul3A_259 = arith.muli %mul3A_258, %scan3A_257 : i32
      %dma_wait3A_260 = arith.constant 0 : i32
      %dma_wait3A_261 = arith.constant 0 : i32
      %dma_wait3A_262 = tpu.memref_slice %arg2[%dma_wait3A_260, %dma_wait3A_261] : memref<10000x128xf32, #tpu.memory_space<hbm>> -> memref<10000x128xf32, #tpu.memory_space<hbm>>
      tpu.wait_indirect_dma semaphore(%arg17 : memref<!tpu.dma_semaphore, #tpu.memory_space<semaphore_mem>>) src(%dma_wait3A_262 : memref<10000x128xf32, #tpu.memory_space<hbm>>) dst(%arg11 : memref<125x128xf32, #tpu.memory_space<vmem>>)
      %add3A_263 = arith.constant 2 : i32
      %add3A_264 = arith.addi %mul3A_259, %add3A_263 : i32
      %lt3A = arith.constant 80 : i32
      %lt3A_265 = arith.cmpi slt, %add3A_264, %lt3A : i32
      %convert_element_type3A = arith.extui %lt3A_265 : i1 to i32
      %cond3A = arith.constant 0 : i32
      %cond3A_266 = arith.cmpi ne, %convert_element_type3A, %cond3A : i32
      scf.if %cond3A_266 {
        %add3A_305 = arith.constant 2 : i32
        %add3A_306 = arith.addi %mul3A_259, %add3A_305 : i32
        %dma_start3A_307 = arith.constant 0 : i32
        %dma_start3A_308 = tpu.memref_slice %arg3[%add3A, %add3A_306, %dma_start3A_307] : memref<32x80x125xi32, #tpu.memory_space<hbm>> -> memref<1x1x125xi32, #tpu.memory_space<hbm>>
        %dma_start3A_309 = tpu.memref_squeeze %dma_start3A_308 : memref<1x1x125xi32, #tpu.memory_space<hbm>> -> memref<125xi32, #tpu.memory_space<hbm>>
        %dma_start3A_310 = arith.constant 0 : i32
        %dma_start3A_311 = tpu.memref_slice %arg3[%add3A, %add3A_306, %dma_start3A_310] : memref<32x80x125xi32, #tpu.memory_space<hbm>> -> memref<1x1x125xi32, #tpu.memory_space<hbm>>
        %dma_start3A_312 = tpu.memref_squeeze %dma_start3A_311 : memref<1x1x125xi32, #tpu.memory_space<hbm>> -> memref<125xi32, #tpu.memory_space<hbm>>
        tpu.enqueue_dma source(%dma_start3A_312 : memref<125xi32, #tpu.memory_space<hbm>>) target(%arg7 : memref<125xi32, #tpu.memory_space<vmem>>) target_semaphore(%arg13 : memref<!tpu.dma_semaphore, #tpu.memory_space<semaphore_mem>>)
      } else {
      }
      %dma_wait3A_267 = arith.constant 0 : i32
      %dma_wait3A_268 = arith.constant 0 : i32
      %dma_wait3A_269 = tpu.memref_slice %arg3[%add3A, %dma_wait3A_267, %dma_wait3A_268] : memref<32x80x125xi32, #tpu.memory_space<hbm>> -> memref<1x1x125xi32, #tpu.memory_space<hbm>>
      %dma_wait3A_270 = tpu.memref_squeeze %dma_wait3A_269 : memref<1x1x125xi32, #tpu.memory_space<hbm>> -> memref<125xi32, #tpu.memory_space<hbm>>
      %dma_wait3A_271 = arith.constant 0 : i32
      %dma_wait3A_272 = tpu.memref_slice %arg3[%add3A, %dma_wait3A_267, %dma_wait3A_271] : memref<32x80x125xi32, #tpu.memory_space<hbm>> -> memref<1x1x125xi32, #tpu.memory_space<hbm>>
      %dma_wait3A_273 = tpu.memref_squeeze %dma_wait3A_272 : memref<1x1x125xi32, #tpu.memory_space<hbm>> -> memref<125xi32, #tpu.memory_space<hbm>>
      tpu.wait_dma2 semaphore(%arg15 : memref<!tpu.dma_semaphore, #tpu.memory_space<semaphore_mem>>) src(%dma_wait3A_273 : memref<125xi32, #tpu.memory_space<hbm>>) dst(%arg8 : memref<125xi32, #tpu.memory_space<vmem>>)
      "tpu.region"() ({
        %run_scoped3A = tpu.sem_alloc : memref<!tpu.dma_semaphore, #tpu.memory_space<semaphore_mem>>
        %dma_start3A_305 = arith.constant 0 : i32
        %dma_start3A_306 = arith.constant 0 : i32
        %dma_start3A_307 = tpu.memref_slice %arg6[%dma_start3A_305, %dma_start3A_306] : memref<10240x128xf32, #tpu.memory_space<vmem_shared>> -> memref<10240x128xf32, #tpu.memory_space<vmem_shared>>
        tpu.enqueue_indirect_dma source(%arg11 : memref<125x128xf32, #tpu.memory_space<vmem>>) target(%dma_start3A_307 : memref<10240x128xf32, #tpu.memory_space<vmem_shared>>) offsets(%arg8 : memref<125xi32, #tpu.memory_space<vmem>>) semaphore(%run_scoped3A : memref<!tpu.dma_semaphore, #tpu.memory_space<semaphore_mem>>) {add = true}
        %dma_wait3A_308 = arith.constant 0 : i32
        %dma_wait3A_309 = arith.constant 0 : i32
        %dma_wait3A_310 = tpu.memref_slice %arg6[%dma_wait3A_308, %dma_wait3A_309] : memref<10240x128xf32, #tpu.memory_space<vmem_shared>> -> memref<10240x128xf32, #tpu.memory_space<vmem_shared>>
        tpu.wait_indirect_dma semaphore(%run_scoped3A : memref<!tpu.dma_semaphore, #tpu.memory_space<semaphore_mem>>) src(%arg11 : memref<125x128xf32, #tpu.memory_space<vmem>>) dst(%dma_wait3A_310 : memref<10240x128xf32, #tpu.memory_space<vmem_shared>>)
        tpu.yield
      }) : () -> ()
      %add3A_274 = arith.constant 2 : i32
      %add3A_275 = arith.addi %mul3A_259, %add3A_274 : i32
      %lt3A_276 = arith.constant 80 : i32
      %lt3A_277 = arith.cmpi slt, %add3A_275, %lt3A_276 : i32
      %convert_element_type3A_278 = arith.extui %lt3A_277 : i1 to i32
      %cond3A_279 = arith.constant 0 : i32
      %cond3A_280 = arith.cmpi ne, %convert_element_type3A_278, %cond3A_279 : i32
      scf.if %cond3A_280 {
        %add3A_305 = arith.constant 2 : i32
        %add3A_306 = arith.addi %mul3A_259, %add3A_305 : i32
        %dma_start3A_307 = arith.constant 0 : i32
        %dma_start3A_308 = tpu.memref_slice %arg4[%add3A, %add3A_306, %dma_start3A_307] : memref<32x80x125xi32, #tpu.memory_space<hbm>> -> memref<1x1x125xi32, #tpu.memory_space<hbm>>
        %dma_start3A_309 = tpu.memref_squeeze %dma_start3A_308 : memref<1x1x125xi32, #tpu.memory_space<hbm>> -> memref<125xi32, #tpu.memory_space<hbm>>
        %dma_start3A_310 = arith.constant 0 : i32
        %dma_start3A_311 = tpu.memref_slice %arg4[%add3A, %add3A_306, %dma_start3A_310] : memref<32x80x125xi32, #tpu.memory_space<hbm>> -> memref<1x1x125xi32, #tpu.memory_space<hbm>>
        %dma_start3A_312 = tpu.memref_squeeze %dma_start3A_311 : memref<1x1x125xi32, #tpu.memory_space<hbm>> -> memref<125xi32, #tpu.memory_space<hbm>>
        tpu.enqueue_dma source(%dma_start3A_312 : memref<125xi32, #tpu.memory_space<hbm>>) target(%arg8 : memref<125xi32, #tpu.memory_space<vmem>>) target_semaphore(%arg15 : memref<!tpu.dma_semaphore, #tpu.memory_space<semaphore_mem>>)
        %dma_wait3A_313 = arith.constant 0 : i32
        %dma_wait3A_314 = arith.constant 0 : i32
        %dma_wait3A_315 = tpu.memref_slice %arg3[%add3A, %dma_wait3A_313, %dma_wait3A_314] : memref<32x80x125xi32, #tpu.memory_space<hbm>> -> memref<1x1x125xi32, #tpu.memory_space<hbm>>
        %dma_wait3A_316 = tpu.memref_squeeze %dma_wait3A_315 : memref<1x1x125xi32, #tpu.memory_space<hbm>> -> memref<125xi32, #tpu.memory_space<hbm>>
        %dma_wait3A_317 = arith.constant 0 : i32
        %dma_wait3A_318 = tpu.memref_slice %arg3[%add3A, %dma_wait3A_313, %dma_wait3A_317] : memref<32x80x125xi32, #tpu.memory_space<hbm>> -> memref<1x1x125xi32, #tpu.memory_space<hbm>>
        %dma_wait3A_319 = tpu.memref_squeeze %dma_wait3A_318 : memref<1x1x125xi32, #tpu.memory_space<hbm>> -> memref<125xi32, #tpu.memory_space<hbm>>
        tpu.wait_dma2 semaphore(%arg13 : memref<!tpu.dma_semaphore, #tpu.memory_space<semaphore_mem>>) src(%dma_wait3A_319 : memref<125xi32, #tpu.memory_space<hbm>>) dst(%arg7 : memref<125xi32, #tpu.memory_space<vmem>>)
        %dma_start3A_320 = arith.constant 0 : i32
        %dma_start3A_321 = arith.constant 0 : i32
        %dma_start3A_322 = tpu.memref_slice %arg2[%dma_start3A_320, %dma_start3A_321] : memref<10000x128xf32, #tpu.memory_space<hbm>> -> memref<10000x128xf32, #tpu.memory_space<hbm>>
        tpu.enqueue_indirect_dma source(%dma_start3A_322 : memref<10000x128xf32, #tpu.memory_space<hbm>>) target(%arg11 : memref<125x128xf32, #tpu.memory_space<vmem>>) offsets(%arg7 : memref<125xi32, #tpu.memory_space<vmem>>) semaphore(%arg17 : memref<!tpu.dma_semaphore, #tpu.memory_space<semaphore_mem>>)
      } else {
      }
      %dma_wait3A_281 = arith.constant 0 : i32
      %dma_wait3A_282 = arith.constant 0 : i32
      %dma_wait3A_283 = tpu.memref_slice %arg2[%dma_wait3A_281, %dma_wait3A_282] : memref<10000x128xf32, #tpu.memory_space<hbm>> -> memref<10000x128xf32, #tpu.memory_space<hbm>>
      tpu.wait_indirect_dma semaphore(%arg18 : memref<!tpu.dma_semaphore, #tpu.memory_space<semaphore_mem>>) src(%dma_wait3A_283 : memref<10000x128xf32, #tpu.memory_space<hbm>>) dst(%arg12 : memref<125x128xf32, #tpu.memory_space<vmem>>)
      %add3A_284 = arith.constant 3 : i32
      %add3A_285 = arith.addi %mul3A_259, %add3A_284 : i32
      %lt3A_286 = arith.constant 80 : i32
      %lt3A_287 = arith.cmpi slt, %add3A_285, %lt3A_286 : i32
      %convert_element_type3A_288 = arith.extui %lt3A_287 : i1 to i32
      %cond3A_289 = arith.constant 0 : i32
      %cond3A_290 = arith.cmpi ne, %convert_element_type3A_288, %cond3A_289 : i32
      scf.if %cond3A_290 {
        %add3A_305 = arith.constant 3 : i32
        %add3A_306 = arith.addi %mul3A_259, %add3A_305 : i32
        %dma_start3A_307 = arith.constant 0 : i32
        %dma_start3A_308 = tpu.memref_slice %arg3[%add3A, %add3A_306, %dma_start3A_307] : memref<32x80x125xi32, #tpu.memory_space<hbm>> -> memref<1x1x125xi32, #tpu.memory_space<hbm>>
        %dma_start3A_309 = tpu.memref_squeeze %dma_start3A_308 : memref<1x1x125xi32, #tpu.memory_space<hbm>> -> memref<125xi32, #tpu.memory_space<hbm>>
        %dma_start3A_310 = arith.constant 0 : i32
        %dma_start3A_311 = tpu.memref_slice %arg3[%add3A, %add3A_306, %dma_start3A_310] : memref<32x80x125xi32, #tpu.memory_space<hbm>> -> memref<1x1x125xi32, #tpu.memory_space<hbm>>
        %dma_start3A_312 = tpu.memref_squeeze %dma_start3A_311 : memref<1x1x125xi32, #tpu.memory_space<hbm>> -> memref<125xi32, #tpu.memory_space<hbm>>
        tpu.enqueue_dma source(%dma_start3A_312 : memref<125xi32, #tpu.memory_space<hbm>>) target(%arg9 : memref<125xi32, #tpu.memory_space<vmem>>) target_semaphore(%arg14 : memref<!tpu.dma_semaphore, #tpu.memory_space<semaphore_mem>>)
      } else {
      }
      %dma_wait3A_291 = arith.constant 0 : i32
      %dma_wait3A_292 = arith.constant 0 : i32
      %dma_wait3A_293 = tpu.memref_slice %arg3[%add3A, %dma_wait3A_291, %dma_wait3A_292] : memref<32x80x125xi32, #tpu.memory_space<hbm>> -> memref<1x1x125xi32, #tpu.memory_space<hbm>>
      %dma_wait3A_294 = tpu.memref_squeeze %dma_wait3A_293 : memref<1x1x125xi32, #tpu.memory_space<hbm>> -> memref<125xi32, #tpu.memory_space<hbm>>
      %dma_wait3A_295 = arith.constant 0 : i32
      %dma_wait3A_296 = tpu.memref_slice %arg3[%add3A, %dma_wait3A_291, %dma_wait3A_295] : memref<32x80x125xi32, #tpu.memory_space<hbm>> -> memref<1x1x125xi32, #tpu.memory_space<hbm>>
      %dma_wait3A_297 = tpu.memref_squeeze %dma_wait3A_296 : memref<1x1x125xi32, #tpu.memory_space<hbm>> -> memref<125xi32, #tpu.memory_space<hbm>>
      tpu.wait_dma2 semaphore(%arg16 : memref<!tpu.dma_semaphore, #tpu.memory_space<semaphore_mem>>) src(%dma_wait3A_297 : memref<125xi32, #tpu.memory_space<hbm>>) dst(%arg10 : memref<125xi32, #tpu.memory_space<vmem>>)
      "tpu.region"() ({
        %run_scoped3A = tpu.sem_alloc : memref<!tpu.dma_semaphore, #tpu.memory_space<semaphore_mem>>
        %dma_start3A_305 = arith.constant 0 : i32
        %dma_start3A_306 = arith.constant 0 : i32
        %dma_start3A_307 = tpu.memref_slice %arg6[%dma_start3A_305, %dma_start3A_306] : memref<10240x128xf32, #tpu.memory_space<vmem_shared>> -> memref<10240x128xf32, #tpu.memory_space<vmem_shared>>
        tpu.enqueue_indirect_dma source(%arg12 : memref<125x128xf32, #tpu.memory_space<vmem>>) target(%dma_start3A_307 : memref<10240x128xf32, #tpu.memory_space<vmem_shared>>) offsets(%arg10 : memref<125xi32, #tpu.memory_space<vmem>>) semaphore(%run_scoped3A : memref<!tpu.dma_semaphore, #tpu.memory_space<semaphore_mem>>) {add = true}
        %dma_wait3A_308 = arith.constant 0 : i32
        %dma_wait3A_309 = arith.constant 0 : i32
        %dma_wait3A_310 = tpu.memref_slice %arg6[%dma_wait3A_308, %dma_wait3A_309] : memref<10240x128xf32, #tpu.memory_space<vmem_shared>> -> memref<10240x128xf32, #tpu.memory_space<vmem_shared>>
        tpu.wait_indirect_dma semaphore(%run_scoped3A : memref<!tpu.dma_semaphore, #tpu.memory_space<semaphore_mem>>) src(%arg12 : memref<125x128xf32, #tpu.memory_space<vmem>>) dst(%dma_wait3A_310 : memref<10240x128xf32, #tpu.memory_space<vmem_shared>>)
        tpu.yield
      }) : () -> ()
      %add3A_298 = arith.constant 3 : i32
      %add3A_299 = arith.addi %mul3A_259, %add3A_298 : i32
      %lt3A_300 = arith.constant 80 : i32
      %lt3A_301 = arith.cmpi slt, %add3A_299, %lt3A_300 : i32
      %convert_element_type3A_302 = arith.extui %lt3A_301 : i1 to i32
      %cond3A_303 = arith.constant 0 : i32
      %cond3A_304 = arith.cmpi ne, %convert_element_type3A_302, %cond3A_303 : i32
      scf.if %cond3A_304 {
        %add3A_305 = arith.constant 3 : i32
        %add3A_306 = arith.addi %mul3A_259, %add3A_305 : i32
        %dma_start3A_307 = arith.constant 0 : i32
        %dma_start3A_308 = tpu.memref_slice %arg4[%add3A, %add3A_306, %dma_start3A_307] : memref<32x80x125xi32, #tpu.memory_space<hbm>> -> memref<1x1x125xi32, #tpu.memory_space<hbm>>
        %dma_start3A_309 = tpu.memref_squeeze %dma_start3A_308 : memref<1x1x125xi32, #tpu.memory_space<hbm>> -> memref<125xi32, #tpu.memory_space<hbm>>
        %dma_start3A_310 = arith.constant 0 : i32
        %dma_start3A_311 = tpu.memref_slice %arg4[%add3A, %add3A_306, %dma_start3A_310] : memref<32x80x125xi32, #tpu.memory_space<hbm>> -> memref<1x1x125xi32, #tpu.memory_space<hbm>>
        %dma_start3A_312 = tpu.memref_squeeze %dma_start3A_311 : memref<1x1x125xi32, #tpu.memory_space<hbm>> -> memref<125xi32, #tpu.memory_space<hbm>>
        tpu.enqueue_dma source(%dma_start3A_312 : memref<125xi32, #tpu.memory_space<hbm>>) target(%arg10 : memref<125xi32, #tpu.memory_space<vmem>>) target_semaphore(%arg16 : memref<!tpu.dma_semaphore, #tpu.memory_space<semaphore_mem>>)
        %dma_wait3A_313 = arith.constant 0 : i32
        %dma_wait3A_314 = arith.constant 0 : i32
        %dma_wait3A_315 = tpu.memref_slice %arg3[%add3A, %dma_wait3A_313, %dma_wait3A_314] : memref<32x80x125xi32, #tpu.memory_space<hbm>> -> memref<1x1x125xi32, #tpu.memory_space<hbm>>
        %dma_wait3A_316 = tpu.memref_squeeze %dma_wait3A_315 : memref<1x1x125xi32, #tpu.memory_space<hbm>> -> memref<125xi32, #tpu.memory_space<hbm>>
        %dma_wait3A_317 = arith.constant 0 : i32
        %dma_wait3A_318 = tpu.memref_slice %arg3[%add3A, %dma_wait3A_313, %dma_wait3A_317] : memref<32x80x125xi32, #tpu.memory_space<hbm>> -> memref<1x1x125xi32, #tpu.memory_space<hbm>>
        %dma_wait3A_319 = tpu.memref_squeeze %dma_wait3A_318 : memref<1x1x125xi32, #tpu.memory_space<hbm>> -> memref<125xi32, #tpu.memory_space<hbm>>
        tpu.wait_dma2 semaphore(%arg14 : memref<!tpu.dma_semaphore, #tpu.memory_space<semaphore_mem>>) src(%dma_wait3A_319 : memref<125xi32, #tpu.memory_space<hbm>>) dst(%arg9 : memref<125xi32, #tpu.memory_space<vmem>>)
        %dma_start3A_320 = arith.constant 0 : i32
        %dma_start3A_321 = arith.constant 0 : i32
        %dma_start3A_322 = tpu.memref_slice %arg2[%dma_start3A_320, %dma_start3A_321] : memref<10000x128xf32, #tpu.memory_space<hbm>> -> memref<10000x128xf32, #tpu.memory_space<hbm>>
        tpu.enqueue_indirect_dma source(%dma_start3A_322 : memref<10000x128xf32, #tpu.memory_space<hbm>>) target(%arg12 : memref<125x128xf32, #tpu.memory_space<vmem>>) offsets(%arg9 : memref<125xi32, #tpu.memory_space<vmem>>) semaphore(%arg18 : memref<!tpu.dma_semaphore, #tpu.memory_space<semaphore_mem>>)
      } else {
      }
    }
    %scan3A_165 = arith.constant 40 : i32
    %barrier3A_166 = arith.constant 0 : index
    tpu.barrier barrier_id(%barrier3A_166)
    %mul3A_167 = arith.constant 640 : i32
    %mul3A_168 = arith.muli %arg1, %mul3A_167 : i32
    %add3A_169 = arith.constant 0 : i32
    %add3A_170 = arith.addi %mul3A_168, %add3A_169 : i32
    %dma_start3A_171 = arith.constant 0 : i32
    %dma_start3A_172 = tpu.memref_slice %arg5[%arg0, %add3A_170, %dma_start3A_171] : memref<2x10240x128xf32, #tpu.memory_space<hbm>> -> memref<1x128x128xf32, #tpu.memory_space<hbm>>
    %dma_start3A_173 = tpu.memref_squeeze %dma_start3A_172 : memref<1x128x128xf32, #tpu.memory_space<hbm>> -> memref<128x128xf32, #tpu.memory_space<hbm>>
    %dma_start3A_174 = arith.constant 0 : i32
    %dma_start3A_175 = tpu.memref_slice %arg6[%add3A_170, %dma_start3A_174] : memref<10240x128xf32, #tpu.memory_space<vmem_shared>> -> memref<128x128xf32, #tpu.memory_space<vmem_shared>>
    tpu.enqueue_dma source(%dma_start3A_175 : memref<128x128xf32, #tpu.memory_space<vmem_shared>>) target(%dma_start3A_173 : memref<128x128xf32, #tpu.memory_space<hbm>>) target_semaphore(%arg21 : memref<!tpu.dma_semaphore, #tpu.memory_space<semaphore_mem>>)
    %mul3A_176 = arith.constant 640 : i32
    %mul3A_177 = arith.muli %arg1, %mul3A_176 : i32
    %add3A_178 = arith.constant 128 : i32
    %add3A_179 = arith.addi %mul3A_177, %add3A_178 : i32
    %dma_start3A_180 = arith.constant 0 : i32
    %dma_start3A_181 = tpu.memref_slice %arg5[%arg0, %add3A_179, %dma_start3A_180] : memref<2x10240x128xf32, #tpu.memory_space<hbm>> -> memref<1x128x128xf32, #tpu.memory_space<hbm>>
    %dma_start3A_182 = tpu.memref_squeeze %dma_start3A_181 : memref<1x128x128xf32, #tpu.memory_space<hbm>> -> memref<128x128xf32, #tpu.memory_space<hbm>>
    %dma_start3A_183 = arith.constant 0 : i32
    %dma_start3A_184 = tpu.memref_slice %arg6[%add3A_179, %dma_start3A_183] : memref<10240x128xf32, #tpu.memory_space<vmem_shared>> -> memref<128x128xf32, #tpu.memory_space<vmem_shared>>
    tpu.enqueue_dma source(%dma_start3A_184 : memref<128x128xf32, #tpu.memory_space<vmem_shared>>) target(%dma_start3A_182 : memref<128x128xf32, #tpu.memory_space<hbm>>) target_semaphore(%arg21 : memref<!tpu.dma_semaphore, #tpu.memory_space<semaphore_mem>>)
    %mul3A_185 = arith.constant 640 : i32
    %mul3A_186 = arith.muli %arg1, %mul3A_185 : i32
    %add3A_187 = arith.constant 256 : i32
    %add3A_188 = arith.addi %mul3A_186, %add3A_187 : i32
    %dma_start3A_189 = arith.constant 0 : i32
    %dma_start3A_190 = tpu.memref_slice %arg5[%arg0, %add3A_188, %dma_start3A_189] : memref<2x10240x128xf32, #tpu.memory_space<hbm>> -> memref<1x128x128xf32, #tpu.memory_space<hbm>>
    %dma_start3A_191 = tpu.memref_squeeze %dma_start3A_190 : memref<1x128x128xf32, #tpu.memory_space<hbm>> -> memref<128x128xf32, #tpu.memory_space<hbm>>
    %dma_start3A_192 = arith.constant 0 : i32
    %dma_start3A_193 = tpu.memref_slice %arg6[%add3A_188, %dma_start3A_192] : memref<10240x128xf32, #tpu.memory_space<vmem_shared>> -> memref<128x128xf32, #tpu.memory_space<vmem_shared>>
    tpu.enqueue_dma source(%dma_start3A_193 : memref<128x128xf32, #tpu.memory_space<vmem_shared>>) target(%dma_start3A_191 : memref<128x128xf32, #tpu.memory_space<hbm>>) target_semaphore(%arg21 : memref<!tpu.dma_semaphore, #tpu.memory_space<semaphore_mem>>)
    %mul3A_194 = arith.constant 640 : i32
    %mul3A_195 = arith.muli %arg1, %mul3A_194 : i32
    %add3A_196 = arith.constant 384 : i32
    %add3A_197 = arith.addi %mul3A_195, %add3A_196 : i32
    %dma_start3A_198 = arith.constant 0 : i32
    %dma_start3A_199 = tpu.memref_slice %arg5[%arg0, %add3A_197, %dma_start3A_198] : memref<2x10240x128xf32, #tpu.memory_space<hbm>> -> memref<1x128x128xf32, #tpu.memory_space<hbm>>
    %dma_start3A_200 = tpu.memref_squeeze %dma_start3A_199 : memref<1x128x128xf32, #tpu.memory_space<hbm>> -> memref<128x128xf32, #tpu.memory_space<hbm>>
    %dma_start3A_201 = arith.constant 0 : i32
    %dma_start3A_202 = tpu.memref_slice %arg6[%add3A_197, %dma_start3A_201] : memref<10240x128xf32, #tpu.memory_space<vmem_shared>> -> memref<128x128xf32, #tpu.memory_space<vmem_shared>>
    tpu.enqueue_dma source(%dma_start3A_202 : memref<128x128xf32, #tpu.memory_space<vmem_shared>>) target(%dma_start3A_200 : memref<128x128xf32, #tpu.memory_space<hbm>>) target_semaphore(%arg21 : memref<!tpu.dma_semaphore, #tpu.memory_space<semaphore_mem>>)
    %mul3A_203 = arith.constant 640 : i32
    %mul3A_204 = arith.muli %arg1, %mul3A_203 : i32
    %add3A_205 = arith.constant 512 : i32
    %add3A_206 = arith.addi %mul3A_204, %add3A_205 : i32
    %dma_start3A_207 = arith.constant 0 : i32
    %dma_start3A_208 = tpu.memref_slice %arg5[%arg0, %add3A_206, %dma_start3A_207] : memref<2x10240x128xf32, #tpu.memory_space<hbm>> -> memref<1x128x128xf32, #tpu.memory_space<hbm>>
    %dma_start3A_209 = tpu.memref_squeeze %dma_start3A_208 : memref<1x128x128xf32, #tpu.memory_space<hbm>> -> memref<128x128xf32, #tpu.memory_space<hbm>>
    %dma_start3A_210 = arith.constant 0 : i32
    %dma_start3A_211 = tpu.memref_slice %arg6[%add3A_206, %dma_start3A_210] : memref<10240x128xf32, #tpu.memory_space<vmem_shared>> -> memref<128x128xf32, #tpu.memory_space<vmem_shared>>
    tpu.enqueue_dma source(%dma_start3A_211 : memref<128x128xf32, #tpu.memory_space<vmem_shared>>) target(%dma_start3A_209 : memref<128x128xf32, #tpu.memory_space<hbm>>) target_semaphore(%arg21 : memref<!tpu.dma_semaphore, #tpu.memory_space<semaphore_mem>>)
    %mul3A_212 = arith.constant 640 : i32
    %mul3A_213 = arith.muli %arg1, %mul3A_212 : i32
    %add3A_214 = arith.constant 0 : i32
    %add3A_215 = arith.addi %mul3A_213, %add3A_214 : i32
    %dma_wait3A_216 = arith.constant 0 : i32
    %dma_wait3A_217 = tpu.memref_slice %arg5[%arg0, %add3A_215, %dma_wait3A_216] : memref<2x10240x128xf32, #tpu.memory_space<hbm>> -> memref<1x128x128xf32, #tpu.memory_space<hbm>>
    %dma_wait3A_218 = tpu.memref_squeeze %dma_wait3A_217 : memref<1x128x128xf32, #tpu.memory_space<hbm>> -> memref<128x128xf32, #tpu.memory_space<hbm>>
    %dma_wait3A_219 = arith.constant 0 : i32
    %dma_wait3A_220 = tpu.memref_slice %arg6[%add3A_215, %dma_wait3A_219] : memref<10240x128xf32, #tpu.memory_space<vmem_shared>> -> memref<128x128xf32, #tpu.memory_space<vmem_shared>>
    tpu.wait_dma2 semaphore(%arg21 : memref<!tpu.dma_semaphore, #tpu.memory_space<semaphore_mem>>) src(%dma_wait3A_220 : memref<128x128xf32, #tpu.memory_space<vmem_shared>>) dst(%dma_wait3A_218 : memref<128x128xf32, #tpu.memory_space<hbm>>)
    %mul3A_221 = arith.constant 640 : i32
    %mul3A_222 = arith.muli %arg1, %mul3A_221 : i32
    %add3A_223 = arith.constant 128 : i32
    %add3A_224 = arith.addi %mul3A_222, %add3A_223 : i32
    %dma_wait3A_225 = arith.constant 0 : i32
    %dma_wait3A_226 = tpu.memref_slice %arg5[%arg0, %add3A_224, %dma_wait3A_225] : memref<2x10240x128xf32, #tpu.memory_space<hbm>> -> memref<1x128x128xf32, #tpu.memory_space<hbm>>
    %dma_wait3A_227 = tpu.memref_squeeze %dma_wait3A_226 : memref<1x128x128xf32, #tpu.memory_space<hbm>> -> memref<128x128xf32, #tpu.memory_space<hbm>>
    %dma_wait3A_228 = arith.constant 0 : i32
    %dma_wait3A_229 = tpu.memref_slice %arg6[%add3A_224, %dma_wait3A_228] : memref<10240x128xf32, #tpu.memory_space<vmem_shared>> -> memref<128x128xf32, #tpu.memory_space<vmem_shared>>
    tpu.wait_dma2 semaphore(%arg21 : memref<!tpu.dma_semaphore, #tpu.memory_space<semaphore_mem>>) src(%dma_wait3A_229 : memref<128x128xf32, #tpu.memory_space<vmem_shared>>) dst(%dma_wait3A_227 : memref<128x128xf32, #tpu.memory_space<hbm>>)
    %mul3A_230 = arith.constant 640 : i32
    %mul3A_231 = arith.muli %arg1, %mul3A_230 : i32
    %add3A_232 = arith.constant 256 : i32
    %add3A_233 = arith.addi %mul3A_231, %add3A_232 : i32
    %dma_wait3A_234 = arith.constant 0 : i32
    %dma_wait3A_235 = tpu.memref_slice %arg5[%arg0, %add3A_233, %dma_wait3A_234] : memref<2x10240x128xf32, #tpu.memory_space<hbm>> -> memref<1x128x128xf32, #tpu.memory_space<hbm>>
    %dma_wait3A_236 = tpu.memref_squeeze %dma_wait3A_235 : memref<1x128x128xf32, #tpu.memory_space<hbm>> -> memref<128x128xf32, #tpu.memory_space<hbm>>
    %dma_wait3A_237 = arith.constant 0 : i32
    %dma_wait3A_238 = tpu.memref_slice %arg6[%add3A_233, %dma_wait3A_237] : memref<10240x128xf32, #tpu.memory_space<vmem_shared>> -> memref<128x128xf32, #tpu.memory_space<vmem_shared>>
    tpu.wait_dma2 semaphore(%arg21 : memref<!tpu.dma_semaphore, #tpu.memory_space<semaphore_mem>>) src(%dma_wait3A_238 : memref<128x128xf32, #tpu.memory_space<vmem_shared>>) dst(%dma_wait3A_236 : memref<128x128xf32, #tpu.memory_space<hbm>>)
    %mul3A_239 = arith.constant 640 : i32
    %mul3A_240 = arith.muli %arg1, %mul3A_239 : i32
    %add3A_241 = arith.constant 384 : i32
    %add3A_242 = arith.addi %mul3A_240, %add3A_241 : i32
    %dma_wait3A_243 = arith.constant 0 : i32
    %dma_wait3A_244 = tpu.memref_slice %arg5[%arg0, %add3A_242, %dma_wait3A_243] : memref<2x10240x128xf32, #tpu.memory_space<hbm>> -> memref<1x128x128xf32, #tpu.memory_space<hbm>>
    %dma_wait3A_245 = tpu.memref_squeeze %dma_wait3A_244 : memref<1x128x128xf32, #tpu.memory_space<hbm>> -> memref<128x128xf32, #tpu.memory_space<hbm>>
    %dma_wait3A_246 = arith.constant 0 : i32
    %dma_wait3A_247 = tpu.memref_slice %arg6[%add3A_242, %dma_wait3A_246] : memref<10240x128xf32, #tpu.memory_space<vmem_shared>> -> memref<128x128xf32, #tpu.memory_space<vmem_shared>>
    tpu.wait_dma2 semaphore(%arg21 : memref<!tpu.dma_semaphore, #tpu.memory_space<semaphore_mem>>) src(%dma_wait3A_247 : memref<128x128xf32, #tpu.memory_space<vmem_shared>>) dst(%dma_wait3A_245 : memref<128x128xf32, #tpu.memory_space<hbm>>)
    %mul3A_248 = arith.constant 640 : i32
    %mul3A_249 = arith.muli %arg1, %mul3A_248 : i32
    %add3A_250 = arith.constant 512 : i32
    %add3A_251 = arith.addi %mul3A_249, %add3A_250 : i32
    %dma_wait3A_252 = arith.constant 0 : i32
    %dma_wait3A_253 = tpu.memref_slice %arg5[%arg0, %add3A_251, %dma_wait3A_252] : memref<2x10240x128xf32, #tpu.memory_space<hbm>> -> memref<1x128x128xf32, #tpu.memory_space<hbm>>
    %dma_wait3A_254 = tpu.memref_squeeze %dma_wait3A_253 : memref<1x128x128xf32, #tpu.memory_space<hbm>> -> memref<128x128xf32, #tpu.memory_space<hbm>>
    %dma_wait3A_255 = arith.constant 0 : i32
    %dma_wait3A_256 = tpu.memref_slice %arg6[%add3A_251, %dma_wait3A_255] : memref<10240x128xf32, #tpu.memory_space<vmem_shared>> -> memref<128x128xf32, #tpu.memory_space<vmem_shared>>
    tpu.wait_dma2 semaphore(%arg21 : memref<!tpu.dma_semaphore, #tpu.memory_space<semaphore_mem>>) src(%dma_wait3A_256 : memref<128x128xf32, #tpu.memory_space<vmem_shared>>) dst(%dma_wait3A_254 : memref<128x128xf32, #tpu.memory_space<hbm>>)
    return
  }
}

module attributes {stable_mosaic.version = 14 : i64} {
  func.func @_prep_body(%arg0: i32, %arg1: memref<2000x128xf32, #tpu.memory_space<vmem>>, %arg2: memref<128x128xf32, #tpu.memory_space<vmem>>, %arg3: memref<2x2x2000x1xf32, #tpu.memory_space<vmem>>, %arg4: memref<2000x1xi32, #tpu.memory_space<vmem>>, %arg5: memref<2000x128xf32, #tpu.memory_space<vmem>>, %arg6: memref<2000x1xf32, #tpu.memory_space<vmem>>, %arg7: memref<2000x1xf32, #tpu.memory_space<vmem>>, %arg8: memref<16x1xf32, #tpu.memory_space<vmem>>) attributes {dimension_semantics = [#tpu.dimension_semantics<arbitrary>], iteration_bounds = array<i64: 5>, scalar_prefetch = 0 : i64, scratch_operands = 0 : i64, tpu.core_type = #tpu.core_type<tc>, window_params = [{transform_indices = @transform_0, window_bounds = array<i64: 2000, 128>}, {pipeline_mode = #tpu.pipeline_mode<synchronous>, transform_indices = @transform_1, window_bounds = array<i64: 128, 128>}, {transform_indices = @transform_2, window_bounds = array<i64: 2, 2, 2000, 1>}, {transform_indices = @transform_3, window_bounds = array<i64: 2000, 1>}, {transform_indices = @transform_4, window_bounds = array<i64: 2000, 128>}, {transform_indices = @transform_5, window_bounds = array<i64: 2000, 1>}, {transform_indices = @transform_6, window_bounds = array<i64: 2000, 1>}, {pipeline_mode = #tpu.pipeline_mode<synchronous>, transform_indices = @transform_7, window_bounds = array<i64: 16, 1>}]} {
    %get3A = arith.constant 0 : index
    %get3A_0 = arith.constant 0 : index
    %get3A_1 = arith.constant 0 : index
    %get3A_2 = arith.constant 0 : index
    %get3A_3 = vector.load %arg3[%get3A, %get3A_0, %get3A_1, %get3A_2] : memref<2x2x2000x1xf32, #tpu.memory_space<vmem>>, vector<2x2x2000x1xf32>
    %slice3A = vector.extract_strided_slice %get3A_3 {offsets = [0, 0, 0, 0], sizes = [1, 1, 2000, 1], strides = [1, 1, 1, 1]} : vector<2x2x2000x1xf32> to vector<1x1x2000x1xf32>
    %squeeze3A = vector.shape_cast %slice3A : vector<1x1x2000x1xf32> to vector<2000x1xf32>
    %slice3A_4 = vector.extract_strided_slice %get3A_3 {offsets = [1, 0, 0, 0], sizes = [1, 1, 2000, 1], strides = [1, 1, 1, 1]} : vector<2x2x2000x1xf32> to vector<1x1x2000x1xf32>
    %squeeze3A_5 = vector.shape_cast %slice3A_4 : vector<1x1x2000x1xf32> to vector<2000x1xf32>
    %add3A = arith.addf %squeeze3A, %squeeze3A_5 : vector<2000x1xf32>
    %max3A = arith.constant 1.000000e+00 : f32
    %max3A_6 = vector.broadcast %max3A : f32 to vector<2000x1xf32>
    %max3A_7 = arith.maximumf %add3A, %max3A_6 : vector<2000x1xf32>
    %rsqrt3A = math.rsqrt %max3A_7 : vector<2000x1xf32>
    %slice3A_8 = vector.extract_strided_slice %get3A_3 {offsets = [0, 1, 0, 0], sizes = [1, 1, 2000, 1], strides = [1, 1, 1, 1]} : vector<2x2x2000x1xf32> to vector<1x1x2000x1xf32>
    %squeeze3A_9 = vector.shape_cast %slice3A_8 : vector<1x1x2000x1xf32> to vector<2000x1xf32>
    %slice3A_10 = vector.extract_strided_slice %get3A_3 {offsets = [1, 1, 0, 0], sizes = [1, 1, 2000, 1], strides = [1, 1, 1, 1]} : vector<2x2x2000x1xf32> to vector<1x1x2000x1xf32>
    %squeeze3A_11 = vector.shape_cast %slice3A_10 : vector<1x1x2000x1xf32> to vector<2000x1xf32>
    %add3A_12 = arith.addf %squeeze3A_9, %squeeze3A_11 : vector<2000x1xf32>
    %max3A_13 = arith.constant 1.000000e+00 : f32
    %max3A_14 = vector.broadcast %max3A_13 : f32 to vector<2000x1xf32>
    %max3A_15 = arith.maximumf %add3A_12, %max3A_14 : vector<2000x1xf32>
    %rsqrt3A_16 = math.rsqrt %max3A_15 : vector<2000x1xf32>
    %swap3A = arith.constant 0 : index
    %swap3A_17 = arith.constant 0 : index
    %swap3A_18 = vector.load %arg6[%swap3A, %swap3A_17] : memref<2000x1xf32, #tpu.memory_space<vmem>>, vector<2000x1xf32>
    tpu.vector_store %arg6[%swap3A, %swap3A_17], %rsqrt3A {strides = array<i32>} : memref<2000x1xf32, #tpu.memory_space<vmem>>, vector<2000x1xf32>,
    %swap3A_19 = arith.constant 0 : index
    %swap3A_20 = arith.constant 0 : index
    %swap3A_21 = vector.load %arg7[%swap3A_19, %swap3A_20] : memref<2000x1xf32, #tpu.memory_space<vmem>>, vector<2000x1xf32>
    tpu.vector_store %arg7[%swap3A_19, %swap3A_20], %rsqrt3A_16 {strides = array<i32>} : memref<2000x1xf32, #tpu.memory_space<vmem>>, vector<2000x1xf32>,
    %get3A_22 = arith.constant 0 : index
    %get3A_23 = arith.constant 0 : index
    %get3A_24 = vector.load %arg1[%get3A_22, %get3A_23] : memref<2000x128xf32, #tpu.memory_space<vmem>>, vector<2000x128xf32>
    %get3A_25 = arith.constant 0 : index
    %get3A_26 = arith.constant 0 : index
    %get3A_27 = vector.load %arg2[%get3A_25, %get3A_26] : memref<128x128xf32, #tpu.memory_space<vmem>>, vector<128x128xf32>
    %dot_general3A = arith.constant dense<0.000000e+00> : vector<2000x128xf32>
    %dot_general3A_28 = tpu.matmul %get3A_24, %get3A_27, %dot_general3A {dimension_numbers = #tpu.dot_dimension_numbers<[1], [0], [0], [1], [0, 0, 1, 1], [], []>, transpose_lhs_hint = false} : vector<2000x128xf32>, vector<128x128xf32>, vector<2000x128xf32> -> vector<2000x128xf32>
    %mul3A = vector.broadcast %rsqrt3A : vector<2000x1xf32> to vector<2000x128xf32>
    %mul3A_29 = arith.mulf %dot_general3A_28, %mul3A : vector<2000x128xf32>
    %swap3A_30 = arith.constant 0 : index
    %swap3A_31 = arith.constant 0 : index
    %swap3A_32 = vector.load %arg5[%swap3A_30, %swap3A_31] : memref<2000x128xf32, #tpu.memory_space<vmem>>, vector<2000x128xf32>
    tpu.vector_store %arg5[%swap3A_30, %swap3A_31], %mul3A_29 {strides = array<i32>} : memref<2000x128xf32, #tpu.memory_space<vmem>>, vector<2000x128xf32>,
    %get3A_33 = arith.constant 0 : index
    %get3A_34 = arith.constant 0 : index
    %get3A_35 = vector.load %arg4[%get3A_33, %get3A_34] : memref<2000x1xi32, #tpu.memory_space<vmem>>, vector<2000x1xi32>
    %iota3A = tpu.iota {dimensions = array<i32: 1>} : vector<1x16xi32>
    %eq3A = vector.broadcast %get3A_35 : vector<2000x1xi32> to vector<2000x16xi32>
    %eq3A_36 = vector.broadcast %iota3A : vector<1x16xi32> to vector<2000x16xi32>
    %eq3A_37 = arith.cmpi eq, %eq3A, %eq3A_36 : vector<2000x16xi32>
    %convert_element_type3A = arith.extui %eq3A_37 : vector<2000x16xi1> to vector<2000x16xi32>
    %convert_element_type3A_38 = arith.sitofp %convert_element_type3A : vector<2000x16xi32> to vector<2000x16xf32>
    %broadcast_in_dim3A = arith.constant 1.000000e+00 : f32
    %broadcast_in_dim3A_39 = vector.broadcast %broadcast_in_dim3A : f32 to vector<2000x1xf32>
    %dot_general3A_40 = arith.constant dense<0.000000e+00> : vector<16x1xf32>
    %dot_general3A_41 = tpu.matmul %convert_element_type3A_38, %broadcast_in_dim3A_39, %dot_general3A_40 {dimension_numbers = #tpu.dot_dimension_numbers<[0], [0], [1], [1], [0, 1, 1, 1], [], []>, transpose_lhs_hint = false} : vector<2000x16xf32>, vector<2000x1xf32>, vector<16x1xf32> -> vector<16x1xf32>
    %eq3A_42 = arith.constant 0 : i32
    %eq3A_43 = arith.cmpi eq, %arg0, %eq3A_42 : i32
    %convert_element_type3A_44 = arith.extui %eq3A_43 : i1 to i32
    %cond3A = arith.constant 0 : i32
    %cond3A_45 = arith.cmpi ne, %convert_element_type3A_44, %cond3A : i32
    scf.if %cond3A_45 {
      %broadcast_in_dim3A_53 = arith.constant 0.000000e+00 : f32
      %broadcast_in_dim3A_54 = vector.broadcast %broadcast_in_dim3A_53 : f32 to vector<16x1xf32>
      %swap3A_55 = arith.constant 0 : index
      %swap3A_56 = arith.constant 0 : index
      %swap3A_57 = vector.load %arg8[%swap3A_55, %swap3A_56] : memref<16x1xf32, #tpu.memory_space<vmem>>, vector<16x1xf32>
      tpu.vector_store %arg8[%swap3A_55, %swap3A_56], %broadcast_in_dim3A_54 {strides = array<i32>} : memref<16x1xf32, #tpu.memory_space<vmem>>, vector<16x1xf32>,
    } else {
    }
    %get3A_46 = arith.constant 0 : index
    %get3A_47 = arith.constant 0 : index
    %get3A_48 = vector.load %arg8[%get3A_46, %get3A_47] : memref<16x1xf32, #tpu.memory_space<vmem>>, vector<16x1xf32>
    %add3A_49 = arith.addf %get3A_48, %dot_general3A_41 : vector<16x1xf32>
    %swap3A_50 = arith.constant 0 : index
    %swap3A_51 = arith.constant 0 : index
    %swap3A_52 = vector.load %arg8[%swap3A_50, %swap3A_51] : memref<16x1xf32, #tpu.memory_space<vmem>>, vector<16x1xf32>
    tpu.vector_store %arg8[%swap3A_50, %swap3A_51], %add3A_49 {strides = array<i32>} : memref<16x1xf32, #tpu.memory_space<vmem>>, vector<16x1xf32>,
    return
  }
  func.func @transform_0(%arg0: i32) -> (i32, i32) {
    %c0_i32 = arith.constant 0 : i32
    %c0_i32_0 = arith.constant 0 : i32
    return %arg0, %c0_i32 : i32, i32
  }
  func.func @transform_1(%arg0: i32) -> (i32, i32) {
    %c0_i32 = arith.constant 0 : i32
    %c0_i32_0 = arith.constant 0 : i32
    %c0_i32_1 = arith.constant 0 : i32
    return %c0_i32, %c0_i32_0 : i32, i32
  }
  func.func @transform_2(%arg0: i32) -> (i32, i32, i32, i32) {
    %c0_i32 = arith.constant 0 : i32
    %c0_i32_0 = arith.constant 0 : i32
    %c0_i32_1 = arith.constant 0 : i32
    %c0_i32_2 = arith.constant 0 : i32
    return %c0_i32, %c0_i32_0, %arg0, %c0_i32_1 : i32, i32, i32, i32
  }
  func.func @transform_3(%arg0: i32) -> (i32, i32) {
    %c0_i32 = arith.constant 0 : i32
    %c0_i32_0 = arith.constant 0 : i32
    return %arg0, %c0_i32 : i32, i32
  }
  func.func @transform_4(%arg0: i32) -> (i32, i32) {
    %c0_i32 = arith.constant 0 : i32
    %c0_i32_0 = arith.constant 0 : i32
    return %arg0, %c0_i32 : i32, i32
  }
  func.func @transform_5(%arg0: i32) -> (i32, i32) {
    %c0_i32 = arith.constant 0 : i32
    %c0_i32_0 = arith.constant 0 : i32
    return %arg0, %c0_i32 : i32, i32
  }
  func.func @transform_6(%arg0: i32) -> (i32, i32) {
    %c0_i32 = arith.constant 0 : i32
    %c0_i32_0 = arith.constant 0 : i32
    return %arg0, %c0_i32 : i32, i32
  }
  func.func @transform_7(%arg0: i32) -> (i32, i32) {
    %c0_i32 = arith.constant 0 : i32
    %c0_i32_0 = arith.constant 0 : i32
    %c0_i32_1 = arith.constant 0 : i32
    return %c0_i32, %c0_i32_0 : i32, i32
  }
}

module attributes {stable_mosaic.version = 14 : i64} {
  func.func @_post_body(%arg0: i32, %arg1: memref<2x2000x128xf32, #tpu.memory_space<vmem>>, %arg2: memref<2000x1xf32, #tpu.memory_space<vmem>>, %arg3: memref<1x128xf32, #tpu.memory_space<vmem>>, %arg4: memref<1x128xf32, #tpu.memory_space<vmem>>, %arg5: memref<128x128xf32, #tpu.memory_space<vmem>>, %arg6: memref<2000x1xf32, #tpu.memory_space<vmem>>, %arg7: memref<2000x1xi32, #tpu.memory_space<vmem>>, %arg8: memref<2000x128xf32, #tpu.memory_space<vmem>>, %arg9: memref<16x128xf32, #tpu.memory_space<vmem>>, %arg10: memref<16x128xf32, #tpu.memory_space<vmem>>) attributes {dimension_semantics = [#tpu.dimension_semantics<arbitrary>], iteration_bounds = array<i64: 5>, scalar_prefetch = 0 : i64, scratch_operands = 0 : i64, tpu.core_type = #tpu.core_type<tc>, window_params = [{transform_indices = @transform_0, window_bounds = array<i64: 2, 2000, 128>}, {transform_indices = @transform_1, window_bounds = array<i64: 2000, 1>}, {pipeline_mode = #tpu.pipeline_mode<synchronous>, transform_indices = @transform_2, window_bounds = array<i64: 1, 128>}, {pipeline_mode = #tpu.pipeline_mode<synchronous>, transform_indices = @transform_3, window_bounds = array<i64: 1, 128>}, {pipeline_mode = #tpu.pipeline_mode<synchronous>, transform_indices = @transform_4, window_bounds = array<i64: 128, 128>}, {transform_indices = @transform_5, window_bounds = array<i64: 2000, 1>}, {transform_indices = @transform_6, window_bounds = array<i64: 2000, 1>}, {transform_indices = @transform_7, window_bounds = array<i64: 2000, 128>}, {pipeline_mode = #tpu.pipeline_mode<synchronous>, transform_indices = @transform_8, window_bounds = array<i64: 16, 128>}, {pipeline_mode = #tpu.pipeline_mode<synchronous>, transform_indices = @transform_9, window_bounds = array<i64: 16, 128>}]} {
    %get3A = arith.constant 0 : index
    %get3A_0 = arith.constant 0 : index
    %get3A_1 = arith.constant 0 : index
    %get3A_2 = vector.load %arg1[%get3A, %get3A_0, %get3A_1] : memref<2x2000x128xf32, #tpu.memory_space<vmem>>, vector<1x2000x128xf32>
    %get3A_3 = vector.shape_cast %get3A_2 : vector<1x2000x128xf32> to vector<2000x128xf32>
    %get3A_4 = arith.constant 1 : index
    %get3A_5 = arith.constant 0 : index
    %get3A_6 = arith.constant 0 : index
    %get3A_7 = vector.load %arg1[%get3A_4, %get3A_5, %get3A_6] : memref<2x2000x128xf32, #tpu.memory_space<vmem>>, vector<1x2000x128xf32>
    %get3A_8 = vector.shape_cast %get3A_7 : vector<1x2000x128xf32> to vector<2000x128xf32>
    %add3A = arith.addf %get3A_3, %get3A_8 : vector<2000x128xf32>
    %get3A_9 = arith.constant 0 : index
    %get3A_10 = arith.constant 0 : index
    %get3A_11 = vector.load %arg2[%get3A_9, %get3A_10] : memref<2000x1xf32, #tpu.memory_space<vmem>>, vector<2000x1xf32>
    %mul3A = vector.broadcast %get3A_11 : vector<2000x1xf32> to vector<2000x128xf32>
    %mul3A_12 = arith.mulf %add3A, %mul3A : vector<2000x128xf32>
    %get3A_13 = arith.constant 0 : index
    %get3A_14 = arith.constant 0 : index
    %get3A_15 = vector.load %arg3[%get3A_13, %get3A_14] : memref<1x128xf32, #tpu.memory_space<vmem>>, vector<1x128xf32>
    %add3A_16 = vector.broadcast %get3A_15 : vector<1x128xf32> to vector<2000x128xf32>
    %add3A_17 = arith.addf %mul3A_12, %add3A_16 : vector<2000x128xf32>
    %max3A = arith.constant 0.000000e+00 : f32
    %max3A_18 = vector.broadcast %max3A : f32 to vector<2000x128xf32>
    %max3A_19 = arith.maximumf %add3A_17, %max3A_18 : vector<2000x128xf32>
    %get3A_20 = arith.constant 0 : index
    %get3A_21 = arith.constant 0 : index
    %get3A_22 = vector.load %arg4[%get3A_20, %get3A_21] : memref<1x128xf32, #tpu.memory_space<vmem>>, vector<1x128xf32>
    %mul3A_23 = arith.mulf %get3A_22, %get3A_22 : vector<1x128xf32>
    %reduce_sum3A = vector.shape_cast %mul3A_23 : vector<1x128xf32> to vector<1x1x128xf32>
    %reduce_sum3A_24 = arith.constant dense<0.000000e+00> : vector<1xf32>
    %reduce_sum3A_25 = vector.multi_reduction <add>, %reduce_sum3A, %reduce_sum3A_24 [1, 2] : vector<1x1x128xf32> to vector<1xf32>
    %reduce_sum3A_26 = vector.shape_cast %reduce_sum3A_25 : vector<1xf32> to vector<1x1x1xf32>
    %reduce_sum3A_27 = vector.extract %reduce_sum3A_26[0, 0, 0] : f32 from vector<1x1x1xf32>
    %sqrt3A = math.sqrt %reduce_sum3A_27 : f32
    %add3A_28 = arith.constant 9.99999993E-9 : f32
    %add3A_29 = arith.addf %sqrt3A, %add3A_28 : f32
    %div3A = arith.constant 1.000000e+00 : f32
    %div3A_30 = arith.divf %div3A, %add3A_29 : f32
    %dot_general3A = arith.constant dense<0.000000e+00> : vector<2000x1xf32>
    %dot_general3A_31 = tpu.matmul %max3A_19, %get3A_22, %dot_general3A {dimension_numbers = #tpu.dot_dimension_numbers<[1], [1], [0], [0], [0, 0, 1, 0], [], []>, transpose_lhs_hint = false} : vector<2000x128xf32>, vector<1x128xf32>, vector<2000x1xf32> -> vector<2000x1xf32>
    %mul3A_32 = vector.broadcast %div3A_30 : f32 to vector<2000x1xf32>
    %mul3A_33 = arith.mulf %dot_general3A_31, %mul3A_32 : vector<2000x1xf32>
    %tanh3A = math.tanh %mul3A_33 : vector<2000x1xf32>
    %mul3A_34 = vector.broadcast %tanh3A : vector<2000x1xf32> to vector<2000x128xf32>
    %mul3A_35 = arith.mulf %max3A_19, %mul3A_34 : vector<2000x128xf32>
    %get3A_36 = arith.constant 0 : index
    %get3A_37 = arith.constant 0 : index
    %get3A_38 = vector.load %arg5[%get3A_36, %get3A_37] : memref<128x128xf32, #tpu.memory_space<vmem>>, vector<128x128xf32>
    %dot_general3A_39 = arith.constant dense<0.000000e+00> : vector<2000x128xf32>
    %dot_general3A_40 = tpu.matmul %mul3A_35, %get3A_38, %dot_general3A_39 {dimension_numbers = #tpu.dot_dimension_numbers<[1], [0], [0], [1], [0, 0, 1, 1], [], []>, transpose_lhs_hint = false} : vector<2000x128xf32>, vector<128x128xf32>, vector<2000x128xf32> -> vector<2000x128xf32>
    %get3A_41 = arith.constant 0 : index
    %get3A_42 = arith.constant 0 : index
    %get3A_43 = vector.load %arg6[%get3A_41, %get3A_42] : memref<2000x1xf32, #tpu.memory_space<vmem>>, vector<2000x1xf32>
    %mul3A_44 = vector.broadcast %get3A_43 : vector<2000x1xf32> to vector<2000x128xf32>
    %mul3A_45 = arith.mulf %dot_general3A_40, %mul3A_44 : vector<2000x128xf32>
    %swap3A = arith.constant 0 : index
    %swap3A_46 = arith.constant 0 : index
    %swap3A_47 = vector.load %arg8[%swap3A, %swap3A_46] : memref<2000x128xf32, #tpu.memory_space<vmem>>, vector<2000x128xf32>
    tpu.vector_store %arg8[%swap3A, %swap3A_46], %mul3A_45 {strides = array<i32>} : memref<2000x128xf32, #tpu.memory_space<vmem>>, vector<2000x128xf32>,
    %get3A_48 = arith.constant 0 : index
    %get3A_49 = arith.constant 0 : index
    %get3A_50 = vector.load %arg7[%get3A_48, %get3A_49] : memref<2000x1xi32, #tpu.memory_space<vmem>>, vector<2000x1xi32>
    %iota3A = tpu.iota {dimensions = array<i32: 1>} : vector<1x16xi32>
    %eq3A = vector.broadcast %get3A_50 : vector<2000x1xi32> to vector<2000x16xi32>
    %eq3A_51 = vector.broadcast %iota3A : vector<1x16xi32> to vector<2000x16xi32>
    %eq3A_52 = arith.cmpi eq, %eq3A, %eq3A_51 : vector<2000x16xi32>
    %convert_element_type3A = arith.extui %eq3A_52 : vector<2000x16xi1> to vector<2000x16xi32>
    %convert_element_type3A_53 = arith.sitofp %convert_element_type3A : vector<2000x16xi32> to vector<2000x16xf32>
    %dot_general3A_54 = arith.constant dense<0.000000e+00> : vector<16x128xf32>
    %dot_general3A_55 = tpu.matmul %convert_element_type3A_53, %mul3A_35, %dot_general3A_54 {dimension_numbers = #tpu.dot_dimension_numbers<[0], [0], [1], [1], [0, 1, 1, 1], [], []>, transpose_lhs_hint = false} : vector<2000x16xf32>, vector<2000x128xf32>, vector<16x128xf32> -> vector<16x128xf32>
    %eq3A_56 = arith.constant 0 : i32
    %eq3A_57 = arith.cmpi eq, %arg0, %eq3A_56 : i32
    %convert_element_type3A_58 = arith.extui %eq3A_57 : i1 to i32
    %cond3A = arith.constant 0 : i32
    %cond3A_59 = arith.cmpi ne, %convert_element_type3A_58, %cond3A : i32
    scf.if %cond3A_59 {
      %broadcast_in_dim3A = arith.constant 0.000000e+00 : f32
      %broadcast_in_dim3A_146 = vector.broadcast %broadcast_in_dim3A : f32 to vector<16x128xf32>
      %swap3A_147 = arith.constant 0 : index
      %swap3A_148 = arith.constant 0 : index
      %swap3A_149 = vector.load %arg9[%swap3A_147, %swap3A_148] : memref<16x128xf32, #tpu.memory_space<vmem>>, vector<16x128xf32>
      tpu.vector_store %arg9[%swap3A_147, %swap3A_148], %broadcast_in_dim3A_146 {strides = array<i32>} : memref<16x128xf32, #tpu.memory_space<vmem>>, vector<16x128xf32>,
      %broadcast_in_dim3A_150 = arith.constant -3.000000e+38 : f32
      %broadcast_in_dim3A_151 = vector.broadcast %broadcast_in_dim3A_150 : f32 to vector<16x128xf32>
      %swap3A_152 = arith.constant 0 : index
      %swap3A_153 = arith.constant 0 : index
      %swap3A_154 = vector.load %arg10[%swap3A_152, %swap3A_153] : memref<16x128xf32, #tpu.memory_space<vmem>>, vector<16x128xf32>
      tpu.vector_store %arg10[%swap3A_152, %swap3A_153], %broadcast_in_dim3A_151 {strides = array<i32>} : memref<16x128xf32, #tpu.memory_space<vmem>>, vector<16x128xf32>,
    } else {
    }
    %get3A_60 = arith.constant 0 : index
    %get3A_61 = arith.constant 0 : index
    %get3A_62 = vector.load %arg9[%get3A_60, %get3A_61] : memref<16x128xf32, #tpu.memory_space<vmem>>, vector<16x128xf32>
    %add3A_63 = arith.addf %get3A_62, %dot_general3A_55 : vector<16x128xf32>
    %swap3A_64 = arith.constant 0 : index
    %swap3A_65 = arith.constant 0 : index
    %swap3A_66 = vector.load %arg9[%swap3A_64, %swap3A_65] : memref<16x128xf32, #tpu.memory_space<vmem>>, vector<16x128xf32>
    tpu.vector_store %arg9[%swap3A_64, %swap3A_65], %add3A_63 {strides = array<i32>} : memref<16x128xf32, #tpu.memory_space<vmem>>, vector<16x128xf32>,
    %slice3A = vector.extract_strided_slice %get3A_50 {offsets = [0, 0], sizes = [1, 1], strides = [1, 1]} : vector<2000x1xi32> to vector<1x1xi32>
    %squeeze3A = vector.extract %slice3A[0, 0] : i32 from vector<1x1xi32>
    %slice3A_67 = vector.extract_strided_slice %get3A_50 {offsets = [1999, 0], sizes = [1, 1], strides = [1, 1]} : vector<2000x1xi32> to vector<1x1xi32>
    %squeeze3A_68 = vector.extract %slice3A_67[0, 0] : i32 from vector<1x1xi32>
    %le3A = arith.constant 0 : i32
    %le3A_69 = arith.cmpi sle, %squeeze3A, %le3A : i32
    %ge3A = arith.constant 0 : i32
    %ge3A_70 = arith.cmpi sge, %squeeze3A_68, %ge3A : i32
    %and3A = arith.andi %le3A_69, %ge3A_70 : i1
    %convert_element_type3A_71 = arith.extui %and3A : i1 to i32
    %cond3A_72 = arith.constant 0 : i32
    %cond3A_73 = arith.cmpi ne, %convert_element_type3A_71, %cond3A_72 : i32
    scf.if %cond3A_73 {
      %slice3A_146 = vector.extract_strided_slice %eq3A_52 {offsets = [0, 0], sizes = [2000, 1], strides = [1, 1]} : vector<2000x16xi1> to vector<2000x1xi1>
      %jit3A = arith.constant -3.000000e+38 : f32
      %broadcast_in_dim3A = vector.shape_cast %slice3A_146 : vector<2000x1xi1> to vector<2000x1xi1>
      %broadcast_in_dim3A_147 = vector.broadcast %broadcast_in_dim3A : vector<2000x1xi1> to vector<2000x128xi1>
      %broadcast_in_dim3A_148 = vector.broadcast %jit3A : f32 to vector<2000x128xf32>
      %select_n3A = arith.select %broadcast_in_dim3A_147, %mul3A_35, %broadcast_in_dim3A_148 : vector<2000x128xi1>, vector<2000x128xf32>
      %reduce_max3A = arith.constant dense<0xFF800000> : vector<128xf32>
      %reduce_max3A_149 = vector.multi_reduction <maximumf>, %select_n3A, %reduce_max3A [0] : vector<2000x128xf32> to vector<128xf32>
      %broadcast_in_dim3A_150 = vector.shape_cast %reduce_max3A_149 : vector<128xf32> to vector<1x128xf32>
      %get3A_151 = arith.constant 0 : index
      %get3A_152 = arith.constant 0 : index
      %get3A_153 = vector.load %arg10[%get3A_151, %get3A_152] : memref<16x128xf32, #tpu.memory_space<vmem>>, vector<1x128xf32>
      %max3A_154 = arith.maximumf %get3A_153, %broadcast_in_dim3A_150 : vector<1x128xf32>
      %swap3A_155 = arith.constant 0 : index
      %swap3A_156 = arith.constant 0 : index
      %swap3A_157 = vector.load %arg10[%swap3A_155, %swap3A_156] : memref<16x128xf32, #tpu.memory_space<vmem>>, vector<1x128xf32>
      tpu.vector_store %arg10[%swap3A_155, %swap3A_156], %max3A_154 {strides = array<i32>} : memref<16x128xf32, #tpu.memory_space<vmem>>, vector<1x128xf32>,
    } else {
    }
    %le3A_74 = arith.constant 1 : i32
    %le3A_75 = arith.cmpi sle, %squeeze3A, %le3A_74 : i32
    %ge3A_76 = arith.constant 1 : i32
    %ge3A_77 = arith.cmpi sge, %squeeze3A_68, %ge3A_76 : i32
    %and3A_78 = arith.andi %le3A_75, %ge3A_77 : i1
    %convert_element_type3A_79 = arith.extui %and3A_78 : i1 to i32
    %cond3A_80 = arith.constant 0 : i32
    %cond3A_81 = arith.cmpi ne, %convert_element_type3A_79, %cond3A_80 : i32
    scf.if %cond3A_81 {
      %slice3A_146 = vector.extract_strided_slice %eq3A_52 {offsets = [0, 1], sizes = [2000, 1], strides = [1, 1]} : vector<2000x16xi1> to vector<2000x1xi1>
      %jit3A = arith.constant -3.000000e+38 : f32
      %broadcast_in_dim3A = vector.shape_cast %slice3A_146 : vector<2000x1xi1> to vector<2000x1xi1>
      %broadcast_in_dim3A_147 = vector.broadcast %broadcast_in_dim3A : vector<2000x1xi1> to vector<2000x128xi1>
      %broadcast_in_dim3A_148 = vector.broadcast %jit3A : f32 to vector<2000x128xf32>
      %select_n3A = arith.select %broadcast_in_dim3A_147, %mul3A_35, %broadcast_in_dim3A_148 : vector<2000x128xi1>, vector<2000x128xf32>
      %reduce_max3A = arith.constant dense<0xFF800000> : vector<128xf32>
      %reduce_max3A_149 = vector.multi_reduction <maximumf>, %select_n3A, %reduce_max3A [0] : vector<2000x128xf32> to vector<128xf32>
      %broadcast_in_dim3A_150 = vector.shape_cast %reduce_max3A_149 : vector<128xf32> to vector<1x128xf32>
      %get3A_151 = arith.constant 1 : index
      %get3A_152 = arith.constant 0 : index
      %get3A_153 = vector.load %arg10[%get3A_151, %get3A_152] : memref<16x128xf32, #tpu.memory_space<vmem>>, vector<1x128xf32>
      %max3A_154 = arith.maximumf %get3A_153, %broadcast_in_dim3A_150 : vector<1x128xf32>
      %swap3A_155 = arith.constant 1 : index
      %swap3A_156 = arith.constant 0 : index
      %swap3A_157 = vector.load %arg10[%swap3A_155, %swap3A_156] : memref<16x128xf32, #tpu.memory_space<vmem>>, vector<1x128xf32>
      tpu.vector_store %arg10[%swap3A_155, %swap3A_156], %max3A_154 {strides = array<i32>} : memref<16x128xf32, #tpu.memory_space<vmem>>, vector<1x128xf32>,
    } else {
    }
    %le3A_82 = arith.constant 2 : i32
    %le3A_83 = arith.cmpi sle, %squeeze3A, %le3A_82 : i32
    %ge3A_84 = arith.constant 2 : i32
    %ge3A_85 = arith.cmpi sge, %squeeze3A_68, %ge3A_84 : i32
    %and3A_86 = arith.andi %le3A_83, %ge3A_85 : i1
    %convert_element_type3A_87 = arith.extui %and3A_86 : i1 to i32
    %cond3A_88 = arith.constant 0 : i32
    %cond3A_89 = arith.cmpi ne, %convert_element_type3A_87, %cond3A_88 : i32
    scf.if %cond3A_89 {
      %slice3A_146 = vector.extract_strided_slice %eq3A_52 {offsets = [0, 2], sizes = [2000, 1], strides = [1, 1]} : vector<2000x16xi1> to vector<2000x1xi1>
      %jit3A = arith.constant -3.000000e+38 : f32
      %broadcast_in_dim3A = vector.shape_cast %slice3A_146 : vector<2000x1xi1> to vector<2000x1xi1>
      %broadcast_in_dim3A_147 = vector.broadcast %broadcast_in_dim3A : vector<2000x1xi1> to vector<2000x128xi1>
      %broadcast_in_dim3A_148 = vector.broadcast %jit3A : f32 to vector<2000x128xf32>
      %select_n3A = arith.select %broadcast_in_dim3A_147, %mul3A_35, %broadcast_in_dim3A_148 : vector<2000x128xi1>, vector<2000x128xf32>
      %reduce_max3A = arith.constant dense<0xFF800000> : vector<128xf32>
      %reduce_max3A_149 = vector.multi_reduction <maximumf>, %select_n3A, %reduce_max3A [0] : vector<2000x128xf32> to vector<128xf32>
      %broadcast_in_dim3A_150 = vector.shape_cast %reduce_max3A_149 : vector<128xf32> to vector<1x128xf32>
      %get3A_151 = arith.constant 2 : index
      %get3A_152 = arith.constant 0 : index
      %get3A_153 = vector.load %arg10[%get3A_151, %get3A_152] : memref<16x128xf32, #tpu.memory_space<vmem>>, vector<1x128xf32>
      %max3A_154 = arith.maximumf %get3A_153, %broadcast_in_dim3A_150 : vector<1x128xf32>
      %swap3A_155 = arith.constant 2 : index
      %swap3A_156 = arith.constant 0 : index
      %swap3A_157 = vector.load %arg10[%swap3A_155, %swap3A_156] : memref<16x128xf32, #tpu.memory_space<vmem>>, vector<1x128xf32>
      tpu.vector_store %arg10[%swap3A_155, %swap3A_156], %max3A_154 {strides = array<i32>} : memref<16x128xf32, #tpu.memory_space<vmem>>, vector<1x128xf32>,
    } else {
    }
    %le3A_90 = arith.constant 3 : i32
    %le3A_91 = arith.cmpi sle, %squeeze3A, %le3A_90 : i32
    %ge3A_92 = arith.constant 3 : i32
    %ge3A_93 = arith.cmpi sge, %squeeze3A_68, %ge3A_92 : i32
    %and3A_94 = arith.andi %le3A_91, %ge3A_93 : i1
    %convert_element_type3A_95 = arith.extui %and3A_94 : i1 to i32
    %cond3A_96 = arith.constant 0 : i32
    %cond3A_97 = arith.cmpi ne, %convert_element_type3A_95, %cond3A_96 : i32
    scf.if %cond3A_97 {
      %slice3A_146 = vector.extract_strided_slice %eq3A_52 {offsets = [0, 3], sizes = [2000, 1], strides = [1, 1]} : vector<2000x16xi1> to vector<2000x1xi1>
      %jit3A = arith.constant -3.000000e+38 : f32
      %broadcast_in_dim3A = vector.shape_cast %slice3A_146 : vector<2000x1xi1> to vector<2000x1xi1>
      %broadcast_in_dim3A_147 = vector.broadcast %broadcast_in_dim3A : vector<2000x1xi1> to vector<2000x128xi1>
      %broadcast_in_dim3A_148 = vector.broadcast %jit3A : f32 to vector<2000x128xf32>
      %select_n3A = arith.select %broadcast_in_dim3A_147, %mul3A_35, %broadcast_in_dim3A_148 : vector<2000x128xi1>, vector<2000x128xf32>
      %reduce_max3A = arith.constant dense<0xFF800000> : vector<128xf32>
      %reduce_max3A_149 = vector.multi_reduction <maximumf>, %select_n3A, %reduce_max3A [0] : vector<2000x128xf32> to vector<128xf32>
      %broadcast_in_dim3A_150 = vector.shape_cast %reduce_max3A_149 : vector<128xf32> to vector<1x128xf32>
      %get3A_151 = arith.constant 3 : index
      %get3A_152 = arith.constant 0 : index
      %get3A_153 = vector.load %arg10[%get3A_151, %get3A_152] : memref<16x128xf32, #tpu.memory_space<vmem>>, vector<1x128xf32>
      %max3A_154 = arith.maximumf %get3A_153, %broadcast_in_dim3A_150 : vector<1x128xf32>
      %swap3A_155 = arith.constant 3 : index
      %swap3A_156 = arith.constant 0 : index
      %swap3A_157 = vector.load %arg10[%swap3A_155, %swap3A_156] : memref<16x128xf32, #tpu.memory_space<vmem>>, vector<1x128xf32>
      tpu.vector_store %arg10[%swap3A_155, %swap3A_156], %max3A_154 {strides = array<i32>} : memref<16x128xf32, #tpu.memory_space<vmem>>, vector<1x128xf32>,
    } else {
    }
    %le3A_98 = arith.constant 4 : i32
    %le3A_99 = arith.cmpi sle, %squeeze3A, %le3A_98 : i32
    %ge3A_100 = arith.constant 4 : i32
    %ge3A_101 = arith.cmpi sge, %squeeze3A_68, %ge3A_100 : i32
    %and3A_102 = arith.andi %le3A_99, %ge3A_101 : i1
    %convert_element_type3A_103 = arith.extui %and3A_102 : i1 to i32
    %cond3A_104 = arith.constant 0 : i32
    %cond3A_105 = arith.cmpi ne, %convert_element_type3A_103, %cond3A_104 : i32
    scf.if %cond3A_105 {
      %slice3A_146 = vector.extract_strided_slice %eq3A_52 {offsets = [0, 4], sizes = [2000, 1], strides = [1, 1]} : vector<2000x16xi1> to vector<2000x1xi1>
      %jit3A = arith.constant -3.000000e+38 : f32
      %broadcast_in_dim3A = vector.shape_cast %slice3A_146 : vector<2000x1xi1> to vector<2000x1xi1>
      %broadcast_in_dim3A_147 = vector.broadcast %broadcast_in_dim3A : vector<2000x1xi1> to vector<2000x128xi1>
      %broadcast_in_dim3A_148 = vector.broadcast %jit3A : f32 to vector<2000x128xf32>
      %select_n3A = arith.select %broadcast_in_dim3A_147, %mul3A_35, %broadcast_in_dim3A_148 : vector<2000x128xi1>, vector<2000x128xf32>
      %reduce_max3A = arith.constant dense<0xFF800000> : vector<128xf32>
      %reduce_max3A_149 = vector.multi_reduction <maximumf>, %select_n3A, %reduce_max3A [0] : vector<2000x128xf32> to vector<128xf32>
      %broadcast_in_dim3A_150 = vector.shape_cast %reduce_max3A_149 : vector<128xf32> to vector<1x128xf32>
      %get3A_151 = arith.constant 4 : index
      %get3A_152 = arith.constant 0 : index
      %get3A_153 = vector.load %arg10[%get3A_151, %get3A_152] : memref<16x128xf32, #tpu.memory_space<vmem>>, vector<1x128xf32>
      %max3A_154 = arith.maximumf %get3A_153, %broadcast_in_dim3A_150 : vector<1x128xf32>
      %swap3A_155 = arith.constant 4 : index
      %swap3A_156 = arith.constant 0 : index
      %swap3A_157 = vector.load %arg10[%swap3A_155, %swap3A_156] : memref<16x128xf32, #tpu.memory_space<vmem>>, vector<1x128xf32>
      tpu.vector_store %arg10[%swap3A_155, %swap3A_156], %max3A_154 {strides = array<i32>} : memref<16x128xf32, #tpu.memory_space<vmem>>, vector<1x128xf32>,
    } else {
    }
    %le3A_106 = arith.constant 5 : i32
    %le3A_107 = arith.cmpi sle, %squeeze3A, %le3A_106 : i32
    %ge3A_108 = arith.constant 5 : i32
    %ge3A_109 = arith.cmpi sge, %squeeze3A_68, %ge3A_108 : i32
    %and3A_110 = arith.andi %le3A_107, %ge3A_109 : i1
    %convert_element_type3A_111 = arith.extui %and3A_110 : i1 to i32
    %cond3A_112 = arith.constant 0 : i32
    %cond3A_113 = arith.cmpi ne, %convert_element_type3A_111, %cond3A_112 : i32
    scf.if %cond3A_113 {
      %slice3A_146 = vector.extract_strided_slice %eq3A_52 {offsets = [0, 5], sizes = [2000, 1], strides = [1, 1]} : vector<2000x16xi1> to vector<2000x1xi1>
      %jit3A = arith.constant -3.000000e+38 : f32
      %broadcast_in_dim3A = vector.shape_cast %slice3A_146 : vector<2000x1xi1> to vector<2000x1xi1>
      %broadcast_in_dim3A_147 = vector.broadcast %broadcast_in_dim3A : vector<2000x1xi1> to vector<2000x128xi1>
      %broadcast_in_dim3A_148 = vector.broadcast %jit3A : f32 to vector<2000x128xf32>
      %select_n3A = arith.select %broadcast_in_dim3A_147, %mul3A_35, %broadcast_in_dim3A_148 : vector<2000x128xi1>, vector<2000x128xf32>
      %reduce_max3A = arith.constant dense<0xFF800000> : vector<128xf32>
      %reduce_max3A_149 = vector.multi_reduction <maximumf>, %select_n3A, %reduce_max3A [0] : vector<2000x128xf32> to vector<128xf32>
      %broadcast_in_dim3A_150 = vector.shape_cast %reduce_max3A_149 : vector<128xf32> to vector<1x128xf32>
      %get3A_151 = arith.constant 5 : index
      %get3A_152 = arith.constant 0 : index
      %get3A_153 = vector.load %arg10[%get3A_151, %get3A_152] : memref<16x128xf32, #tpu.memory_space<vmem>>, vector<1x128xf32>
      %max3A_154 = arith.maximumf %get3A_153, %broadcast_in_dim3A_150 : vector<1x128xf32>
      %swap3A_155 = arith.constant 5 : index
      %swap3A_156 = arith.constant 0 : index
      %swap3A_157 = vector.load %arg10[%swap3A_155, %swap3A_156] : memref<16x128xf32, #tpu.memory_space<vmem>>, vector<1x128xf32>
      tpu.vector_store %arg10[%swap3A_155, %swap3A_156], %max3A_154 {strides = array<i32>} : memref<16x128xf32, #tpu.memory_space<vmem>>, vector<1x128xf32>,
    } else {
    }
    %le3A_114 = arith.constant 6 : i32
    %le3A_115 = arith.cmpi sle, %squeeze3A, %le3A_114 : i32
    %ge3A_116 = arith.constant 6 : i32
    %ge3A_117 = arith.cmpi sge, %squeeze3A_68, %ge3A_116 : i32
    %and3A_118 = arith.andi %le3A_115, %ge3A_117 : i1
    %convert_element_type3A_119 = arith.extui %and3A_118 : i1 to i32
    %cond3A_120 = arith.constant 0 : i32
    %cond3A_121 = arith.cmpi ne, %convert_element_type3A_119, %cond3A_120 : i32
    scf.if %cond3A_121 {
      %slice3A_146 = vector.extract_strided_slice %eq3A_52 {offsets = [0, 6], sizes = [2000, 1], strides = [1, 1]} : vector<2000x16xi1> to vector<2000x1xi1>
      %jit3A = arith.constant -3.000000e+38 : f32
      %broadcast_in_dim3A = vector.shape_cast %slice3A_146 : vector<2000x1xi1> to vector<2000x1xi1>
      %broadcast_in_dim3A_147 = vector.broadcast %broadcast_in_dim3A : vector<2000x1xi1> to vector<2000x128xi1>
      %broadcast_in_dim3A_148 = vector.broadcast %jit3A : f32 to vector<2000x128xf32>
      %select_n3A = arith.select %broadcast_in_dim3A_147, %mul3A_35, %broadcast_in_dim3A_148 : vector<2000x128xi1>, vector<2000x128xf32>
      %reduce_max3A = arith.constant dense<0xFF800000> : vector<128xf32>
      %reduce_max3A_149 = vector.multi_reduction <maximumf>, %select_n3A, %reduce_max3A [0] : vector<2000x128xf32> to vector<128xf32>
      %broadcast_in_dim3A_150 = vector.shape_cast %reduce_max3A_149 : vector<128xf32> to vector<1x128xf32>
      %get3A_151 = arith.constant 6 : index
      %get3A_152 = arith.constant 0 : index
      %get3A_153 = vector.load %arg10[%get3A_151, %get3A_152] : memref<16x128xf32, #tpu.memory_space<vmem>>, vector<1x128xf32>
      %max3A_154 = arith.maximumf %get3A_153, %broadcast_in_dim3A_150 : vector<1x128xf32>
      %swap3A_155 = arith.constant 6 : index
      %swap3A_156 = arith.constant 0 : index
      %swap3A_157 = vector.load %arg10[%swap3A_155, %swap3A_156] : memref<16x128xf32, #tpu.memory_space<vmem>>, vector<1x128xf32>
      tpu.vector_store %arg10[%swap3A_155, %swap3A_156], %max3A_154 {strides = array<i32>} : memref<16x128xf32, #tpu.memory_space<vmem>>, vector<1x128xf32>,
    } else {
    }
    %le3A_122 = arith.constant 7 : i32
    %le3A_123 = arith.cmpi sle, %squeeze3A, %le3A_122 : i32
    %ge3A_124 = arith.constant 7 : i32
    %ge3A_125 = arith.cmpi sge, %squeeze3A_68, %ge3A_124 : i32
    %and3A_126 = arith.andi %le3A_123, %ge3A_125 : i1
    %convert_element_type3A_127 = arith.extui %and3A_126 : i1 to i32
    %cond3A_128 = arith.constant 0 : i32
    %cond3A_129 = arith.cmpi ne, %convert_element_type3A_127, %cond3A_128 : i32
    scf.if %cond3A_129 {
      %slice3A_146 = vector.extract_strided_slice %eq3A_52 {offsets = [0, 7], sizes = [2000, 1], strides = [1, 1]} : vector<2000x16xi1> to vector<2000x1xi1>
      %jit3A = arith.constant -3.000000e+38 : f32
      %broadcast_in_dim3A = vector.shape_cast %slice3A_146 : vector<2000x1xi1> to vector<2000x1xi1>
      %broadcast_in_dim3A_147 = vector.broadcast %broadcast_in_dim3A : vector<2000x1xi1> to vector<2000x128xi1>
      %broadcast_in_dim3A_148 = vector.broadcast %jit3A : f32 to vector<2000x128xf32>
      %select_n3A = arith.select %broadcast_in_dim3A_147, %mul3A_35, %broadcast_in_dim3A_148 : vector<2000x128xi1>, vector<2000x128xf32>
      %reduce_max3A = arith.constant dense<0xFF800000> : vector<128xf32>
      %reduce_max3A_149 = vector.multi_reduction <maximumf>, %select_n3A, %reduce_max3A [0] : vector<2000x128xf32> to vector<128xf32>
      %broadcast_in_dim3A_150 = vector.shape_cast %reduce_max3A_149 : vector<128xf32> to vector<1x128xf32>
      %get3A_151 = arith.constant 7 : index
      %get3A_152 = arith.constant 0 : index
      %get3A_153 = vector.load %arg10[%get3A_151, %get3A_152] : memref<16x128xf32, #tpu.memory_space<vmem>>, vector<1x128xf32>
      %max3A_154 = arith.maximumf %get3A_153, %broadcast_in_dim3A_150 : vector<1x128xf32>
      %swap3A_155 = arith.constant 7 : index
      %swap3A_156 = arith.constant 0 : index
      %swap3A_157 = vector.load %arg10[%swap3A_155, %swap3A_156] : memref<16x128xf32, #tpu.memory_space<vmem>>, vector<1x128xf32>
      tpu.vector_store %arg10[%swap3A_155, %swap3A_156], %max3A_154 {strides = array<i32>} : memref<16x128xf32, #tpu.memory_space<vmem>>, vector<1x128xf32>,
    } else {
    }
    %le3A_130 = arith.constant 8 : i32
    %le3A_131 = arith.cmpi sle, %squeeze3A, %le3A_130 : i32
    %ge3A_132 = arith.constant 8 : i32
    %ge3A_133 = arith.cmpi sge, %squeeze3A_68, %ge3A_132 : i32
    %and3A_134 = arith.andi %le3A_131, %ge3A_133 : i1
    %convert_element_type3A_135 = arith.extui %and3A_134 : i1 to i32
    %cond3A_136 = arith.constant 0 : i32
    %cond3A_137 = arith.cmpi ne, %convert_element_type3A_135, %cond3A_136 : i32
    scf.if %cond3A_137 {
      %slice3A_146 = vector.extract_strided_slice %eq3A_52 {offsets = [0, 8], sizes = [2000, 1], strides = [1, 1]} : vector<2000x16xi1> to vector<2000x1xi1>
      %jit3A = arith.constant -3.000000e+38 : f32
      %broadcast_in_dim3A = vector.shape_cast %slice3A_146 : vector<2000x1xi1> to vector<2000x1xi1>
      %broadcast_in_dim3A_147 = vector.broadcast %broadcast_in_dim3A : vector<2000x1xi1> to vector<2000x128xi1>
      %broadcast_in_dim3A_148 = vector.broadcast %jit3A : f32 to vector<2000x128xf32>
      %select_n3A = arith.select %broadcast_in_dim3A_147, %mul3A_35, %broadcast_in_dim3A_148 : vector<2000x128xi1>, vector<2000x128xf32>
      %reduce_max3A = arith.constant dense<0xFF800000> : vector<128xf32>
      %reduce_max3A_149 = vector.multi_reduction <maximumf>, %select_n3A, %reduce_max3A [0] : vector<2000x128xf32> to vector<128xf32>
      %broadcast_in_dim3A_150 = vector.shape_cast %reduce_max3A_149 : vector<128xf32> to vector<1x128xf32>
      %get3A_151 = arith.constant 8 : index
      %get3A_152 = arith.constant 0 : index
      %get3A_153 = vector.load %arg10[%get3A_151, %get3A_152] : memref<16x128xf32, #tpu.memory_space<vmem>>, vector<1x128xf32>
      %max3A_154 = arith.maximumf %get3A_153, %broadcast_in_dim3A_150 : vector<1x128xf32>
      %swap3A_155 = arith.constant 8 : index
      %swap3A_156 = arith.constant 0 : index
      %swap3A_157 = vector.load %arg10[%swap3A_155, %swap3A_156] : memref<16x128xf32, #tpu.memory_space<vmem>>, vector<1x128xf32>
      tpu.vector_store %arg10[%swap3A_155, %swap3A_156], %max3A_154 {strides = array<i32>} : memref<16x128xf32, #tpu.memory_space<vmem>>, vector<1x128xf32>,
    } else {
    }
    %le3A_138 = arith.constant 9 : i32
    %le3A_139 = arith.cmpi sle, %squeeze3A, %le3A_138 : i32
    %ge3A_140 = arith.constant 9 : i32
    %ge3A_141 = arith.cmpi sge, %squeeze3A_68, %ge3A_140 : i32
    %and3A_142 = arith.andi %le3A_139, %ge3A_141 : i1
    %convert_element_type3A_143 = arith.extui %and3A_142 : i1 to i32
    %cond3A_144 = arith.constant 0 : i32
    %cond3A_145 = arith.cmpi ne, %convert_element_type3A_143, %cond3A_144 : i32
    scf.if %cond3A_145 {
      %slice3A_146 = vector.extract_strided_slice %eq3A_52 {offsets = [0, 9], sizes = [2000, 1], strides = [1, 1]} : vector<2000x16xi1> to vector<2000x1xi1>
      %jit3A = arith.constant -3.000000e+38 : f32
      %broadcast_in_dim3A = vector.shape_cast %slice3A_146 : vector<2000x1xi1> to vector<2000x1xi1>
      %broadcast_in_dim3A_147 = vector.broadcast %broadcast_in_dim3A : vector<2000x1xi1> to vector<2000x128xi1>
      %broadcast_in_dim3A_148 = vector.broadcast %jit3A : f32 to vector<2000x128xf32>
      %select_n3A = arith.select %broadcast_in_dim3A_147, %mul3A_35, %broadcast_in_dim3A_148 : vector<2000x128xi1>, vector<2000x128xf32>
      %reduce_max3A = arith.constant dense<0xFF800000> : vector<128xf32>
      %reduce_max3A_149 = vector.multi_reduction <maximumf>, %select_n3A, %reduce_max3A [0] : vector<2000x128xf32> to vector<128xf32>
      %broadcast_in_dim3A_150 = vector.shape_cast %reduce_max3A_149 : vector<128xf32> to vector<1x128xf32>
      %get3A_151 = arith.constant 9 : index
      %get3A_152 = arith.constant 0 : index
      %get3A_153 = vector.load %arg10[%get3A_151, %get3A_152] : memref<16x128xf32, #tpu.memory_space<vmem>>, vector<1x128xf32>
      %max3A_154 = arith.maximumf %get3A_153, %broadcast_in_dim3A_150 : vector<1x128xf32>
      %swap3A_155 = arith.constant 9 : index
      %swap3A_156 = arith.constant 0 : index
      %swap3A_157 = vector.load %arg10[%swap3A_155, %swap3A_156] : memref<16x128xf32, #tpu.memory_space<vmem>>, vector<1x128xf32>
      tpu.vector_store %arg10[%swap3A_155, %swap3A_156], %max3A_154 {strides = array<i32>} : memref<16x128xf32, #tpu.memory_space<vmem>>, vector<1x128xf32>,
    } else {
    }
    return
  }
  func.func @transform_0(%arg0: i32) -> (i32, i32, i32) {
    %c0_i32 = arith.constant 0 : i32
    %c0_i32_0 = arith.constant 0 : i32
    %c0_i32_1 = arith.constant 0 : i32
    return %c0_i32, %arg0, %c0_i32_0 : i32, i32, i32
  }
  func.func @transform_1(%arg0: i32) -> (i32, i32) {
    %c0_i32 = arith.constant 0 : i32
    %c0_i32_0 = arith.constant 0 : i32
    return %arg0, %c0_i32 : i32, i32
  }
  func.func @transform_2(%arg0: i32) -> (i32, i32) {
    %c0_i32 = arith.constant 0 : i32
    %c0_i32_0 = arith.constant 0 : i32
    %c0_i32_1 = arith.constant 0 : i32
    return %c0_i32, %c0_i32_0 : i32, i32
  }
  func.func @transform_3(%arg0: i32) -> (i32, i32) {
    %c0_i32 = arith.constant 0 : i32
    %c0_i32_0 = arith.constant 0 : i32
    %c0_i32_1 = arith.constant 0 : i32
    return %c0_i32, %c0_i32_0 : i32, i32
  }
  func.func @transform_4(%arg0: i32) -> (i32, i32) {
    %c0_i32 = arith.constant 0 : i32
    %c0_i32_0 = arith.constant 0 : i32
    %c0_i32_1 = arith.constant 0 : i32
    return %c0_i32, %c0_i32_0 : i32, i32
  }
  func.func @transform_5(%arg0: i32) -> (i32, i32) {
    %c0_i32 = arith.constant 0 : i32
    %c0_i32_0 = arith.constant 0 : i32
    return %arg0, %c0_i32 : i32, i32
  }
  func.func @transform_6(%arg0: i32) -> (i32, i32) {
    %c0_i32 = arith.constant 0 : i32
    %c0_i32_0 = arith.constant 0 : i32
    return %arg0, %c0_i32 : i32, i32
  }
  func.func @transform_7(%arg0: i32) -> (i32, i32) {
    %c0_i32 = arith.constant 0 : i32
    %c0_i32_0 = arith.constant 0 : i32
    return %arg0, %c0_i32 : i32, i32
  }
  func.func @transform_8(%arg0: i32) -> (i32, i32) {
    %c0_i32 = arith.constant 0 : i32
    %c0_i32_0 = arith.constant 0 : i32
    %c0_i32_1 = arith.constant 0 : i32
    return %c0_i32, %c0_i32_0 : i32, i32
  }
  func.func @transform_9(%arg0: i32) -> (i32, i32) {
    %c0_i32 = arith.constant 0 : i32
    %c0_i32_0 = arith.constant 0 : i32
    %c0_i32_1 = arith.constant 0 : i32
    return %c0_i32, %c0_i32_0 : i32, i32
  }
}

module attributes {stable_mosaic.version = 14 : i64} {
  func.func @_post3_body(%arg0: i32, %arg1: memref<2x2000x128xf32, #tpu.memory_space<vmem>>, %arg2: memref<2000x1xf32, #tpu.memory_space<vmem>>, %arg3: memref<1x128xf32, #tpu.memory_space<vmem>>, %arg4: memref<1x128xf32, #tpu.memory_space<vmem>>, %arg5: memref<2000x1xi32, #tpu.memory_space<vmem>>, %arg6: memref<16x128xf32, #tpu.memory_space<vmem>>, %arg7: memref<16x128xf32, #tpu.memory_space<vmem>>) attributes {dimension_semantics = [#tpu.dimension_semantics<arbitrary>], iteration_bounds = array<i64: 5>, scalar_prefetch = 0 : i64, scratch_operands = 0 : i64, tpu.core_type = #tpu.core_type<tc>, window_params = [{transform_indices = @transform_0, window_bounds = array<i64: 2, 2000, 128>}, {transform_indices = @transform_1, window_bounds = array<i64: 2000, 1>}, {pipeline_mode = #tpu.pipeline_mode<synchronous>, transform_indices = @transform_2, window_bounds = array<i64: 1, 128>}, {pipeline_mode = #tpu.pipeline_mode<synchronous>, transform_indices = @transform_3, window_bounds = array<i64: 1, 128>}, {transform_indices = @transform_4, window_bounds = array<i64: 2000, 1>}, {pipeline_mode = #tpu.pipeline_mode<synchronous>, transform_indices = @transform_5, window_bounds = array<i64: 16, 128>}, {pipeline_mode = #tpu.pipeline_mode<synchronous>, transform_indices = @transform_6, window_bounds = array<i64: 16, 128>}]} {
    %get3A = arith.constant 0 : index
    %get3A_0 = arith.constant 0 : index
    %get3A_1 = arith.constant 0 : index
    %get3A_2 = vector.load %arg1[%get3A, %get3A_0, %get3A_1] : memref<2x2000x128xf32, #tpu.memory_space<vmem>>, vector<1x2000x128xf32>
    %get3A_3 = vector.shape_cast %get3A_2 : vector<1x2000x128xf32> to vector<2000x128xf32>
    %get3A_4 = arith.constant 1 : index
    %get3A_5 = arith.constant 0 : index
    %get3A_6 = arith.constant 0 : index
    %get3A_7 = vector.load %arg1[%get3A_4, %get3A_5, %get3A_6] : memref<2x2000x128xf32, #tpu.memory_space<vmem>>, vector<1x2000x128xf32>
    %get3A_8 = vector.shape_cast %get3A_7 : vector<1x2000x128xf32> to vector<2000x128xf32>
    %add3A = arith.addf %get3A_3, %get3A_8 : vector<2000x128xf32>
    %get3A_9 = arith.constant 0 : index
    %get3A_10 = arith.constant 0 : index
    %get3A_11 = vector.load %arg2[%get3A_9, %get3A_10] : memref<2000x1xf32, #tpu.memory_space<vmem>>, vector<2000x1xf32>
    %mul3A = vector.broadcast %get3A_11 : vector<2000x1xf32> to vector<2000x128xf32>
    %mul3A_12 = arith.mulf %add3A, %mul3A : vector<2000x128xf32>
    %get3A_13 = arith.constant 0 : index
    %get3A_14 = arith.constant 0 : index
    %get3A_15 = vector.load %arg3[%get3A_13, %get3A_14] : memref<1x128xf32, #tpu.memory_space<vmem>>, vector<1x128xf32>
    %add3A_16 = vector.broadcast %get3A_15 : vector<1x128xf32> to vector<2000x128xf32>
    %add3A_17 = arith.addf %mul3A_12, %add3A_16 : vector<2000x128xf32>
    %max3A = arith.constant 0.000000e+00 : f32
    %max3A_18 = vector.broadcast %max3A : f32 to vector<2000x128xf32>
    %max3A_19 = arith.maximumf %add3A_17, %max3A_18 : vector<2000x128xf32>
    %get3A_20 = arith.constant 0 : index
    %get3A_21 = arith.constant 0 : index
    %get3A_22 = vector.load %arg4[%get3A_20, %get3A_21] : memref<1x128xf32, #tpu.memory_space<vmem>>, vector<1x128xf32>
    %mul3A_23 = arith.mulf %get3A_22, %get3A_22 : vector<1x128xf32>
    %reduce_sum3A = vector.shape_cast %mul3A_23 : vector<1x128xf32> to vector<1x1x128xf32>
    %reduce_sum3A_24 = arith.constant dense<0.000000e+00> : vector<1xf32>
    %reduce_sum3A_25 = vector.multi_reduction <add>, %reduce_sum3A, %reduce_sum3A_24 [1, 2] : vector<1x1x128xf32> to vector<1xf32>
    %reduce_sum3A_26 = vector.shape_cast %reduce_sum3A_25 : vector<1xf32> to vector<1x1x1xf32>
    %reduce_sum3A_27 = vector.extract %reduce_sum3A_26[0, 0, 0] : f32 from vector<1x1x1xf32>
    %sqrt3A = math.sqrt %reduce_sum3A_27 : f32
    %add3A_28 = arith.constant 9.99999993E-9 : f32
    %add3A_29 = arith.addf %sqrt3A, %add3A_28 : f32
    %div3A = arith.constant 1.000000e+00 : f32
    %div3A_30 = arith.divf %div3A, %add3A_29 : f32
    %dot_general3A = arith.constant dense<0.000000e+00> : vector<2000x1xf32>
    %dot_general3A_31 = tpu.matmul %max3A_19, %get3A_22, %dot_general3A {dimension_numbers = #tpu.dot_dimension_numbers<[1], [1], [0], [0], [0, 0, 1, 0], [], []>, transpose_lhs_hint = false} : vector<2000x128xf32>, vector<1x128xf32>, vector<2000x1xf32> -> vector<2000x1xf32>
    %mul3A_32 = vector.broadcast %div3A_30 : f32 to vector<2000x1xf32>
    %mul3A_33 = arith.mulf %dot_general3A_31, %mul3A_32 : vector<2000x1xf32>
    %tanh3A = math.tanh %mul3A_33 : vector<2000x1xf32>
    %mul3A_34 = vector.broadcast %tanh3A : vector<2000x1xf32> to vector<2000x128xf32>
    %mul3A_35 = arith.mulf %max3A_19, %mul3A_34 : vector<2000x128xf32>
    %get3A_36 = arith.constant 0 : index
    %get3A_37 = arith.constant 0 : index
    %get3A_38 = vector.load %arg5[%get3A_36, %get3A_37] : memref<2000x1xi32, #tpu.memory_space<vmem>>, vector<2000x1xi32>
    %iota3A = tpu.iota {dimensions = array<i32: 1>} : vector<1x16xi32>
    %eq3A = vector.broadcast %get3A_38 : vector<2000x1xi32> to vector<2000x16xi32>
    %eq3A_39 = vector.broadcast %iota3A : vector<1x16xi32> to vector<2000x16xi32>
    %eq3A_40 = arith.cmpi eq, %eq3A, %eq3A_39 : vector<2000x16xi32>
    %convert_element_type3A = arith.extui %eq3A_40 : vector<2000x16xi1> to vector<2000x16xi32>
    %convert_element_type3A_41 = arith.sitofp %convert_element_type3A : vector<2000x16xi32> to vector<2000x16xf32>
    %dot_general3A_42 = arith.constant dense<0.000000e+00> : vector<16x128xf32>
    %dot_general3A_43 = tpu.matmul %convert_element_type3A_41, %mul3A_35, %dot_general3A_42 {dimension_numbers = #tpu.dot_dimension_numbers<[0], [0], [1], [1], [0, 1, 1, 1], [], []>, transpose_lhs_hint = false} : vector<2000x16xf32>, vector<2000x128xf32>, vector<16x128xf32> -> vector<16x128xf32>
    %eq3A_44 = arith.constant 0 : i32
    %eq3A_45 = arith.cmpi eq, %arg0, %eq3A_44 : i32
    %convert_element_type3A_46 = arith.extui %eq3A_45 : i1 to i32
    %cond3A = arith.constant 0 : i32
    %cond3A_47 = arith.cmpi ne, %convert_element_type3A_46, %cond3A : i32
    scf.if %cond3A_47 {
      %broadcast_in_dim3A = arith.constant 0.000000e+00 : f32
      %broadcast_in_dim3A_133 = vector.broadcast %broadcast_in_dim3A : f32 to vector<16x128xf32>
      %swap3A_134 = arith.constant 0 : index
      %swap3A_135 = arith.constant 0 : index
      %swap3A_136 = vector.load %arg6[%swap3A_134, %swap3A_135] : memref<16x128xf32, #tpu.memory_space<vmem>>, vector<16x128xf32>
      tpu.vector_store %arg6[%swap3A_134, %swap3A_135], %broadcast_in_dim3A_133 {strides = array<i32>} : memref<16x128xf32, #tpu.memory_space<vmem>>, vector<16x128xf32>,
      %broadcast_in_dim3A_137 = arith.constant -3.000000e+38 : f32
      %broadcast_in_dim3A_138 = vector.broadcast %broadcast_in_dim3A_137 : f32 to vector<16x128xf32>
      %swap3A_139 = arith.constant 0 : index
      %swap3A_140 = arith.constant 0 : index
      %swap3A_141 = vector.load %arg7[%swap3A_139, %swap3A_140] : memref<16x128xf32, #tpu.memory_space<vmem>>, vector<16x128xf32>
      tpu.vector_store %arg7[%swap3A_139, %swap3A_140], %broadcast_in_dim3A_138 {strides = array<i32>} : memref<16x128xf32, #tpu.memory_space<vmem>>, vector<16x128xf32>,
    } else {
    }
    %get3A_48 = arith.constant 0 : index
    %get3A_49 = arith.constant 0 : index
    %get3A_50 = vector.load %arg6[%get3A_48, %get3A_49] : memref<16x128xf32, #tpu.memory_space<vmem>>, vector<16x128xf32>
    %add3A_51 = arith.addf %get3A_50, %dot_general3A_43 : vector<16x128xf32>
    %swap3A = arith.constant 0 : index
    %swap3A_52 = arith.constant 0 : index
    %swap3A_53 = vector.load %arg6[%swap3A, %swap3A_52] : memref<16x128xf32, #tpu.memory_space<vmem>>, vector<16x128xf32>
    tpu.vector_store %arg6[%swap3A, %swap3A_52], %add3A_51 {strides = array<i32>} : memref<16x128xf32, #tpu.memory_space<vmem>>, vector<16x128xf32>,
    %slice3A = vector.extract_strided_slice %get3A_38 {offsets = [0, 0], sizes = [1, 1], strides = [1, 1]} : vector<2000x1xi32> to vector<1x1xi32>
    %squeeze3A = vector.extract %slice3A[0, 0] : i32 from vector<1x1xi32>
    %slice3A_54 = vector.extract_strided_slice %get3A_38 {offsets = [1999, 0], sizes = [1, 1], strides = [1, 1]} : vector<2000x1xi32> to vector<1x1xi32>
    %squeeze3A_55 = vector.extract %slice3A_54[0, 0] : i32 from vector<1x1xi32>
    %le3A = arith.constant 0 : i32
    %le3A_56 = arith.cmpi sle, %squeeze3A, %le3A : i32
    %ge3A = arith.constant 0 : i32
    %ge3A_57 = arith.cmpi sge, %squeeze3A_55, %ge3A : i32
    %and3A = arith.andi %le3A_56, %ge3A_57 : i1
    %convert_element_type3A_58 = arith.extui %and3A : i1 to i32
    %cond3A_59 = arith.constant 0 : i32
    %cond3A_60 = arith.cmpi ne, %convert_element_type3A_58, %cond3A_59 : i32
    scf.if %cond3A_60 {
      %slice3A_133 = vector.extract_strided_slice %eq3A_40 {offsets = [0, 0], sizes = [2000, 1], strides = [1, 1]} : vector<2000x16xi1> to vector<2000x1xi1>
      %jit3A = arith.constant -3.000000e+38 : f32
      %broadcast_in_dim3A = vector.shape_cast %slice3A_133 : vector<2000x1xi1> to vector<2000x1xi1>
      %broadcast_in_dim3A_134 = vector.broadcast %broadcast_in_dim3A : vector<2000x1xi1> to vector<2000x128xi1>
      %broadcast_in_dim3A_135 = vector.broadcast %jit3A : f32 to vector<2000x128xf32>
      %select_n3A = arith.select %broadcast_in_dim3A_134, %mul3A_35, %broadcast_in_dim3A_135 : vector<2000x128xi1>, vector<2000x128xf32>
      %reduce_max3A = arith.constant dense<0xFF800000> : vector<128xf32>
      %reduce_max3A_136 = vector.multi_reduction <maximumf>, %select_n3A, %reduce_max3A [0] : vector<2000x128xf32> to vector<128xf32>
      %broadcast_in_dim3A_137 = vector.shape_cast %reduce_max3A_136 : vector<128xf32> to vector<1x128xf32>
      %get3A_138 = arith.constant 0 : index
      %get3A_139 = arith.constant 0 : index
      %get3A_140 = vector.load %arg7[%get3A_138, %get3A_139] : memref<16x128xf32, #tpu.memory_space<vmem>>, vector<1x128xf32>
      %max3A_141 = arith.maximumf %get3A_140, %broadcast_in_dim3A_137 : vector<1x128xf32>
      %swap3A_142 = arith.constant 0 : index
      %swap3A_143 = arith.constant 0 : index
      %swap3A_144 = vector.load %arg7[%swap3A_142, %swap3A_143] : memref<16x128xf32, #tpu.memory_space<vmem>>, vector<1x128xf32>
      tpu.vector_store %arg7[%swap3A_142, %swap3A_143], %max3A_141 {strides = array<i32>} : memref<16x128xf32, #tpu.memory_space<vmem>>, vector<1x128xf32>,
    } else {
    }
    %le3A_61 = arith.constant 1 : i32
    %le3A_62 = arith.cmpi sle, %squeeze3A, %le3A_61 : i32
    %ge3A_63 = arith.constant 1 : i32
    %ge3A_64 = arith.cmpi sge, %squeeze3A_55, %ge3A_63 : i32
    %and3A_65 = arith.andi %le3A_62, %ge3A_64 : i1
    %convert_element_type3A_66 = arith.extui %and3A_65 : i1 to i32
    %cond3A_67 = arith.constant 0 : i32
    %cond3A_68 = arith.cmpi ne, %convert_element_type3A_66, %cond3A_67 : i32
    scf.if %cond3A_68 {
      %slice3A_133 = vector.extract_strided_slice %eq3A_40 {offsets = [0, 1], sizes = [2000, 1], strides = [1, 1]} : vector<2000x16xi1> to vector<2000x1xi1>
      %jit3A = arith.constant -3.000000e+38 : f32
      %broadcast_in_dim3A = vector.shape_cast %slice3A_133 : vector<2000x1xi1> to vector<2000x1xi1>
      %broadcast_in_dim3A_134 = vector.broadcast %broadcast_in_dim3A : vector<2000x1xi1> to vector<2000x128xi1>
      %broadcast_in_dim3A_135 = vector.broadcast %jit3A : f32 to vector<2000x128xf32>
      %select_n3A = arith.select %broadcast_in_dim3A_134, %mul3A_35, %broadcast_in_dim3A_135 : vector<2000x128xi1>, vector<2000x128xf32>
      %reduce_max3A = arith.constant dense<0xFF800000> : vector<128xf32>
      %reduce_max3A_136 = vector.multi_reduction <maximumf>, %select_n3A, %reduce_max3A [0] : vector<2000x128xf32> to vector<128xf32>
      %broadcast_in_dim3A_137 = vector.shape_cast %reduce_max3A_136 : vector<128xf32> to vector<1x128xf32>
      %get3A_138 = arith.constant 1 : index
      %get3A_139 = arith.constant 0 : index
      %get3A_140 = vector.load %arg7[%get3A_138, %get3A_139] : memref<16x128xf32, #tpu.memory_space<vmem>>, vector<1x128xf32>
      %max3A_141 = arith.maximumf %get3A_140, %broadcast_in_dim3A_137 : vector<1x128xf32>
      %swap3A_142 = arith.constant 1 : index
      %swap3A_143 = arith.constant 0 : index
      %swap3A_144 = vector.load %arg7[%swap3A_142, %swap3A_143] : memref<16x128xf32, #tpu.memory_space<vmem>>, vector<1x128xf32>
      tpu.vector_store %arg7[%swap3A_142, %swap3A_143], %max3A_141 {strides = array<i32>} : memref<16x128xf32, #tpu.memory_space<vmem>>, vector<1x128xf32>,
    } else {
    }
    %le3A_69 = arith.constant 2 : i32
    %le3A_70 = arith.cmpi sle, %squeeze3A, %le3A_69 : i32
    %ge3A_71 = arith.constant 2 : i32
    %ge3A_72 = arith.cmpi sge, %squeeze3A_55, %ge3A_71 : i32
    %and3A_73 = arith.andi %le3A_70, %ge3A_72 : i1
    %convert_element_type3A_74 = arith.extui %and3A_73 : i1 to i32
    %cond3A_75 = arith.constant 0 : i32
    %cond3A_76 = arith.cmpi ne, %convert_element_type3A_74, %cond3A_75 : i32
    scf.if %cond3A_76 {
      %slice3A_133 = vector.extract_strided_slice %eq3A_40 {offsets = [0, 2], sizes = [2000, 1], strides = [1, 1]} : vector<2000x16xi1> to vector<2000x1xi1>
      %jit3A = arith.constant -3.000000e+38 : f32
      %broadcast_in_dim3A = vector.shape_cast %slice3A_133 : vector<2000x1xi1> to vector<2000x1xi1>
      %broadcast_in_dim3A_134 = vector.broadcast %broadcast_in_dim3A : vector<2000x1xi1> to vector<2000x128xi1>
      %broadcast_in_dim3A_135 = vector.broadcast %jit3A : f32 to vector<2000x128xf32>
      %select_n3A = arith.select %broadcast_in_dim3A_134, %mul3A_35, %broadcast_in_dim3A_135 : vector<2000x128xi1>, vector<2000x128xf32>
      %reduce_max3A = arith.constant dense<0xFF800000> : vector<128xf32>
      %reduce_max3A_136 = vector.multi_reduction <maximumf>, %select_n3A, %reduce_max3A [0] : vector<2000x128xf32> to vector<128xf32>
      %broadcast_in_dim3A_137 = vector.shape_cast %reduce_max3A_136 : vector<128xf32> to vector<1x128xf32>
      %get3A_138 = arith.constant 2 : index
      %get3A_139 = arith.constant 0 : index
      %get3A_140 = vector.load %arg7[%get3A_138, %get3A_139] : memref<16x128xf32, #tpu.memory_space<vmem>>, vector<1x128xf32>
      %max3A_141 = arith.maximumf %get3A_140, %broadcast_in_dim3A_137 : vector<1x128xf32>
      %swap3A_142 = arith.constant 2 : index
      %swap3A_143 = arith.constant 0 : index
      %swap3A_144 = vector.load %arg7[%swap3A_142, %swap3A_143] : memref<16x128xf32, #tpu.memory_space<vmem>>, vector<1x128xf32>
      tpu.vector_store %arg7[%swap3A_142, %swap3A_143], %max3A_141 {strides = array<i32>} : memref<16x128xf32, #tpu.memory_space<vmem>>, vector<1x128xf32>,
    } else {
    }
    %le3A_77 = arith.constant 3 : i32
    %le3A_78 = arith.cmpi sle, %squeeze3A, %le3A_77 : i32
    %ge3A_79 = arith.constant 3 : i32
    %ge3A_80 = arith.cmpi sge, %squeeze3A_55, %ge3A_79 : i32
    %and3A_81 = arith.andi %le3A_78, %ge3A_80 : i1
    %convert_element_type3A_82 = arith.extui %and3A_81 : i1 to i32
    %cond3A_83 = arith.constant 0 : i32
    %cond3A_84 = arith.cmpi ne, %convert_element_type3A_82, %cond3A_83 : i32
    scf.if %cond3A_84 {
      %slice3A_133 = vector.extract_strided_slice %eq3A_40 {offsets = [0, 3], sizes = [2000, 1], strides = [1, 1]} : vector<2000x16xi1> to vector<2000x1xi1>
      %jit3A = arith.constant -3.000000e+38 : f32
      %broadcast_in_dim3A = vector.shape_cast %slice3A_133 : vector<2000x1xi1> to vector<2000x1xi1>
      %broadcast_in_dim3A_134 = vector.broadcast %broadcast_in_dim3A : vector<2000x1xi1> to vector<2000x128xi1>
      %broadcast_in_dim3A_135 = vector.broadcast %jit3A : f32 to vector<2000x128xf32>
      %select_n3A = arith.select %broadcast_in_dim3A_134, %mul3A_35, %broadcast_in_dim3A_135 : vector<2000x128xi1>, vector<2000x128xf32>
      %reduce_max3A = arith.constant dense<0xFF800000> : vector<128xf32>
      %reduce_max3A_136 = vector.multi_reduction <maximumf>, %select_n3A, %reduce_max3A [0] : vector<2000x128xf32> to vector<128xf32>
      %broadcast_in_dim3A_137 = vector.shape_cast %reduce_max3A_136 : vector<128xf32> to vector<1x128xf32>
      %get3A_138 = arith.constant 3 : index
      %get3A_139 = arith.constant 0 : index
      %get3A_140 = vector.load %arg7[%get3A_138, %get3A_139] : memref<16x128xf32, #tpu.memory_space<vmem>>, vector<1x128xf32>
      %max3A_141 = arith.maximumf %get3A_140, %broadcast_in_dim3A_137 : vector<1x128xf32>
      %swap3A_142 = arith.constant 3 : index
      %swap3A_143 = arith.constant 0 : index
      %swap3A_144 = vector.load %arg7[%swap3A_142, %swap3A_143] : memref<16x128xf32, #tpu.memory_space<vmem>>, vector<1x128xf32>
      tpu.vector_store %arg7[%swap3A_142, %swap3A_143], %max3A_141 {strides = array<i32>} : memref<16x128xf32, #tpu.memory_space<vmem>>, vector<1x128xf32>,
    } else {
    }
    %le3A_85 = arith.constant 4 : i32
    %le3A_86 = arith.cmpi sle, %squeeze3A, %le3A_85 : i32
    %ge3A_87 = arith.constant 4 : i32
    %ge3A_88 = arith.cmpi sge, %squeeze3A_55, %ge3A_87 : i32
    %and3A_89 = arith.andi %le3A_86, %ge3A_88 : i1
    %convert_element_type3A_90 = arith.extui %and3A_89 : i1 to i32
    %cond3A_91 = arith.constant 0 : i32
    %cond3A_92 = arith.cmpi ne, %convert_element_type3A_90, %cond3A_91 : i32
    scf.if %cond3A_92 {
      %slice3A_133 = vector.extract_strided_slice %eq3A_40 {offsets = [0, 4], sizes = [2000, 1], strides = [1, 1]} : vector<2000x16xi1> to vector<2000x1xi1>
      %jit3A = arith.constant -3.000000e+38 : f32
      %broadcast_in_dim3A = vector.shape_cast %slice3A_133 : vector<2000x1xi1> to vector<2000x1xi1>
      %broadcast_in_dim3A_134 = vector.broadcast %broadcast_in_dim3A : vector<2000x1xi1> to vector<2000x128xi1>
      %broadcast_in_dim3A_135 = vector.broadcast %jit3A : f32 to vector<2000x128xf32>
      %select_n3A = arith.select %broadcast_in_dim3A_134, %mul3A_35, %broadcast_in_dim3A_135 : vector<2000x128xi1>, vector<2000x128xf32>
      %reduce_max3A = arith.constant dense<0xFF800000> : vector<128xf32>
      %reduce_max3A_136 = vector.multi_reduction <maximumf>, %select_n3A, %reduce_max3A [0] : vector<2000x128xf32> to vector<128xf32>
      %broadcast_in_dim3A_137 = vector.shape_cast %reduce_max3A_136 : vector<128xf32> to vector<1x128xf32>
      %get3A_138 = arith.constant 4 : index
      %get3A_139 = arith.constant 0 : index
      %get3A_140 = vector.load %arg7[%get3A_138, %get3A_139] : memref<16x128xf32, #tpu.memory_space<vmem>>, vector<1x128xf32>
      %max3A_141 = arith.maximumf %get3A_140, %broadcast_in_dim3A_137 : vector<1x128xf32>
      %swap3A_142 = arith.constant 4 : index
      %swap3A_143 = arith.constant 0 : index
      %swap3A_144 = vector.load %arg7[%swap3A_142, %swap3A_143] : memref<16x128xf32, #tpu.memory_space<vmem>>, vector<1x128xf32>
      tpu.vector_store %arg7[%swap3A_142, %swap3A_143], %max3A_141 {strides = array<i32>} : memref<16x128xf32, #tpu.memory_space<vmem>>, vector<1x128xf32>,
    } else {
    }
    %le3A_93 = arith.constant 5 : i32
    %le3A_94 = arith.cmpi sle, %squeeze3A, %le3A_93 : i32
    %ge3A_95 = arith.constant 5 : i32
    %ge3A_96 = arith.cmpi sge, %squeeze3A_55, %ge3A_95 : i32
    %and3A_97 = arith.andi %le3A_94, %ge3A_96 : i1
    %convert_element_type3A_98 = arith.extui %and3A_97 : i1 to i32
    %cond3A_99 = arith.constant 0 : i32
    %cond3A_100 = arith.cmpi ne, %convert_element_type3A_98, %cond3A_99 : i32
    scf.if %cond3A_100 {
      %slice3A_133 = vector.extract_strided_slice %eq3A_40 {offsets = [0, 5], sizes = [2000, 1], strides = [1, 1]} : vector<2000x16xi1> to vector<2000x1xi1>
      %jit3A = arith.constant -3.000000e+38 : f32
      %broadcast_in_dim3A = vector.shape_cast %slice3A_133 : vector<2000x1xi1> to vector<2000x1xi1>
      %broadcast_in_dim3A_134 = vector.broadcast %broadcast_in_dim3A : vector<2000x1xi1> to vector<2000x128xi1>
      %broadcast_in_dim3A_135 = vector.broadcast %jit3A : f32 to vector<2000x128xf32>
      %select_n3A = arith.select %broadcast_in_dim3A_134, %mul3A_35, %broadcast_in_dim3A_135 : vector<2000x128xi1>, vector<2000x128xf32>
      %reduce_max3A = arith.constant dense<0xFF800000> : vector<128xf32>
      %reduce_max3A_136 = vector.multi_reduction <maximumf>, %select_n3A, %reduce_max3A [0] : vector<2000x128xf32> to vector<128xf32>
      %broadcast_in_dim3A_137 = vector.shape_cast %reduce_max3A_136 : vector<128xf32> to vector<1x128xf32>
      %get3A_138 = arith.constant 5 : index
      %get3A_139 = arith.constant 0 : index
      %get3A_140 = vector.load %arg7[%get3A_138, %get3A_139] : memref<16x128xf32, #tpu.memory_space<vmem>>, vector<1x128xf32>
      %max3A_141 = arith.maximumf %get3A_140, %broadcast_in_dim3A_137 : vector<1x128xf32>
      %swap3A_142 = arith.constant 5 : index
      %swap3A_143 = arith.constant 0 : index
      %swap3A_144 = vector.load %arg7[%swap3A_142, %swap3A_143] : memref<16x128xf32, #tpu.memory_space<vmem>>, vector<1x128xf32>
      tpu.vector_store %arg7[%swap3A_142, %swap3A_143], %max3A_141 {strides = array<i32>} : memref<16x128xf32, #tpu.memory_space<vmem>>, vector<1x128xf32>,
    } else {
    }
    %le3A_101 = arith.constant 6 : i32
    %le3A_102 = arith.cmpi sle, %squeeze3A, %le3A_101 : i32
    %ge3A_103 = arith.constant 6 : i32
    %ge3A_104 = arith.cmpi sge, %squeeze3A_55, %ge3A_103 : i32
    %and3A_105 = arith.andi %le3A_102, %ge3A_104 : i1
    %convert_element_type3A_106 = arith.extui %and3A_105 : i1 to i32
    %cond3A_107 = arith.constant 0 : i32
    %cond3A_108 = arith.cmpi ne, %convert_element_type3A_106, %cond3A_107 : i32
    scf.if %cond3A_108 {
      %slice3A_133 = vector.extract_strided_slice %eq3A_40 {offsets = [0, 6], sizes = [2000, 1], strides = [1, 1]} : vector<2000x16xi1> to vector<2000x1xi1>
      %jit3A = arith.constant -3.000000e+38 : f32
      %broadcast_in_dim3A = vector.shape_cast %slice3A_133 : vector<2000x1xi1> to vector<2000x1xi1>
      %broadcast_in_dim3A_134 = vector.broadcast %broadcast_in_dim3A : vector<2000x1xi1> to vector<2000x128xi1>
      %broadcast_in_dim3A_135 = vector.broadcast %jit3A : f32 to vector<2000x128xf32>
      %select_n3A = arith.select %broadcast_in_dim3A_134, %mul3A_35, %broadcast_in_dim3A_135 : vector<2000x128xi1>, vector<2000x128xf32>
      %reduce_max3A = arith.constant dense<0xFF800000> : vector<128xf32>
      %reduce_max3A_136 = vector.multi_reduction <maximumf>, %select_n3A, %reduce_max3A [0] : vector<2000x128xf32> to vector<128xf32>
      %broadcast_in_dim3A_137 = vector.shape_cast %reduce_max3A_136 : vector<128xf32> to vector<1x128xf32>
      %get3A_138 = arith.constant 6 : index
      %get3A_139 = arith.constant 0 : index
      %get3A_140 = vector.load %arg7[%get3A_138, %get3A_139] : memref<16x128xf32, #tpu.memory_space<vmem>>, vector<1x128xf32>
      %max3A_141 = arith.maximumf %get3A_140, %broadcast_in_dim3A_137 : vector<1x128xf32>
      %swap3A_142 = arith.constant 6 : index
      %swap3A_143 = arith.constant 0 : index
      %swap3A_144 = vector.load %arg7[%swap3A_142, %swap3A_143] : memref<16x128xf32, #tpu.memory_space<vmem>>, vector<1x128xf32>
      tpu.vector_store %arg7[%swap3A_142, %swap3A_143], %max3A_141 {strides = array<i32>} : memref<16x128xf32, #tpu.memory_space<vmem>>, vector<1x128xf32>,
    } else {
    }
    %le3A_109 = arith.constant 7 : i32
    %le3A_110 = arith.cmpi sle, %squeeze3A, %le3A_109 : i32
    %ge3A_111 = arith.constant 7 : i32
    %ge3A_112 = arith.cmpi sge, %squeeze3A_55, %ge3A_111 : i32
    %and3A_113 = arith.andi %le3A_110, %ge3A_112 : i1
    %convert_element_type3A_114 = arith.extui %and3A_113 : i1 to i32
    %cond3A_115 = arith.constant 0 : i32
    %cond3A_116 = arith.cmpi ne, %convert_element_type3A_114, %cond3A_115 : i32
    scf.if %cond3A_116 {
      %slice3A_133 = vector.extract_strided_slice %eq3A_40 {offsets = [0, 7], sizes = [2000, 1], strides = [1, 1]} : vector<2000x16xi1> to vector<2000x1xi1>
      %jit3A = arith.constant -3.000000e+38 : f32
      %broadcast_in_dim3A = vector.shape_cast %slice3A_133 : vector<2000x1xi1> to vector<2000x1xi1>
      %broadcast_in_dim3A_134 = vector.broadcast %broadcast_in_dim3A : vector<2000x1xi1> to vector<2000x128xi1>
      %broadcast_in_dim3A_135 = vector.broadcast %jit3A : f32 to vector<2000x128xf32>
      %select_n3A = arith.select %broadcast_in_dim3A_134, %mul3A_35, %broadcast_in_dim3A_135 : vector<2000x128xi1>, vector<2000x128xf32>
      %reduce_max3A = arith.constant dense<0xFF800000> : vector<128xf32>
      %reduce_max3A_136 = vector.multi_reduction <maximumf>, %select_n3A, %reduce_max3A [0] : vector<2000x128xf32> to vector<128xf32>
      %broadcast_in_dim3A_137 = vector.shape_cast %reduce_max3A_136 : vector<128xf32> to vector<1x128xf32>
      %get3A_138 = arith.constant 7 : index
      %get3A_139 = arith.constant 0 : index
      %get3A_140 = vector.load %arg7[%get3A_138, %get3A_139] : memref<16x128xf32, #tpu.memory_space<vmem>>, vector<1x128xf32>
      %max3A_141 = arith.maximumf %get3A_140, %broadcast_in_dim3A_137 : vector<1x128xf32>
      %swap3A_142 = arith.constant 7 : index
      %swap3A_143 = arith.constant 0 : index
      %swap3A_144 = vector.load %arg7[%swap3A_142, %swap3A_143] : memref<16x128xf32, #tpu.memory_space<vmem>>, vector<1x128xf32>
      tpu.vector_store %arg7[%swap3A_142, %swap3A_143], %max3A_141 {strides = array<i32>} : memref<16x128xf32, #tpu.memory_space<vmem>>, vector<1x128xf32>,
    } else {
    }
    %le3A_117 = arith.constant 8 : i32
    %le3A_118 = arith.cmpi sle, %squeeze3A, %le3A_117 : i32
    %ge3A_119 = arith.constant 8 : i32
    %ge3A_120 = arith.cmpi sge, %squeeze3A_55, %ge3A_119 : i32
    %and3A_121 = arith.andi %le3A_118, %ge3A_120 : i1
    %convert_element_type3A_122 = arith.extui %and3A_121 : i1 to i32
    %cond3A_123 = arith.constant 0 : i32
    %cond3A_124 = arith.cmpi ne, %convert_element_type3A_122, %cond3A_123 : i32
    scf.if %cond3A_124 {
      %slice3A_133 = vector.extract_strided_slice %eq3A_40 {offsets = [0, 8], sizes = [2000, 1], strides = [1, 1]} : vector<2000x16xi1> to vector<2000x1xi1>
      %jit3A = arith.constant -3.000000e+38 : f32
      %broadcast_in_dim3A = vector.shape_cast %slice3A_133 : vector<2000x1xi1> to vector<2000x1xi1>
      %broadcast_in_dim3A_134 = vector.broadcast %broadcast_in_dim3A : vector<2000x1xi1> to vector<2000x128xi1>
      %broadcast_in_dim3A_135 = vector.broadcast %jit3A : f32 to vector<2000x128xf32>
      %select_n3A = arith.select %broadcast_in_dim3A_134, %mul3A_35, %broadcast_in_dim3A_135 : vector<2000x128xi1>, vector<2000x128xf32>
      %reduce_max3A = arith.constant dense<0xFF800000> : vector<128xf32>
      %reduce_max3A_136 = vector.multi_reduction <maximumf>, %select_n3A, %reduce_max3A [0] : vector<2000x128xf32> to vector<128xf32>
      %broadcast_in_dim3A_137 = vector.shape_cast %reduce_max3A_136 : vector<128xf32> to vector<1x128xf32>
      %get3A_138 = arith.constant 8 : index
      %get3A_139 = arith.constant 0 : index
      %get3A_140 = vector.load %arg7[%get3A_138, %get3A_139] : memref<16x128xf32, #tpu.memory_space<vmem>>, vector<1x128xf32>
      %max3A_141 = arith.maximumf %get3A_140, %broadcast_in_dim3A_137 : vector<1x128xf32>
      %swap3A_142 = arith.constant 8 : index
      %swap3A_143 = arith.constant 0 : index
      %swap3A_144 = vector.load %arg7[%swap3A_142, %swap3A_143] : memref<16x128xf32, #tpu.memory_space<vmem>>, vector<1x128xf32>
      tpu.vector_store %arg7[%swap3A_142, %swap3A_143], %max3A_141 {strides = array<i32>} : memref<16x128xf32, #tpu.memory_space<vmem>>, vector<1x128xf32>,
    } else {
    }
    %le3A_125 = arith.constant 9 : i32
    %le3A_126 = arith.cmpi sle, %squeeze3A, %le3A_125 : i32
    %ge3A_127 = arith.constant 9 : i32
    %ge3A_128 = arith.cmpi sge, %squeeze3A_55, %ge3A_127 : i32
    %and3A_129 = arith.andi %le3A_126, %ge3A_128 : i1
    %convert_element_type3A_130 = arith.extui %and3A_129 : i1 to i32
    %cond3A_131 = arith.constant 0 : i32
    %cond3A_132 = arith.cmpi ne, %convert_element_type3A_130, %cond3A_131 : i32
    scf.if %cond3A_132 {
      %slice3A_133 = vector.extract_strided_slice %eq3A_40 {offsets = [0, 9], sizes = [2000, 1], strides = [1, 1]} : vector<2000x16xi1> to vector<2000x1xi1>
      %jit3A = arith.constant -3.000000e+38 : f32
      %broadcast_in_dim3A = vector.shape_cast %slice3A_133 : vector<2000x1xi1> to vector<2000x1xi1>
      %broadcast_in_dim3A_134 = vector.broadcast %broadcast_in_dim3A : vector<2000x1xi1> to vector<2000x128xi1>
      %broadcast_in_dim3A_135 = vector.broadcast %jit3A : f32 to vector<2000x128xf32>
      %select_n3A = arith.select %broadcast_in_dim3A_134, %mul3A_35, %broadcast_in_dim3A_135 : vector<2000x128xi1>, vector<2000x128xf32>
      %reduce_max3A = arith.constant dense<0xFF800000> : vector<128xf32>
      %reduce_max3A_136 = vector.multi_reduction <maximumf>, %select_n3A, %reduce_max3A [0] : vector<2000x128xf32> to vector<128xf32>
      %broadcast_in_dim3A_137 = vector.shape_cast %reduce_max3A_136 : vector<128xf32> to vector<1x128xf32>
      %get3A_138 = arith.constant 9 : index
      %get3A_139 = arith.constant 0 : index
      %get3A_140 = vector.load %arg7[%get3A_138, %get3A_139] : memref<16x128xf32, #tpu.memory_space<vmem>>, vector<1x128xf32>
      %max3A_141 = arith.maximumf %get3A_140, %broadcast_in_dim3A_137 : vector<1x128xf32>
      %swap3A_142 = arith.constant 9 : index
      %swap3A_143 = arith.constant 0 : index
      %swap3A_144 = vector.load %arg7[%swap3A_142, %swap3A_143] : memref<16x128xf32, #tpu.memory_space<vmem>>, vector<1x128xf32>
      tpu.vector_store %arg7[%swap3A_142, %swap3A_143], %max3A_141 {strides = array<i32>} : memref<16x128xf32, #tpu.memory_space<vmem>>, vector<1x128xf32>,
    } else {
    }
    return
  }
  func.func @transform_0(%arg0: i32) -> (i32, i32, i32) {
    %c0_i32 = arith.constant 0 : i32
    %c0_i32_0 = arith.constant 0 : i32
    %c0_i32_1 = arith.constant 0 : i32
    return %c0_i32, %arg0, %c0_i32_0 : i32, i32, i32
  }
  func.func @transform_1(%arg0: i32) -> (i32, i32) {
    %c0_i32 = arith.constant 0 : i32
    %c0_i32_0 = arith.constant 0 : i32
    return %arg0, %c0_i32 : i32, i32
  }
  func.func @transform_2(%arg0: i32) -> (i32, i32) {
    %c0_i32 = arith.constant 0 : i32
    %c0_i32_0 = arith.constant 0 : i32
    %c0_i32_1 = arith.constant 0 : i32
    return %c0_i32, %c0_i32_0 : i32, i32
  }
  func.func @transform_3(%arg0: i32) -> (i32, i32) {
    %c0_i32 = arith.constant 0 : i32
    %c0_i32_0 = arith.constant 0 : i32
    %c0_i32_1 = arith.constant 0 : i32
    return %c0_i32, %c0_i32_0 : i32, i32
  }
  func.func @transform_4(%arg0: i32) -> (i32, i32) {
    %c0_i32 = arith.constant 0 : i32
    %c0_i32_0 = arith.constant 0 : i32
    return %arg0, %c0_i32 : i32, i32
  }
  func.func @transform_5(%arg0: i32) -> (i32, i32) {
    %c0_i32 = arith.constant 0 : i32
    %c0_i32_0 = arith.constant 0 : i32
    %c0_i32_1 = arith.constant 0 : i32
    return %c0_i32, %c0_i32_0 : i32, i32
  }
  func.func @transform_6(%arg0: i32) -> (i32, i32) {
    %c0_i32 = arith.constant 0 : i32
    %c0_i32_0 = arith.constant 0 : i32
    %c0_i32_1 = arith.constant 0 : i32
    return %c0_i32, %c0_i32_0 : i32, i32
  }
}

module attributes {stable_mosaic.version = 14 : i64} {
  func.func @_final_body(%arg0: memref<16x128xf32, #tpu.memory_space<vmem>>, %arg1: memref<16x128xf32, #tpu.memory_space<vmem>>, %arg2: memref<16x128xf32, #tpu.memory_space<vmem>>, %arg3: memref<16x128xf32, #tpu.memory_space<vmem>>, %arg4: memref<16x128xf32, #tpu.memory_space<vmem>>, %arg5: memref<16x128xf32, #tpu.memory_space<vmem>>, %arg6: memref<16x1xf32, #tpu.memory_space<vmem>>, %arg7: memref<2000x128xf32, #tpu.memory_space<vmem>>, %arg8: memref<2000x128xf32, #tpu.memory_space<vmem>>, %arg9: memref<2000x128xf32, #tpu.memory_space<vmem>>, %arg10: memref<3x128x128xf32, #tpu.memory_space<vmem>>, %arg11: memref<1x128xf32, #tpu.memory_space<vmem>>, %arg12: memref<128x128xf32, #tpu.memory_space<vmem>>, %arg13: memref<1x128xf32, #tpu.memory_space<vmem>>, %arg14: memref<256x128xf32, #tpu.memory_space<vmem>>, %arg15: memref<1x128xf32, #tpu.memory_space<vmem>>, %arg16: memref<128x512xf32, #tpu.memory_space<vmem>>, %arg17: memref<1x512xf32, #tpu.memory_space<vmem>>, %arg18: memref<512x256xf32, #tpu.memory_space<vmem>>, %arg19: memref<1x256xf32, #tpu.memory_space<vmem>>, %arg20: memref<256x2xf32, #tpu.memory_space<vmem>>, %arg21: memref<1x2xf32, #tpu.memory_space<vmem>>, %arg22: memref<1x1xf32, #tpu.memory_space<vmem>>, %arg23: memref<10x2xf32, #tpu.memory_space<vmem>>) attributes {dimension_semantics = [], scalar_prefetch = 0 : i64, scratch_operands = 0 : i64, tpu.core_type = #tpu.core_type<tc>} {
    %get3A = arith.constant 0 : index
    %get3A_0 = arith.constant 0 : index
    %get3A_1 = vector.load %arg6[%get3A, %get3A_0] : memref<16x1xf32, #tpu.memory_space<vmem>>, vector<16x1xf32>
    %gt3A = arith.constant 0.000000e+00 : f32
    %gt3A_2 = vector.broadcast %gt3A : f32 to vector<16x1xf32>
    %gt3A_3 = arith.cmpf ogt, %get3A_1, %gt3A_2 : vector<16x1xf32>
    %max3A = arith.constant 1.000000e+00 : f32
    %max3A_4 = vector.broadcast %max3A : f32 to vector<16x1xf32>
    %max3A_5 = arith.maximumf %get3A_1, %max3A_4 : vector<16x1xf32>
    %get3A_6 = arith.constant 0 : index
    %get3A_7 = arith.constant 0 : index
    %get3A_8 = vector.load %arg0[%get3A_6, %get3A_7] : memref<16x128xf32, #tpu.memory_space<vmem>>, vector<16x128xf32>
    %get3A_9 = arith.constant 0 : index
    %get3A_10 = arith.constant 0 : index
    %get3A_11 = vector.load %arg1[%get3A_9, %get3A_10] : memref<16x128xf32, #tpu.memory_space<vmem>>, vector<16x128xf32>
    %add3A = arith.addf %get3A_8, %get3A_11 : vector<16x128xf32>
    %get3A_12 = arith.constant 0 : index
    %get3A_13 = arith.constant 0 : index
    %get3A_14 = vector.load %arg2[%get3A_12, %get3A_13] : memref<16x128xf32, #tpu.memory_space<vmem>>, vector<16x128xf32>
    %add3A_15 = arith.addf %add3A, %get3A_14 : vector<16x128xf32>
    %div3A = vector.broadcast %max3A_5 : vector<16x1xf32> to vector<16x128xf32>
    %div3A_16 = arith.divf %add3A_15, %div3A : vector<16x128xf32>
    %get3A_17 = arith.constant 0 : index
    %get3A_18 = arith.constant 0 : index
    %get3A_19 = vector.load %arg3[%get3A_17, %get3A_18] : memref<16x128xf32, #tpu.memory_space<vmem>>, vector<16x128xf32>
    %jit3A = arith.constant 0.000000e+00 : f32
    %broadcast_in_dim3A = vector.shape_cast %gt3A_3 : vector<16x1xi1> to vector<16x1xi1>
    %broadcast_in_dim3A_20 = vector.broadcast %broadcast_in_dim3A : vector<16x1xi1> to vector<16x128xi1>
    %broadcast_in_dim3A_21 = vector.broadcast %jit3A : f32 to vector<16x128xf32>
    %select_n3A = arith.select %broadcast_in_dim3A_20, %get3A_19, %broadcast_in_dim3A_21 : vector<16x128xi1>, vector<16x128xf32>
    %get3A_22 = arith.constant 0 : index
    %get3A_23 = arith.constant 0 : index
    %get3A_24 = vector.load %arg4[%get3A_22, %get3A_23] : memref<16x128xf32, #tpu.memory_space<vmem>>, vector<16x128xf32>
    %jit3A_25 = arith.constant 0.000000e+00 : f32
    %broadcast_in_dim3A_26 = vector.shape_cast %gt3A_3 : vector<16x1xi1> to vector<16x1xi1>
    %broadcast_in_dim3A_27 = vector.broadcast %broadcast_in_dim3A_26 : vector<16x1xi1> to vector<16x128xi1>
    %broadcast_in_dim3A_28 = vector.broadcast %jit3A_25 : f32 to vector<16x128xf32>
    %select_n3A_29 = arith.select %broadcast_in_dim3A_27, %get3A_24, %broadcast_in_dim3A_28 : vector<16x128xi1>, vector<16x128xf32>
    %add3A_30 = arith.addf %select_n3A, %select_n3A_29 : vector<16x128xf32>
    %get3A_31 = arith.constant 0 : index
    %get3A_32 = arith.constant 0 : index
    %get3A_33 = vector.load %arg5[%get3A_31, %get3A_32] : memref<16x128xf32, #tpu.memory_space<vmem>>, vector<16x128xf32>
    %jit3A_34 = arith.constant 0.000000e+00 : f32
    %broadcast_in_dim3A_35 = vector.shape_cast %gt3A_3 : vector<16x1xi1> to vector<16x1xi1>
    %broadcast_in_dim3A_36 = vector.broadcast %broadcast_in_dim3A_35 : vector<16x1xi1> to vector<16x128xi1>
    %broadcast_in_dim3A_37 = vector.broadcast %jit3A_34 : f32 to vector<16x128xf32>
    %select_n3A_38 = arith.select %broadcast_in_dim3A_36, %get3A_33, %broadcast_in_dim3A_37 : vector<16x128xi1>, vector<16x128xf32>
    %add3A_39 = arith.addf %add3A_30, %select_n3A_38 : vector<16x128xf32>
    %concatenate3A = tpu.concatenate %div3A_16, %add3A_39 in 1 : vector<16x128xf32>, vector<16x128xf32> -> vector<16x256xf32>
    %get3A_40 = arith.constant 0 : index
    %get3A_41 = arith.constant 0 : index
    %get3A_42 = vector.load %arg14[%get3A_40, %get3A_41] : memref<256x128xf32, #tpu.memory_space<vmem>>, vector<256x128xf32>
    %dot_general3A = arith.constant dense<0.000000e+00> : vector<16x128xf32>
    %dot_general3A_43 = tpu.matmul %concatenate3A, %get3A_42, %dot_general3A {dimension_numbers = #tpu.dot_dimension_numbers<[1], [0], [0], [1], [0, 0, 1, 1], [], []>, transpose_lhs_hint = false} : vector<16x256xf32>, vector<256x128xf32>, vector<16x128xf32> -> vector<16x128xf32>
    %get3A_44 = arith.constant 0 : index
    %get3A_45 = arith.constant 0 : index
    %get3A_46 = vector.load %arg15[%get3A_44, %get3A_45] : memref<1x128xf32, #tpu.memory_space<vmem>>, vector<1x128xf32>
    %add3A_47 = vector.broadcast %get3A_46 : vector<1x128xf32> to vector<16x128xf32>
    %add3A_48 = arith.addf %dot_general3A_43, %add3A_47 : vector<16x128xf32>
    %max3A_49 = arith.constant 0.000000e+00 : f32
    %max3A_50 = vector.broadcast %max3A_49 : f32 to vector<16x128xf32>
    %max3A_51 = arith.maximumf %add3A_48, %max3A_50 : vector<16x128xf32>
    %slice3A = vector.extract_strided_slice %max3A_51 {offsets = [0, 0], sizes = [10, 128], strides = [1, 1]} : vector<16x128xf32> to vector<10x128xf32>
    %get3A_52 = arith.constant 0 : index
    %get3A_53 = arith.constant 0 : index
    %get3A_54 = vector.load %arg7[%get3A_52, %get3A_53] : memref<2000x128xf32, #tpu.memory_space<vmem>>, vector<2000x128xf32>
    %get3A_55 = arith.constant 0 : index
    %get3A_56 = arith.constant 0 : index
    %get3A_57 = arith.constant 0 : index
    %get3A_58 = vector.load %arg10[%get3A_55, %get3A_56, %get3A_57] : memref<3x128x128xf32, #tpu.memory_space<vmem>>, vector<1x128x128xf32>
    %get3A_59 = vector.shape_cast %get3A_58 : vector<1x128x128xf32> to vector<128x128xf32>
    %dot_general3A_60 = arith.constant dense<0.000000e+00> : vector<2000x128xf32>
    %dot_general3A_61 = tpu.matmul %get3A_54, %get3A_59, %dot_general3A_60 {dimension_numbers = #tpu.dot_dimension_numbers<[1], [0], [0], [1], [0, 0, 1, 1], [], []>, transpose_lhs_hint = false} : vector<2000x128xf32>, vector<128x128xf32>, vector<2000x128xf32> -> vector<2000x128xf32>
    %get3A_62 = arith.constant 0 : index
    %get3A_63 = arith.constant 0 : index
    %get3A_64 = vector.load %arg8[%get3A_62, %get3A_63] : memref<2000x128xf32, #tpu.memory_space<vmem>>, vector<2000x128xf32>
    %get3A_65 = arith.constant 1 : index
    %get3A_66 = arith.constant 0 : index
    %get3A_67 = arith.constant 0 : index
    %get3A_68 = vector.load %arg10[%get3A_65, %get3A_66, %get3A_67] : memref<3x128x128xf32, #tpu.memory_space<vmem>>, vector<1x128x128xf32>
    %get3A_69 = vector.shape_cast %get3A_68 : vector<1x128x128xf32> to vector<128x128xf32>
    %dot_general3A_70 = arith.constant dense<0.000000e+00> : vector<2000x128xf32>
    %dot_general3A_71 = tpu.matmul %get3A_64, %get3A_69, %dot_general3A_70 {dimension_numbers = #tpu.dot_dimension_numbers<[1], [0], [0], [1], [0, 0, 1, 1], [], []>, transpose_lhs_hint = false} : vector<2000x128xf32>, vector<128x128xf32>, vector<2000x128xf32> -> vector<2000x128xf32>
    %add3A_72 = arith.addf %dot_general3A_61, %dot_general3A_71 : vector<2000x128xf32>
    %get3A_73 = arith.constant 0 : index
    %get3A_74 = arith.constant 0 : index
    %get3A_75 = vector.load %arg9[%get3A_73, %get3A_74] : memref<2000x128xf32, #tpu.memory_space<vmem>>, vector<2000x128xf32>
    %get3A_76 = arith.constant 2 : index
    %get3A_77 = arith.constant 0 : index
    %get3A_78 = arith.constant 0 : index
    %get3A_79 = vector.load %arg10[%get3A_76, %get3A_77, %get3A_78] : memref<3x128x128xf32, #tpu.memory_space<vmem>>, vector<1x128x128xf32>
    %get3A_80 = vector.shape_cast %get3A_79 : vector<1x128x128xf32> to vector<128x128xf32>
    %dot_general3A_81 = arith.constant dense<0.000000e+00> : vector<2000x128xf32>
    %dot_general3A_82 = tpu.matmul %get3A_75, %get3A_80, %dot_general3A_81 {dimension_numbers = #tpu.dot_dimension_numbers<[1], [0], [0], [1], [0, 0, 1, 1], [], []>, transpose_lhs_hint = false} : vector<2000x128xf32>, vector<128x128xf32>, vector<2000x128xf32> -> vector<2000x128xf32>
    %add3A_83 = arith.addf %add3A_72, %dot_general3A_82 : vector<2000x128xf32>
    %get3A_84 = arith.constant 0 : index
    %get3A_85 = arith.constant 0 : index
    %get3A_86 = vector.load %arg11[%get3A_84, %get3A_85] : memref<1x128xf32, #tpu.memory_space<vmem>>, vector<1x128xf32>
    %add3A_87 = vector.broadcast %get3A_86 : vector<1x128xf32> to vector<2000x128xf32>
    %add3A_88 = arith.addf %add3A_83, %add3A_87 : vector<2000x128xf32>
    %max3A_89 = arith.constant 0.000000e+00 : f32
    %max3A_90 = vector.broadcast %max3A_89 : f32 to vector<2000x128xf32>
    %max3A_91 = arith.maximumf %add3A_88, %max3A_90 : vector<2000x128xf32>
    %reshape3A = vector.shape_cast %max3A_91 : vector<2000x128xf32> to vector<10x200x128xf32>
    %reduce_max3A = arith.constant dense<0xFF800000> : vector<10x128xf32>
    %reduce_max3A_92 = vector.multi_reduction <maximumf>, %reshape3A, %reduce_max3A [1] : vector<10x200x128xf32> to vector<10x128xf32>
    %get3A_93 = arith.constant 0 : index
    %get3A_94 = arith.constant 0 : index
    %get3A_95 = vector.load %arg12[%get3A_93, %get3A_94] : memref<128x128xf32, #tpu.memory_space<vmem>>, vector<128x128xf32>
    %dot_general3A_96 = arith.constant dense<0.000000e+00> : vector<10x128xf32>
    %dot_general3A_97 = tpu.matmul %reduce_max3A_92, %get3A_95, %dot_general3A_96 {dimension_numbers = #tpu.dot_dimension_numbers<[1], [0], [0], [1], [0, 0, 1, 1], [], []>, transpose_lhs_hint = false} : vector<10x128xf32>, vector<128x128xf32>, vector<10x128xf32> -> vector<10x128xf32>
    %get3A_98 = arith.constant 0 : index
    %get3A_99 = arith.constant 0 : index
    %get3A_100 = vector.load %arg13[%get3A_98, %get3A_99] : memref<1x128xf32, #tpu.memory_space<vmem>>, vector<1x128xf32>
    %add3A_101 = vector.broadcast %get3A_100 : vector<1x128xf32> to vector<10x128xf32>
    %add3A_102 = arith.addf %dot_general3A_97, %add3A_101 : vector<10x128xf32>
    %max3A_103 = arith.constant 0.000000e+00 : f32
    %max3A_104 = vector.broadcast %max3A_103 : f32 to vector<10x128xf32>
    %max3A_105 = arith.maximumf %add3A_102, %max3A_104 : vector<10x128xf32>
    %get3A_106 = arith.constant 0 : index
    %get3A_107 = arith.constant 0 : index
    %get3A_108 = vector.load %arg22[%get3A_106, %get3A_107] : memref<1x1xf32, #tpu.memory_space<vmem>>, vector<1x1xf32>
    %get3A_109 = vector.extract %get3A_108[0, 0] : f32 from vector<1x1xf32>
    %logistic3A = arith.negf %get3A_109 : f32
    %logistic3A_110 = math.exp %logistic3A : f32
    %logistic3A_111 = arith.constant 1.000000e+00 : f32
    %logistic3A_112 = arith.addf %logistic3A_111, %logistic3A_110 : f32
    %logistic3A_113 = arith.divf %logistic3A_111, %logistic3A_112 : f32
    %sub3A = arith.constant 1.000000e+00 : f32
    %sub3A_114 = arith.subf %sub3A, %logistic3A_113 : f32
    %mul3A = vector.broadcast %sub3A_114 : f32 to vector<10x128xf32>
    %mul3A_115 = arith.mulf %mul3A, %slice3A : vector<10x128xf32>
    %mul3A_116 = vector.broadcast %logistic3A_113 : f32 to vector<10x128xf32>
    %mul3A_117 = arith.mulf %mul3A_116, %max3A_105 : vector<10x128xf32>
    %add3A_118 = arith.addf %mul3A_115, %mul3A_117 : vector<10x128xf32>
    %get3A_119 = arith.constant 0 : index
    %get3A_120 = arith.constant 0 : index
    %get3A_121 = vector.load %arg16[%get3A_119, %get3A_120] : memref<128x512xf32, #tpu.memory_space<vmem>>, vector<128x512xf32>
    %dot_general3A_122 = arith.constant dense<0.000000e+00> : vector<10x512xf32>
    %dot_general3A_123 = tpu.matmul %add3A_118, %get3A_121, %dot_general3A_122 {dimension_numbers = #tpu.dot_dimension_numbers<[1], [0], [0], [1], [0, 0, 1, 1], [], []>, transpose_lhs_hint = false} : vector<10x128xf32>, vector<128x512xf32>, vector<10x512xf32> -> vector<10x512xf32>
    %get3A_124 = arith.constant 0 : index
    %get3A_125 = arith.constant 0 : index
    %get3A_126 = vector.load %arg17[%get3A_124, %get3A_125] : memref<1x512xf32, #tpu.memory_space<vmem>>, vector<1x512xf32>
    %add3A_127 = vector.broadcast %get3A_126 : vector<1x512xf32> to vector<10x512xf32>
    %add3A_128 = arith.addf %dot_general3A_123, %add3A_127 : vector<10x512xf32>
    %max3A_129 = arith.constant 0.000000e+00 : f32
    %max3A_130 = vector.broadcast %max3A_129 : f32 to vector<10x512xf32>
    %max3A_131 = arith.maximumf %add3A_128, %max3A_130 : vector<10x512xf32>
    %get3A_132 = arith.constant 0 : index
    %get3A_133 = arith.constant 0 : index
    %get3A_134 = vector.load %arg18[%get3A_132, %get3A_133] : memref<512x256xf32, #tpu.memory_space<vmem>>, vector<512x256xf32>
    %dot_general3A_135 = arith.constant dense<0.000000e+00> : vector<10x256xf32>
    %dot_general3A_136 = tpu.matmul %max3A_131, %get3A_134, %dot_general3A_135 {dimension_numbers = #tpu.dot_dimension_numbers<[1], [0], [0], [1], [0, 0, 1, 1], [], []>, transpose_lhs_hint = false} : vector<10x512xf32>, vector<512x256xf32>, vector<10x256xf32> -> vector<10x256xf32>
    %get3A_137 = arith.constant 0 : index
    %get3A_138 = arith.constant 0 : index
    %get3A_139 = vector.load %arg19[%get3A_137, %get3A_138] : memref<1x256xf32, #tpu.memory_space<vmem>>, vector<1x256xf32>
    %add3A_140 = vector.broadcast %get3A_139 : vector<1x256xf32> to vector<10x256xf32>
    %add3A_141 = arith.addf %dot_general3A_136, %add3A_140 : vector<10x256xf32>
    %max3A_142 = arith.constant 0.000000e+00 : f32
    %max3A_143 = vector.broadcast %max3A_142 : f32 to vector<10x256xf32>
    %max3A_144 = arith.maximumf %add3A_141, %max3A_143 : vector<10x256xf32>
    %get3A_145 = arith.constant 0 : index
    %get3A_146 = arith.constant 0 : index
    %get3A_147 = vector.load %arg20[%get3A_145, %get3A_146] : memref<256x2xf32, #tpu.memory_space<vmem>>, vector<256x2xf32>
    %dot_general3A_148 = arith.constant dense<0.000000e+00> : vector<10x2xf32>
    %dot_general3A_149 = tpu.matmul %max3A_144, %get3A_147, %dot_general3A_148 {dimension_numbers = #tpu.dot_dimension_numbers<[1], [0], [0], [1], [0, 0, 1, 1], [], []>, transpose_lhs_hint = false} : vector<10x256xf32>, vector<256x2xf32>, vector<10x2xf32> -> vector<10x2xf32>
    %get3A_150 = arith.constant 0 : index
    %get3A_151 = arith.constant 0 : index
    %get3A_152 = vector.load %arg21[%get3A_150, %get3A_151] : memref<1x2xf32, #tpu.memory_space<vmem>>, vector<1x2xf32>
    %add3A_153 = vector.broadcast %get3A_152 : vector<1x2xf32> to vector<10x2xf32>
    %add3A_154 = arith.addf %dot_general3A_149, %add3A_153 : vector<10x2xf32>
    %max3A_155 = arith.constant 0.000000e+00 : f32
    %max3A_156 = vector.broadcast %max3A_155 : f32 to vector<10x2xf32>
    %max3A_157 = arith.maximumf %add3A_154, %max3A_156 : vector<10x2xf32>
    %reduce_max3A_158 = arith.constant dense<0xFF800000> : vector<10xf32>
    %reduce_max3A_159 = vector.multi_reduction <maximumf>, %max3A_157, %reduce_max3A_158 [1] : vector<10x2xf32> to vector<10xf32>
    %broadcast_in_dim3A_160 = vector.shape_cast %reduce_max3A_159 : vector<10xf32> to vector<10x1xf32>
    %sub3A_161 = vector.broadcast %broadcast_in_dim3A_160 : vector<10x1xf32> to vector<10x2xf32>
    %sub3A_162 = arith.subf %max3A_157, %sub3A_161 : vector<10x2xf32>
    %exp3A = math.exp %sub3A_162 : vector<10x2xf32>
    %reduce_sum3A = arith.constant dense<0.000000e+00> : vector<10xf32>
    %reduce_sum3A_163 = vector.multi_reduction <add>, %exp3A, %reduce_sum3A [1] : vector<10x2xf32> to vector<10xf32>
    %broadcast_in_dim3A_164 = vector.shape_cast %reduce_sum3A_163 : vector<10xf32> to vector<10x1xf32>
    %div3A_165 = vector.broadcast %broadcast_in_dim3A_164 : vector<10x1xf32> to vector<10x2xf32>
    %div3A_166 = arith.divf %exp3A, %div3A_165 : vector<10x2xf32>
    %swap3A = arith.constant 0 : index
    %swap3A_167 = arith.constant 0 : index
    %swap3A_168 = vector.load %arg23[%swap3A, %swap3A_167] : memref<10x2xf32, #tpu.memory_space<vmem>>, vector<10x2xf32>
    tpu.vector_store %arg23[%swap3A, %swap3A_167], %div3A_166 {strides = array<i32>} : memref<10x2xf32, #tpu.memory_space<vmem>>, vector<10x2xf32>,
    return
  }
}

</mosaic_0001>

<sc_bundles>
// kernel: kernel.11.cloned.1.call-start
scs
__scs_entry_jumppad:
0x0: {  	(pc) =	sbr.rel $0x88, $3  }
0x1: {  	(tag) =	ssettag $0x0;
	lr =	simm.s32 $0x1  }
0x2: {  	[smem:$0x3F87] =	sst lr;
	_ =	strace $0xD0000000  }
0x3: {  	_ = 	snop  }
0x4: {  	_ = 	snop  }
0x5: {  	_ = 	snop  }
0x6: {  	_ = 	snop  }
0x7: {  	_ = 	snop  }
__scs_overlays_trampoline_lowered:
0x8: {  	[smem:$0x3F96] =	sst s0  }
0x9: {  	[smem:$0x3F97] =	sst s1  }
0xa: {  	[smem:$0x3F98] =	sst s2  }
0xb: {  	[smem:$0x3F99] =	sst s3  }
0xc: {  	[smem:$0x3F9A] =	sst s4  }
0xd: {  	[smem:$0x3F9B] =	sst s5  }
0xe: {  	[smem:$0x3F9C] =	sst s6  }
0xf: {  	[smem:$0x3F9D] =	sst s7  }
0x10: {  	[smem:$0x3F9E] =	sst s8  }
0x11: {  	[smem:$0x3F9F] =	sst s9;
	s0 =	simm.s32 @!p0 $0x0  }
0x12: {  	s1 =	sld [smem:$0x3F85];
	s0 =	simm.s32 @p0 $0x1  }
0x13: {  	[smem:$0x3FA0] =	sst s0;
	s0 =	simm.s32 @!p1 $0x0  }
0x14: {  	s2 =	sld [smem:$0x3F84];
	s0 =	simm.s32 @p1 $0x1  }
0x15: {  	[smem:$0x3FA1] =	sst s0;
	s0 =	simm.s32 @!p2 $0x0  }
0x16: {  	s3 =	sld [smem:$0x3FDB];
	s0 =	simm.s32 @p2 $0x1  }
0x17: {  	s4 =	simm.s32 $0x1BF5;
	[smem:$0x3FA3] =	sst s0  }
0x18: {  	s0 =	sld [smem:$0x3F86];
	_ =	swait.ge [sflag:s4], $0x0  }
0x19: {  	s7 =	sld [smem:$0x3F87]  }
0x1a: {  	s8 =	sadd.s32 $0xFFFFE003, lr  }
0x1b: {  	s9 =	sadd.s32 $0xFFFFFEF7, lr;
	s5 =	simm.s32 $0xFFFFFFFF;
	p2 =	slt.u32 s8, $0xFFFFF086  }
0x1c: {  	p1 =	slt.u32 s9, $0xF7A;
	s5 =	simm.s32 @!p2 $0x0  }
0x1d: {  	s5 =	simm.s32 @p1 $0x1;
	p0 =	seq.s32 s7, s2  }
0x1e: {  	s7 =	smul.u32 @!p0 $0xF7A, s2;
	p2 =	seq.s32 @!p0 s5, $0x0  }
0x1f: {  	s9 =	smul.u32 $0xF7A, s1;
	s8 =	simm.s32 @!p0 $0x1BF5;
	p2 =	por !p2, p0  }
0x20: {  	[sflag:s8] =	ssyncset.s32 @!p0 $0xFFFFF086;
	s6 =	sadd.s32 @!p0 s3, s7;
	s7 =	simm.s32 @!p0 $0x108  }
0x21: {  	s3 =	sadd.s32 s3, s9;
	s6 =	sadd.s32 @!p0 $0x88, s6;
	s7 =	simm.s32 @p2 $0x1082  }
0x22: {  	[simem:s7], [sflag:s8] =	dma.local @!p0 [hbm:s6], $0xF7A  }
0x23: {  	s9 =	sor.u32 $0xD0000000, s2;
	s6 =	simm.s32 $0x108;
	_ =	swait.ge @!p0 [sflag:s8], $0x0  }
0x24: {  	s3 =	sadd.s32 $0x88, s3;
	s6 =	simm.s32 @!p1 $0x1082;
	[sflag:s4] =	ssyncset.s32 $0xFFFFF086  }
0x25: {  	[simem:s6], [sflag:s4] =	dma.local [hbm:s3], $0xF7A  }
0x26: {  	[smem:$0x3F87] =	sst s1;
	(tag) =	ssettag s2;
	_ =	strace s9  }
0x27: {  	s1 =	sld [smem:$0x3F97]  }
0x28: {  	s2 =	sld [smem:$0x3F98]  }
0x29: {  	s4 =	sld [smem:$0x3F9A]  }
0x2a: {  	p0 =	seq.s32 s5, $0x0;
	s5 =	sld [smem:$0x3F9B]  }
0x2b: {  	s6 =	sld [smem:$0x3F9C]  }
0x2c: {  	s7 =	sld [smem:$0x3F9D]  }
0x2d: {  	s3 =	simm.s32 $0x108;
	s8 =	sld [smem:$0x3F9E]  }
0x2e: {  	s3 =	simm.s32 @!p0 $0x1082;
	s9 =	sld [smem:$0x3F9F]  }
0x2f: {  	lr =	sadd.s32 s0, s3;
	s0 =	sld [smem:$0x3F96]  }
0x30: {  	s3 =	sld [smem:$0x3F99]  }
0x31: {  	[smem:$0x3FA2] =	sst s10  }
0x32: {  	s10 =	sld [smem:$0x3FA0];
	_ =	sdelay $0x3  }
0x33: {  	p0 =	seq.s32 s10, $0x1;
	s10 =	sld [smem:$0x3FA2];
	_ =	sdelay $0x3  }
0x34: {  	[smem:$0x3FA2] =	sst s10  }
0x35: {  	s10 =	sld [smem:$0x3FA1];
	_ =	sdelay $0x3  }
0x36: {  	p1 =	seq.s32 s10, $0x1;
	s10 =	sld [smem:$0x3FA2];
	_ =	sdelay $0x3  }
0x37: {  	[smem:$0x3FA2] =	sst s10  }
0x38: {  	s10 =	sld [smem:$0x3FA3]  }
0x39: {  	_ = 	snop;
	(pc) =	sbr.ind lr, $3  }
0x3a: {  	_ = 	snop  }
0x3b: {  	_ = 	snop  }
0x3c: {  	p2 =	seq.s32 s10, $0x1;
	s10 =	sld [smem:$0x3FA2]  }
0x3d: {  	_ =	shalt  }
0x3e: {  	_ =	shalt  }
0x3f: {  	_ =	shalt  }
0x40: {  	_ =	shalt  }
0x41: {  	_ =	shalt  }
0x42: {  	_ =	shalt  }
0x43: {  	_ =	shalt  }
0x44: {  	_ =	shalt  }
0x45: {  	_ =	shalt  }
0x46: {  	_ =	shalt  }
0x47: {  	_ =	shalt  }
0x48: {  	_ =	shalt  }
0x49: {  	_ =	shalt  }
0x4a: {  	_ =	shalt  }
0x4b: {  	_ =	shalt  }
0x4c: {  	_ =	shalt  }
0x4d: {  	_ =	shalt  }
0x4e: {  	_ =	shalt  }
0x4f: {  	_ =	shalt  }
0x50: {  	_ =	shalt  }
0x51: {  	_ =	shalt  }
0x52: {  	_ =	shalt  }
0x53: {  	_ =	shalt  }
0x54: {  	_ =	shalt  }
0x55: {  	_ =	shalt  }
0x56: {  	_ =	shalt  }
0x57: {  	_ =	shalt  }
0x58: {  	_ =	shalt  }
0x59: {  	_ =	shalt  }
0x5a: {  	_ =	shalt  }
0x5b: {  	_ =	shalt  }
0x5c: {  	_ =	shalt  }
0x5d: {  	_ =	shalt  }
0x5e: {  	_ =	shalt  }
0x5f: {  	_ =	shalt  }
0x60: {  	_ =	shalt  }
0x61: {  	_ =	shalt  }
0x62: {  	_ =	shalt  }
0x63: {  	_ =	shalt  }
0x64: {  	_ =	shalt  }
0x65: {  	_ =	shalt  }
0x66: {  	_ =	shalt  }
0x67: {  	_ =	shalt  }
0x68: {  	_ =	shalt  }
0x69: {  	_ =	shalt  }
0x6a: {  	_ =	shalt  }
0x6b: {  	_ =	shalt  }
0x6c: {  	_ =	shalt  }
0x6d: {  	_ =	shalt  }
0x6e: {  	_ =	shalt  }
0x6f: {  	_ =	shalt  }
0x70: {  	_ =	shalt  }
0x71: {  	_ =	shalt  }
0x72: {  	_ =	shalt  }
0x73: {  	_ =	shalt  }
0x74: {  	_ =	shalt  }
0x75: {  	_ =	shalt  }
0x76: {  	_ =	shalt  }
0x77: {  	_ =	shalt  }
0x78: {  	_ =	shalt  }
0x79: {  	_ =	shalt  }
0x7a: {  	_ =	shalt  }
0x7b: {  	_ =	shalt  }
0x7c: {  	_ =	shalt  }
0x7d: {  	_ =	shalt  }
0x7e: {  	_ =	shalt  }
0x7f: {  	_ =	shalt  }
0x80: {  	_ =	shalt  }
0x81: {  	_ =	shalt  }
0x82: {  	_ =	shalt  }
0x83: {  	_ =	shalt  }
0x84: {  	_ =	shalt  }
0x85: {  	_ =	shalt  }
0x86: {  	_ =	shalt  }
0x87: {  	_ =	shalt  }
.Lfunc_end0:
.L_simem_size_0:
called_computation_lowered:
.L_overlay_start_0:
0x88: {  	s2 =	sld [smem:$0x3FD9]  }
0x89: {  	s3 =	sld [smem:$0x3FFE];
	_ =	sdelay $0x1  }
0x8a: {  	s1 =	srdreg.scid  }
0x8b: {  	s0 =	sand.u32 $0x1, s1  }
0x8c: {  	s16 =	sshll.u32 s0, $0xA;
	s2 =	sadd.s32 s3, s2  }
0x8d: {  	s2 =	sadd.s32 s2, s16  }
0x8e: {  	[smem:$0x3FAE] =	sst s2  }
0x8f: {  	_ = 	snop  }
0x90: {  	(tm) =	ssettm $0x1  }
0x91: {  	s17 =	sld [smem:$0x3FFB];
	_ =	sdelay $0x3  }
0x92: {  	_ =	strace s17  }
0x93: {  	s2 =	sld [smem:$0x3FFC];
	_ =	sdelay $0x3  }
0x94: {  	_ =	strace s2  }
0x95: {  	s2 =	sld [smem:$0x3FFD];
	_ =	sdelay $0x3  }
0x96: {  	_ =	strace s2  }
0x97: {  	_ =	strace $0x8FFFFFFF  }
0x98: {  	s18 =	sld [smem:$0x3FDB];
	_ =	sdelay $0x1  }
0x99: {  	s19 =	simm.s32 $_scs_section_size  }
0x9a: {  	s4 =	simm.s32 $_size__tile_overlayer_lowered;
	s5 =	simm.s32 $_tile_overlayer_lowered  }
0x9b: {  	s22 =	simm.s32 $0x1BFF;
	s21 =	sshll.u32 s5, $0x1;
	s2 =	sadd.s32 s19, s18  }
0x9c: {  	s6 =	simm.s32 $0x0;
	s20 =	sshll.u32 s4, $0x1;
	s4 =	sadd.s32 s21, s2  }
0x9d: {  	[timem:s6], [sflag:s22] =	dma.local [hbm:s4], s20  }
0x9e: {  	_ =	swait.ge [sflag:s22], s20  }
0x9f: {  	s3 =	ssub.s32 $0x0, s20;
	[sflag:s22] =	ssyncset.done $0x0  }
0xa0: {  	[sflag:s22] =	ssyncadd.s32 s3;
	_ =	sdelay $0x1  }
0xa1: {  	s23 =	simm.s32 $0x1B8B  }
0xa2: {  	_ =	swait.ge [sflag:s23], $0x1  }
0xa3: {  	[sflag:s23] =	ssyncset.done $0x0  }
0xa4: {  	s25 =	simm.s32 $0x1B8E;
	s24 =	sld [smem:$0x3FFE];
	[sflag:s23] =	ssyncadd.s32 $0xFFFFFFFF  }
0xa5: {  	s26 =	simm.s32 $execute0_lowered;
	[smem:$0x3FD2] =	sst s25  }
0xa6: {  	s4 =	sshll.u32 s26, $0x1;
	_ =	strace $0x80000046;
	[dreg:$0x1] =	wrdreg $0xFFFFFFFF  }
0xa7: {  	s28 =	simm.s32 $_size_execute0_lowered;
	s2 =	sadd.s32 s2, s4;
	[dreg:$0x0] =	wrdreg $0x0  }
0xa8: {  	s4 =	sshll.u32 s28, $0x1;
	[dreg:$0x2] =	wrdreg s2  }
0xa9: {  	[dreg:$0x3] =	wrdreg s4  }
0xaa: {  	[dreg:$0x4] =	wrdreg $0xC0  }
0xab: {  	_ =	task [dreg:s6], $0x5FFFF  }
0xac: {  	[dreg:$0x1] =	wrdreg $0xFFFFFFFF  }
0xad: {  	[dreg:$0x0] =	wrdreg $0x60  }
0xae: {  	[dreg:$0x2] =	wrdreg s24  }
0xaf: {  	[dreg:$0x3] =	wrdreg $0x0  }
0xb0: {  	[dreg:$0x4] =	wrdreg $0x2800  }
0xb1: {  	[dreg:$0x5] =	wrdreg $0x9  }
0xb2: {  	_ =	task.clear_ibuf [dreg:s6], $0x6FFFF;
	_ =	strace $0x90000046  }
0xb3: {  	s29 =	simm.s32 $0x9;
	_ =	strace $0x80000048  }
0xb4: {  	_ =	swait.ge [sflag:s29], $0x1  }
0xb5: {  	[sflag:s29] =	ssyncadd.s32 $0xFFFFFFFF  }
0xb6: {  	_ =	strace $0x90000048  }
0xb7: {  	_ =	sfence  }
0xb8: {  	s30 =	sld [smem:$0x0];
	_ =	sdelay $0x2  }
0xb9: {  	s31 =	sshll.u32 s1, $0xD;
	s1 =	sshrl.u32 s1, $0x2  }
0xba: {  	s3 =	sand.u32 $0x4000, s31;
	s1 =	sadd.s32 s1, s30  }
0xbb: {  	s0 =	sor.u32 s3, s0;
	s1 =	sshll.u32 s1, $0x11  }
0xbc: {  	s0 =	sor.u32 s1, s0  }
0xbd: {  	s0 =	sadd.s32 $0x8F2B, s0  }
0xbe: {  	[sflag:s0] =	ssyncadd.remote.s32 $0x1  }
0xbf: {  	_ =	sfence.sel $0xFFFF  }
0xc0: {  	[dreg:$0x0] =	wrdreg $0xFFFFFFFF;
	(pc) =	sbr.abs _section_cstart, $3  }
0xc1: {  	[dreg:$0x1] =	wrdreg $0xFFFFFFFF  }
0xc2: {  	_ =	task.clear_ibuf [dreg:s6], $0x2FFFF;
	_ =	strace $0x9FFFFFFF  }
0xc3: {  	(tm) =	ssettm $0x7FFFFFFF  }
tec
execute0_lowered:
.L_overlay_start_1:
0x0: {  	(tag) =	ssettag $0x1  }
0x1: {  	s5 =	rddreg [dreg:$0x0]  }
0x2: {  	s1 =	rddreg [dreg:$0x1]  }
0x3: {  	s2 =	rddreg [dreg:$0x2]  }
0x4: {  	s3 =	srdreg.scid;
	s0 =	rddreg [dreg:$0x3]  }
0x5: {  	s4 =	simm.s32 $0x0;
	s13 =	simm.s32 $0x3;
	s14 =	simm.s32 $0x2D00  }
0x6: {  	s15 =	simm.s32 $0x5580;
	s16 =	simm.s32 $0x7D;
	s17 =	simm.s32 $0x5500  }
0x7: {  	s18 =	simm.s32 $0x1;
	s19 =	simm.s32 $0x2;
	s22 =	simm.s32 $0x20  }
0x8: {  	s23 =	simm.s32 $0x10;
	s6 =	sand.u32 $0x1, s3;
	s3 =	stileid.u32  }
0x9: {  	s24 =	simm.s32 $0x0;
	[smem:$0x7FF] =	sst s4;
	s7 =	smul.u32 $0x5000, s6  }
0xa: {  	s8 =	sshll.u32 s6, $0x4;
	s9 =	smul.u32 $0x500, s3;
	_ =	strace $0x80000047  }
0xb: {  	s6 =	ssub.s32 $0x2, s6;
	s10 =	smul.u32 $0x280, s3;
	s8 =	sor.u32 s3, s8  }
0xc: {  	s20 =	sshll.u32 s3, $0x6;
	s8 =	smul.u32 $0x500, s8;
	s7 =	sadd.s32 s9, s7  }
0xd: {  	s31 =	sshrl.u32 s6, $0x1;
	s20 =	sor.u32 $0x1C03, s20;
	s7 =	sshrl.u32 s7, $0x3  }
0xe: {  	s12 =	ssub.s32 s6, s31;
	s8 =	sadd.s32 s8, s5;
	s11 =	sadd.s32 s7, s5  }
0xf: {  	s7 =	sadd.s32 s10, s1;
	s5 =	sadd.s32 $0x5A00, s8;
	s6 =	sadd.s32 $0xFA00, s8  }
0x10: {  	s8 =	sadd.s32 s10, s2;
	s9 =	sadd.s32 $0x19A00, s11;
	s10 =	sadd.s32 $0x19A10, s11  }
0x11: {  	v0 =	vimm.f32 $0.0e+00;
	v1 =	vimm.f32 $1.000000000e+00;
	s11 =	smax.u32 s12, $0x1;
	s12 =	simm.s32 $0x500;
	s21 =	sshrl.u32 s7, $0x3  }
.LBB2_1:
0x12: {  	[tilespmem:s12], [sflag:$0x3] =	stream.linear.gather [hbm4b:s5+s4], $0x2800, $0x38;
	[tilespmem:$0x5800] =	vst v63  }
0x13: {  	_ =	swait.ge [sflag:s13], $0x2800  }
0x14: {  	[sflag:s13] =	ssyncset.done $0x0  }
0x15: {  	[sflag:s13] =	ssyncadd.s32 $0xFFFFD800  }
0x16: {  	[tilespmem:s14], [sflag:$0x3] =	stream.linear.gather [hbm4b:s6+s4], $0x2800, $0x38;
	[tilespmem:$0x5800] =	vst v63  }
0x17: {  	_ =	swait.ge [sflag:s13], $0x2800  }
0x18: {  	[sflag:s13] =	ssyncset.done $0x0  }
0x19: {  	[sflag:s13] =	ssyncadd.s32 $0xFFFFD800  }
0x1a: {  	[tilespmem:$0x5580] =	vst v0  }
0x1b: {  	[tilespmem:$0x5590] =	vst v0  }
0x1c: {  	[tilespmem:$0x55A0] =	vst v0  }
0x1d: {  	[tilespmem:$0x55B0] =	vst v0  }
0x1e: {  	[tilespmem:$0x55C0] =	vst v0  }
0x1f: {  	[tilespmem:$0x55D0] =	vst v0  }
0x20: {  	[tilespmem:$0x55E0] =	vst v0  }
0x21: {  	[tilespmem:$0x55F0] =	vst v0  }
0x22: {  	[tilespmem:$0x5600] =	vst v0  }
0x23: {  	[tilespmem:$0x5610] =	vst v0  }
0x24: {  	[tilespmem:$0x5620] =	vst v0  }
0x25: {  	[tilespmem:$0x5630] =	vst v0  }
0x26: {  	[tilespmem:$0x5640] =	vst v0  }
0x27: {  	[tilespmem:$0x5650] =	vst v0  }
0x28: {  	[tilespmem:$0x5660] =	vst v0  }
0x29: {  	[tilespmem:$0x5670] =	vst v0  }
0x2a: {  	[tilespmem:$0x5680] =	vst v0  }
0x2b: {  	[tilespmem:$0x5690] =	vst v0  }
0x2c: {  	[tilespmem:$0x56A0] =	vst v0  }
0x2d: {  	[tilespmem:$0x56B0] =	vst v0  }
0x2e: {  	[tilespmem:$0x56C0] =	vst v0  }
0x2f: {  	[tilespmem:$0x56D0] =	vst v0  }
0x30: {  	[tilespmem:$0x56E0] =	vst v0  }
0x31: {  	[tilespmem:$0x56F0] =	vst v0  }
0x32: {  	[tilespmem:$0x5700] =	vst v0  }
0x33: {  	[tilespmem:$0x5710] =	vst v0  }
0x34: {  	[tilespmem:$0x5720] =	vst v0  }
0x35: {  	[tilespmem:$0x5730] =	vst v0  }
0x36: {  	[tilespmem:$0x5740] =	vst v0  }
0x37: {  	[tilespmem:$0x5750] =	vst v0  }
0x38: {  	[tilespmem:$0x5760] =	vst v0  }
0x39: {  	[tilespmem:$0x5770] =	vst v0  }
0x3a: {  	[tilespmem:$0x5780] =	vst v0  }
0x3b: {  	[tilespmem:$0x5790] =	vst v0  }
0x3c: {  	[tilespmem:$0x57A0] =	vst v0  }
0x3d: {  	[tilespmem:$0x57B0] =	vst v0  }
0x3e: {  	[tilespmem:$0x57C0] =	vst v0  }
0x3f: {  	[tilespmem:$0x57D0] =	vst v0  }
0x40: {  	[tilespmem:$0x57E0] =	vst v0  }
0x41: {  	[tilespmem:$0x57F0] =	vst v0  }
0x42: {  	[tilespmem:$0x5500] =	vst v1  }
0x43: {  	[tilespmem:$0x5510] =	vst v1  }
0x44: {  	[tilespmem:$0x5520] =	vst v1  }
0x45: {  	[tilespmem:$0x5530] =	vst v1  }
0x46: {  	[tilespmem:$0x5540] =	vst v1  }
0x47: {  	[tilespmem:$0x5550] =	vst v1  }
0x48: {  	[tilespmem:$0x5560] =	vst v1  }
0x49: {  	[tilespmem:$0x5570] =	vst v1  }
0x4a: {  	[spmem:s7] =	stream.linear.scatter [tilespmem:s15], [sflag:$0x3], $0x280, $0x38;
	[tilespmem:$0x5800] =	vst v63  }
0x4b: {  	_ =	swait.ge [sflag:s13], $0x280  }
0x4c: {  	[sflag:s13] =	ssyncset.done $0x0  }
0x4d: {  	[sflag:s13] =	ssyncadd.s32 $0xFFFFFD80  }
0x4e: {  	[spmem:s8] =	stream.linear.scatter [tilespmem:s15], [sflag:$0x3], $0x280, $0x38;
	[tilespmem:$0x5800] =	vst v63  }
0x4f: {  	_ =	swait.ge [sflag:s13], $0x280  }
0x50: {  	[sflag:s13] =	ssyncset.done $0x0  }
0x51: {  	[sflag:s13] =	ssyncadd.s32 $0xFFFFFD80  }
0x52: {  	[bflag:$0x0] =	sbarrier.arrive $0xFFFF  }
0x53: {  	[spmem:s1] =	stream.indirect.scatter.add.f32 [tilespmem:s17], [sflag:$0x1], $0x1, s12, s16, $0xb8;
	[tilespmem:$0x5800] =	vst v63  }
0x54: {  	_ = 	snop  }
0x55: {  	[spmem:s2] =	stream.indirect.scatter.add.f32 [tilespmem:s17], [sflag:$0x2], $0x1, s14, s16, $0xb8;
	[tilespmem:$0x5800] =	vst v63  }
0x56: {  	s25 =	simm.s32 $0x580  }
0x57: {  	[spmem:s1] =	stream.indirect.scatter.add.f32 [tilespmem:s17], [sflag:$0x1], $0x1, s25, s16, $0xb8;
	[tilespmem:$0x5800] =	vst v63  }
0x58: {  	s31 =	simm.s32 $0x2D80  }
0x59: {  	[spmem:s2] =	stream.indirect.scatter.add.f32 [tilespmem:s17], [sflag:$0x2], $0x1, s31, s16, $0xb8;
	[tilespmem:$0x5800] =	vst v63  }
0x5a: {  	_ =	swait.ge [sflag:s18], $0x7D  }
0x5b: {  	[sflag:s18] =	ssyncset.done $0x0  }
0x5c: {  	[sflag:s18] =	ssyncadd.s32 $0xFFFFFF83  }
0x5d: {  	_ =	swait.ge [sflag:s19], $0x7D  }
0x5e: {  	s26 =	simm.s32 $0x600;
	s25 =	simm.s32 $0x100;
	[sflag:s19] =	ssyncset.done $0x0  }
.LBB2_2:
0x5f: {  	s28 =	sadd.s32 $0x500, s25  }
0x60: {  	[sflag:s19] =	ssyncadd.s32 $0xFFFFFF83;
	s29 =	smov.u32 s26;
	s30 =	sadd.s32 $0x200, s26  }
0x61: {  	[spmem:s1] =	stream.indirect.scatter.add.f32 [tilespmem:s17], [sflag:$0x1], $0x1, s28, s16, $0xb8;
	[tilespmem:$0x5800] =	vst v63  }
0x62: {  	p0 =	sne.s32 s26, $0x9E00;
	s25 =	sadd.s32 $0x2D00, s25  }
0x63: {  	[spmem:s2] =	stream.indirect.scatter.add.f32 [tilespmem:s17], [sflag:$0x2], $0x1, s25, s16, $0xb8;
	[tilespmem:$0x5800] =	vst v63  }
.Ltmp0:
0x64: {  	_ =	swait.ge [sflag:s18], $0x7D;
	(pc) =	sbr.rel @p0 .LBB2_2-.Ltmp0, $4  }
0x65: {  	[sflag:s18] =	ssyncset.done $0x0  }
0x66: {  	[sflag:s18] =	ssyncadd.s32 $0xFFFFFF83  }
0x67: {  	_ =	swait.ge [sflag:s19], $0x7D  }
0x68: {  	s26 =	smov.u32 s30;
	s25 =	sshra.s32 s29, $0x2;
	[sflag:s19] =	ssyncset.done $0x0  }
0x69: {  	s26 =	sadd.s32 $0x500, s25;
	[sflag:s19] =	ssyncadd.s32 $0xFFFFFF83  }
0x6a: {  	[spmem:s1] =	stream.indirect.scatter.add.f32 [tilespmem:s17], [sflag:$0x1], $0x1, s26, s16, $0xb8;
	[tilespmem:$0x5800] =	vst v63  }
0x6b: {  	s30 =	sadd.s32 $0x2D00, s25  }
0x6c: {  	[spmem:s2] =	stream.indirect.scatter.add.f32 [tilespmem:s17], [sflag:$0x2], $0x1, s30, s16, $0xb8;
	[tilespmem:$0x5800] =	vst v63  }
0x6d: {  	_ =	swait.ge [sflag:s18], $0x7D  }
0x6e: {  	[sflag:s18] =	ssyncset.done $0x0  }
0x6f: {  	[sflag:s18] =	ssyncadd.s32 $0xFFFFFF83  }
0x70: {  	_ =	swait.ge [sflag:s19], $0x7D  }
0x71: {  	[sflag:s19] =	ssyncset.done $0x0  }
0x72: {  	[sflag:s19] =	ssyncadd.s32 $0xFFFFFF83  }
0x73: {  	_ =	swait.ge [sflag:s18], $0x7D  }
0x74: {  	[sflag:s18] =	ssyncset.done $0x0  }
0x75: {  	[sflag:s18] =	ssyncadd.s32 $0xFFFFFF83  }
0x76: {  	_ =	swait.ge [sflag:s19], $0x7D  }
0x77: {  	[sflag:s19] =	ssyncset.done $0x0  }
0x78: {  	[sflag:s19] =	ssyncadd.s32 $0xFFFFFF83  }
0x79: {  	[bflag:$0x0] =	sbarrier.arrive $0xFFFF  }
0x7a: {  	[hbm:s9@s22], [sflag:s20] =	dma.strided [spmem:s21@s23], $0x50, s18, $0x10   }
0x7b: {  	s24 =	sadd.s32 $0x1, s24;
	_ =	swait.ge [sflag:s13], $0x50  }
0x7c: {  	p0 =	sne.s32 s24, s11;
	[sflag:s13] =	ssyncset.done $0x0  }
.Ltmp1:
0x7d: {  	s31 =	sshrl.u32 s8, $0x3;
	[sflag:s13] =	ssyncadd.s32 $0xFFFFFFB0;
	(pc) =	sbr.rel @p0 .LBB2_1-.Ltmp1, $4  }
0x7e: {  	[hbm:s10@s22], [sflag:s20] =	dma.strided [spmem:s31@s23], $0x50, s18, $0x10   }
0x7f: {  	_ =	swait.ge [sflag:s13], $0x50  }
0x80: {  	[sflag:s13] =	ssyncset.done $0x0  }
0x81: {  	[sflag:s13] =	ssyncadd.s32 $0xFFFFFFB0  }
0x82: {  	_ =	sfence.sel $0x180000  }
0x83: {  	[bflag:$0x0] =	sbarrier.arrive $0xFFFF  }
0x84: {  	p0 =	sne.s32 s3, $0x0;
	_ =	strace $0x90000047  }
0x85: {  	s0 =	sadd.s32 @!p0 $0x100000, s0;
	[bflag:$0x2] =	sbarrier.arrive $0xFFFF  }
0x86: {  	[sflag:s0] =	ssyncadd.tile.s32 @!p0 $0x1;
	_ =	shalt  }
.Lfunc_end2:
_tile_overlayer_lowered:
.L_overlay_start_2:
0x87: {  	(tag) =	ssettag $0x2  }
0x88: {  	s0 =	rddreg [dreg:$0x0];
	s2 =	stileid.u32  }
0x89: {  	s1 =	rddreg [dreg:$0x1];
	p0 =	sne.s32 s2, $0x0  }
0x8a: {  	s3 =	rddreg [dreg:$0x2];
	[bflag:$0x3] =	sbarrier.arrive $0xFFFF;
	s2 =	simm.s32 @!p0 $0x1C03  }
0x8b: {  	[timem:s3], [sflag:s2] =	dma.local @!p0 [hbm:s0], s1  }
0x8c: {  	s0 =	simm.s32 @!p0 $0x3  }
0x8d: {  	_ =	swait.ge @!p0 [sflag:s0], s1  }
0x8e: {  	s1 =	ssub.s32 @!p0 $0x0, s1;
	[sflag:s0] =	ssyncset.done @!p0 $0x0  }
0x8f: {  	[sflag:s0] =	ssyncadd.s32 @!p0 s1  }
0x90: {  	[bflag:$0x3] =	sbarrier.arrive $0xFFFF  }
0x91: {  	_ =	shalt  }

// kernel: kernel.14.cloned.1.call-start
scs
__scs_entry_jumppad:
0x0: {  	(pc) =	sbr.rel $0x88, $3  }
0x1: {  	(tag) =	ssettag $0x0;
	lr =	simm.s32 $0x1  }
0x2: {  	[smem:$0x3F87] =	sst lr;
	_ =	strace $0xD0000000  }
0x3: {  	_ = 	snop  }
0x4: {  	_ = 	snop  }
0x5: {  	_ = 	snop  }
0x6: {  	_ = 	snop  }
0x7: {  	_ = 	snop  }
__scs_overlays_trampoline_lowered:
0x8: {  	[smem:$0x3F96] =	sst s0  }
0x9: {  	[smem:$0x3F97] =	sst s1  }
0xa: {  	[smem:$0x3F98] =	sst s2  }
0xb: {  	[smem:$0x3F99] =	sst s3  }
0xc: {  	[smem:$0x3F9A] =	sst s4  }
0xd: {  	[smem:$0x3F9B] =	sst s5  }
0xe: {  	[smem:$0x3F9C] =	sst s6  }
0xf: {  	[smem:$0x3F9D] =	sst s7  }
0x10: {  	[smem:$0x3F9E] =	sst s8  }
0x11: {  	[smem:$0x3F9F] =	sst s9;
	s0 =	simm.s32 @!p0 $0x0  }
0x12: {  	s1 =	sld [smem:$0x3F85];
	s0 =	simm.s32 @p0 $0x1  }
0x13: {  	[smem:$0x3FA0] =	sst s0;
	s0 =	simm.s32 @!p1 $0x0  }
0x14: {  	s2 =	sld [smem:$0x3F84];
	s0 =	simm.s32 @p1 $0x1  }
0x15: {  	[smem:$0x3FA1] =	sst s0;
	s0 =	simm.s32 @!p2 $0x0  }
0x16: {  	s3 =	sld [smem:$0x3FDB];
	s0 =	simm.s32 @p2 $0x1  }
0x17: {  	s4 =	simm.s32 $0x1BF5;
	[smem:$0x3FA3] =	sst s0  }
0x18: {  	s0 =	sld [smem:$0x3F86];
	_ =	swait.ge [sflag:s4], $0x0  }
0x19: {  	s7 =	sld [smem:$0x3F87]  }
0x1a: {  	s8 =	sadd.s32 $0xFFFFE003, lr  }
0x1b: {  	s9 =	sadd.s32 $0xFFFFFEF7, lr;
	s5 =	simm.s32 $0xFFFFFFFF;
	p2 =	slt.u32 s8, $0xFFFFF086  }
0x1c: {  	p1 =	slt.u32 s9, $0xF7A;
	s5 =	simm.s32 @!p2 $0x0  }
0x1d: {  	s5 =	simm.s32 @p1 $0x1;
	p0 =	seq.s32 s7, s2  }
0x1e: {  	s7 =	smul.u32 @!p0 $0xF7A, s2;
	p2 =	seq.s32 @!p0 s5, $0x0  }
0x1f: {  	s9 =	smul.u32 $0xF7A, s1;
	s8 =	simm.s32 @!p0 $0x1BF5;
	p2 =	por !p2, p0  }
0x20: {  	[sflag:s8] =	ssyncset.s32 @!p0 $0xFFFFF086;
	s6 =	sadd.s32 @!p0 s3, s7;
	s7 =	simm.s32 @!p0 $0x108  }
0x21: {  	s3 =	sadd.s32 s3, s9;
	s6 =	sadd.s32 @!p0 $0x88, s6;
	s7 =	simm.s32 @p2 $0x1082  }
0x22: {  	[simem:s7], [sflag:s8] =	dma.local @!p0 [hbm:s6], $0xF7A  }
0x23: {  	s9 =	sor.u32 $0xD0000000, s2;
	s6 =	simm.s32 $0x108;
	_ =	swait.ge @!p0 [sflag:s8], $0x0  }
0x24: {  	s3 =	sadd.s32 $0x88, s3;
	s6 =	simm.s32 @!p1 $0x1082;
	[sflag:s4] =	ssyncset.s32 $0xFFFFF086  }
0x25: {  	[simem:s6], [sflag:s4] =	dma.local [hbm:s3], $0xF7A  }
0x26: {  	[smem:$0x3F87] =	sst s1;
	(tag) =	ssettag s2;
	_ =	strace s9  }
0x27: {  	s1 =	sld [smem:$0x3F97]  }
0x28: {  	s2 =	sld [smem:$0x3F98]  }
0x29: {  	s4 =	sld [smem:$0x3F9A]  }
0x2a: {  	p0 =	seq.s32 s5, $0x0;
	s5 =	sld [smem:$0x3F9B]  }
0x2b: {  	s6 =	sld [smem:$0x3F9C]  }
0x2c: {  	s7 =	sld [smem:$0x3F9D]  }
0x2d: {  	s3 =	simm.s32 $0x108;
	s8 =	sld [smem:$0x3F9E]  }
0x2e: {  	s3 =	simm.s32 @!p0 $0x1082;
	s9 =	sld [smem:$0x3F9F]  }
0x2f: {  	lr =	sadd.s32 s0, s3;
	s0 =	sld [smem:$0x3F96]  }
0x30: {  	s3 =	sld [smem:$0x3F99]  }
0x31: {  	[smem:$0x3FA2] =	sst s10  }
0x32: {  	s10 =	sld [smem:$0x3FA0];
	_ =	sdelay $0x3  }
0x33: {  	p0 =	seq.s32 s10, $0x1;
	s10 =	sld [smem:$0x3FA2];
	_ =	sdelay $0x3  }
0x34: {  	[smem:$0x3FA2] =	sst s10  }
0x35: {  	s10 =	sld [smem:$0x3FA1];
	_ =	sdelay $0x3  }
0x36: {  	p1 =	seq.s32 s10, $0x1;
	s10 =	sld [smem:$0x3FA2];
	_ =	sdelay $0x3  }
0x37: {  	[smem:$0x3FA2] =	sst s10  }
0x38: {  	s10 =	sld [smem:$0x3FA3]  }
0x39: {  	_ = 	snop;
	(pc) =	sbr.ind lr, $3  }
0x3a: {  	_ = 	snop  }
0x3b: {  	_ = 	snop  }
0x3c: {  	p2 =	seq.s32 s10, $0x1;
	s10 =	sld [smem:$0x3FA2]  }
0x3d: {  	_ =	shalt  }
0x3e: {  	_ =	shalt  }
0x3f: {  	_ =	shalt  }
0x40: {  	_ =	shalt  }
0x41: {  	_ =	shalt  }
0x42: {  	_ =	shalt  }
0x43: {  	_ =	shalt  }
0x44: {  	_ =	shalt  }
0x45: {  	_ =	shalt  }
0x46: {  	_ =	shalt  }
0x47: {  	_ =	shalt  }
0x48: {  	_ =	shalt  }
0x49: {  	_ =	shalt  }
0x4a: {  	_ =	shalt  }
0x4b: {  	_ =	shalt  }
0x4c: {  	_ =	shalt  }
0x4d: {  	_ =	shalt  }
0x4e: {  	_ =	shalt  }
0x4f: {  	_ =	shalt  }
0x50: {  	_ =	shalt  }
0x51: {  	_ =	shalt  }
0x52: {  	_ =	shalt  }
0x53: {  	_ =	shalt  }
0x54: {  	_ =	shalt  }
0x55: {  	_ =	shalt  }
0x56: {  	_ =	shalt  }
0x57: {  	_ =	shalt  }
0x58: {  	_ =	shalt  }
0x59: {  	_ =	shalt  }
0x5a: {  	_ =	shalt  }
0x5b: {  	_ =	shalt  }
0x5c: {  	_ =	shalt  }
0x5d: {  	_ =	shalt  }
0x5e: {  	_ =	shalt  }
0x5f: {  	_ =	shalt  }
0x60: {  	_ =	shalt  }
0x61: {  	_ =	shalt  }
0x62: {  	_ =	shalt  }
0x63: {  	_ =	shalt  }
0x64: {  	_ =	shalt  }
0x65: {  	_ =	shalt  }
0x66: {  	_ =	shalt  }
0x67: {  	_ =	shalt  }
0x68: {  	_ =	shalt  }
0x69: {  	_ =	shalt  }
0x6a: {  	_ =	shalt  }
0x6b: {  	_ =	shalt  }
0x6c: {  	_ =	shalt  }
0x6d: {  	_ =	shalt  }
0x6e: {  	_ =	shalt  }
0x6f: {  	_ =	shalt  }
0x70: {  	_ =	shalt  }
0x71: {  	_ =	shalt  }
0x72: {  	_ =	shalt  }
0x73: {  	_ =	shalt  }
0x74: {  	_ =	shalt  }
0x75: {  	_ =	shalt  }
0x76: {  	_ =	shalt  }
0x77: {  	_ =	shalt  }
0x78: {  	_ =	shalt  }
0x79: {  	_ =	shalt  }
0x7a: {  	_ =	shalt  }
0x7b: {  	_ =	shalt  }
0x7c: {  	_ =	shalt  }
0x7d: {  	_ =	shalt  }
0x7e: {  	_ =	shalt  }
0x7f: {  	_ =	shalt  }
0x80: {  	_ =	shalt  }
0x81: {  	_ =	shalt  }
0x82: {  	_ =	shalt  }
0x83: {  	_ =	shalt  }
0x84: {  	_ =	shalt  }
0x85: {  	_ =	shalt  }
0x86: {  	_ =	shalt  }
0x87: {  	_ =	shalt  }
.Lfunc_end0:
.L_simem_size_0:
called_computation.1_lowered:
.L_overlay_start_0:
0x88: {  	s2 =	sld [smem:$0x3FD9]  }
0x89: {  	s3 =	sld [smem:$0x3FFE];
	_ =	sdelay $0x1  }
0x8a: {  	s1 =	srdreg.scid  }
0x8b: {  	s0 =	sand.u32 $0x1, s1  }
0x8c: {  	s16 =	sshll.u32 s0, $0xA;
	s2 =	sadd.s32 s3, s2  }
0x8d: {  	s2 =	sadd.s32 s2, s16  }
0x8e: {  	[smem:$0x3FAE] =	sst s2  }
0x8f: {  	_ = 	snop  }
0x90: {  	(tm) =	ssettm $0x1  }
0x91: {  	s17 =	sld [smem:$0x3FFB];
	_ =	sdelay $0x3  }
0x92: {  	_ =	strace s17  }
0x93: {  	s2 =	sld [smem:$0x3FFC];
	_ =	sdelay $0x3  }
0x94: {  	_ =	strace s2  }
0x95: {  	s2 =	sld [smem:$0x3FFD];
	_ =	sdelay $0x3  }
0x96: {  	_ =	strace s2  }
0x97: {  	_ =	strace $0x8FFFFFFF  }
0x98: {  	s18 =	sld [smem:$0x3FDB];
	_ =	sdelay $0x1  }
0x99: {  	s19 =	simm.s32 $_scs_section_size  }
0x9a: {  	s4 =	simm.s32 $_size__tile_overlayer_lowered;
	s5 =	simm.s32 $_tile_overlayer_lowered  }
0x9b: {  	s22 =	simm.s32 $0x1BFF;
	s21 =	sshll.u32 s5, $0x1;
	s2 =	sadd.s32 s19, s18  }
0x9c: {  	s6 =	simm.s32 $0x0;
	s20 =	sshll.u32 s4, $0x1;
	s4 =	sadd.s32 s21, s2  }
0x9d: {  	[timem:s6], [sflag:s22] =	dma.local [hbm:s4], s20  }
0x9e: {  	_ =	swait.ge [sflag:s22], s20  }
0x9f: {  	s3 =	ssub.s32 $0x0, s20;
	[sflag:s22] =	ssyncset.done $0x0  }
0xa0: {  	[sflag:s22] =	ssyncadd.s32 s3;
	_ =	sdelay $0x1  }
0xa1: {  	s23 =	simm.s32 $0x1B8B  }
0xa2: {  	_ =	swait.ge [sflag:s23], $0x1  }
0xa3: {  	[sflag:s23] =	ssyncset.done $0x0  }
0xa4: {  	s25 =	simm.s32 $0x1B8E;
	s24 =	sld [smem:$0x3FFE];
	[sflag:s23] =	ssyncadd.s32 $0xFFFFFFFF  }
0xa5: {  	s26 =	simm.s32 $execute0_lowered;
	[smem:$0x3FD2] =	sst s25  }
0xa6: {  	s4 =	sshll.u32 s26, $0x1;
	_ =	strace $0x80000049;
	[dreg:$0x1] =	wrdreg $0xFFFFFFFF  }
0xa7: {  	s28 =	simm.s32 $_size_execute0_lowered;
	s2 =	sadd.s32 s2, s4;
	[dreg:$0x0] =	wrdreg $0x0  }
0xa8: {  	s4 =	sshll.u32 s28, $0x1;
	[dreg:$0x2] =	wrdreg s2  }
0xa9: {  	[dreg:$0x3] =	wrdreg s4  }
0xaa: {  	[dreg:$0x4] =	wrdreg $0xC0  }
0xab: {  	_ =	task [dreg:s6], $0x5FFFF  }
0xac: {  	[dreg:$0x1] =	wrdreg $0xFFFFFFFF  }
0xad: {  	[dreg:$0x0] =	wrdreg $0x60  }
0xae: {  	[dreg:$0x2] =	wrdreg s24  }
0xaf: {  	[dreg:$0x3] =	wrdreg $0x0  }
0xb0: {  	[dreg:$0x4] =	wrdreg $0x9  }
0xb1: {  	_ =	task.clear_ibuf [dreg:s6], $0x5FFFF;
	_ =	strace $0x90000049  }
0xb2: {  	s29 =	simm.s32 $0x9;
	_ =	strace $0x8000004B  }
0xb3: {  	_ =	swait.ge [sflag:s29], $0x1  }
0xb4: {  	[sflag:s29] =	ssyncadd.s32 $0xFFFFFFFF  }
0xb5: {  	_ =	strace $0x9000004B  }
0xb6: {  	_ =	sfence  }
0xb7: {  	s30 =	sld [smem:$0x0];
	_ =	sdelay $0x2  }
0xb8: {  	s31 =	sshll.u32 s1, $0xD;
	s1 =	sshrl.u32 s1, $0x2  }
0xb9: {  	s3 =	sand.u32 $0x4000, s31;
	s1 =	sadd.s32 s1, s30  }
0xba: {  	s0 =	sor.u32 s3, s0;
	s1 =	sshll.u32 s1, $0x11  }
0xbb: {  	s0 =	sor.u32 s1, s0  }
0xbc: {  	s0 =	sadd.s32 $0x8F2B, s0  }
0xbd: {  	[sflag:s0] =	ssyncadd.remote.s32 $0x1  }
0xbe: {  	_ =	sfence.sel $0xFFFF  }
0xbf: {  	[dreg:$0x0] =	wrdreg $0xFFFFFFFF;
	(pc) =	sbr.abs _section_cstart, $3  }
0xc0: {  	[dreg:$0x1] =	wrdreg $0xFFFFFFFF  }
0xc1: {  	_ =	task.clear_ibuf [dreg:s6], $0x2FFFF;
	_ =	strace $0x9FFFFFFF  }
0xc2: {  	(tm) =	ssettm $0x7FFFFFFF  }
0xc3: {  	_ =	shalt  }
tec
execute0_lowered:
.L_overlay_start_1:
0x0: {  	(tag) =	ssettag $0x1  }
0x1: {  	s0 =	rddreg [dreg:$0x0]  }
0x2: {  	s1 =	rddreg [dreg:$0x1];
	s2 =	simm.s32 $0x0;
	s3 =	srdreg.scid  }
0x3: {  	s11 =	stileid.u32;
	s29 =	simm.s32 $0x14200;
	s30 =	simm.s32 $0x7  }
0x4: {  	s31 =	simm.s32 $0x14000;
	[smem:$0x7FF] =	sst s2;
	s4 =	sadd.s32 $0x42000, s0  }
0x5: {  	s3 =	sand.u32 $0x1, s3;
	s5 =	sadd.s32 $0x5A00, s0;
	s8 =	smul.u32 $0x50000, s11  }
0x6: {  	s6 =	sadd.s32 $0xFA00, s0;
	s0 =	sadd.s32 $0x69200, s0;
	s23 =	smul.u32 $0x14000, s11  }
0x7: {  	_ =	strace $0x8000004A;
	s7 =	sshll.u32 s3, $0x4;
	s9 =	ssub.s32 $0x2, s3  }
0x8: {  	s3 =	smul.u32 $0x140000, s3;
	s7 =	sor.u32 s11, s7;
	s8 =	sshrl.u32 s8, $0x2  }
0x9: {  	s10 =	sshrl.u32 s9, $0x1;
	s13 =	sadd.s32 $0x4000, s23;
	s18 =	sadd.s32 $0x8000, s23  }
0xa: {  	s19 =	sadd.s32 $0xC000, s23;
	s7 =	smul.u32 $0x2800, s7;
	s8 =	sadd.s32 s8, s1  }
0xb: {  	s9 =	ssub.s32 s9, s10;
	s15 =	sadd.s32 s23, s3;
	s16 =	sadd.s32 s3, s13  }
0xc: {  	s10 =	sadd.s32 $0x10000, s23;
	s23 =	sadd.s32 s13, s1;
	s13 =	simm.s32 $0x18200  }
0xd: {  	s22 =	sadd.s32 $0x3E80, s8;
	s24 =	sadd.s32 $0x7D00, s8;
	s25 =	sadd.s32 $0xBB80, s8  }
0xe: {  	s17 =	sshrl.u32 s16, $0x3;
	s16 =	sadd.s32 s3, s19;
	[dreg:$0x3] =	wrdreg s22  }
0xf: {  	s9 =	smax.u32 s9, $0x1;
	s28 =	sadd.s32 $0x13880, s8;
	[dreg:$0x4] =	wrdreg s24  }
0x10: {  	[dreg:$0x5] =	wrdreg s25;
	s26 =	sshrl.u32 s7, $0x3;
	s16 =	sshrl.u32 s16, $0x3  }
0x11: {  	s24 =	sadd.s32 s18, s1;
	s25 =	sadd.s32 s19, s1;
	[dreg:$0xf] =	wrdreg s9  }
0x12: {  	s9 =	simm.s32 $0x14180;
	s19 =	simm.s32 $0x0;
	s12 =	sadd.s32 s5, s26  }
0x13: {  	s14 =	sadd.s32 s6, s26;
	s11 =	sor.u32 $0x10, s26;
	s20 =	sadd.s32 s0, s16  }
0x14: {  	s26 =	sshrl.u32 s24, $0x3;
	s24 =	sshrl.u32 s25, $0x3;
	[dreg:$0x6] =	wrdreg s12  }
0x15: {  	s16 =	simm.s32 $0x8;
	[dreg:$0x7] =	wrdreg s14;
	s12 =	sshrl.u32 s15, $0x3  }
0x16: {  	s15 =	sadd.s32 s3, s18;
	s3 =	sadd.s32 s3, s10;
	[dreg:$0xb] =	wrdreg s20  }
0x17: {  	s21 =	sadd.s32 s5, s11;
	s22 =	sadd.s32 s6, s11;
	s10 =	sadd.s32 s10, s1  }
0x18: {  	[dreg:$0x11] =	wrdreg s26;
	s26 =	sadd.s32 $0xFA00, s8;
	s11 =	simm.s32 $0x7D  }
0x19: {  	s14 =	simm.s32 $0x5;
	s18 =	simm.s32 $0x4;
	s12 =	sadd.s32 s0, s12  }
0x1a: {  	s15 =	sshrl.u32 s15, $0x3;
	s3 =	sshrl.u32 s3, $0x3;
	[dreg:$0xd] =	wrdreg s21  }
0x1b: {  	[dreg:$0xe] =	wrdreg s22;
	s25 =	sshrl.u32 s10, $0x3;
	s10 =	simm.s32 $0x1  }
.Ltmp0:
0x1c: {  	[dreg:$0x8] =	wrdreg s12;
	s12 =	sadd.s32 s0, s17;
	(pc) =	sbr.rel .LBB2_1-.Ltmp0, $4  }
0x1d: {  	s15 =	sadd.s32 s0, s15;
	s0 =	sadd.s32 s0, s3;
	[dreg:$0x9] =	wrdreg s12  }
0x1e: {  	s3 =	simm.s32 $0x14100;
	s17 =	simm.s32 $0x6;
	[dreg:$0xa] =	wrdreg s15  }
0x1f: {  	[dreg:$0xc] =	wrdreg s0;
	s0 =	sshrl.u32 s23, $0x3;
	s12 =	simm.s32 $0x2  }
0x20: {  	v0 =	vimm.f32 $0.0e+00;
	s15 =	simm.s32 $0x3;
	[dreg:$0x10] =	wrdreg s0;
	s0 =	simm.s32 $0x14080  }
.LBB2_6:
0x21: {  	_ =	swait.ge [sflag:s17], $0x3E80  }
0x22: {  	[sflag:s17] =	ssyncset.done $0x0  }
0x23: {  	[sflag:s17] =	ssyncadd.s32 $0xFFFFC180  }
0x24: {  	_ =	swait.ge [sflag:s18], $0x80  }
0x25: {  	[sflag:s18] =	ssyncset.done $0x0  }
0x26: {  	[sflag:s18] =	ssyncadd.s32 $0xFFFFFF80  }
0x27: {  	[spmem:s1] =	stream.indirect.scatter.add.f32 [tilespmem:s13], [sflag:$0x8], $0x80, s9, s11, $0xb8;
	[tilespmem:$0x1C200] =	vst v63  }
0x28: {  	_ =	swait.ge [sflag:s16], $0x3E80  }
0x29: {  	[sflag:s16] =	ssyncset.done $0x0  }
0x2a: {  	s20 =	stileid.u32;
	[sflag:s16] =	ssyncadd.s32 $0xFFFFC180  }
0x2b: {  	s20 =	sshll.u32 s20, $0x6;
	[bflag:$0x0] =	sbarrier.arrive $0xFFFF  }
0x2c: {  	s21 =	sshrl.u32 s8, $0x3;
	s20 =	sor.u32 $0x1C07, s20;
	s22 =	rddreg [dreg:$0x8]  }
0x2d: {  	[hbm:s22], [sflag:s20] =	dma.local [spmem:s21], $0x800  }
0x2e: {  	s21 =	rddreg [dreg:$0x9]  }
0x2f: {  	s22 =	rddreg [dreg:$0x10]  }
0x30: {  	[hbm:s21], [sflag:s20] =	dma.local [spmem:s22], $0x800  }
0x31: {  	s21 =	rddreg [dreg:$0xa]  }
0x32: {  	s22 =	rddreg [dreg:$0x11]  }
0x33: {  	[hbm:s21], [sflag:s20] =	dma.local [spmem:s22], $0x800  }
0x34: {  	s21 =	rddreg [dreg:$0xb]  }
0x35: {  	[hbm:s21], [sflag:s20] =	dma.local [spmem:s24], $0x800  }
0x36: {  	s21 =	rddreg [dreg:$0xc]  }
0x37: {  	[hbm:s21], [sflag:s20] =	dma.local [spmem:s25], $0x800  }
0x38: {  	_ =	swait.ge [sflag:s30], $0x800  }
0x39: {  	[sflag:s30] =	ssyncset.done $0x0  }
0x3a: {  	[sflag:s30] =	ssyncadd.s32 $0xFFFFF800  }
0x3b: {  	_ =	swait.ge [sflag:s30], $0x800  }
0x3c: {  	[sflag:s30] =	ssyncset.done $0x0  }
0x3d: {  	[sflag:s30] =	ssyncadd.s32 $0xFFFFF800  }
0x3e: {  	_ =	swait.ge [sflag:s30], $0x800  }
0x3f: {  	[sflag:s30] =	ssyncset.done $0x0  }
0x40: {  	[sflag:s30] =	ssyncadd.s32 $0xFFFFF800  }
0x41: {  	_ =	swait.ge [sflag:s30], $0x800  }
0x42: {  	[sflag:s30] =	ssyncset.done $0x0  }
0x43: {  	[sflag:s30] =	ssyncadd.s32 $0xFFFFF800  }
0x44: {  	_ =	swait.ge [sflag:s30], $0x800  }
0x45: {  	s19 =	sadd.s32 $0x1, s19;
	s23 =	rddreg [dreg:$0xf]  }
0x46: {  	p0 =	sne.s32 s19, s23  }
.Ltmp1:
0x47: {  	_ = 	snop;
	(pc) =	sbr.rel @!p0 .LBB2_7-.Ltmp1, $3  }
0x48: {  	_ =	sdelay $0x1  }
0x49: {  	[sflag:s30] =	ssyncset.done $0x0  }
0x4a: {  	[sflag:s30] =	ssyncadd.s32 $0xFFFFF800  }
.LBB2_1:
0x4b: {  	s20 =	simm.s32 $0x0;
	s21 =	simm.s32 $0x200  }
.LBB2_2:
0x4c: {  	p0 =	sne.s32 s21, $0xF800;
	[tilespmem:s20+$0x14270] =	vst v0  }
0x4d: {  	[tilespmem:s20+$0x14200] =	vst v0  }
0x4e: {  	[tilespmem:s20+$0x14210] =	vst v0  }
.Ltmp2:
0x4f: {  	[tilespmem:s20+$0x14220] =	vst v0;
	(pc) =	sbr.rel @p0 .LBB2_2-.Ltmp2, $4  }
0x50: {  	[tilespmem:s20+$0x14230] =	vst v0  }
0x51: {  	[tilespmem:s20+$0x14240] =	vst v0  }
0x52: {  	[tilespmem:s20+$0x14250] =	vst v0  }
0x53: {  	[tilespmem:s20+$0x14260] =	vst v0;
	s20 =	sshra.s32 s21, $0x2;
	s21 =	sadd.s32 $0x200, s21  }
0x54: {  	[tilespmem:s20+$0x14270] =	vst v0  }
0x55: {  	[tilespmem:s20+$0x14200] =	vst v0  }
0x56: {  	[tilespmem:s20+$0x14210] =	vst v0  }
0x57: {  	[tilespmem:s20+$0x14220] =	vst v0  }
0x58: {  	[tilespmem:s20+$0x14230] =	vst v0  }
0x59: {  	[tilespmem:s20+$0x14240] =	vst v0  }
0x5a: {  	[tilespmem:s20+$0x14250] =	vst v0  }
0x5b: {  	[tilespmem:s20+$0x14260] =	vst v0  }
0x5c: {  	[spmem:s8] =	stream.linear.scatter [tilespmem:s29], [sflag:$0x7], $0x3E80, $0x38;
	[tilespmem:$0x1C200] =	vst v63  }
0x5d: {  	s23 =	rddreg [dreg:$0x3]  }
0x5e: {  	[spmem:s23] =	stream.linear.scatter [tilespmem:s29], [sflag:$0x7], $0x3E80, $0x38;
	[tilespmem:$0x1C200] =	vst v63  }
0x5f: {  	s21 =	rddreg [dreg:$0x4]  }
0x60: {  	[spmem:s21] =	stream.linear.scatter [tilespmem:s29], [sflag:$0x7], $0x3E80, $0x38;
	[tilespmem:$0x1C200] =	vst v63  }
0x61: {  	s22 =	rddreg [dreg:$0x5]  }
0x62: {  	[spmem:s22] =	stream.linear.scatter [tilespmem:s29], [sflag:$0x7], $0x3E80, $0x38;
	[tilespmem:$0x1C200] =	vst v63  }
0x63: {  	_ = 	snop  }
0x64: {  	[spmem:s26] =	stream.linear.scatter [tilespmem:s29], [sflag:$0x7], $0x3E80, $0x38;
	[tilespmem:$0x1C200] =	vst v63  }
0x65: {  	_ = 	snop  }
0x66: {  	[spmem:s28] =	stream.linear.scatter [tilespmem:s29], [sflag:$0x7], $0x780, $0x38;
	[tilespmem:$0x1C200] =	vst v63  }
0x67: {  	_ =	swait.ge [sflag:s30], $0x3E80  }
0x68: {  	[sflag:s30] =	ssyncset.done $0x0  }
0x69: {  	[sflag:s30] =	ssyncadd.s32 $0xFFFFC180  }
0x6a: {  	_ =	swait.ge [sflag:s30], $0x3E80  }
0x6b: {  	[sflag:s30] =	ssyncset.done $0x0  }
0x6c: {  	[sflag:s30] =	ssyncadd.s32 $0xFFFFC180  }
0x6d: {  	_ =	swait.ge [sflag:s30], $0x3E80  }
0x6e: {  	[sflag:s30] =	ssyncset.done $0x0  }
0x6f: {  	[sflag:s30] =	ssyncadd.s32 $0xFFFFC180  }
0x70: {  	_ =	swait.ge [sflag:s30], $0x3E80  }
0x71: {  	[sflag:s30] =	ssyncset.done $0x0  }
0x72: {  	[sflag:s30] =	ssyncadd.s32 $0xFFFFC180  }
0x73: {  	_ =	swait.ge [sflag:s30], $0x3E80  }
0x74: {  	[sflag:s30] =	ssyncset.done $0x0  }
0x75: {  	[sflag:s30] =	ssyncadd.s32 $0xFFFFC180  }
0x76: {  	_ =	swait.ge [sflag:s30], $0x780  }
0x77: {  	[sflag:s30] =	ssyncset.done $0x0  }
0x78: {  	[sflag:s30] =	ssyncadd.s32 $0xFFFFF880  }
0x79: {  	[bflag:$0x0] =	sbarrier.arrive $0xFFFF  }
0x7a: {  	s23 =	rddreg [dreg:$0x6]  }
0x7b: {  	[tilespmem:s31], [sflag:$0x1] =	stream.linear.gather [hbm4b:s23+s2], $0x80, $0x38;
	[tilespmem:$0x1C200] =	vst v63  }
0x7c: {  	s21 =	rddreg [dreg:$0x7]  }
0x7d: {  	[tilespmem:s0], [sflag:$0x3] =	stream.linear.gather [hbm4b:s21+s2], $0x80, $0x38;
	[tilespmem:$0x1C200] =	vst v63  }
0x7e: {  	s22 =	rddreg [dreg:$0xd]  }
0x7f: {  	[tilespmem:s3], [sflag:$0x2] =	stream.linear.gather [hbm4b:s22+s2], $0x80, $0x38;
	[tilespmem:$0x1C200] =	vst v63  }
0x80: {  	s23 =	rddreg [dreg:$0xe]  }
0x81: {  	[tilespmem:s9], [sflag:$0x4] =	stream.linear.gather [hbm4b:s23+s2], $0x80, $0x38;
	[tilespmem:$0x1C200] =	vst v63  }
0x82: {  	_ =	swait.ge [sflag:s10], $0x80  }
0x83: {  	[sflag:s10] =	ssyncset.done $0x0  }
0x84: {  	[sflag:s10] =	ssyncadd.s32 $0xFFFFFF80  }
0x85: {  	[tilespmem:s29], [sflag:$0x5] =	stream.indirect.gather [hbm4b:s4+s11], $0x80, s31, s11, $0xb8;
	[tilespmem:$0x1C200] =	vst v63  }
0x86: {  	_ =	swait.ge [sflag:s12], $0x80  }
0x87: {  	[sflag:s12] =	ssyncset.done $0x0  }
0x88: {  	s20 =	simm.s32 $0x180;
	[sflag:s12] =	ssyncadd.s32 $0xFFFFFF80  }
0x89: {  	[tilespmem:s13], [sflag:$0x6] =	stream.indirect.gather [hbm4b:s4+s11], $0x80, s3, s11, $0xb8;
	[tilespmem:$0x1C200] =	vst v63  }
.LBB2_4:
0x8a: {  	p0 =	seq.s32 s20, $0x2880  }
0x8b: {  	s21 =	sadd.s32 @!p0 $0xFFFFFF80, s20  }
0x8c: {  	s22 =	sand.u32 @!p0 $0x7C00, s21  }
0x8d: {  	s21 =	sand.u32 @!p0 $0x300, s21;
	s22 =	sadd.s32 @!p0 s7, s22  }
0x8e: {  	_ =	swait.ge [sflag:s14], $0x3E80;
	s21 =	sor.u32 @!p0 s21, s22  }
0x8f: {  	[sflag:s14] =	ssyncset.done $0x0;
	s23 =	simm.s32 @!p0 $0x14000;
	s21 =	sshrl.u32 @!p0 s21, $0x3  }
0x90: {  	[sflag:s14] =	ssyncadd.s32 $0xFFFFC180;
	s22 =	simm.s32 @!p0 $0x0;
	s21 =	sadd.s32 @!p0 s5, s21  }
0x91: {  	[tilespmem:s23], [sflag:$0x1] =	stream.linear.gather @!p0 [hbm4b:s21+s22], $0x80, $0x38;
	[tilespmem:$0x1C200] =	vst v63  }
0x92: {  	_ =	swait.ge [sflag:s15], $0x80  }
0x93: {  	[sflag:s15] =	ssyncset.done $0x0  }
.Ltmp3:
0x94: {  	[sflag:s15] =	ssyncadd.s32 $0xFFFFFF80;
	(pc) =	sbr.rel @p0 .LBB2_6-.Ltmp3, $4  }
0x95: {  	[spmem:s1] =	stream.indirect.scatter.add.f32 [tilespmem:s29], [sflag:$0x8], $0x80, s0, s11, $0xb8;
	[tilespmem:$0x1C200] =	vst v63  }
0x96: {  	_ =	swait.ge [sflag:s16], $0x3E80  }
0x97: {  	[sflag:s16] =	ssyncset.done $0x0  }
0x98: {  	[sflag:s16] =	ssyncadd.s32 $0xFFFFC180  }
0x99: {  	s21 =	sadd.s32 $0xFFFFFF80, s20  }
0x9a: {  	s22 =	sand.u32 $0x7C00, s21  }
0x9b: {  	s21 =	sand.u32 $0x300, s21;
	s22 =	sadd.s32 s7, s22  }
0x9c: {  	s21 =	sor.u32 s21, s22  }
0x9d: {  	s21 =	sshrl.u32 s21, $0x3  }
0x9e: {  	s21 =	sadd.s32 s6, s21  }
0x9f: {  	[tilespmem:s0], [sflag:$0x3] =	stream.linear.gather [hbm4b:s21+s2], $0x80, $0x38;
	[tilespmem:$0x1C200] =	vst v63  }
0xa0: {  	_ =	swait.ge [sflag:s10], $0x80  }
0xa1: {  	s22 =	sand.u32 $0x7C00, s20;
	[sflag:s10] =	ssyncset.done $0x0  }
0xa2: {  	s23 =	sand.u32 $0x380, s20;
	s21 =	sadd.s32 s7, s22;
	[sflag:s10] =	ssyncadd.s32 $0xFFFFFF80  }
0xa3: {  	[tilespmem:s29], [sflag:$0x5] =	stream.indirect.gather [hbm4b:s4+s11], $0x80, s31, s11, $0xb8;
	[tilespmem:$0x1C200] =	vst v63  }
0xa4: {  	s21 =	sor.u32 s23, s21;
	_ =	swait.ge [sflag:s17], $0x3E80  }
0xa5: {  	s21 =	sshrl.u32 s21, $0x3;
	[sflag:s17] =	ssyncset.done $0x0  }
0xa6: {  	s23 =	sadd.s32 s5, s21;
	[sflag:s17] =	ssyncadd.s32 $0xFFFFC180  }
0xa7: {  	[tilespmem:s3], [sflag:$0x2] =	stream.linear.gather [hbm4b:s23+s2], $0x80, $0x38;
	[tilespmem:$0x1C200] =	vst v63  }
0xa8: {  	_ =	swait.ge [sflag:s18], $0x80  }
0xa9: {  	[sflag:s18] =	ssyncset.done $0x0  }
0xaa: {  	[sflag:s18] =	ssyncadd.s32 $0xFFFFFF80  }
0xab: {  	[spmem:s1] =	stream.indirect.scatter.add.f32 [tilespmem:s13], [sflag:$0x8], $0x80, s9, s11, $0xb8;
	[tilespmem:$0x1C200] =	vst v63  }
0xac: {  	_ =	swait.ge [sflag:s16], $0x3E80  }
0xad: {  	[sflag:s16] =	ssyncset.done $0x0  }
0xae: {  	s21 =	sadd.s32 s6, s21;
	[sflag:s16] =	ssyncadd.s32 $0xFFFFC180  }
0xaf: {  	[tilespmem:s9], [sflag:$0x4] =	stream.linear.gather [hbm4b:s21+s2], $0x80, $0x38;
	[tilespmem:$0x1C200] =	vst v63  }
.Ltmp4:
0xb0: {  	_ = 	snop;
	(pc) =	sbr.rel .LBB2_4-.Ltmp4, $4  }
0xb1: {  	_ =	swait.ge [sflag:s12], $0x80  }
0xb2: {  	[sflag:s12] =	ssyncset.done $0x0  }
0xb3: {  	s20 =	sadd.s32 $0x100, s20;
	[sflag:s12] =	ssyncadd.s32 $0xFFFFFF80  }
0xb4: {  	[tilespmem:s13], [sflag:$0x6] =	stream.indirect.gather [hbm4b:s4+s11], $0x80, s3, s11, $0xb8;
	[tilespmem:$0x1C200] =	vst v63  }
.LBB2_7:
0xb5: {  	_ =	sfence.sel $0x180000  }
0xb6: {  	[bflag:$0x0] =	sbarrier.arrive $0xFFFF  }
0xb7: {  	_ =	strace $0x9000004A  }
0xb8: {  	s0 =	stileid.u32;
	[bflag:$0x2] =	sbarrier.arrive $0xFFFF  }
0xb9: {  	p0 =	sne.s32 s0, $0x0;
	s0 =	rddreg [dreg:$0x2]  }
0xba: {  	s0 =	sadd.s32 @!p0 $0x100000, s0  }
0xbb: {  	[sflag:s0] =	ssyncadd.tile.s32 @!p0 $0x1;
	_ =	shalt  }
.Lfunc_end2:
_tile_overlayer_lowered:
.L_overlay_start_2:
0xbc: {  	(tag) =	ssettag $0x2  }
0xbd: {  	s0 =	rddreg [dreg:$0x0];
	s2 =	stileid.u32  }
0xbe: {  	s1 =	rddreg [dreg:$0x1];
	p0 =	sne.s32 s2, $0x0  }
0xbf: {  	s3 =	rddreg [dreg:$0x2];
	[bflag:$0x3] =	sbarrier.arrive $0xFFFF;
	s2 =	simm.s32 @!p0 $0x1C08  }
0xc0: {  	[timem:s3], [sflag:s2] =	dma.local @!p0 [hbm:s0], s1  }
0xc1: {  	s0 =	simm.s32 @!p0 $0x8  }
0xc2: {  	_ =	swait.ge @!p0 [sflag:s0], s1  }
0xc3: {  	s1 =	ssub.s32 @!p0 $0x0, s1;
	[sflag:s0] =	ssyncset.done @!p0 $0x0  }
0xc4: {  	[sflag:s0] =	ssyncadd.s32 @!p0 s1  }
0xc5: {  	[bflag:$0x3] =	sbarrier.arrive $0xFFFF  }
0xc6: {  	_ =	shalt  }

// kernel: kernel.17.cloned.1.call-start
scs
__scs_entry_jumppad:
0x0: {  	(pc) =	sbr.rel $0x88, $3  }
0x1: {  	(tag) =	ssettag $0x0;
	lr =	simm.s32 $0x1  }
0x2: {  	[smem:$0x3F87] =	sst lr;
	_ =	strace $0xD0000000  }
0x3: {  	_ = 	snop  }
0x4: {  	_ = 	snop  }
0x5: {  	_ = 	snop  }
0x6: {  	_ = 	snop  }
0x7: {  	_ = 	snop  }
__scs_overlays_trampoline_lowered:
0x8: {  	[smem:$0x3F96] =	sst s0  }
0x9: {  	[smem:$0x3F97] =	sst s1  }
0xa: {  	[smem:$0x3F98] =	sst s2  }
0xb: {  	[smem:$0x3F99] =	sst s3  }
0xc: {  	[smem:$0x3F9A] =	sst s4  }
0xd: {  	[smem:$0x3F9B] =	sst s5  }
0xe: {  	[smem:$0x3F9C] =	sst s6  }
0xf: {  	[smem:$0x3F9D] =	sst s7  }
0x10: {  	[smem:$0x3F9E] =	sst s8  }
0x11: {  	[smem:$0x3F9F] =	sst s9;
	s0 =	simm.s32 @!p0 $0x0  }
0x12: {  	s1 =	sld [smem:$0x3F85];
	s0 =	simm.s32 @p0 $0x1  }
0x13: {  	[smem:$0x3FA0] =	sst s0;
	s0 =	simm.s32 @!p1 $0x0  }
0x14: {  	s2 =	sld [smem:$0x3F84];
	s0 =	simm.s32 @p1 $0x1  }
0x15: {  	[smem:$0x3FA1] =	sst s0;
	s0 =	simm.s32 @!p2 $0x0  }
0x16: {  	s3 =	sld [smem:$0x3FDB];
	s0 =	simm.s32 @p2 $0x1  }
0x17: {  	s4 =	simm.s32 $0x1BF5;
	[smem:$0x3FA3] =	sst s0  }
0x18: {  	s0 =	sld [smem:$0x3F86];
	_ =	swait.ge [sflag:s4], $0x0  }
0x19: {  	s7 =	sld [smem:$0x3F87]  }
0x1a: {  	s8 =	sadd.s32 $0xFFFFE003, lr  }
0x1b: {  	s9 =	sadd.s32 $0xFFFFFEF7, lr;
	s5 =	simm.s32 $0xFFFFFFFF;
	p2 =	slt.u32 s8, $0xFFFFF086  }
0x1c: {  	p1 =	slt.u32 s9, $0xF7A;
	s5 =	simm.s32 @!p2 $0x0  }
0x1d: {  	s5 =	simm.s32 @p1 $0x1;
	p0 =	seq.s32 s7, s2  }
0x1e: {  	s7 =	smul.u32 @!p0 $0xF7A, s2;
	p2 =	seq.s32 @!p0 s5, $0x0  }
0x1f: {  	s9 =	smul.u32 $0xF7A, s1;
	s8 =	simm.s32 @!p0 $0x1BF5;
	p2 =	por !p2, p0  }
0x20: {  	[sflag:s8] =	ssyncset.s32 @!p0 $0xFFFFF086;
	s6 =	sadd.s32 @!p0 s3, s7;
	s7 =	simm.s32 @!p0 $0x108  }
0x21: {  	s3 =	sadd.s32 s3, s9;
	s6 =	sadd.s32 @!p0 $0x88, s6;
	s7 =	simm.s32 @p2 $0x1082  }
0x22: {  	[simem:s7], [sflag:s8] =	dma.local @!p0 [hbm:s6], $0xF7A  }
0x23: {  	s9 =	sor.u32 $0xD0000000, s2;
	s6 =	simm.s32 $0x108;
	_ =	swait.ge @!p0 [sflag:s8], $0x0  }
0x24: {  	s3 =	sadd.s32 $0x88, s3;
	s6 =	simm.s32 @!p1 $0x1082;
	[sflag:s4] =	ssyncset.s32 $0xFFFFF086  }
0x25: {  	[simem:s6], [sflag:s4] =	dma.local [hbm:s3], $0xF7A  }
0x26: {  	[smem:$0x3F87] =	sst s1;
	(tag) =	ssettag s2;
	_ =	strace s9  }
0x27: {  	s1 =	sld [smem:$0x3F97]  }
0x28: {  	s2 =	sld [smem:$0x3F98]  }
0x29: {  	s4 =	sld [smem:$0x3F9A]  }
0x2a: {  	p0 =	seq.s32 s5, $0x0;
	s5 =	sld [smem:$0x3F9B]  }
0x2b: {  	s6 =	sld [smem:$0x3F9C]  }
0x2c: {  	s7 =	sld [smem:$0x3F9D]  }
0x2d: {  	s3 =	simm.s32 $0x108;
	s8 =	sld [smem:$0x3F9E]  }
0x2e: {  	s3 =	simm.s32 @!p0 $0x1082;
	s9 =	sld [smem:$0x3F9F]  }
0x2f: {  	lr =	sadd.s32 s0, s3;
	s0 =	sld [smem:$0x3F96]  }
0x30: {  	s3 =	sld [smem:$0x3F99]  }
0x31: {  	[smem:$0x3FA2] =	sst s10  }
0x32: {  	s10 =	sld [smem:$0x3FA0];
	_ =	sdelay $0x3  }
0x33: {  	p0 =	seq.s32 s10, $0x1;
	s10 =	sld [smem:$0x3FA2];
	_ =	sdelay $0x3  }
0x34: {  	[smem:$0x3FA2] =	sst s10  }
0x35: {  	s10 =	sld [smem:$0x3FA1];
	_ =	sdelay $0x3  }
0x36: {  	p1 =	seq.s32 s10, $0x1;
	s10 =	sld [smem:$0x3FA2];
	_ =	sdelay $0x3  }
0x37: {  	[smem:$0x3FA2] =	sst s10  }
0x38: {  	s10 =	sld [smem:$0x3FA3]  }
0x39: {  	_ = 	snop;
	(pc) =	sbr.ind lr, $3  }
0x3a: {  	_ = 	snop  }
0x3b: {  	_ = 	snop  }
0x3c: {  	p2 =	seq.s32 s10, $0x1;
	s10 =	sld [smem:$0x3FA2]  }
0x3d: {  	_ =	shalt  }
0x3e: {  	_ =	shalt  }
0x3f: {  	_ =	shalt  }
0x40: {  	_ =	shalt  }
0x41: {  	_ =	shalt  }
0x42: {  	_ =	shalt  }
0x43: {  	_ =	shalt  }
0x44: {  	_ =	shalt  }
0x45: {  	_ =	shalt  }
0x46: {  	_ =	shalt  }
0x47: {  	_ =	shalt  }
0x48: {  	_ =	shalt  }
0x49: {  	_ =	shalt  }
0x4a: {  	_ =	shalt  }
0x4b: {  	_ =	shalt  }
0x4c: {  	_ =	shalt  }
0x4d: {  	_ =	shalt  }
0x4e: {  	_ =	shalt  }
0x4f: {  	_ =	shalt  }
0x50: {  	_ =	shalt  }
0x51: {  	_ =	shalt  }
0x52: {  	_ =	shalt  }
0x53: {  	_ =	shalt  }
0x54: {  	_ =	shalt  }
0x55: {  	_ =	shalt  }
0x56: {  	_ =	shalt  }
0x57: {  	_ =	shalt  }
0x58: {  	_ =	shalt  }
0x59: {  	_ =	shalt  }
0x5a: {  	_ =	shalt  }
0x5b: {  	_ =	shalt  }
0x5c: {  	_ =	shalt  }
0x5d: {  	_ =	shalt  }
0x5e: {  	_ =	shalt  }
0x5f: {  	_ =	shalt  }
0x60: {  	_ =	shalt  }
0x61: {  	_ =	shalt  }
0x62: {  	_ =	shalt  }
0x63: {  	_ =	shalt  }
0x64: {  	_ =	shalt  }
0x65: {  	_ =	shalt  }
0x66: {  	_ =	shalt  }
0x67: {  	_ =	shalt  }
0x68: {  	_ =	shalt  }
0x69: {  	_ =	shalt  }
0x6a: {  	_ =	shalt  }
0x6b: {  	_ =	shalt  }
0x6c: {  	_ =	shalt  }
0x6d: {  	_ =	shalt  }
0x6e: {  	_ =	shalt  }
0x6f: {  	_ =	shalt  }
0x70: {  	_ =	shalt  }
0x71: {  	_ =	shalt  }
0x72: {  	_ =	shalt  }
0x73: {  	_ =	shalt  }
0x74: {  	_ =	shalt  }
0x75: {  	_ =	shalt  }
0x76: {  	_ =	shalt  }
0x77: {  	_ =	shalt  }
0x78: {  	_ =	shalt  }
0x79: {  	_ =	shalt  }
0x7a: {  	_ =	shalt  }
0x7b: {  	_ =	shalt  }
0x7c: {  	_ =	shalt  }
0x7d: {  	_ =	shalt  }
0x7e: {  	_ =	shalt  }
0x7f: {  	_ =	shalt  }
0x80: {  	_ =	shalt  }
0x81: {  	_ =	shalt  }
0x82: {  	_ =	shalt  }
0x83: {  	_ =	shalt  }
0x84: {  	_ =	shalt  }
0x85: {  	_ =	shalt  }
0x86: {  	_ =	shalt  }
0x87: {  	_ =	shalt  }
.Lfunc_end0:
.L_simem_size_0:
called_computation.2_lowered:
.L_overlay_start_0:
0x88: {  	s2 =	sld [smem:$0x3FD9]  }
0x89: {  	s3 =	sld [smem:$0x3FFE];
	_ =	sdelay $0x1  }
0x8a: {  	s1 =	srdreg.scid  }
0x8b: {  	s0 =	sand.u32 $0x1, s1  }
0x8c: {  	s16 =	sshll.u32 s0, $0xA;
	s2 =	sadd.s32 s3, s2  }
0x8d: {  	s2 =	sadd.s32 s2, s16  }
0x8e: {  	[smem:$0x3FAE] =	sst s2  }
0x8f: {  	_ = 	snop  }
0x90: {  	(tm) =	ssettm $0x1  }
0x91: {  	s17 =	sld [smem:$0x3FFB];
	_ =	sdelay $0x3  }
0x92: {  	_ =	strace s17  }
0x93: {  	s2 =	sld [smem:$0x3FFC];
	_ =	sdelay $0x3  }
0x94: {  	_ =	strace s2  }
0x95: {  	s2 =	sld [smem:$0x3FFD];
	_ =	sdelay $0x3  }
0x96: {  	_ =	strace s2  }
0x97: {  	_ =	strace $0x8FFFFFFF  }
0x98: {  	s18 =	sld [smem:$0x3FDB];
	_ =	sdelay $0x1  }
0x99: {  	s19 =	simm.s32 $_scs_section_size  }
0x9a: {  	s4 =	simm.s32 $_size__tile_overlayer_lowered;
	s5 =	simm.s32 $_tile_overlayer_lowered  }
0x9b: {  	s22 =	simm.s32 $0x1BFF;
	s21 =	sshll.u32 s5, $0x1;
	s2 =	sadd.s32 s19, s18  }
0x9c: {  	s6 =	simm.s32 $0x0;
	s20 =	sshll.u32 s4, $0x1;
	s4 =	sadd.s32 s21, s2  }
0x9d: {  	[timem:s6], [sflag:s22] =	dma.local [hbm:s4], s20  }
0x9e: {  	_ =	swait.ge [sflag:s22], s20  }
0x9f: {  	s3 =	ssub.s32 $0x0, s20;
	[sflag:s22] =	ssyncset.done $0x0  }
0xa0: {  	[sflag:s22] =	ssyncadd.s32 s3;
	_ =	sdelay $0x1  }
0xa1: {  	s23 =	simm.s32 $0x1B8B  }
0xa2: {  	_ =	swait.ge [sflag:s23], $0x1  }
0xa3: {  	[sflag:s23] =	ssyncset.done $0x0  }
0xa4: {  	s25 =	simm.s32 $0x1B8E;
	s24 =	sld [smem:$0x3FFE];
	[sflag:s23] =	ssyncadd.s32 $0xFFFFFFFF  }
0xa5: {  	s26 =	simm.s32 $execute0_lowered;
	[smem:$0x3FD2] =	sst s25  }
0xa6: {  	s4 =	sshll.u32 s26, $0x1;
	_ =	strace $0x8000004C;
	[dreg:$0x1] =	wrdreg $0xFFFFFFFF  }
0xa7: {  	s28 =	simm.s32 $_size_execute0_lowered;
	s2 =	sadd.s32 s2, s4;
	[dreg:$0x0] =	wrdreg $0x0  }
0xa8: {  	s4 =	sshll.u32 s28, $0x1;
	[dreg:$0x2] =	wrdreg s2  }
0xa9: {  	[dreg:$0x3] =	wrdreg s4  }
0xaa: {  	[dreg:$0x4] =	wrdreg $0xC0  }
0xab: {  	_ =	task [dreg:s6], $0x5FFFF  }
0xac: {  	[dreg:$0x1] =	wrdreg $0xFFFFFFFF  }
0xad: {  	[dreg:$0x0] =	wrdreg $0x60  }
0xae: {  	[dreg:$0x2] =	wrdreg s24  }
0xaf: {  	[dreg:$0x3] =	wrdreg $0x0  }
0xb0: {  	[dreg:$0x4] =	wrdreg $0x9  }
0xb1: {  	_ =	task.clear_ibuf [dreg:s6], $0x5FFFF;
	_ =	strace $0x9000004C  }
0xb2: {  	s29 =	simm.s32 $0x9;
	_ =	strace $0x8000004E  }
0xb3: {  	_ =	swait.ge [sflag:s29], $0x1  }
0xb4: {  	[sflag:s29] =	ssyncadd.s32 $0xFFFFFFFF  }
0xb5: {  	_ =	strace $0x9000004E  }
0xb6: {  	_ =	sfence  }
0xb7: {  	s30 =	sld [smem:$0x0];
	_ =	sdelay $0x2  }
0xb8: {  	s31 =	sshll.u32 s1, $0xD;
	s1 =	sshrl.u32 s1, $0x2  }
0xb9: {  	s3 =	sand.u32 $0x4000, s31;
	s1 =	sadd.s32 s1, s30  }
0xba: {  	s0 =	sor.u32 s3, s0;
	s1 =	sshll.u32 s1, $0x11  }
0xbb: {  	s0 =	sor.u32 s1, s0  }
0xbc: {  	s0 =	sadd.s32 $0x8F2B, s0  }
0xbd: {  	[sflag:s0] =	ssyncadd.remote.s32 $0x1  }
0xbe: {  	_ =	sfence.sel $0xFFFF  }
0xbf: {  	[dreg:$0x0] =	wrdreg $0xFFFFFFFF;
	(pc) =	sbr.abs _section_cstart, $3  }
0xc0: {  	[dreg:$0x1] =	wrdreg $0xFFFFFFFF  }
0xc1: {  	_ =	task.clear_ibuf [dreg:s6], $0x2FFFF;
	_ =	strace $0x9FFFFFFF  }
0xc2: {  	(tm) =	ssettm $0x7FFFFFFF  }
0xc3: {  	_ =	shalt  }
tec
execute0_lowered:
.L_overlay_start_1:
0x0: {  	(tag) =	ssettag $0x1  }
0x1: {  	s0 =	rddreg [dreg:$0x0]  }
0x2: {  	s1 =	rddreg [dreg:$0x1];
	s2 =	simm.s32 $0x0;
	s3 =	srdreg.scid  }
0x3: {  	s11 =	stileid.u32;
	s29 =	simm.s32 $0x14200;
	s30 =	simm.s32 $0x7  }
0x4: {  	s31 =	simm.s32 $0x14000;
	[smem:$0x7FF] =	sst s2;
	s4 =	sadd.s32 $0x19A00, s0  }
0x5: {  	s3 =	sand.u32 $0x1, s3;
	s5 =	sadd.s32 $0x5A00, s0;
	s8 =	smul.u32 $0x50000, s11  }
0x6: {  	s6 =	sadd.s32 $0xFA00, s0;
	s0 =	sadd.s32 $0x40C00, s0;
	s23 =	smul.u32 $0x14000, s11  }
0x7: {  	_ =	strace $0x8000004D;
	s7 =	sshll.u32 s3, $0x4;
	s9 =	ssub.s32 $0x2, s3  }
0x8: {  	s3 =	smul.u32 $0x140000, s3;
	s7 =	sor.u32 s11, s7;
	s8 =	sshrl.u32 s8, $0x2  }
0x9: {  	s10 =	sshrl.u32 s9, $0x1;
	s13 =	sadd.s32 $0x4000, s23;
	s18 =	sadd.s32 $0x8000, s23  }
0xa: {  	s19 =	sadd.s32 $0xC000, s23;
	s7 =	smul.u32 $0x2800, s7;
	s8 =	sadd.s32 s8, s1  }
0xb: {  	s9 =	ssub.s32 s9, s10;
	s15 =	sadd.s32 s23, s3;
	s16 =	sadd.s32 s3, s13  }
0xc: {  	s10 =	sadd.s32 $0x10000, s23;
	s23 =	sadd.s32 s13, s1;
	s13 =	simm.s32 $0x18200  }
0xd: {  	s22 =	sadd.s32 $0x3E80, s8;
	s24 =	sadd.s32 $0x7D00, s8;
	s25 =	sadd.s32 $0xBB80, s8  }
0xe: {  	s17 =	sshrl.u32 s16, $0x3;
	s16 =	sadd.s32 s3, s19;
	[dreg:$0x3] =	wrdreg s22  }
0xf: {  	s9 =	smax.u32 s9, $0x1;
	s28 =	sadd.s32 $0x13880, s8;
	[dreg:$0x4] =	wrdreg s24  }
0x10: {  	[dreg:$0x5] =	wrdreg s25;
	s26 =	sshrl.u32 s7, $0x3;
	s16 =	sshrl.u32 s16, $0x3  }
0x11: {  	s24 =	sadd.s32 s18, s1;
	s25 =	sadd.s32 s19, s1;
	[dreg:$0xf] =	wrdreg s9  }
0x12: {  	s9 =	simm.s32 $0x14180;
	s19 =	simm.s32 $0x0;
	s12 =	sadd.s32 s5, s26  }
0x13: {  	s14 =	sadd.s32 s6, s26;
	s11 =	sor.u32 $0x10, s26;
	s20 =	sadd.s32 s0, s16  }
0x14: {  	s26 =	sshrl.u32 s24, $0x3;
	s24 =	sshrl.u32 s25, $0x3;
	[dreg:$0x6] =	wrdreg s12  }
0x15: {  	s16 =	simm.s32 $0x8;
	[dreg:$0x7] =	wrdreg s14;
	s12 =	sshrl.u32 s15, $0x3  }
0x16: {  	s15 =	sadd.s32 s3, s18;
	s3 =	sadd.s32 s3, s10;
	[dreg:$0xb] =	wrdreg s20  }
0x17: {  	s21 =	sadd.s32 s5, s11;
	s22 =	sadd.s32 s6, s11;
	s10 =	sadd.s32 s10, s1  }
0x18: {  	[dreg:$0x11] =	wrdreg s26;
	s26 =	sadd.s32 $0xFA00, s8;
	s11 =	simm.s32 $0x7D  }
0x19: {  	s14 =	simm.s32 $0x5;
	s18 =	simm.s32 $0x4;
	s12 =	sadd.s32 s0, s12  }
0x1a: {  	s15 =	sshrl.u32 s15, $0x3;
	s3 =	sshrl.u32 s3, $0x3;
	[dreg:$0xd] =	wrdreg s21  }
0x1b: {  	[dreg:$0xe] =	wrdreg s22;
	s25 =	sshrl.u32 s10, $0x3;
	s10 =	simm.s32 $0x1  }
.Ltmp0:
0x1c: {  	[dreg:$0x8] =	wrdreg s12;
	s12 =	sadd.s32 s0, s17;
	(pc) =	sbr.rel .LBB2_1-.Ltmp0, $4  }
0x1d: {  	s15 =	sadd.s32 s0, s15;
	s0 =	sadd.s32 s0, s3;
	[dreg:$0x9] =	wrdreg s12  }
0x1e: {  	s3 =	simm.s32 $0x14100;
	s17 =	simm.s32 $0x6;
	[dreg:$0xa] =	wrdreg s15  }
0x1f: {  	[dreg:$0xc] =	wrdreg s0;
	s0 =	sshrl.u32 s23, $0x3;
	s12 =	simm.s32 $0x2  }
0x20: {  	v0 =	vimm.f32 $0.0e+00;
	s15 =	simm.s32 $0x3;
	[dreg:$0x10] =	wrdreg s0;
	s0 =	simm.s32 $0x14080  }
.LBB2_6:
0x21: {  	_ =	swait.ge [sflag:s17], $0x3E80  }
0x22: {  	[sflag:s17] =	ssyncset.done $0x0  }
0x23: {  	[sflag:s17] =	ssyncadd.s32 $0xFFFFC180  }
0x24: {  	_ =	swait.ge [sflag:s18], $0x80  }
0x25: {  	[sflag:s18] =	ssyncset.done $0x0  }
0x26: {  	[sflag:s18] =	ssyncadd.s32 $0xFFFFFF80  }
0x27: {  	[spmem:s1] =	stream.indirect.scatter.add.f32 [tilespmem:s13], [sflag:$0x8], $0x80, s9, s11, $0xb8;
	[tilespmem:$0x1C200] =	vst v63  }
0x28: {  	_ =	swait.ge [sflag:s16], $0x3E80  }
0x29: {  	[sflag:s16] =	ssyncset.done $0x0  }
0x2a: {  	s20 =	stileid.u32;
	[sflag:s16] =	ssyncadd.s32 $0xFFFFC180  }
0x2b: {  	s20 =	sshll.u32 s20, $0x6;
	[bflag:$0x0] =	sbarrier.arrive $0xFFFF  }
0x2c: {  	s21 =	sshrl.u32 s8, $0x3;
	s20 =	sor.u32 $0x1C07, s20;
	s22 =	rddreg [dreg:$0x8]  }
0x2d: {  	[hbm:s22], [sflag:s20] =	dma.local [spmem:s21], $0x800  }
0x2e: {  	s21 =	rddreg [dreg:$0x9]  }
0x2f: {  	s22 =	rddreg [dreg:$0x10]  }
0x30: {  	[hbm:s21], [sflag:s20] =	dma.local [spmem:s22], $0x800  }
0x31: {  	s21 =	rddreg [dreg:$0xa]  }
0x32: {  	s22 =	rddreg [dreg:$0x11]  }
0x33: {  	[hbm:s21], [sflag:s20] =	dma.local [spmem:s22], $0x800  }
0x34: {  	s21 =	rddreg [dreg:$0xb]  }
0x35: {  	[hbm:s21], [sflag:s20] =	dma.local [spmem:s24], $0x800  }
0x36: {  	s21 =	rddreg [dreg:$0xc]  }
0x37: {  	[hbm:s21], [sflag:s20] =	dma.local [spmem:s25], $0x800  }
0x38: {  	_ =	swait.ge [sflag:s30], $0x800  }
0x39: {  	[sflag:s30] =	ssyncset.done $0x0  }
0x3a: {  	[sflag:s30] =	ssyncadd.s32 $0xFFFFF800  }
0x3b: {  	_ =	swait.ge [sflag:s30], $0x800  }
0x3c: {  	[sflag:s30] =	ssyncset.done $0x0  }
0x3d: {  	[sflag:s30] =	ssyncadd.s32 $0xFFFFF800  }
0x3e: {  	_ =	swait.ge [sflag:s30], $0x800  }
0x3f: {  	[sflag:s30] =	ssyncset.done $0x0  }
0x40: {  	[sflag:s30] =	ssyncadd.s32 $0xFFFFF800  }
0x41: {  	_ =	swait.ge [sflag:s30], $0x800  }
0x42: {  	[sflag:s30] =	ssyncset.done $0x0  }
0x43: {  	[sflag:s30] =	ssyncadd.s32 $0xFFFFF800  }
0x44: {  	_ =	swait.ge [sflag:s30], $0x800  }
0x45: {  	s19 =	sadd.s32 $0x1, s19;
	s23 =	rddreg [dreg:$0xf]  }
0x46: {  	p0 =	sne.s32 s19, s23  }
.Ltmp1:
0x47: {  	_ = 	snop;
	(pc) =	sbr.rel @!p0 .LBB2_7-.Ltmp1, $3  }
0x48: {  	_ =	sdelay $0x1  }
0x49: {  	[sflag:s30] =	ssyncset.done $0x0  }
0x4a: {  	[sflag:s30] =	ssyncadd.s32 $0xFFFFF800  }
.LBB2_1:
0x4b: {  	s20 =	simm.s32 $0x0;
	s21 =	simm.s32 $0x200  }
.LBB2_2:
0x4c: {  	p0 =	sne.s32 s21, $0xF800;
	[tilespmem:s20+$0x14270] =	vst v0  }
0x4d: {  	[tilespmem:s20+$0x14200] =	vst v0  }
0x4e: {  	[tilespmem:s20+$0x14210] =	vst v0  }
.Ltmp2:
0x4f: {  	[tilespmem:s20+$0x14220] =	vst v0;
	(pc) =	sbr.rel @p0 .LBB2_2-.Ltmp2, $4  }
0x50: {  	[tilespmem:s20+$0x14230] =	vst v0  }
0x51: {  	[tilespmem:s20+$0x14240] =	vst v0  }
0x52: {  	[tilespmem:s20+$0x14250] =	vst v0  }
0x53: {  	[tilespmem:s20+$0x14260] =	vst v0;
	s20 =	sshra.s32 s21, $0x2;
	s21 =	sadd.s32 $0x200, s21  }
0x54: {  	[tilespmem:s20+$0x14270] =	vst v0  }
0x55: {  	[tilespmem:s20+$0x14200] =	vst v0  }
0x56: {  	[tilespmem:s20+$0x14210] =	vst v0  }
0x57: {  	[tilespmem:s20+$0x14220] =	vst v0  }
0x58: {  	[tilespmem:s20+$0x14230] =	vst v0  }
0x59: {  	[tilespmem:s20+$0x14240] =	vst v0  }
0x5a: {  	[tilespmem:s20+$0x14250] =	vst v0  }
0x5b: {  	[tilespmem:s20+$0x14260] =	vst v0  }
0x5c: {  	[spmem:s8] =	stream.linear.scatter [tilespmem:s29], [sflag:$0x7], $0x3E80, $0x38;
	[tilespmem:$0x1C200] =	vst v63  }
0x5d: {  	s23 =	rddreg [dreg:$0x3]  }
0x5e: {  	[spmem:s23] =	stream.linear.scatter [tilespmem:s29], [sflag:$0x7], $0x3E80, $0x38;
	[tilespmem:$0x1C200] =	vst v63  }
0x5f: {  	s21 =	rddreg [dreg:$0x4]  }
0x60: {  	[spmem:s21] =	stream.linear.scatter [tilespmem:s29], [sflag:$0x7], $0x3E80, $0x38;
	[tilespmem:$0x1C200] =	vst v63  }
0x61: {  	s22 =	rddreg [dreg:$0x5]  }
0x62: {  	[spmem:s22] =	stream.linear.scatter [tilespmem:s29], [sflag:$0x7], $0x3E80, $0x38;
	[tilespmem:$0x1C200] =	vst v63  }
0x63: {  	_ = 	snop  }
0x64: {  	[spmem:s26] =	stream.linear.scatter [tilespmem:s29], [sflag:$0x7], $0x3E80, $0x38;
	[tilespmem:$0x1C200] =	vst v63  }
0x65: {  	_ = 	snop  }
0x66: {  	[spmem:s28] =	stream.linear.scatter [tilespmem:s29], [sflag:$0x7], $0x780, $0x38;
	[tilespmem:$0x1C200] =	vst v63  }
0x67: {  	_ =	swait.ge [sflag:s30], $0x3E80  }
0x68: {  	[sflag:s30] =	ssyncset.done $0x0  }
0x69: {  	[sflag:s30] =	ssyncadd.s32 $0xFFFFC180  }
0x6a: {  	_ =	swait.ge [sflag:s30], $0x3E80  }
0x6b: {  	[sflag:s30] =	ssyncset.done $0x0  }
0x6c: {  	[sflag:s30] =	ssyncadd.s32 $0xFFFFC180  }
0x6d: {  	_ =	swait.ge [sflag:s30], $0x3E80  }
0x6e: {  	[sflag:s30] =	ssyncset.done $0x0  }
0x6f: {  	[sflag:s30] =	ssyncadd.s32 $0xFFFFC180  }
0x70: {  	_ =	swait.ge [sflag:s30], $0x3E80  }
0x71: {  	[sflag:s30] =	ssyncset.done $0x0  }
0x72: {  	[sflag:s30] =	ssyncadd.s32 $0xFFFFC180  }
0x73: {  	_ =	swait.ge [sflag:s30], $0x3E80  }
0x74: {  	[sflag:s30] =	ssyncset.done $0x0  }
0x75: {  	[sflag:s30] =	ssyncadd.s32 $0xFFFFC180  }
0x76: {  	_ =	swait.ge [sflag:s30], $0x780  }
0x77: {  	[sflag:s30] =	ssyncset.done $0x0  }
0x78: {  	[sflag:s30] =	ssyncadd.s32 $0xFFFFF880  }
0x79: {  	[bflag:$0x0] =	sbarrier.arrive $0xFFFF  }
0x7a: {  	s23 =	rddreg [dreg:$0x6]  }
0x7b: {  	[tilespmem:s31], [sflag:$0x1] =	stream.linear.gather [hbm4b:s23+s2], $0x80, $0x38;
	[tilespmem:$0x1C200] =	vst v63  }
0x7c: {  	s21 =	rddreg [dreg:$0x7]  }
0x7d: {  	[tilespmem:s0], [sflag:$0x3] =	stream.linear.gather [hbm4b:s21+s2], $0x80, $0x38;
	[tilespmem:$0x1C200] =	vst v63  }
0x7e: {  	s22 =	rddreg [dreg:$0xd]  }
0x7f: {  	[tilespmem:s3], [sflag:$0x2] =	stream.linear.gather [hbm4b:s22+s2], $0x80, $0x38;
	[tilespmem:$0x1C200] =	vst v63  }
0x80: {  	s23 =	rddreg [dreg:$0xe]  }
0x81: {  	[tilespmem:s9], [sflag:$0x4] =	stream.linear.gather [hbm4b:s23+s2], $0x80, $0x38;
	[tilespmem:$0x1C200] =	vst v63  }
0x82: {  	_ =	swait.ge [sflag:s10], $0x80  }
0x83: {  	[sflag:s10] =	ssyncset.done $0x0  }
0x84: {  	[sflag:s10] =	ssyncadd.s32 $0xFFFFFF80  }
0x85: {  	[tilespmem:s29], [sflag:$0x5] =	stream.indirect.gather [hbm4b:s4+s11], $0x80, s31, s11, $0xb8;
	[tilespmem:$0x1C200] =	vst v63  }
0x86: {  	_ =	swait.ge [sflag:s12], $0x80  }
0x87: {  	[sflag:s12] =	ssyncset.done $0x0  }
0x88: {  	s20 =	simm.s32 $0x180;
	[sflag:s12] =	ssyncadd.s32 $0xFFFFFF80  }
0x89: {  	[tilespmem:s13], [sflag:$0x6] =	stream.indirect.gather [hbm4b:s4+s11], $0x80, s3, s11, $0xb8;
	[tilespmem:$0x1C200] =	vst v63  }
.LBB2_4:
0x8a: {  	p0 =	seq.s32 s20, $0x2880  }
0x8b: {  	s21 =	sadd.s32 @!p0 $0xFFFFFF80, s20  }
0x8c: {  	s22 =	sand.u32 @!p0 $0x7C00, s21  }
0x8d: {  	s21 =	sand.u32 @!p0 $0x300, s21;
	s22 =	sadd.s32 @!p0 s7, s22  }
0x8e: {  	_ =	swait.ge [sflag:s14], $0x3E80;
	s21 =	sor.u32 @!p0 s21, s22  }
0x8f: {  	[sflag:s14] =	ssyncset.done $0x0;
	s23 =	simm.s32 @!p0 $0x14000;
	s21 =	sshrl.u32 @!p0 s21, $0x3  }
0x90: {  	[sflag:s14] =	ssyncadd.s32 $0xFFFFC180;
	s22 =	simm.s32 @!p0 $0x0;
	s21 =	sadd.s32 @!p0 s5, s21  }
0x91: {  	[tilespmem:s23], [sflag:$0x1] =	stream.linear.gather @!p0 [hbm4b:s21+s22], $0x80, $0x38;
	[tilespmem:$0x1C200] =	vst v63  }
0x92: {  	_ =	swait.ge [sflag:s15], $0x80  }
0x93: {  	[sflag:s15] =	ssyncset.done $0x0  }
.Ltmp3:
0x94: {  	[sflag:s15] =	ssyncadd.s32 $0xFFFFFF80;
	(pc) =	sbr.rel @p0 .LBB2_6-.Ltmp3, $4  }
0x95: {  	[spmem:s1] =	stream.indirect.scatter.add.f32 [tilespmem:s29], [sflag:$0x8], $0x80, s0, s11, $0xb8;
	[tilespmem:$0x1C200] =	vst v63  }
0x96: {  	_ =	swait.ge [sflag:s16], $0x3E80  }
0x97: {  	[sflag:s16] =	ssyncset.done $0x0  }
0x98: {  	[sflag:s16] =	ssyncadd.s32 $0xFFFFC180  }
0x99: {  	s21 =	sadd.s32 $0xFFFFFF80, s20  }
0x9a: {  	s22 =	sand.u32 $0x7C00, s21  }
0x9b: {  	s21 =	sand.u32 $0x300, s21;
	s22 =	sadd.s32 s7, s22  }
0x9c: {  	s21 =	sor.u32 s21, s22  }
0x9d: {  	s21 =	sshrl.u32 s21, $0x3  }
0x9e: {  	s21 =	sadd.s32 s6, s21  }
0x9f: {  	[tilespmem:s0], [sflag:$0x3] =	stream.linear.gather [hbm4b:s21+s2], $0x80, $0x38;
	[tilespmem:$0x1C200] =	vst v63  }
0xa0: {  	_ =	swait.ge [sflag:s10], $0x80  }
0xa1: {  	s22 =	sand.u32 $0x7C00, s20;
	[sflag:s10] =	ssyncset.done $0x0  }
0xa2: {  	s23 =	sand.u32 $0x380, s20;
	s21 =	sadd.s32 s7, s22;
	[sflag:s10] =	ssyncadd.s32 $0xFFFFFF80  }
0xa3: {  	[tilespmem:s29], [sflag:$0x5] =	stream.indirect.gather [hbm4b:s4+s11], $0x80, s31, s11, $0xb8;
	[tilespmem:$0x1C200] =	vst v63  }
0xa4: {  	s21 =	sor.u32 s23, s21;
	_ =	swait.ge [sflag:s17], $0x3E80  }
0xa5: {  	s21 =	sshrl.u32 s21, $0x3;
	[sflag:s17] =	ssyncset.done $0x0  }
0xa6: {  	s23 =	sadd.s32 s5, s21;
	[sflag:s17] =	ssyncadd.s32 $0xFFFFC180  }
0xa7: {  	[tilespmem:s3], [sflag:$0x2] =	stream.linear.gather [hbm4b:s23+s2], $0x80, $0x38;
	[tilespmem:$0x1C200] =	vst v63  }
0xa8: {  	_ =	swait.ge [sflag:s18], $0x80  }
0xa9: {  	[sflag:s18] =	ssyncset.done $0x0  }
0xaa: {  	[sflag:s18] =	ssyncadd.s32 $0xFFFFFF80  }
0xab: {  	[spmem:s1] =	stream.indirect.scatter.add.f32 [tilespmem:s13], [sflag:$0x8], $0x80, s9, s11, $0xb8;
	[tilespmem:$0x1C200] =	vst v63  }
0xac: {  	_ =	swait.ge [sflag:s16], $0x3E80  }
0xad: {  	[sflag:s16] =	ssyncset.done $0x0  }
0xae: {  	s21 =	sadd.s32 s6, s21;
	[sflag:s16] =	ssyncadd.s32 $0xFFFFC180  }
0xaf: {  	[tilespmem:s9], [sflag:$0x4] =	stream.linear.gather [hbm4b:s21+s2], $0x80, $0x38;
	[tilespmem:$0x1C200] =	vst v63  }
.Ltmp4:
0xb0: {  	_ = 	snop;
	(pc) =	sbr.rel .LBB2_4-.Ltmp4, $4  }
0xb1: {  	_ =	swait.ge [sflag:s12], $0x80  }
0xb2: {  	[sflag:s12] =	ssyncset.done $0x0  }
0xb3: {  	s20 =	sadd.s32 $0x100, s20;
	[sflag:s12] =	ssyncadd.s32 $0xFFFFFF80  }
0xb4: {  	[tilespmem:s13], [sflag:$0x6] =	stream.indirect.gather [hbm4b:s4+s11], $0x80, s3, s11, $0xb8;
	[tilespmem:$0x1C200] =	vst v63  }
.LBB2_7:
0xb5: {  	_ =	sfence.sel $0x180000  }
0xb6: {  	[bflag:$0x0] =	sbarrier.arrive $0xFFFF  }
0xb7: {  	_ =	strace $0x9000004D  }
0xb8: {  	s0 =	stileid.u32;
	[bflag:$0x2] =	sbarrier.arrive $0xFFFF  }
0xb9: {  	p0 =	sne.s32 s0, $0x0;
	s0 =	rddreg [dreg:$0x2]  }
0xba: {  	s0 =	sadd.s32 @!p0 $0x100000, s0  }
0xbb: {  	[sflag:s0] =	ssyncadd.tile.s32 @!p0 $0x1;
	_ =	shalt  }
.Lfunc_end2:
_tile_overlayer_lowered:
.L_overlay_start_2:
0xbc: {  	(tag) =	ssettag $0x2  }
0xbd: {  	s0 =	rddreg [dreg:$0x0];
	s2 =	stileid.u32  }
0xbe: {  	s1 =	rddreg [dreg:$0x1];
	p0 =	sne.s32 s2, $0x0  }
0xbf: {  	s3 =	rddreg [dreg:$0x2];
	[bflag:$0x3] =	sbarrier.arrive $0xFFFF;
	s2 =	simm.s32 @!p0 $0x1C08  }
0xc0: {  	[timem:s3], [sflag:s2] =	dma.local @!p0 [hbm:s0], s1  }
0xc1: {  	s0 =	simm.s32 @!p0 $0x8  }
0xc2: {  	_ =	swait.ge @!p0 [sflag:s0], s1  }
0xc3: {  	s1 =	ssub.s32 @!p0 $0x0, s1;
	[sflag:s0] =	ssyncset.done @!p0 $0x0  }
0xc4: {  	[sflag:s0] =	ssyncadd.s32 @!p0 s1  }
0xc5: {  	[bflag:$0x3] =	sbarrier.arrive $0xFFFF  }
0xc6: {  	_ =	shalt  }

// kernel: kernel.20.cloned.1.call-start
scs
__scs_entry_jumppad:
0x0: {  	(pc) =	sbr.rel $0x88, $3  }
0x1: {  	(tag) =	ssettag $0x0;
	lr =	simm.s32 $0x1  }
0x2: {  	[smem:$0x3F87] =	sst lr;
	_ =	strace $0xD0000000  }
0x3: {  	_ = 	snop  }
0x4: {  	_ = 	snop  }
0x5: {  	_ = 	snop  }
0x6: {  	_ = 	snop  }
0x7: {  	_ = 	snop  }
__scs_overlays_trampoline_lowered:
0x8: {  	[smem:$0x3F96] =	sst s0  }
0x9: {  	[smem:$0x3F97] =	sst s1  }
0xa: {  	[smem:$0x3F98] =	sst s2  }
0xb: {  	[smem:$0x3F99] =	sst s3  }
0xc: {  	[smem:$0x3F9A] =	sst s4  }
0xd: {  	[smem:$0x3F9B] =	sst s5  }
0xe: {  	[smem:$0x3F9C] =	sst s6  }
0xf: {  	[smem:$0x3F9D] =	sst s7  }
0x10: {  	[smem:$0x3F9E] =	sst s8  }
0x11: {  	[smem:$0x3F9F] =	sst s9;
	s0 =	simm.s32 @!p0 $0x0  }
0x12: {  	s1 =	sld [smem:$0x3F85];
	s0 =	simm.s32 @p0 $0x1  }
0x13: {  	[smem:$0x3FA0] =	sst s0;
	s0 =	simm.s32 @!p1 $0x0  }
0x14: {  	s2 =	sld [smem:$0x3F84];
	s0 =	simm.s32 @p1 $0x1  }
0x15: {  	[smem:$0x3FA1] =	sst s0;
	s0 =	simm.s32 @!p2 $0x0  }
0x16: {  	s3 =	sld [smem:$0x3FDB];
	s0 =	simm.s32 @p2 $0x1  }
0x17: {  	s4 =	simm.s32 $0x1BF5;
	[smem:$0x3FA3] =	sst s0  }
0x18: {  	s0 =	sld [smem:$0x3F86];
	_ =	swait.ge [sflag:s4], $0x0  }
0x19: {  	s7 =	sld [smem:$0x3F87]  }
0x1a: {  	s8 =	sadd.s32 $0xFFFFE003, lr  }
0x1b: {  	s9 =	sadd.s32 $0xFFFFFEF7, lr;
	s5 =	simm.s32 $0xFFFFFFFF;
	p2 =	slt.u32 s8, $0xFFFFF086  }
0x1c: {  	p1 =	slt.u32 s9, $0xF7A;
	s5 =	simm.s32 @!p2 $0x0  }
0x1d: {  	s5 =	simm.s32 @p1 $0x1;
	p0 =	seq.s32 s7, s2  }
0x1e: {  	s7 =	smul.u32 @!p0 $0xF7A, s2;
	p2 =	seq.s32 @!p0 s5, $0x0  }
0x1f: {  	s9 =	smul.u32 $0xF7A, s1;
	s8 =	simm.s32 @!p0 $0x1BF5;
	p2 =	por !p2, p0  }
0x20: {  	[sflag:s8] =	ssyncset.s32 @!p0 $0xFFFFF086;
	s6 =	sadd.s32 @!p0 s3, s7;
	s7 =	simm.s32 @!p0 $0x108  }
0x21: {  	s3 =	sadd.s32 s3, s9;
	s6 =	sadd.s32 @!p0 $0x88, s6;
	s7 =	simm.s32 @p2 $0x1082  }
0x22: {  	[simem:s7], [sflag:s8] =	dma.local @!p0 [hbm:s6], $0xF7A  }
0x23: {  	s9 =	sor.u32 $0xD0000000, s2;
	s6 =	simm.s32 $0x108;
	_ =	swait.ge @!p0 [sflag:s8], $0x0  }
0x24: {  	s3 =	sadd.s32 $0x88, s3;
	s6 =	simm.s32 @!p1 $0x1082;
	[sflag:s4] =	ssyncset.s32 $0xFFFFF086  }
0x25: {  	[simem:s6], [sflag:s4] =	dma.local [hbm:s3], $0xF7A  }
0x26: {  	[smem:$0x3F87] =	sst s1;
	(tag) =	ssettag s2;
	_ =	strace s9  }
0x27: {  	s1 =	sld [smem:$0x3F97]  }
0x28: {  	s2 =	sld [smem:$0x3F98]  }
0x29: {  	s4 =	sld [smem:$0x3F9A]  }
0x2a: {  	p0 =	seq.s32 s5, $0x0;
	s5 =	sld [smem:$0x3F9B]  }
0x2b: {  	s6 =	sld [smem:$0x3F9C]  }
0x2c: {  	s7 =	sld [smem:$0x3F9D]  }
0x2d: {  	s3 =	simm.s32 $0x108;
	s8 =	sld [smem:$0x3F9E]  }
0x2e: {  	s3 =	simm.s32 @!p0 $0x1082;
	s9 =	sld [smem:$0x3F9F]  }
0x2f: {  	lr =	sadd.s32 s0, s3;
	s0 =	sld [smem:$0x3F96]  }
0x30: {  	s3 =	sld [smem:$0x3F99]  }
0x31: {  	[smem:$0x3FA2] =	sst s10  }
0x32: {  	s10 =	sld [smem:$0x3FA0];
	_ =	sdelay $0x3  }
0x33: {  	p0 =	seq.s32 s10, $0x1;
	s10 =	sld [smem:$0x3FA2];
	_ =	sdelay $0x3  }
0x34: {  	[smem:$0x3FA2] =	sst s10  }
0x35: {  	s10 =	sld [smem:$0x3FA1];
	_ =	sdelay $0x3  }
0x36: {  	p1 =	seq.s32 s10, $0x1;
	s10 =	sld [smem:$0x3FA2];
	_ =	sdelay $0x3  }
0x37: {  	[smem:$0x3FA2] =	sst s10  }
0x38: {  	s10 =	sld [smem:$0x3FA3]  }
0x39: {  	_ = 	snop;
	(pc) =	sbr.ind lr, $3  }
0x3a: {  	_ = 	snop  }
0x3b: {  	_ = 	snop  }
0x3c: {  	p2 =	seq.s32 s10, $0x1;
	s10 =	sld [smem:$0x3FA2]  }
0x3d: {  	_ =	shalt  }
0x3e: {  	_ =	shalt  }
0x3f: {  	_ =	shalt  }
0x40: {  	_ =	shalt  }
0x41: {  	_ =	shalt  }
0x42: {  	_ =	shalt  }
0x43: {  	_ =	shalt  }
0x44: {  	_ =	shalt  }
0x45: {  	_ =	shalt  }
0x46: {  	_ =	shalt  }
0x47: {  	_ =	shalt  }
0x48: {  	_ =	shalt  }
0x49: {  	_ =	shalt  }
0x4a: {  	_ =	shalt  }
0x4b: {  	_ =	shalt  }
0x4c: {  	_ =	shalt  }
0x4d: {  	_ =	shalt  }
0x4e: {  	_ =	shalt  }
0x4f: {  	_ =	shalt  }
0x50: {  	_ =	shalt  }
0x51: {  	_ =	shalt  }
0x52: {  	_ =	shalt  }
0x53: {  	_ =	shalt  }
0x54: {  	_ =	shalt  }
0x55: {  	_ =	shalt  }
0x56: {  	_ =	shalt  }
0x57: {  	_ =	shalt  }
0x58: {  	_ =	shalt  }
0x59: {  	_ =	shalt  }
0x5a: {  	_ =	shalt  }
0x5b: {  	_ =	shalt  }
0x5c: {  	_ =	shalt  }
0x5d: {  	_ =	shalt  }
0x5e: {  	_ =	shalt  }
0x5f: {  	_ =	shalt  }
0x60: {  	_ =	shalt  }
0x61: {  	_ =	shalt  }
0x62: {  	_ =	shalt  }
0x63: {  	_ =	shalt  }
0x64: {  	_ =	shalt  }
0x65: {  	_ =	shalt  }
0x66: {  	_ =	shalt  }
0x67: {  	_ =	shalt  }
0x68: {  	_ =	shalt  }
0x69: {  	_ =	shalt  }
0x6a: {  	_ =	shalt  }
0x6b: {  	_ =	shalt  }
0x6c: {  	_ =	shalt  }
0x6d: {  	_ =	shalt  }
0x6e: {  	_ =	shalt  }
0x6f: {  	_ =	shalt  }
0x70: {  	_ =	shalt  }
0x71: {  	_ =	shalt  }
0x72: {  	_ =	shalt  }
0x73: {  	_ =	shalt  }
0x74: {  	_ =	shalt  }
0x75: {  	_ =	shalt  }
0x76: {  	_ =	shalt  }
0x77: {  	_ =	shalt  }
0x78: {  	_ =	shalt  }
0x79: {  	_ =	shalt  }
0x7a: {  	_ =	shalt  }
0x7b: {  	_ =	shalt  }
0x7c: {  	_ =	shalt  }
0x7d: {  	_ =	shalt  }
0x7e: {  	_ =	shalt  }
0x7f: {  	_ =	shalt  }
0x80: {  	_ =	shalt  }
0x81: {  	_ =	shalt  }
0x82: {  	_ =	shalt  }
0x83: {  	_ =	shalt  }
0x84: {  	_ =	shalt  }
0x85: {  	_ =	shalt  }
0x86: {  	_ =	shalt  }
0x87: {  	_ =	shalt  }
.Lfunc_end0:
.L_simem_size_0:
called_computation.3_lowered:
.L_overlay_start_0:
0x88: {  	s2 =	sld [smem:$0x3FD9]  }
0x89: {  	s3 =	sld [smem:$0x3FFE];
	_ =	sdelay $0x1  }
0x8a: {  	s1 =	srdreg.scid  }
0x8b: {  	s0 =	sand.u32 $0x1, s1  }
0x8c: {  	s16 =	sshll.u32 s0, $0xA;
	s2 =	sadd.s32 s3, s2  }
0x8d: {  	s2 =	sadd.s32 s2, s16  }
0x8e: {  	[smem:$0x3FAE] =	sst s2  }
0x8f: {  	_ = 	snop  }
0x90: {  	(tm) =	ssettm $0x1  }
0x91: {  	s17 =	sld [smem:$0x3FFB];
	_ =	sdelay $0x3  }
0x92: {  	_ =	strace s17  }
0x93: {  	s2 =	sld [smem:$0x3FFC];
	_ =	sdelay $0x3  }
0x94: {  	_ =	strace s2  }
0x95: {  	s2 =	sld [smem:$0x3FFD];
	_ =	sdelay $0x3  }
0x96: {  	_ =	strace s2  }
0x97: {  	_ =	strace $0x8FFFFFFF  }
0x98: {  	s18 =	sld [smem:$0x3FDB];
	_ =	sdelay $0x1  }
0x99: {  	s19 =	simm.s32 $_scs_section_size  }
0x9a: {  	s4 =	simm.s32 $_size__tile_overlayer_lowered;
	s5 =	simm.s32 $_tile_overlayer_lowered  }
0x9b: {  	s22 =	simm.s32 $0x1BFF;
	s21 =	sshll.u32 s5, $0x1;
	s2 =	sadd.s32 s19, s18  }
0x9c: {  	s6 =	simm.s32 $0x0;
	s20 =	sshll.u32 s4, $0x1;
	s4 =	sadd.s32 s21, s2  }
0x9d: {  	[timem:s6], [sflag:s22] =	dma.local [hbm:s4], s20  }
0x9e: {  	_ =	swait.ge [sflag:s22], s20  }
0x9f: {  	s3 =	ssub.s32 $0x0, s20;
	[sflag:s22] =	ssyncset.done $0x0  }
0xa0: {  	[sflag:s22] =	ssyncadd.s32 s3;
	_ =	sdelay $0x1  }
0xa1: {  	s23 =	simm.s32 $0x1B8B  }
0xa2: {  	_ =	swait.ge [sflag:s23], $0x1  }
0xa3: {  	[sflag:s23] =	ssyncset.done $0x0  }
0xa4: {  	s25 =	simm.s32 $0x1B8E;
	s24 =	sld [smem:$0x3FFE];
	[sflag:s23] =	ssyncadd.s32 $0xFFFFFFFF  }
0xa5: {  	s26 =	simm.s32 $execute0_lowered;
	[smem:$0x3FD2] =	sst s25  }
0xa6: {  	s4 =	sshll.u32 s26, $0x1;
	_ =	strace $0x8000004F;
	[dreg:$0x1] =	wrdreg $0xFFFFFFFF  }
0xa7: {  	s28 =	simm.s32 $_size_execute0_lowered;
	s2 =	sadd.s32 s2, s4;
	[dreg:$0x0] =	wrdreg $0x0  }
0xa8: {  	s4 =	sshll.u32 s28, $0x1;
	[dreg:$0x2] =	wrdreg s2  }
0xa9: {  	[dreg:$0x3] =	wrdreg s4  }
0xaa: {  	[dreg:$0x4] =	wrdreg $0xC0  }
0xab: {  	_ =	task [dreg:s6], $0x5FFFF  }
0xac: {  	[dreg:$0x1] =	wrdreg $0xFFFFFFFF  }
0xad: {  	[dreg:$0x0] =	wrdreg $0x60  }
0xae: {  	[dreg:$0x2] =	wrdreg s24  }
0xaf: {  	[dreg:$0x3] =	wrdreg $0x0  }
0xb0: {  	[dreg:$0x4] =	wrdreg $0x9  }
0xb1: {  	_ =	task.clear_ibuf [dreg:s6], $0x5FFFF;
	_ =	strace $0x9000004F  }
0xb2: {  	s29 =	simm.s32 $0x9;
	_ =	strace $0x80000051  }
0xb3: {  	_ =	swait.ge [sflag:s29], $0x1  }
0xb4: {  	[sflag:s29] =	ssyncadd.s32 $0xFFFFFFFF  }
0xb5: {  	_ =	strace $0x90000051  }
0xb6: {  	_ =	sfence  }
0xb7: {  	s30 =	sld [smem:$0x0];
	_ =	sdelay $0x2  }
0xb8: {  	s31 =	sshll.u32 s1, $0xD;
	s1 =	sshrl.u32 s1, $0x2  }
0xb9: {  	s3 =	sand.u32 $0x4000, s31;
	s1 =	sadd.s32 s1, s30  }
0xba: {  	s0 =	sor.u32 s3, s0;
	s1 =	sshll.u32 s1, $0x11  }
0xbb: {  	s0 =	sor.u32 s1, s0  }
0xbc: {  	s0 =	sadd.s32 $0x8F2B, s0  }
0xbd: {  	[sflag:s0] =	ssyncadd.remote.s32 $0x1  }
0xbe: {  	_ =	sfence.sel $0xFFFF  }
0xbf: {  	[dreg:$0x0] =	wrdreg $0xFFFFFFFF;
	(pc) =	sbr.abs _section_cstart, $3  }
0xc0: {  	[dreg:$0x1] =	wrdreg $0xFFFFFFFF  }
0xc1: {  	_ =	task.clear_ibuf [dreg:s6], $0x2FFFF;
	_ =	strace $0x9FFFFFFF  }
0xc2: {  	(tm) =	ssettm $0x7FFFFFFF  }
0xc3: {  	_ =	shalt  }
tec
execute0_lowered:
.L_overlay_start_1:
0x0: {  	(tag) =	ssettag $0x1  }
0x1: {  	s0 =	rddreg [dreg:$0x0]  }
0x2: {  	s1 =	rddreg [dreg:$0x1];
	s2 =	simm.s32 $0x0;
	s3 =	srdreg.scid  }
0x3: {  	s11 =	stileid.u32;
	s29 =	simm.s32 $0x14200;
	s30 =	simm.s32 $0x7  }
0x4: {  	s31 =	simm.s32 $0x14000;
	[smem:$0x7FF] =	sst s2;
	s4 =	sadd.s32 $0x19A00, s0  }
0x5: {  	s3 =	sand.u32 $0x1, s3;
	s5 =	sadd.s32 $0x5A00, s0;
	s8 =	smul.u32 $0x50000, s11  }
0x6: {  	s6 =	sadd.s32 $0xFA00, s0;
	s0 =	sadd.s32 $0x40C00, s0;
	s23 =	smul.u32 $0x14000, s11  }
0x7: {  	_ =	strace $0x80000050;
	s7 =	sshll.u32 s3, $0x4;
	s9 =	ssub.s32 $0x2, s3  }
0x8: {  	s3 =	smul.u32 $0x140000, s3;
	s7 =	sor.u32 s11, s7;
	s8 =	sshrl.u32 s8, $0x2  }
0x9: {  	s10 =	sshrl.u32 s9, $0x1;
	s13 =	sadd.s32 $0x4000, s23;
	s18 =	sadd.s32 $0x8000, s23  }
0xa: {  	s19 =	sadd.s32 $0xC000, s23;
	s7 =	smul.u32 $0x2800, s7;
	s8 =	sadd.s32 s8, s1  }
0xb: {  	s9 =	ssub.s32 s9, s10;
	s15 =	sadd.s32 s23, s3;
	s16 =	sadd.s32 s3, s13  }
0xc: {  	s10 =	sadd.s32 $0x10000, s23;
	s23 =	sadd.s32 s13, s1;
	s13 =	simm.s32 $0x18200  }
0xd: {  	s22 =	sadd.s32 $0x3E80, s8;
	s24 =	sadd.s32 $0x7D00, s8;
	s25 =	sadd.s32 $0xBB80, s8  }
0xe: {  	s17 =	sshrl.u32 s16, $0x3;
	s16 =	sadd.s32 s3, s19;
	[dreg:$0x3] =	wrdreg s22  }
0xf: {  	s9 =	smax.u32 s9, $0x1;
	s28 =	sadd.s32 $0x13880, s8;
	[dreg:$0x4] =	wrdreg s24  }
0x10: {  	[dreg:$0x5] =	wrdreg s25;
	s26 =	sshrl.u32 s7, $0x3;
	s16 =	sshrl.u32 s16, $0x3  }
0x11: {  	s24 =	sadd.s32 s18, s1;
	s25 =	sadd.s32 s19, s1;
	[dreg:$0xf] =	wrdreg s9  }
0x12: {  	s9 =	simm.s32 $0x14180;
	s19 =	simm.s32 $0x0;
	s12 =	sadd.s32 s5, s26  }
0x13: {  	s14 =	sadd.s32 s6, s26;
	s11 =	sor.u32 $0x10, s26;
	s20 =	sadd.s32 s0, s16  }
0x14: {  	s26 =	sshrl.u32 s24, $0x3;
	s24 =	sshrl.u32 s25, $0x3;
	[dreg:$0x6] =	wrdreg s12  }
0x15: {  	s16 =	simm.s32 $0x8;
	[dreg:$0x7] =	wrdreg s14;
	s12 =	sshrl.u32 s15, $0x3  }
0x16: {  	s15 =	sadd.s32 s3, s18;
	s3 =	sadd.s32 s3, s10;
	[dreg:$0xb] =	wrdreg s20  }
0x17: {  	s21 =	sadd.s32 s5, s11;
	s22 =	sadd.s32 s6, s11;
	s10 =	sadd.s32 s10, s1  }
0x18: {  	[dreg:$0x11] =	wrdreg s26;
	s26 =	sadd.s32 $0xFA00, s8;
	s11 =	simm.s32 $0x7D  }
0x19: {  	s14 =	simm.s32 $0x5;
	s18 =	simm.s32 $0x4;
	s12 =	sadd.s32 s0, s12  }
0x1a: {  	s15 =	sshrl.u32 s15, $0x3;
	s3 =	sshrl.u32 s3, $0x3;
	[dreg:$0xd] =	wrdreg s21  }
0x1b: {  	[dreg:$0xe] =	wrdreg s22;
	s25 =	sshrl.u32 s10, $0x3;
	s10 =	simm.s32 $0x1  }
.Ltmp0:
0x1c: {  	[dreg:$0x8] =	wrdreg s12;
	s12 =	sadd.s32 s0, s17;
	(pc) =	sbr.rel .LBB2_1-.Ltmp0, $4  }
0x1d: {  	s15 =	sadd.s32 s0, s15;
	s0 =	sadd.s32 s0, s3;
	[dreg:$0x9] =	wrdreg s12  }
0x1e: {  	s3 =	simm.s32 $0x14100;
	s17 =	simm.s32 $0x6;
	[dreg:$0xa] =	wrdreg s15  }
0x1f: {  	[dreg:$0xc] =	wrdreg s0;
	s0 =	sshrl.u32 s23, $0x3;
	s12 =	simm.s32 $0x2  }
0x20: {  	v0 =	vimm.f32 $0.0e+00;
	s15 =	simm.s32 $0x3;
	[dreg:$0x10] =	wrdreg s0;
	s0 =	simm.s32 $0x14080  }
.LBB2_6:
0x21: {  	_ =	swait.ge [sflag:s17], $0x3E80  }
0x22: {  	[sflag:s17] =	ssyncset.done $0x0  }
0x23: {  	[sflag:s17] =	ssyncadd.s32 $0xFFFFC180  }
0x24: {  	_ =	swait.ge [sflag:s18], $0x80  }
0x25: {  	[sflag:s18] =	ssyncset.done $0x0  }
0x26: {  	[sflag:s18] =	ssyncadd.s32 $0xFFFFFF80  }
0x27: {  	[spmem:s1] =	stream.indirect.scatter.add.f32 [tilespmem:s13], [sflag:$0x8], $0x80, s9, s11, $0xb8;
	[tilespmem:$0x1C200] =	vst v63  }
0x28: {  	_ =	swait.ge [sflag:s16], $0x3E80  }
0x29: {  	[sflag:s16] =	ssyncset.done $0x0  }
0x2a: {  	s20 =	stileid.u32;
	[sflag:s16] =	ssyncadd.s32 $0xFFFFC180  }
0x2b: {  	s20 =	sshll.u32 s20, $0x6;
	[bflag:$0x0] =	sbarrier.arrive $0xFFFF  }
0x2c: {  	s21 =	sshrl.u32 s8, $0x3;
	s20 =	sor.u32 $0x1C07, s20;
	s22 =	rddreg [dreg:$0x8]  }
0x2d: {  	[hbm:s22], [sflag:s20] =	dma.local [spmem:s21], $0x800  }
0x2e: {  	s21 =	rddreg [dreg:$0x9]  }
0x2f: {  	s22 =	rddreg [dreg:$0x10]  }
0x30: {  	[hbm:s21], [sflag:s20] =	dma.local [spmem:s22], $0x800  }
0x31: {  	s21 =	rddreg [dreg:$0xa]  }
0x32: {  	s22 =	rddreg [dreg:$0x11]  }
0x33: {  	[hbm:s21], [sflag:s20] =	dma.local [spmem:s22], $0x800  }
0x34: {  	s21 =	rddreg [dreg:$0xb]  }
0x35: {  	[hbm:s21], [sflag:s20] =	dma.local [spmem:s24], $0x800  }
0x36: {  	s21 =	rddreg [dreg:$0xc]  }
0x37: {  	[hbm:s21], [sflag:s20] =	dma.local [spmem:s25], $0x800  }
0x38: {  	_ =	swait.ge [sflag:s30], $0x800  }
0x39: {  	[sflag:s30] =	ssyncset.done $0x0  }
0x3a: {  	[sflag:s30] =	ssyncadd.s32 $0xFFFFF800  }
0x3b: {  	_ =	swait.ge [sflag:s30], $0x800  }
0x3c: {  	[sflag:s30] =	ssyncset.done $0x0  }
0x3d: {  	[sflag:s30] =	ssyncadd.s32 $0xFFFFF800  }
0x3e: {  	_ =	swait.ge [sflag:s30], $0x800  }
0x3f: {  	[sflag:s30] =	ssyncset.done $0x0  }
0x40: {  	[sflag:s30] =	ssyncadd.s32 $0xFFFFF800  }
0x41: {  	_ =	swait.ge [sflag:s30], $0x800  }
0x42: {  	[sflag:s30] =	ssyncset.done $0x0  }
0x43: {  	[sflag:s30] =	ssyncadd.s32 $0xFFFFF800  }
0x44: {  	_ =	swait.ge [sflag:s30], $0x800  }
0x45: {  	s19 =	sadd.s32 $0x1, s19;
	s23 =	rddreg [dreg:$0xf]  }
0x46: {  	p0 =	sne.s32 s19, s23  }
.Ltmp1:
0x47: {  	_ = 	snop;
	(pc) =	sbr.rel @!p0 .LBB2_7-.Ltmp1, $3  }
0x48: {  	_ =	sdelay $0x1  }
0x49: {  	[sflag:s30] =	ssyncset.done $0x0  }
0x4a: {  	[sflag:s30] =	ssyncadd.s32 $0xFFFFF800  }
.LBB2_1:
0x4b: {  	s20 =	simm.s32 $0x0;
	s21 =	simm.s32 $0x200  }
.LBB2_2:
0x4c: {  	p0 =	sne.s32 s21, $0xF800;
	[tilespmem:s20+$0x14270] =	vst v0  }
0x4d: {  	[tilespmem:s20+$0x14200] =	vst v0  }
0x4e: {  	[tilespmem:s20+$0x14210] =	vst v0  }
.Ltmp2:
0x4f: {  	[tilespmem:s20+$0x14220] =	vst v0;
	(pc) =	sbr.rel @p0 .LBB2_2-.Ltmp2, $4  }
0x50: {  	[tilespmem:s20+$0x14230] =	vst v0  }
0x51: {  	[tilespmem:s20+$0x14240] =	vst v0  }
0x52: {  	[tilespmem:s20+$0x14250] =	vst v0  }
0x53: {  	[tilespmem:s20+$0x14260] =	vst v0;
	s20 =	sshra.s32 s21, $0x2;
	s21 =	sadd.s32 $0x200, s21  }
0x54: {  	[tilespmem:s20+$0x14270] =	vst v0  }
0x55: {  	[tilespmem:s20+$0x14200] =	vst v0  }
0x56: {  	[tilespmem:s20+$0x14210] =	vst v0  }
0x57: {  	[tilespmem:s20+$0x14220] =	vst v0  }
0x58: {  	[tilespmem:s20+$0x14230] =	vst v0  }
0x59: {  	[tilespmem:s20+$0x14240] =	vst v0  }
0x5a: {  	[tilespmem:s20+$0x14250] =	vst v0  }
0x5b: {  	[tilespmem:s20+$0x14260] =	vst v0  }
0x5c: {  	[spmem:s8] =	stream.linear.scatter [tilespmem:s29], [sflag:$0x7], $0x3E80, $0x38;
	[tilespmem:$0x1C200] =	vst v63  }
0x5d: {  	s23 =	rddreg [dreg:$0x3]  }
0x5e: {  	[spmem:s23] =	stream.linear.scatter [tilespmem:s29], [sflag:$0x7], $0x3E80, $0x38;
	[tilespmem:$0x1C200] =	vst v63  }
0x5f: {  	s21 =	rddreg [dreg:$0x4]  }
0x60: {  	[spmem:s21] =	stream.linear.scatter [tilespmem:s29], [sflag:$0x7], $0x3E80, $0x38;
	[tilespmem:$0x1C200] =	vst v63  }
0x61: {  	s22 =	rddreg [dreg:$0x5]  }
0x62: {  	[spmem:s22] =	stream.linear.scatter [tilespmem:s29], [sflag:$0x7], $0x3E80, $0x38;
	[tilespmem:$0x1C200] =	vst v63  }
0x63: {  	_ = 	snop  }
0x64: {  	[spmem:s26] =	stream.linear.scatter [tilespmem:s29], [sflag:$0x7], $0x3E80, $0x38;
	[tilespmem:$0x1C200] =	vst v63  }
0x65: {  	_ = 	snop  }
0x66: {  	[spmem:s28] =	stream.linear.scatter [tilespmem:s29], [sflag:$0x7], $0x780, $0x38;
	[tilespmem:$0x1C200] =	vst v63  }
0x67: {  	_ =	swait.ge [sflag:s30], $0x3E80  }
0x68: {  	[sflag:s30] =	ssyncset.done $0x0  }
0x69: {  	[sflag:s30] =	ssyncadd.s32 $0xFFFFC180  }
0x6a: {  	_ =	swait.ge [sflag:s30], $0x3E80  }
0x6b: {  	[sflag:s30] =	ssyncset.done $0x0  }
0x6c: {  	[sflag:s30] =	ssyncadd.s32 $0xFFFFC180  }
0x6d: {  	_ =	swait.ge [sflag:s30], $0x3E80  }
0x6e: {  	[sflag:s30] =	ssyncset.done $0x0  }
0x6f: {  	[sflag:s30] =	ssyncadd.s32 $0xFFFFC180  }
0x70: {  	_ =	swait.ge [sflag:s30], $0x3E80  }
0x71: {  	[sflag:s30] =	ssyncset.done $0x0  }
0x72: {  	[sflag:s30] =	ssyncadd.s32 $0xFFFFC180  }
0x73: {  	_ =	swait.ge [sflag:s30], $0x3E80  }
0x74: {  	[sflag:s30] =	ssyncset.done $0x0  }
0x75: {  	[sflag:s30] =	ssyncadd.s32 $0xFFFFC180  }
0x76: {  	_ =	swait.ge [sflag:s30], $0x780  }
0x77: {  	[sflag:s30] =	ssyncset.done $0x0  }
0x78: {  	[sflag:s30] =	ssyncadd.s32 $0xFFFFF880  }
0x79: {  	[bflag:$0x0] =	sbarrier.arrive $0xFFFF  }
0x7a: {  	s23 =	rddreg [dreg:$0x6]  }
0x7b: {  	[tilespmem:s31], [sflag:$0x1] =	stream.linear.gather [hbm4b:s23+s2], $0x80, $0x38;
	[tilespmem:$0x1C200] =	vst v63  }
0x7c: {  	s21 =	rddreg [dreg:$0x7]  }
0x7d: {  	[tilespmem:s0], [sflag:$0x3] =	stream.linear.gather [hbm4b:s21+s2], $0x80, $0x38;
	[tilespmem:$0x1C200] =	vst v63  }
0x7e: {  	s22 =	rddreg [dreg:$0xd]  }
0x7f: {  	[tilespmem:s3], [sflag:$0x2] =	stream.linear.gather [hbm4b:s22+s2], $0x80, $0x38;
	[tilespmem:$0x1C200] =	vst v63  }
0x80: {  	s23 =	rddreg [dreg:$0xe]  }
0x81: {  	[tilespmem:s9], [sflag:$0x4] =	stream.linear.gather [hbm4b:s23+s2], $0x80, $0x38;
	[tilespmem:$0x1C200] =	vst v63  }
0x82: {  	_ =	swait.ge [sflag:s10], $0x80  }
0x83: {  	[sflag:s10] =	ssyncset.done $0x0  }
0x84: {  	[sflag:s10] =	ssyncadd.s32 $0xFFFFFF80  }
0x85: {  	[tilespmem:s29], [sflag:$0x5] =	stream.indirect.gather [hbm4b:s4+s11], $0x80, s31, s11, $0xb8;
	[tilespmem:$0x1C200] =	vst v63  }
0x86: {  	_ =	swait.ge [sflag:s12], $0x80  }
0x87: {  	[sflag:s12] =	ssyncset.done $0x0  }
0x88: {  	s20 =	simm.s32 $0x180;
	[sflag:s12] =	ssyncadd.s32 $0xFFFFFF80  }
0x89: {  	[tilespmem:s13], [sflag:$0x6] =	stream.indirect.gather [hbm4b:s4+s11], $0x80, s3, s11, $0xb8;
	[tilespmem:$0x1C200] =	vst v63  }
.LBB2_4:
0x8a: {  	p0 =	seq.s32 s20, $0x2880  }
0x8b: {  	s21 =	sadd.s32 @!p0 $0xFFFFFF80, s20  }
0x8c: {  	s22 =	sand.u32 @!p0 $0x7C00, s21  }
0x8d: {  	s21 =	sand.u32 @!p0 $0x300, s21;
	s22 =	sadd.s32 @!p0 s7, s22  }
0x8e: {  	_ =	swait.ge [sflag:s14], $0x3E80;
	s21 =	sor.u32 @!p0 s21, s22  }
0x8f: {  	[sflag:s14] =	ssyncset.done $0x0;
	s23 =	simm.s32 @!p0 $0x14000;
	s21 =	sshrl.u32 @!p0 s21, $0x3  }
0x90: {  	[sflag:s14] =	ssyncadd.s32 $0xFFFFC180;
	s22 =	simm.s32 @!p0 $0x0;
	s21 =	sadd.s32 @!p0 s5, s21  }
0x91: {  	[tilespmem:s23], [sflag:$0x1] =	stream.linear.gather @!p0 [hbm4b:s21+s22], $0x80, $0x38;
	[tilespmem:$0x1C200] =	vst v63  }
0x92: {  	_ =	swait.ge [sflag:s15], $0x80  }
0x93: {  	[sflag:s15] =	ssyncset.done $0x0  }
.Ltmp3:
0x94: {  	[sflag:s15] =	ssyncadd.s32 $0xFFFFFF80;
	(pc) =	sbr.rel @p0 .LBB2_6-.Ltmp3, $4  }
0x95: {  	[spmem:s1] =	stream.indirect.scatter.add.f32 [tilespmem:s29], [sflag:$0x8], $0x80, s0, s11, $0xb8;
	[tilespmem:$0x1C200] =	vst v63  }
0x96: {  	_ =	swait.ge [sflag:s16], $0x3E80  }
0x97: {  	[sflag:s16] =	ssyncset.done $0x0  }
0x98: {  	[sflag:s16] =	ssyncadd.s32 $0xFFFFC180  }
0x99: {  	s21 =	sadd.s32 $0xFFFFFF80, s20  }
0x9a: {  	s22 =	sand.u32 $0x7C00, s21  }
0x9b: {  	s21 =	sand.u32 $0x300, s21;
	s22 =	sadd.s32 s7, s22  }
0x9c: {  	s21 =	sor.u32 s21, s22  }
0x9d: {  	s21 =	sshrl.u32 s21, $0x3  }
0x9e: {  	s21 =	sadd.s32 s6, s21  }
0x9f: {  	[tilespmem:s0], [sflag:$0x3] =	stream.linear.gather [hbm4b:s21+s2], $0x80, $0x38;
	[tilespmem:$0x1C200] =	vst v63  }
0xa0: {  	_ =	swait.ge [sflag:s10], $0x80  }
0xa1: {  	s22 =	sand.u32 $0x7C00, s20;
	[sflag:s10] =	ssyncset.done $0x0  }
0xa2: {  	s23 =	sand.u32 $0x380, s20;
	s21 =	sadd.s32 s7, s22;
	[sflag:s10] =	ssyncadd.s32 $0xFFFFFF80  }
0xa3: {  	[tilespmem:s29], [sflag:$0x5] =	stream.indirect.gather [hbm4b:s4+s11], $0x80, s31, s11, $0xb8;
	[tilespmem:$0x1C200] =	vst v63  }
0xa4: {  	s21 =	sor.u32 s23, s21;
	_ =	swait.ge [sflag:s17], $0x3E80  }
0xa5: {  	s21 =	sshrl.u32 s21, $0x3;
	[sflag:s17] =	ssyncset.done $0x0  }
0xa6: {  	s23 =	sadd.s32 s5, s21;
	[sflag:s17] =	ssyncadd.s32 $0xFFFFC180  }
0xa7: {  	[tilespmem:s3], [sflag:$0x2] =	stream.linear.gather [hbm4b:s23+s2], $0x80, $0x38;
	[tilespmem:$0x1C200] =	vst v63  }
0xa8: {  	_ =	swait.ge [sflag:s18], $0x80  }
0xa9: {  	[sflag:s18] =	ssyncset.done $0x0  }
0xaa: {  	[sflag:s18] =	ssyncadd.s32 $0xFFFFFF80  }
0xab: {  	[spmem:s1] =	stream.indirect.scatter.add.f32 [tilespmem:s13], [sflag:$0x8], $0x80, s9, s11, $0xb8;
	[tilespmem:$0x1C200] =	vst v63  }
0xac: {  	_ =	swait.ge [sflag:s16], $0x3E80  }
0xad: {  	[sflag:s16] =	ssyncset.done $0x0  }
0xae: {  	s21 =	sadd.s32 s6, s21;
	[sflag:s16] =	ssyncadd.s32 $0xFFFFC180  }
0xaf: {  	[tilespmem:s9], [sflag:$0x4] =	stream.linear.gather [hbm4b:s21+s2], $0x80, $0x38;
	[tilespmem:$0x1C200] =	vst v63  }
.Ltmp4:
0xb0: {  	_ = 	snop;
	(pc) =	sbr.rel .LBB2_4-.Ltmp4, $4  }
0xb1: {  	_ =	swait.ge [sflag:s12], $0x80  }
0xb2: {  	[sflag:s12] =	ssyncset.done $0x0  }
0xb3: {  	s20 =	sadd.s32 $0x100, s20;
	[sflag:s12] =	ssyncadd.s32 $0xFFFFFF80  }
0xb4: {  	[tilespmem:s13], [sflag:$0x6] =	stream.indirect.gather [hbm4b:s4+s11], $0x80, s3, s11, $0xb8;
	[tilespmem:$0x1C200] =	vst v63  }
.LBB2_7:
0xb5: {  	_ =	sfence.sel $0x180000  }
0xb6: {  	[bflag:$0x0] =	sbarrier.arrive $0xFFFF  }
0xb7: {  	_ =	strace $0x90000050  }
0xb8: {  	s0 =	stileid.u32;
	[bflag:$0x2] =	sbarrier.arrive $0xFFFF  }
0xb9: {  	p0 =	sne.s32 s0, $0x0;
	s0 =	rddreg [dreg:$0x2]  }
0xba: {  	s0 =	sadd.s32 @!p0 $0x100000, s0  }
0xbb: {  	[sflag:s0] =	ssyncadd.tile.s32 @!p0 $0x1;
	_ =	shalt  }
.Lfunc_end2:
_tile_overlayer_lowered:
.L_overlay_start_2:
0xbc: {  	(tag) =	ssettag $0x2  }
0xbd: {  	s0 =	rddreg [dreg:$0x0];
	s2 =	stileid.u32  }
0xbe: {  	s1 =	rddreg [dreg:$0x1];
	p0 =	sne.s32 s2, $0x0  }
0xbf: {  	s3 =	rddreg [dreg:$0x2];
	[bflag:$0x3] =	sbarrier.arrive $0xFFFF;
	s2 =	simm.s32 @!p0 $0x1C08  }
0xc0: {  	[timem:s3], [sflag:s2] =	dma.local @!p0 [hbm:s0], s1  }
0xc1: {  	s0 =	simm.s32 @!p0 $0x8  }
0xc2: {  	_ =	swait.ge @!p0 [sflag:s0], s1  }
0xc3: {  	s1 =	ssub.s32 @!p0 $0x0, s1;
	[sflag:s0] =	ssyncset.done @!p0 $0x0  }
0xc4: {  	[sflag:s0] =	ssyncadd.s32 @!p0 s1  }
0xc5: {  	[bflag:$0x3] =	sbarrier.arrive $0xFFFF  }
0xc6: {  	_ =	shalt  }

</sc_bundles>
